<compile_context>
chip_gen: v7x
topology: tpu7x:2x2x1
jax: 0.10.2.dev20260603
libtpu: 0.0.44.dev20260713+nightly
codegen_flags: <defaults>
</compile_context>

<pallas_src>
import jax
import jax.numpy as jnp
from jax import lax
from jax.experimental import pallas as pl
from jax.experimental.pallas import tpu as pltpu
from jax.experimental.pallas import tpu_sc as plsc

N = 10000
NP = 10240
E = 320000
IN_CH = 128
HID = 128
OUT = 64

NC = 2
NS = 16
NW = NC * NS
EPW = E // NW
CHUNK = 80
NCHUNK = EPW // CHUNK
NBUF = 4
NOUT = NCHUNK // NBUF
NTAIL = NCHUNK - NOUT * NBUF
NGRP = NOUT

_mesh = plsc.VectorSubcoreMesh(core_axis_name="c", subcore_axis_name="s")


_DEG_SCRATCH = (
    [pltpu.VMEM((CHUNK, HID), jnp.float32)]
    + [pltpu.VMEM((CHUNK,), jnp.int32) for _ in range(2 * NBUF)]
    + [pltpu.SemaphoreType.DMA, pltpu.SemaphoreType.DMA]
    + [pltpu.VMEM_SHARED((NP, HID), jnp.float32)]
)


def _deg_body(dst_hbm, zeros_hbm, out_hbm, ones_v, *rest):
    didx = (rest[0:NBUF], rest[NBUF:2 * NBUF])
    isem = rest[2 * NBUF:2 * NBUF + 2]
    acc = rest[2 * NBUF + 2]
    c = lax.axis_index("c")
    s = lax.axis_index("s")
    wid = c * NS + s
    ebase = wid * NCHUNK * CHUNK

    def _inito(i, carry):
        for j in range(HID // 16):
            ones_v[i, pl.ds(j * 16, 16)] = jnp.ones((16,), jnp.float32)
        return carry

    lax.fori_loop(0, CHUNK, _inito, 0)

    @pl.when(s == 0)
    def _zero_acc():
        pltpu.sync_copy(zeros_hbm, acc)

    plsc.subcore_barrier()

    def _loadidx(g, S):
        base = ebase + g * NBUF * CHUNK
        for b in range(NBUF):
            pltpu.async_copy(dst_hbm.at[pl.ds(base + b * CHUNK, CHUNK)],
                             didx[S][b], isem[S])

    def _waitidx(S):
        for b in range(NBUF):
            pltpu.make_async_copy(dst_hbm.at[pl.ds(0, CHUNK)],
                                  didx[S][b], isem[S]).wait()

    def _group(g, P):
        Q = 1 - P
        for b in range(NBUF):
            pltpu.sync_copy(ones_v, acc.at[didx[P][b]], add=True)
        _loadidx(jnp.minimum(g + 2, NGRP - 1), P)
        _waitidx(Q)

    _loadidx(0, 0)
    _waitidx(0)
    _loadidx(1, 1)

    def _pair(i, carry):
        _group(2 * i, 0)
        _group(2 * i + 1, 1)
        return carry

    lax.fori_loop(0, (NGRP - 1) // 2, _pair, 0)
    _waitidx(1)
    for b in range(NBUF):
        pltpu.sync_copy(ones_v, acc.at[didx[0][b]], add=True)
    for b in range(NTAIL):
        pltpu.sync_copy(
            dst_hbm.at[pl.ds(ebase + (NGRP * NBUF + b) * CHUNK, CHUNK)],
            didx[0][b])
        pltpu.sync_copy(ones_v, acc.at[didx[0][b]], add=True)

    plsc.subcore_barrier()

    @pl.when(s == 0)
    def _export():
        pltpu.sync_copy(acc, out_hbm.at[c])


_SPASS_SCRATCH = (
    [pltpu.VMEM((CHUNK, HID), jnp.float32) for _ in range(NBUF)]
    + [pltpu.VMEM((CHUNK,), jnp.int32) for _ in range(2 * NBUF)]
    + [pltpu.VMEM((CHUNK,), jnp.int32) for _ in range(2 * NBUF)]
    + [pltpu.SemaphoreType.DMA for _ in range(NBUF)]
    + [pltpu.SemaphoreType.DMA, pltpu.SemaphoreType.DMA]
    + [pltpu.VMEM_SHARED((NP, HID), jnp.float32)]
)


def _spass_body(m_hbm, src_hbm, dst_hbm, zeros_hbm, out_hbm, *rest):
    rows = rest[0:NBUF]
    sidx = (rest[NBUF:2 * NBUF], rest[2 * NBUF:3 * NBUF])
    didx = (rest[3 * NBUF:4 * NBUF], rest[4 * NBUF:5 * NBUF])
    sems = rest[5 * NBUF:6 * NBUF]
    isem = rest[6 * NBUF:6 * NBUF + 2]
    acc = rest[6 * NBUF + 2]
    c = lax.axis_index("c")
    s = lax.axis_index("s")
    wid = c * NS + s
    ebase = wid * NCHUNK * CHUNK

    @pl.when(s == 0)
    def _zero_acc():
        pltpu.sync_copy(zeros_hbm, acc)

    plsc.subcore_barrier()

    def _loadidx(g, S):
        base = ebase + g * NBUF * CHUNK
        for b in range(NBUF):
            pltpu.async_copy(src_hbm.at[pl.ds(base + b * CHUNK, CHUNK)],
                             sidx[S][b], isem[S])
            pltpu.async_copy(dst_hbm.at[pl.ds(base + b * CHUNK, CHUNK)],
                             didx[S][b], isem[S])

    def _waitidx(S):
        for b in range(NBUF):
            pltpu.make_async_copy(src_hbm.at[pl.ds(0, CHUNK)],
                                  sidx[S][b], isem[S]).wait()
            pltpu.make_async_copy(dst_hbm.at[pl.ds(0, CHUNK)],
                                  didx[S][b], isem[S]).wait()

    def _fire(b, S):
        pltpu.async_copy(m_hbm.at[sidx[S][b]], rows[b], sems[b])

    def _drain(b, S):
        pltpu.make_async_copy(m_hbm.at[sidx[S][b]], rows[b], sems[b]).wait()
        pltpu.sync_copy(rows[b], acc.at[didx[S][b]], add=True)

    def _group(g, P):
        Q = 1 - P
        _waitidx(Q)
        for b in range(NBUF):
            _drain(b, P)
            _fire(b, Q)
        _loadidx(jnp.minimum(g + 2, NGRP - 1), P)
        return

    _loadidx(0, 0)
    _waitidx(0)
    for b in range(NBUF):
        _fire(b, 0)
    _loadidx(1, 1)

    def _pair(i, carry):
        _group(2 * i, 0)
        _group(2 * i + 1, 1)
        return carry

    lax.fori_loop(0, (NGRP - 1) // 2, _pair, 0)
    _waitidx(1)
    for b in range(NBUF):
        _drain(b, 0)
    for b in range(NTAIL):
        eoff = ebase + (NGRP * NBUF + b) * CHUNK
        pltpu.sync_copy(src_hbm.at[pl.ds(eoff, CHUNK)], sidx[0][b])
        pltpu.sync_copy(dst_hbm.at[pl.ds(eoff, CHUNK)], didx[0][b])
        pltpu.async_copy(m_hbm.at[sidx[0][b]], rows[b], sems[b]).wait()
        pltpu.sync_copy(rows[b], acc.at[didx[0][b]], add=True)

    plsc.subcore_barrier()

    @pl.when(s == 0)
    def _export():
        pltpu.sync_copy(acc, out_hbm.at[c])


_deg_kernel = pl.kernel(
    _deg_body,
    out_type=jax.ShapeDtypeStruct((NC, NP, HID), jnp.float32),
    mesh=_mesh, scratch_types=_DEG_SCRATCH)

_spass_kernel = pl.kernel(
    _spass_body,
    out_type=jax.ShapeDtypeStruct((NC, NP, HID), jnp.float32),
    mesh=_mesh, scratch_types=_SPASS_SCRATCH)


BR = 1000


def _dinv_col(degp):
    cnt = degp[0] + degp[1]
    return lax.rsqrt(cnt + 1.0)[:, 0:1]


def _clrelu(v):
    return jnp.clip(jnp.where(v >= 0, v, 0.01 * v), -3.0, 1.0)


def _l1_body(degp_ref, x_ref, w_ref, h_ref, m_ref):
    dinv = _dinv_col(degp_ref[...])
    h = jnp.dot(x_ref[...], w_ref[...], preferred_element_type=jnp.float32)
    h_ref[...] = h
    m_ref[...] = h * dinv


def _post1_body(degp_ref, h1_ref, p_ref, b_ref, xemp_ref, xh_ref, m2_ref):
    dinv = _dinv_col(degp_ref[...])
    g = p_ref[0] + p_ref[1]
    h1 = h1_ref[...]
    xemp = dinv * g + (dinv * dinv) * h1 + b_ref[...]
    xh = _clrelu(xemp)
    xemp_ref[...] = xemp
    xh_ref[...] = xh
    m2_ref[...] = xh * dinv


def _post2_body(degp_ref, xh_ref, p_ref, wm_ref, wl_ref, bm_ref, bl_ref,
                me_ref, le_ref, mean_ref, logstd_ref):
    dinv = _dinv_col(degp_ref[...])
    u = p_ref[0] + p_ref[1]
    aggx = dinv * u + (dinv * dinv) * xh_ref[...]
    me = jnp.dot(aggx, wm_ref[...], preferred_element_type=jnp.float32) + bm_ref[...]
    le = jnp.dot(aggx, wl_ref[...], preferred_element_type=jnp.float32) + bl_ref[...]
    me_ref[...] = me
    le_ref[...] = le
    mean_ref[...] = _clrelu(me)
    logstd_ref[...] = _clrelu(le)


_degp_spec = pl.BlockSpec((2, BR, HID), lambda i: (0, i, 0))
_row128_spec = pl.BlockSpec((BR, HID), lambda i: (i, 0))
_parts_spec = pl.BlockSpec((2, BR, HID), lambda i: (0, i, 0))

_l1_call = pl.pallas_call(
    _l1_body,
    grid=(N // BR,),
    in_specs=[
        _degp_spec,
        pl.BlockSpec((BR, IN_CH), lambda i: (i, 0)),
        pl.BlockSpec((IN_CH, HID), lambda i: (0, 0)),
    ],
    out_specs=[_row128_spec, _row128_spec],
    out_shape=[jax.ShapeDtypeStruct((N, HID), jnp.float32)] * 2,
)

_post1_call = pl.pallas_call(
    _post1_body,
    grid=(N // BR,),
    in_specs=[
        _degp_spec,
        _row128_spec,
        _parts_spec,
        pl.BlockSpec((1, HID), lambda i: (0, 0)),
    ],
    out_specs=[_row128_spec] * 3,
    out_shape=[jax.ShapeDtypeStruct((N, HID), jnp.float32)] * 3,
)

_post2_call = pl.pallas_call(
    _post2_body,
    grid=(N // BR,),
    in_specs=[
        _degp_spec,
        _row128_spec,
        _parts_spec,
        pl.BlockSpec((HID, OUT), lambda i: (0, 0)),
        pl.BlockSpec((HID, OUT), lambda i: (0, 0)),
        pl.BlockSpec((1, OUT), lambda i: (0, 0)),
        pl.BlockSpec((1, OUT), lambda i: (0, 0)),
    ],
    out_specs=[pl.BlockSpec((BR, OUT), lambda i: (i, 0))] * 4,
    out_shape=[jax.ShapeDtypeStruct((N, OUT), jnp.float32)] * 4,
)


def kernel(x, edge_index, W1, b1, Wm, bm, Wl, bl):
    src_flat = edge_index[0]
    dst_flat = edge_index[1]

    zs = jnp.zeros((NP, HID), jnp.float32)
    degp = _deg_kernel(dst_flat, zs)
    h1, m1 = _l1_call(degp, x, W1)
    p1 = _spass_kernel(m1, src_flat, dst_flat, zs)
    x_emp, xh, m2 = _post1_call(degp, h1, p1, b1.reshape(1, HID))
    p2 = _spass_kernel(m2, src_flat, dst_flat, zs)
    mean_emp, logstd_emp, mean, logstd = _post2_call(
        degp, xh, p2, Wm, Wl, bm.reshape(1, OUT), bl.reshape(1, OUT))
    return (xh, mean, logstd, x_emp, mean_emp, logstd_emp)

# --- scband reference (transcript-rebuilt; emitter-appended) ---
"""Pipeline reference for scband-encoder-45552423141529 (READ-ONLY COPY).

The authoritative reference and input builder live on the scoring server;
editing this copy changes nothing except your own understanding.
"""

import jax, jax.numpy as jnp
import numpy as np

N_NODES = 10000
N_EDGES = 320000
IN_CH = 128
HID_CH = 128
OUT_CH = 64


def _glorot(key, shape):
    lim = np.sqrt(6.0 / (shape[0] + shape[1]))
    return jax.random.uniform(key, shape, dtype=jnp.float32, minval=-lim, maxval=lim)


def clamped_leaky_relu(x, lower=-3.0, upper=1.0):
    return jnp.clip(jax.nn.leaky_relu(x, negative_slope=0.01), lower, upper)


def gcn_conv(x, edge_index, W, b):
    # GraphConvolution (Kipf-style): D^{-1/2} (A + I) D^{-1/2} X W + b
    N = x.shape[0]
    src = edge_index[0]
    dst = edge_index[1]
    h = x @ W
    ones = jnp.ones((src.shape[0],), dtype=jnp.float32)
    deg = jnp.zeros((N,), dtype=jnp.float32).at[dst].add(ones) + 1.0  # +1 self loop
    dinv_sqrt = 1.0 / jnp.sqrt(deg)
    norm = dinv_sqrt[src] * dinv_sqrt[dst]
    msg = h[src] * norm[:, None]
    agg = jnp.zeros_like(h).at[dst].add(msg)
    agg = agg + h * (dinv_sqrt * dinv_sqrt)[:, None]  # self-loop term
    return agg + b


def setup_inputs(seed: int = 0) -> dict:
    key = jax.random.key(seed)
    k_x, k_e, k1, k2, k3 = jax.random.split(key, 5)
    x = jax.random.normal(k_x, (N_NODES, IN_CH), dtype=jnp.float32)
    edge_index = jax.random.randint(k_e, (2, N_EDGES), 0, N_NODES, dtype=jnp.int64 if jax.config.jax_enable_x64 else jnp.int32).astype(jnp.int32)
    W1 = _glorot(k1, (IN_CH, HID_CH))
    b1 = jnp.zeros((HID_CH,), dtype=jnp.float32)
    Wm = _glorot(k2, (HID_CH, OUT_CH))
    bm = jnp.zeros((OUT_CH,), dtype=jnp.float32)
    Wl = _glorot(k3, (HID_CH, OUT_CH))
    bl = jnp.zeros((OUT_CH,), dtype=jnp.float32)
    return {"x": x, "edge_index": edge_index, "W1": W1, "b1": b1, "Wm": Wm, "bm": bm, "Wl": Wl, "bl": bl}


def reference(x, edge_index, W1, b1, Wm, bm, Wl, bl):
    x_emp = gcn_conv(x, edge_index, W1, b1)
    xh = clamped_leaky_relu(x_emp)
    mean_emp = gcn_conv(xh, edge_index, Wm, bm)
    mean = clamped_leaky_relu(mean_emp)
    logstd_emp = gcn_conv(xh, edge_index, Wl, bl)
    logstd = clamped_leaky_relu(logstd_emp)
    return (xh, mean, logstd, x_emp, mean_emp, logstd_emp)

if __name__ == "__main__":
    import jax
    _d = setup_inputs()
    print(jax.jit(kernel)(*tuple(_d.values())))

</pallas_src>

<mosaic_0001>
#map = affine_map<(d0, d1) -> (0)>
#map1 = affine_map<(d0, d1) -> (0, 0)>
#map2 = affine_map<(d0, d1) -> (0, 0, 0)>
module attributes {stable_mosaic.version = 14 : i64} {
  func.func @_deg_body(%arg0: i32, %arg1: i32, %arg2: memref<320000xi32, #tpu.memory_space<hbm>>, %arg3: memref<10240x128xf32, #tpu.memory_space<hbm>>, %arg4: memref<2x10240x128xf32, #tpu.memory_space<hbm>>, %arg5: memref<80x128xf32, #tpu.memory_space<vmem>>, %arg6: memref<80xi32, #tpu.memory_space<vmem>>, %arg7: memref<80xi32, #tpu.memory_space<vmem>>, %arg8: memref<80xi32, #tpu.memory_space<vmem>>, %arg9: memref<80xi32, #tpu.memory_space<vmem>>, %arg10: memref<80xi32, #tpu.memory_space<vmem>>, %arg11: memref<80xi32, #tpu.memory_space<vmem>>, %arg12: memref<80xi32, #tpu.memory_space<vmem>>, %arg13: memref<80xi32, #tpu.memory_space<vmem>>, %arg14: memref<!tpu.dma_semaphore, #tpu.memory_space<semaphore_mem>>, %arg15: memref<!tpu.dma_semaphore, #tpu.memory_space<semaphore_mem>>, %arg16: memref<10240x128xf32, #tpu.memory_space<vmem_shared>>) attributes {dimension_semantics = [#tpu.dimension_semantics<core_parallel>, #tpu.dimension_semantics<subcore_parallel>], iteration_bounds = array<i64: 2, 16>, scalar_prefetch = 0 : i64, scratch_operands = 12 : i64, tpu.core_type = #tpu.core_type<sc_vector_subcore>, window_params = [{transform_indices = #map}, {transform_indices = #map1}, {transform_indices = #map2}]} {
    %mul3A = arith.constant 16 : i32
    %mul3A_0 = arith.muli %arg0, %mul3A : i32
    %add3A = arith.addi %mul3A_0, %arg1 : i32
    %mul3A_1 = arith.constant 125 : i32
    %mul3A_2 = arith.muli %add3A, %mul3A_1 : i32
    %mul3A_3 = arith.constant 80 : i32
    %mul3A_4 = arith.muli %mul3A_2, %mul3A_3 : i32
    %scan3A = arith.constant 0 : i32
    %scan3A_5 = arith.constant 0 : i32
    %scan3A_6 = arith.constant 80 : i32
    %scan3A_7 = arith.addi %scan3A_5, %scan3A_6 : i32
    %scan3A_8 = arith.constant 1 : i32
    scf.for %scan3A_92 = %scan3A_5 to %scan3A_7 step %scan3A_8  : i32 {
      %broadcast_in_dim3A = arith.constant 1.000000e+00 : f32
      %broadcast_in_dim3A_93 = vector.broadcast %broadcast_in_dim3A : f32 to vector<16xf32>
      %swap3A = arith.index_cast %scan3A_92 : i32 to index
      %swap3A_94 = arith.constant 0 : index
      %swap3A_95 = tpu.vector_load %arg5[%swap3A, %swap3A_94] {strides = array<i32>} : memref<80x128xf32, #tpu.memory_space<vmem>>, vector<1x16xf32>,
      %swap3A_96 = vector.shape_cast %swap3A_95 : vector<1x16xf32> to vector<16xf32>
      %swap3A_97 = vector.shape_cast %broadcast_in_dim3A_93 : vector<16xf32> to vector<1x16xf32>
      tpu.vector_store %arg5[%swap3A, %swap3A_94], %swap3A_97 {strides = array<i32>} : memref<80x128xf32, #tpu.memory_space<vmem>>, vector<1x16xf32>,
      %broadcast_in_dim3A_98 = arith.constant 1.000000e+00 : f32
      %broadcast_in_dim3A_99 = vector.broadcast %broadcast_in_dim3A_98 : f32 to vector<16xf32>
      %swap3A_100 = arith.index_cast %scan3A_92 : i32 to index
      %swap3A_101 = arith.constant 16 : index
      %swap3A_102 = tpu.vector_load %arg5[%swap3A_100, %swap3A_101] {strides = array<i32>} : memref<80x128xf32, #tpu.memory_space<vmem>>, vector<1x16xf32>,
      %swap3A_103 = vector.shape_cast %swap3A_102 : vector<1x16xf32> to vector<16xf32>
      %swap3A_104 = vector.shape_cast %broadcast_in_dim3A_99 : vector<16xf32> to vector<1x16xf32>
      tpu.vector_store %arg5[%swap3A_100, %swap3A_101], %swap3A_104 {strides = array<i32>} : memref<80x128xf32, #tpu.memory_space<vmem>>, vector<1x16xf32>,
      %broadcast_in_dim3A_105 = arith.constant 1.000000e+00 : f32
      %broadcast_in_dim3A_106 = vector.broadcast %broadcast_in_dim3A_105 : f32 to vector<16xf32>
      %swap3A_107 = arith.index_cast %scan3A_92 : i32 to index
      %swap3A_108 = arith.constant 32 : index
      %swap3A_109 = tpu.vector_load %arg5[%swap3A_107, %swap3A_108] {strides = array<i32>} : memref<80x128xf32, #tpu.memory_space<vmem>>, vector<1x16xf32>,
      %swap3A_110 = vector.shape_cast %swap3A_109 : vector<1x16xf32> to vector<16xf32>
      %swap3A_111 = vector.shape_cast %broadcast_in_dim3A_106 : vector<16xf32> to vector<1x16xf32>
      tpu.vector_store %arg5[%swap3A_107, %swap3A_108], %swap3A_111 {strides = array<i32>} : memref<80x128xf32, #tpu.memory_space<vmem>>, vector<1x16xf32>,
      %broadcast_in_dim3A_112 = arith.constant 1.000000e+00 : f32
      %broadcast_in_dim3A_113 = vector.broadcast %broadcast_in_dim3A_112 : f32 to vector<16xf32>
      %swap3A_114 = arith.index_cast %scan3A_92 : i32 to index
      %swap3A_115 = arith.constant 48 : index
      %swap3A_116 = tpu.vector_load %arg5[%swap3A_114, %swap3A_115] {strides = array<i32>} : memref<80x128xf32, #tpu.memory_space<vmem>>, vector<1x16xf32>,
      %swap3A_117 = vector.shape_cast %swap3A_116 : vector<1x16xf32> to vector<16xf32>
      %swap3A_118 = vector.shape_cast %broadcast_in_dim3A_113 : vector<16xf32> to vector<1x16xf32>
      tpu.vector_store %arg5[%swap3A_114, %swap3A_115], %swap3A_118 {strides = array<i32>} : memref<80x128xf32, #tpu.memory_space<vmem>>, vector<1x16xf32>,
      %broadcast_in_dim3A_119 = arith.constant 1.000000e+00 : f32
      %broadcast_in_dim3A_120 = vector.broadcast %broadcast_in_dim3A_119 : f32 to vector<16xf32>
      %swap3A_121 = arith.index_cast %scan3A_92 : i32 to index
      %swap3A_122 = arith.constant 64 : index
      %swap3A_123 = tpu.vector_load %arg5[%swap3A_121, %swap3A_122] {strides = array<i32>} : memref<80x128xf32, #tpu.memory_space<vmem>>, vector<1x16xf32>,
      %swap3A_124 = vector.shape_cast %swap3A_123 : vector<1x16xf32> to vector<16xf32>
      %swap3A_125 = vector.shape_cast %broadcast_in_dim3A_120 : vector<16xf32> to vector<1x16xf32>
      tpu.vector_store %arg5[%swap3A_121, %swap3A_122], %swap3A_125 {strides = array<i32>} : memref<80x128xf32, #tpu.memory_space<vmem>>, vector<1x16xf32>,
      %broadcast_in_dim3A_126 = arith.constant 1.000000e+00 : f32
      %broadcast_in_dim3A_127 = vector.broadcast %broadcast_in_dim3A_126 : f32 to vector<16xf32>
      %swap3A_128 = arith.index_cast %scan3A_92 : i32 to index
      %swap3A_129 = arith.constant 80 : index
      %swap3A_130 = tpu.vector_load %arg5[%swap3A_128, %swap3A_129] {strides = array<i32>} : memref<80x128xf32, #tpu.memory_space<vmem>>, vector<1x16xf32>,
      %swap3A_131 = vector.shape_cast %swap3A_130 : vector<1x16xf32> to vector<16xf32>
      %swap3A_132 = vector.shape_cast %broadcast_in_dim3A_127 : vector<16xf32> to vector<1x16xf32>
      tpu.vector_store %arg5[%swap3A_128, %swap3A_129], %swap3A_132 {strides = array<i32>} : memref<80x128xf32, #tpu.memory_space<vmem>>, vector<1x16xf32>,
      %broadcast_in_dim3A_133 = arith.constant 1.000000e+00 : f32
      %broadcast_in_dim3A_134 = vector.broadcast %broadcast_in_dim3A_133 : f32 to vector<16xf32>
      %swap3A_135 = arith.index_cast %scan3A_92 : i32 to index
      %swap3A_136 = arith.constant 96 : index
      %swap3A_137 = tpu.vector_load %arg5[%swap3A_135, %swap3A_136] {strides = array<i32>} : memref<80x128xf32, #tpu.memory_space<vmem>>, vector<1x16xf32>,
      %swap3A_138 = vector.shape_cast %swap3A_137 : vector<1x16xf32> to vector<16xf32>
      %swap3A_139 = vector.shape_cast %broadcast_in_dim3A_134 : vector<16xf32> to vector<1x16xf32>
      tpu.vector_store %arg5[%swap3A_135, %swap3A_136], %swap3A_139 {strides = array<i32>} : memref<80x128xf32, #tpu.memory_space<vmem>>, vector<1x16xf32>,
      %broadcast_in_dim3A_140 = arith.constant 1.000000e+00 : f32
      %broadcast_in_dim3A_141 = vector.broadcast %broadcast_in_dim3A_140 : f32 to vector<16xf32>
      %swap3A_142 = arith.index_cast %scan3A_92 : i32 to index
      %swap3A_143 = arith.constant 112 : index
      %swap3A_144 = tpu.vector_load %arg5[%swap3A_142, %swap3A_143] {strides = array<i32>} : memref<80x128xf32, #tpu.memory_space<vmem>>, vector<1x16xf32>,
      %swap3A_145 = vector.shape_cast %swap3A_144 : vector<1x16xf32> to vector<16xf32>
      %swap3A_146 = vector.shape_cast %broadcast_in_dim3A_141 : vector<16xf32> to vector<1x16xf32>
      tpu.vector_store %arg5[%swap3A_142, %swap3A_143], %swap3A_146 {strides = array<i32>} : memref<80x128xf32, #tpu.memory_space<vmem>>, vector<1x16xf32>,
    }
    %scan3A_9 = arith.constant 80 : i32
    %eq3A = arith.constant 0 : i32
    %eq3A_10 = arith.cmpi eq, %arg1, %eq3A : i32
    %convert_element_type3A = arith.extui %eq3A_10 : i1 to i32
    %cond3A = arith.constant 0 : i32
    %cond3A_11 = arith.cmpi ne, %convert_element_type3A, %cond3A : i32
    scf.if %cond3A_11 {
      "tpu.region"() ({
        %run_scoped3A = tpu.sem_alloc : memref<!tpu.dma_semaphore, #tpu.memory_space<semaphore_mem>>
        tpu.enqueue_dma source(%arg3 : memref<10240x128xf32, #tpu.memory_space<hbm>>) target(%arg16 : memref<10240x128xf32, #tpu.memory_space<vmem_shared>>) target_semaphore(%run_scoped3A : memref<!tpu.dma_semaphore, #tpu.memory_space<semaphore_mem>>)
        tpu.wait_dma2 semaphore(%run_scoped3A : memref<!tpu.dma_semaphore, #tpu.memory_space<semaphore_mem>>) src(%arg3 : memref<10240x128xf32, #tpu.memory_space<hbm>>) dst(%arg16 : memref<10240x128xf32, #tpu.memory_space<vmem_shared>>)
        tpu.yield
      }) : () -> ()
    } else {
    }
    %barrier3A = arith.constant 0 : index
    tpu.barrier barrier_id(%barrier3A)
    %add3A_12 = arith.constant 0 : i32
    %add3A_13 = arith.addi %mul3A_4, %add3A_12 : i32
    %add3A_14 = arith.constant 0 : i32
    %add3A_15 = arith.addi %add3A_13, %add3A_14 : i32
    %dma_start3A = tpu.memref_slice %arg2[%add3A_15] : memref<320000xi32, #tpu.memory_space<hbm>> -> memref<80xi32, #tpu.memory_space<hbm>>
    %dma_start3A_16 = tpu.memref_slice %arg2[%add3A_15] : memref<320000xi32, #tpu.memory_space<hbm>> -> memref<80xi32, #tpu.memory_space<hbm>>
    tpu.enqueue_dma source(%dma_start3A_16 : memref<80xi32, #tpu.memory_space<hbm>>) target(%arg6 : memref<80xi32, #tpu.memory_space<vmem>>) target_semaphore(%arg14 : memref<!tpu.dma_semaphore, #tpu.memory_space<semaphore_mem>>)
    %add3A_17 = arith.constant 80 : i32
    %add3A_18 = arith.addi %add3A_13, %add3A_17 : i32
    %dma_start3A_19 = tpu.memref_slice %arg2[%add3A_18] : memref<320000xi32, #tpu.memory_space<hbm>> -> memref<80xi32, #tpu.memory_space<hbm>>
    %dma_start3A_20 = tpu.memref_slice %arg2[%add3A_18] : memref<320000xi32, #tpu.memory_space<hbm>> -> memref<80xi32, #tpu.memory_space<hbm>>
    tpu.enqueue_dma source(%dma_start3A_20 : memref<80xi32, #tpu.memory_space<hbm>>) target(%arg7 : memref<80xi32, #tpu.memory_space<vmem>>) target_semaphore(%arg14 : memref<!tpu.dma_semaphore, #tpu.memory_space<semaphore_mem>>)
    %add3A_21 = arith.constant 160 : i32
    %add3A_22 = arith.addi %add3A_13, %add3A_21 : i32
    %dma_start3A_23 = tpu.memref_slice %arg2[%add3A_22] : memref<320000xi32, #tpu.memory_space<hbm>> -> memref<80xi32, #tpu.memory_space<hbm>>
    %dma_start3A_24 = tpu.memref_slice %arg2[%add3A_22] : memref<320000xi32, #tpu.memory_space<hbm>> -> memref<80xi32, #tpu.memory_space<hbm>>
    tpu.enqueue_dma source(%dma_start3A_24 : memref<80xi32, #tpu.memory_space<hbm>>) target(%arg8 : memref<80xi32, #tpu.memory_space<vmem>>) target_semaphore(%arg14 : memref<!tpu.dma_semaphore, #tpu.memory_space<semaphore_mem>>)
    %add3A_25 = arith.constant 240 : i32
    %add3A_26 = arith.addi %add3A_13, %add3A_25 : i32
    %dma_start3A_27 = tpu.memref_slice %arg2[%add3A_26] : memref<320000xi32, #tpu.memory_space<hbm>> -> memref<80xi32, #tpu.memory_space<hbm>>
    %dma_start3A_28 = tpu.memref_slice %arg2[%add3A_26] : memref<320000xi32, #tpu.memory_space<hbm>> -> memref<80xi32, #tpu.memory_space<hbm>>
    tpu.enqueue_dma source(%dma_start3A_28 : memref<80xi32, #tpu.memory_space<hbm>>) target(%arg9 : memref<80xi32, #tpu.memory_space<vmem>>) target_semaphore(%arg14 : memref<!tpu.dma_semaphore, #tpu.memory_space<semaphore_mem>>)
    %dma_wait3A = arith.constant 0 : i32
    %dma_wait3A_29 = tpu.memref_slice %arg2[%dma_wait3A] : memref<320000xi32, #tpu.memory_space<hbm>> -> memref<80xi32, #tpu.memory_space<hbm>>
    %dma_wait3A_30 = arith.constant 0 : i32
    %dma_wait3A_31 = tpu.memref_slice %arg2[%dma_wait3A_30] : memref<320000xi32, #tpu.memory_space<hbm>> -> memref<80xi32, #tpu.memory_space<hbm>>
    tpu.wait_dma2 semaphore(%arg14 : memref<!tpu.dma_semaphore, #tpu.memory_space<semaphore_mem>>) src(%dma_wait3A_31 : memref<80xi32, #tpu.memory_space<hbm>>) dst(%arg6 : memref<80xi32, #tpu.memory_space<vmem>>)
    %dma_wait3A_32 = arith.constant 0 : i32
    %dma_wait3A_33 = tpu.memref_slice %arg2[%dma_wait3A_32] : memref<320000xi32, #tpu.memory_space<hbm>> -> memref<80xi32, #tpu.memory_space<hbm>>
    %dma_wait3A_34 = arith.constant 0 : i32
    %dma_wait3A_35 = tpu.memref_slice %arg2[%dma_wait3A_34] : memref<320000xi32, #tpu.memory_space<hbm>> -> memref<80xi32, #tpu.memory_space<hbm>>
    tpu.wait_dma2 semaphore(%arg14 : memref<!tpu.dma_semaphore, #tpu.memory_space<semaphore_mem>>) src(%dma_wait3A_35 : memref<80xi32, #tpu.memory_space<hbm>>) dst(%arg7 : memref<80xi32, #tpu.memory_space<vmem>>)
    %dma_wait3A_36 = arith.constant 0 : i32
    %dma_wait3A_37 = tpu.memref_slice %arg2[%dma_wait3A_36] : memref<320000xi32, #tpu.memory_space<hbm>> -> memref<80xi32, #tpu.memory_space<hbm>>
    %dma_wait3A_38 = arith.constant 0 : i32
    %dma_wait3A_39 = tpu.memref_slice %arg2[%dma_wait3A_38] : memref<320000xi32, #tpu.memory_space<hbm>> -> memref<80xi32, #tpu.memory_space<hbm>>
    tpu.wait_dma2 semaphore(%arg14 : memref<!tpu.dma_semaphore, #tpu.memory_space<semaphore_mem>>) src(%dma_wait3A_39 : memref<80xi32, #tpu.memory_space<hbm>>) dst(%arg8 : memref<80xi32, #tpu.memory_space<vmem>>)
    %dma_wait3A_40 = arith.constant 0 : i32
    %dma_wait3A_41 = tpu.memref_slice %arg2[%dma_wait3A_40] : memref<320000xi32, #tpu.memory_space<hbm>> -> memref<80xi32, #tpu.memory_space<hbm>>
    %dma_wait3A_42 = arith.constant 0 : i32
    %dma_wait3A_43 = tpu.memref_slice %arg2[%dma_wait3A_42] : memref<320000xi32, #tpu.memory_space<hbm>> -> memref<80xi32, #tpu.memory_space<hbm>>
    tpu.wait_dma2 semaphore(%arg14 : memref<!tpu.dma_semaphore, #tpu.memory_space<semaphore_mem>>) src(%dma_wait3A_43 : memref<80xi32, #tpu.memory_space<hbm>>) dst(%arg9 : memref<80xi32, #tpu.memory_space<vmem>>)
    %add3A_44 = arith.constant 320 : i32
    %add3A_45 = arith.addi %mul3A_4, %add3A_44 : i32
    %add3A_46 = arith.constant 0 : i32
    %add3A_47 = arith.addi %add3A_45, %add3A_46 : i32
    %dma_start3A_48 = tpu.memref_slice %arg2[%add3A_47] : memref<320000xi32, #tpu.memory_space<hbm>> -> memref<80xi32, #tpu.memory_space<hbm>>
    %dma_start3A_49 = tpu.memref_slice %arg2[%add3A_47] : memref<320000xi32, #tpu.memory_space<hbm>> -> memref<80xi32, #tpu.memory_space<hbm>>
    tpu.enqueue_dma source(%dma_start3A_49 : memref<80xi32, #tpu.memory_space<hbm>>) target(%arg10 : memref<80xi32, #tpu.memory_space<vmem>>) target_semaphore(%arg15 : memref<!tpu.dma_semaphore, #tpu.memory_space<semaphore_mem>>)
    %add3A_50 = arith.constant 80 : i32
    %add3A_51 = arith.addi %add3A_45, %add3A_50 : i32
    %dma_start3A_52 = tpu.memref_slice %arg2[%add3A_51] : memref<320000xi32, #tpu.memory_space<hbm>> -> memref<80xi32, #tpu.memory_space<hbm>>
    %dma_start3A_53 = tpu.memref_slice %arg2[%add3A_51] : memref<320000xi32, #tpu.memory_space<hbm>> -> memref<80xi32, #tpu.memory_space<hbm>>
    tpu.enqueue_dma source(%dma_start3A_53 : memref<80xi32, #tpu.memory_space<hbm>>) target(%arg11 : memref<80xi32, #tpu.memory_space<vmem>>) target_semaphore(%arg15 : memref<!tpu.dma_semaphore, #tpu.memory_space<semaphore_mem>>)
    %add3A_54 = arith.constant 160 : i32
    %add3A_55 = arith.addi %add3A_45, %add3A_54 : i32
    %dma_start3A_56 = tpu.memref_slice %arg2[%add3A_55] : memref<320000xi32, #tpu.memory_space<hbm>> -> memref<80xi32, #tpu.memory_space<hbm>>
    %dma_start3A_57 = tpu.memref_slice %arg2[%add3A_55] : memref<320000xi32, #tpu.memory_space<hbm>> -> memref<80xi32, #tpu.memory_space<hbm>>
    tpu.enqueue_dma source(%dma_start3A_57 : memref<80xi32, #tpu.memory_space<hbm>>) target(%arg12 : memref<80xi32, #tpu.memory_space<vmem>>) target_semaphore(%arg15 : memref<!tpu.dma_semaphore, #tpu.memory_space<semaphore_mem>>)
    %add3A_58 = arith.constant 240 : i32
    %add3A_59 = arith.addi %add3A_45, %add3A_58 : i32
    %dma_start3A_60 = tpu.memref_slice %arg2[%add3A_59] : memref<320000xi32, #tpu.memory_space<hbm>> -> memref<80xi32, #tpu.memory_space<hbm>>
    %dma_start3A_61 = tpu.memref_slice %arg2[%add3A_59] : memref<320000xi32, #tpu.memory_space<hbm>> -> memref<80xi32, #tpu.memory_space<hbm>>
    tpu.enqueue_dma source(%dma_start3A_61 : memref<80xi32, #tpu.memory_space<hbm>>) target(%arg13 : memref<80xi32, #tpu.memory_space<vmem>>) target_semaphore(%arg15 : memref<!tpu.dma_semaphore, #tpu.memory_space<semaphore_mem>>)
    %scan3A_62 = arith.constant 0 : i32
    %scan3A_63 = arith.constant 0 : i32
    %scan3A_64 = arith.constant 15 : i32
    %scan3A_65 = arith.addi %scan3A_63, %scan3A_64 : i32
    %scan3A_66 = arith.constant 1 : i32
    scf.for %scan3A_92 = %scan3A_63 to %scan3A_65 step %scan3A_66  : i32 {
      %mul3A_93 = arith.constant 2 : i32
      %mul3A_94 = arith.muli %mul3A_93, %scan3A_92 : i32
      "tpu.region"() ({
        %run_scoped3A = tpu.sem_alloc : memref<!tpu.dma_semaphore, #tpu.memory_space<semaphore_mem>>
        %dma_start3A_180 = arith.constant 0 : i32
        %dma_start3A_181 = arith.constant 0 : i32
        %dma_start3A_182 = tpu.memref_slice %arg16[%dma_start3A_180, %dma_start3A_181] : memref<10240x128xf32, #tpu.memory_space<vmem_shared>> -> memref<10240x128xf32, #tpu.memory_space<vmem_shared>>
        tpu.enqueue_indirect_dma source(%arg5 : memref<80x128xf32, #tpu.memory_space<vmem>>) target(%dma_start3A_182 : memref<10240x128xf32, #tpu.memory_space<vmem_shared>>) offsets(%arg6 : memref<80xi32, #tpu.memory_space<vmem>>) semaphore(%run_scoped3A : memref<!tpu.dma_semaphore, #tpu.memory_space<semaphore_mem>>) {add = true}
        %dma_wait3A_183 = arith.constant 0 : i32
        %dma_wait3A_184 = arith.constant 0 : i32
        %dma_wait3A_185 = tpu.memref_slice %arg16[%dma_wait3A_183, %dma_wait3A_184] : memref<10240x128xf32, #tpu.memory_space<vmem_shared>> -> memref<10240x128xf32, #tpu.memory_space<vmem_shared>>
        tpu.wait_indirect_dma semaphore(%run_scoped3A : memref<!tpu.dma_semaphore, #tpu.memory_space<semaphore_mem>>) src(%arg5 : memref<80x128xf32, #tpu.memory_space<vmem>>) dst(%dma_wait3A_185 : memref<10240x128xf32, #tpu.memory_space<vmem_shared>>)
        tpu.yield
      }) : () -> ()
      "tpu.region"() ({
        %run_scoped3A = tpu.sem_alloc : memref<!tpu.dma_semaphore, #tpu.memory_space<semaphore_mem>>
        %dma_start3A_180 = arith.constant 0 : i32
        %dma_start3A_181 = arith.constant 0 : i32
        %dma_start3A_182 = tpu.memref_slice %arg16[%dma_start3A_180, %dma_start3A_181] : memref<10240x128xf32, #tpu.memory_space<vmem_shared>> -> memref<10240x128xf32, #tpu.memory_space<vmem_shared>>
        tpu.enqueue_indirect_dma source(%arg5 : memref<80x128xf32, #tpu.memory_space<vmem>>) target(%dma_start3A_182 : memref<10240x128xf32, #tpu.memory_space<vmem_shared>>) offsets(%arg7 : memref<80xi32, #tpu.memory_space<vmem>>) semaphore(%run_scoped3A : memref<!tpu.dma_semaphore, #tpu.memory_space<semaphore_mem>>) {add = true}
        %dma_wait3A_183 = arith.constant 0 : i32
        %dma_wait3A_184 = arith.constant 0 : i32
        %dma_wait3A_185 = tpu.memref_slice %arg16[%dma_wait3A_183, %dma_wait3A_184] : memref<10240x128xf32, #tpu.memory_space<vmem_shared>> -> memref<10240x128xf32, #tpu.memory_space<vmem_shared>>
        tpu.wait_indirect_dma semaphore(%run_scoped3A : memref<!tpu.dma_semaphore, #tpu.memory_space<semaphore_mem>>) src(%arg5 : memref<80x128xf32, #tpu.memory_space<vmem>>) dst(%dma_wait3A_185 : memref<10240x128xf32, #tpu.memory_space<vmem_shared>>)
        tpu.yield
      }) : () -> ()
      "tpu.region"() ({
        %run_scoped3A = tpu.sem_alloc : memref<!tpu.dma_semaphore, #tpu.memory_space<semaphore_mem>>
        %dma_start3A_180 = arith.constant 0 : i32
        %dma_start3A_181 = arith.constant 0 : i32
        %dma_start3A_182 = tpu.memref_slice %arg16[%dma_start3A_180, %dma_start3A_181] : memref<10240x128xf32, #tpu.memory_space<vmem_shared>> -> memref<10240x128xf32, #tpu.memory_space<vmem_shared>>
        tpu.enqueue_indirect_dma source(%arg5 : memref<80x128xf32, #tpu.memory_space<vmem>>) target(%dma_start3A_182 : memref<10240x128xf32, #tpu.memory_space<vmem_shared>>) offsets(%arg8 : memref<80xi32, #tpu.memory_space<vmem>>) semaphore(%run_scoped3A : memref<!tpu.dma_semaphore, #tpu.memory_space<semaphore_mem>>) {add = true}
        %dma_wait3A_183 = arith.constant 0 : i32
        %dma_wait3A_184 = arith.constant 0 : i32
        %dma_wait3A_185 = tpu.memref_slice %arg16[%dma_wait3A_183, %dma_wait3A_184] : memref<10240x128xf32, #tpu.memory_space<vmem_shared>> -> memref<10240x128xf32, #tpu.memory_space<vmem_shared>>
        tpu.wait_indirect_dma semaphore(%run_scoped3A : memref<!tpu.dma_semaphore, #tpu.memory_space<semaphore_mem>>) src(%arg5 : memref<80x128xf32, #tpu.memory_space<vmem>>) dst(%dma_wait3A_185 : memref<10240x128xf32, #tpu.memory_space<vmem_shared>>)
        tpu.yield
      }) : () -> ()
      "tpu.region"() ({
        %run_scoped3A = tpu.sem_alloc : memref<!tpu.dma_semaphore, #tpu.memory_space<semaphore_mem>>
        %dma_start3A_180 = arith.constant 0 : i32
        %dma_start3A_181 = arith.constant 0 : i32
        %dma_start3A_182 = tpu.memref_slice %arg16[%dma_start3A_180, %dma_start3A_181] : memref<10240x128xf32, #tpu.memory_space<vmem_shared>> -> memref<10240x128xf32, #tpu.memory_space<vmem_shared>>
        tpu.enqueue_indirect_dma source(%arg5 : memref<80x128xf32, #tpu.memory_space<vmem>>) target(%dma_start3A_182 : memref<10240x128xf32, #tpu.memory_space<vmem_shared>>) offsets(%arg9 : memref<80xi32, #tpu.memory_space<vmem>>) semaphore(%run_scoped3A : memref<!tpu.dma_semaphore, #tpu.memory_space<semaphore_mem>>) {add = true}
        %dma_wait3A_183 = arith.constant 0 : i32
        %dma_wait3A_184 = arith.constant 0 : i32
        %dma_wait3A_185 = tpu.memref_slice %arg16[%dma_wait3A_183, %dma_wait3A_184] : memref<10240x128xf32, #tpu.memory_space<vmem_shared>> -> memref<10240x128xf32, #tpu.memory_space<vmem_shared>>
        tpu.wait_indirect_dma semaphore(%run_scoped3A : memref<!tpu.dma_semaphore, #tpu.memory_space<semaphore_mem>>) src(%arg5 : memref<80x128xf32, #tpu.memory_space<vmem>>) dst(%dma_wait3A_185 : memref<10240x128xf32, #tpu.memory_space<vmem_shared>>)
        tpu.yield
      }) : () -> ()
      %add3A_95 = arith.constant 2 : i32
      %add3A_96 = arith.addi %mul3A_94, %add3A_95 : i32
      %min3A = arith.constant 30 : i32
      %min3A_97 = arith.minsi %add3A_96, %min3A : i32
      %mul3A_98 = arith.constant 4 : i32
      %mul3A_99 = arith.muli %min3A_97, %mul3A_98 : i32
      %mul3A_100 = arith.constant 80 : i32
      %mul3A_101 = arith.muli %mul3A_99, %mul3A_100 : i32
      %add3A_102 = arith.addi %mul3A_4, %mul3A_101 : i32
      %add3A_103 = arith.constant 0 : i32
      %add3A_104 = arith.addi %add3A_102, %add3A_103 : i32
      %dma_start3A_105 = tpu.memref_slice %arg2[%add3A_104] : memref<320000xi32, #tpu.memory_space<hbm>> -> memref<80xi32, #tpu.memory_space<hbm>>
      %dma_start3A_106 = tpu.memref_slice %arg2[%add3A_104] : memref<320000xi32, #tpu.memory_space<hbm>> -> memref<80xi32, #tpu.memory_space<hbm>>
      tpu.enqueue_dma source(%dma_start3A_106 : memref<80xi32, #tpu.memory_space<hbm>>) target(%arg6 : memref<80xi32, #tpu.memory_space<vmem>>) target_semaphore(%arg14 : memref<!tpu.dma_semaphore, #tpu.memory_space<semaphore_mem>>)
      %add3A_107 = arith.constant 80 : i32
      %add3A_108 = arith.addi %add3A_102, %add3A_107 : i32
      %dma_start3A_109 = tpu.memref_slice %arg2[%add3A_108] : memref<320000xi32, #tpu.memory_space<hbm>> -> memref<80xi32, #tpu.memory_space<hbm>>
      %dma_start3A_110 = tpu.memref_slice %arg2[%add3A_108] : memref<320000xi32, #tpu.memory_space<hbm>> -> memref<80xi32, #tpu.memory_space<hbm>>
      tpu.enqueue_dma source(%dma_start3A_110 : memref<80xi32, #tpu.memory_space<hbm>>) target(%arg7 : memref<80xi32, #tpu.memory_space<vmem>>) target_semaphore(%arg14 : memref<!tpu.dma_semaphore, #tpu.memory_space<semaphore_mem>>)
      %add3A_111 = arith.constant 160 : i32
      %add3A_112 = arith.addi %add3A_102, %add3A_111 : i32
      %dma_start3A_113 = tpu.memref_slice %arg2[%add3A_112] : memref<320000xi32, #tpu.memory_space<hbm>> -> memref<80xi32, #tpu.memory_space<hbm>>
      %dma_start3A_114 = tpu.memref_slice %arg2[%add3A_112] : memref<320000xi32, #tpu.memory_space<hbm>> -> memref<80xi32, #tpu.memory_space<hbm>>
      tpu.enqueue_dma source(%dma_start3A_114 : memref<80xi32, #tpu.memory_space<hbm>>) target(%arg8 : memref<80xi32, #tpu.memory_space<vmem>>) target_semaphore(%arg14 : memref<!tpu.dma_semaphore, #tpu.memory_space<semaphore_mem>>)
      %add3A_115 = arith.constant 240 : i32
      %add3A_116 = arith.addi %add3A_102, %add3A_115 : i32
      %dma_start3A_117 = tpu.memref_slice %arg2[%add3A_116] : memref<320000xi32, #tpu.memory_space<hbm>> -> memref<80xi32, #tpu.memory_space<hbm>>
      %dma_start3A_118 = tpu.memref_slice %arg2[%add3A_116] : memref<320000xi32, #tpu.memory_space<hbm>> -> memref<80xi32, #tpu.memory_space<hbm>>
      tpu.enqueue_dma source(%dma_start3A_118 : memref<80xi32, #tpu.memory_space<hbm>>) target(%arg9 : memref<80xi32, #tpu.memory_space<vmem>>) target_semaphore(%arg14 : memref<!tpu.dma_semaphore, #tpu.memory_space<semaphore_mem>>)
      %dma_wait3A_119 = arith.constant 0 : i32
      %dma_wait3A_120 = tpu.memref_slice %arg2[%dma_wait3A_119] : memref<320000xi32, #tpu.memory_space<hbm>> -> memref<80xi32, #tpu.memory_space<hbm>>
      %dma_wait3A_121 = arith.constant 0 : i32
      %dma_wait3A_122 = tpu.memref_slice %arg2[%dma_wait3A_121] : memref<320000xi32, #tpu.memory_space<hbm>> -> memref<80xi32, #tpu.memory_space<hbm>>
      tpu.wait_dma2 semaphore(%arg15 : memref<!tpu.dma_semaphore, #tpu.memory_space<semaphore_mem>>) src(%dma_wait3A_122 : memref<80xi32, #tpu.memory_space<hbm>>) dst(%arg10 : memref<80xi32, #tpu.memory_space<vmem>>)
      %dma_wait3A_123 = arith.constant 0 : i32
      %dma_wait3A_124 = tpu.memref_slice %arg2[%dma_wait3A_123] : memref<320000xi32, #tpu.memory_space<hbm>> -> memref<80xi32, #tpu.memory_space<hbm>>
      %dma_wait3A_125 = arith.constant 0 : i32
      %dma_wait3A_126 = tpu.memref_slice %arg2[%dma_wait3A_125] : memref<320000xi32, #tpu.memory_space<hbm>> -> memref<80xi32, #tpu.memory_space<hbm>>
      tpu.wait_dma2 semaphore(%arg15 : memref<!tpu.dma_semaphore, #tpu.memory_space<semaphore_mem>>) src(%dma_wait3A_126 : memref<80xi32, #tpu.memory_space<hbm>>) dst(%arg11 : memref<80xi32, #tpu.memory_space<vmem>>)
      %dma_wait3A_127 = arith.constant 0 : i32
      %dma_wait3A_128 = tpu.memref_slice %arg2[%dma_wait3A_127] : memref<320000xi32, #tpu.memory_space<hbm>> -> memref<80xi32, #tpu.memory_space<hbm>>
      %dma_wait3A_129 = arith.constant 0 : i32
      %dma_wait3A_130 = tpu.memref_slice %arg2[%dma_wait3A_129] : memref<320000xi32, #tpu.memory_space<hbm>> -> memref<80xi32, #tpu.memory_space<hbm>>
      tpu.wait_dma2 semaphore(%arg15 : memref<!tpu.dma_semaphore, #tpu.memory_space<semaphore_mem>>) src(%dma_wait3A_130 : memref<80xi32, #tpu.memory_space<hbm>>) dst(%arg12 : memref<80xi32, #tpu.memory_space<vmem>>)
      %dma_wait3A_131 = arith.constant 0 : i32
      %dma_wait3A_132 = tpu.memref_slice %arg2[%dma_wait3A_131] : memref<320000xi32, #tpu.memory_space<hbm>> -> memref<80xi32, #tpu.memory_space<hbm>>
      %dma_wait3A_133 = arith.constant 0 : i32
      %dma_wait3A_134 = tpu.memref_slice %arg2[%dma_wait3A_133] : memref<320000xi32, #tpu.memory_space<hbm>> -> memref<80xi32, #tpu.memory_space<hbm>>
      tpu.wait_dma2 semaphore(%arg15 : memref<!tpu.dma_semaphore, #tpu.memory_space<semaphore_mem>>) src(%dma_wait3A_134 : memref<80xi32, #tpu.memory_space<hbm>>) dst(%arg13 : memref<80xi32, #tpu.memory_space<vmem>>)
      %mul3A_135 = arith.constant 2 : i32
      %mul3A_136 = arith.muli %mul3A_135, %scan3A_92 : i32
      %add3A_137 = arith.constant 1 : i32
      %add3A_138 = arith.addi %mul3A_136, %add3A_137 : i32
      "tpu.region"() ({
        %run_scoped3A = tpu.sem_alloc : memref<!tpu.dma_semaphore, #tpu.memory_space<semaphore_mem>>
        %dma_start3A_180 = arith.constant 0 : i32
        %dma_start3A_181 = arith.constant 0 : i32
        %dma_start3A_182 = tpu.memref_slice %arg16[%dma_start3A_180, %dma_start3A_181] : memref<10240x128xf32, #tpu.memory_space<vmem_shared>> -> memref<10240x128xf32, #tpu.memory_space<vmem_shared>>
        tpu.enqueue_indirect_dma source(%arg5 : memref<80x128xf32, #tpu.memory_space<vmem>>) target(%dma_start3A_182 : memref<10240x128xf32, #tpu.memory_space<vmem_shared>>) offsets(%arg10 : memref<80xi32, #tpu.memory_space<vmem>>) semaphore(%run_scoped3A : memref<!tpu.dma_semaphore, #tpu.memory_space<semaphore_mem>>) {add = true}
        %dma_wait3A_183 = arith.constant 0 : i32
        %dma_wait3A_184 = arith.constant 0 : i32
        %dma_wait3A_185 = tpu.memref_slice %arg16[%dma_wait3A_183, %dma_wait3A_184] : memref<10240x128xf32, #tpu.memory_space<vmem_shared>> -> memref<10240x128xf32, #tpu.memory_space<vmem_shared>>
        tpu.wait_indirect_dma semaphore(%run_scoped3A : memref<!tpu.dma_semaphore, #tpu.memory_space<semaphore_mem>>) src(%arg5 : memref<80x128xf32, #tpu.memory_space<vmem>>) dst(%dma_wait3A_185 : memref<10240x128xf32, #tpu.memory_space<vmem_shared>>)
        tpu.yield
      }) : () -> ()
      "tpu.region"() ({
        %run_scoped3A = tpu.sem_alloc : memref<!tpu.dma_semaphore, #tpu.memory_space<semaphore_mem>>
        %dma_start3A_180 = arith.constant 0 : i32
        %dma_start3A_181 = arith.constant 0 : i32
        %dma_start3A_182 = tpu.memref_slice %arg16[%dma_start3A_180, %dma_start3A_181] : memref<10240x128xf32, #tpu.memory_space<vmem_shared>> -> memref<10240x128xf32, #tpu.memory_space<vmem_shared>>
        tpu.enqueue_indirect_dma source(%arg5 : memref<80x128xf32, #tpu.memory_space<vmem>>) target(%dma_start3A_182 : memref<10240x128xf32, #tpu.memory_space<vmem_shared>>) offsets(%arg11 : memref<80xi32, #tpu.memory_space<vmem>>) semaphore(%run_scoped3A : memref<!tpu.dma_semaphore, #tpu.memory_space<semaphore_mem>>) {add = true}
        %dma_wait3A_183 = arith.constant 0 : i32
        %dma_wait3A_184 = arith.constant 0 : i32
        %dma_wait3A_185 = tpu.memref_slice %arg16[%dma_wait3A_183, %dma_wait3A_184] : memref<10240x128xf32, #tpu.memory_space<vmem_shared>> -> memref<10240x128xf32, #tpu.memory_space<vmem_shared>>
        tpu.wait_indirect_dma semaphore(%run_scoped3A : memref<!tpu.dma_semaphore, #tpu.memory_space<semaphore_mem>>) src(%arg5 : memref<80x128xf32, #tpu.memory_space<vmem>>) dst(%dma_wait3A_185 : memref<10240x128xf32, #tpu.memory_space<vmem_shared>>)
        tpu.yield
      }) : () -> ()
      "tpu.region"() ({
        %run_scoped3A = tpu.sem_alloc : memref<!tpu.dma_semaphore, #tpu.memory_space<semaphore_mem>>
        %dma_start3A_180 = arith.constant 0 : i32
        %dma_start3A_181 = arith.constant 0 : i32
        %dma_start3A_182 = tpu.memref_slice %arg16[%dma_start3A_180, %dma_start3A_181] : memref<10240x128xf32, #tpu.memory_space<vmem_shared>> -> memref<10240x128xf32, #tpu.memory_space<vmem_shared>>
        tpu.enqueue_indirect_dma source(%arg5 : memref<80x128xf32, #tpu.memory_space<vmem>>) target(%dma_start3A_182 : memref<10240x128xf32, #tpu.memory_space<vmem_shared>>) offsets(%arg12 : memref<80xi32, #tpu.memory_space<vmem>>) semaphore(%run_scoped3A : memref<!tpu.dma_semaphore, #tpu.memory_space<semaphore_mem>>) {add = true}
        %dma_wait3A_183 = arith.constant 0 : i32
        %dma_wait3A_184 = arith.constant 0 : i32
        %dma_wait3A_185 = tpu.memref_slice %arg16[%dma_wait3A_183, %dma_wait3A_184] : memref<10240x128xf32, #tpu.memory_space<vmem_shared>> -> memref<10240x128xf32, #tpu.memory_space<vmem_shared>>
        tpu.wait_indirect_dma semaphore(%run_scoped3A : memref<!tpu.dma_semaphore, #tpu.memory_space<semaphore_mem>>) src(%arg5 : memref<80x128xf32, #tpu.memory_space<vmem>>) dst(%dma_wait3A_185 : memref<10240x128xf32, #tpu.memory_space<vmem_shared>>)
        tpu.yield
      }) : () -> ()
      "tpu.region"() ({
        %run_scoped3A = tpu.sem_alloc : memref<!tpu.dma_semaphore, #tpu.memory_space<semaphore_mem>>
        %dma_start3A_180 = arith.constant 0 : i32
        %dma_start3A_181 = arith.constant 0 : i32
        %dma_start3A_182 = tpu.memref_slice %arg16[%dma_start3A_180, %dma_start3A_181] : memref<10240x128xf32, #tpu.memory_space<vmem_shared>> -> memref<10240x128xf32, #tpu.memory_space<vmem_shared>>
        tpu.enqueue_indirect_dma source(%arg5 : memref<80x128xf32, #tpu.memory_space<vmem>>) target(%dma_start3A_182 : memref<10240x128xf32, #tpu.memory_space<vmem_shared>>) offsets(%arg13 : memref<80xi32, #tpu.memory_space<vmem>>) semaphore(%run_scoped3A : memref<!tpu.dma_semaphore, #tpu.memory_space<semaphore_mem>>) {add = true}
        %dma_wait3A_183 = arith.constant 0 : i32
        %dma_wait3A_184 = arith.constant 0 : i32
        %dma_wait3A_185 = tpu.memref_slice %arg16[%dma_wait3A_183, %dma_wait3A_184] : memref<10240x128xf32, #tpu.memory_space<vmem_shared>> -> memref<10240x128xf32, #tpu.memory_space<vmem_shared>>
        tpu.wait_indirect_dma semaphore(%run_scoped3A : memref<!tpu.dma_semaphore, #tpu.memory_space<semaphore_mem>>) src(%arg5 : memref<80x128xf32, #tpu.memory_space<vmem>>) dst(%dma_wait3A_185 : memref<10240x128xf32, #tpu.memory_space<vmem_shared>>)
        tpu.yield
      }) : () -> ()
      %add3A_139 = arith.constant 2 : i32
      %add3A_140 = arith.addi %add3A_138, %add3A_139 : i32
      %min3A_141 = arith.constant 30 : i32
      %min3A_142 = arith.minsi %add3A_140, %min3A_141 : i32
      %mul3A_143 = arith.constant 4 : i32
      %mul3A_144 = arith.muli %min3A_142, %mul3A_143 : i32
      %mul3A_145 = arith.constant 80 : i32
      %mul3A_146 = arith.muli %mul3A_144, %mul3A_145 : i32
      %add3A_147 = arith.addi %mul3A_4, %mul3A_146 : i32
      %add3A_148 = arith.constant 0 : i32
      %add3A_149 = arith.addi %add3A_147, %add3A_148 : i32
      %dma_start3A_150 = tpu.memref_slice %arg2[%add3A_149] : memref<320000xi32, #tpu.memory_space<hbm>> -> memref<80xi32, #tpu.memory_space<hbm>>
      %dma_start3A_151 = tpu.memref_slice %arg2[%add3A_149] : memref<320000xi32, #tpu.memory_space<hbm>> -> memref<80xi32, #tpu.memory_space<hbm>>
      tpu.enqueue_dma source(%dma_start3A_151 : memref<80xi32, #tpu.memory_space<hbm>>) target(%arg10 : memref<80xi32, #tpu.memory_space<vmem>>) target_semaphore(%arg15 : memref<!tpu.dma_semaphore, #tpu.memory_space<semaphore_mem>>)
      %add3A_152 = arith.constant 80 : i32
      %add3A_153 = arith.addi %add3A_147, %add3A_152 : i32
      %dma_start3A_154 = tpu.memref_slice %arg2[%add3A_153] : memref<320000xi32, #tpu.memory_space<hbm>> -> memref<80xi32, #tpu.memory_space<hbm>>
      %dma_start3A_155 = tpu.memref_slice %arg2[%add3A_153] : memref<320000xi32, #tpu.memory_space<hbm>> -> memref<80xi32, #tpu.memory_space<hbm>>
      tpu.enqueue_dma source(%dma_start3A_155 : memref<80xi32, #tpu.memory_space<hbm>>) target(%arg11 : memref<80xi32, #tpu.memory_space<vmem>>) target_semaphore(%arg15 : memref<!tpu.dma_semaphore, #tpu.memory_space<semaphore_mem>>)
      %add3A_156 = arith.constant 160 : i32
      %add3A_157 = arith.addi %add3A_147, %add3A_156 : i32
      %dma_start3A_158 = tpu.memref_slice %arg2[%add3A_157] : memref<320000xi32, #tpu.memory_space<hbm>> -> memref<80xi32, #tpu.memory_space<hbm>>
      %dma_start3A_159 = tpu.memref_slice %arg2[%add3A_157] : memref<320000xi32, #tpu.memory_space<hbm>> -> memref<80xi32, #tpu.memory_space<hbm>>
      tpu.enqueue_dma source(%dma_start3A_159 : memref<80xi32, #tpu.memory_space<hbm>>) target(%arg12 : memref<80xi32, #tpu.memory_space<vmem>>) target_semaphore(%arg15 : memref<!tpu.dma_semaphore, #tpu.memory_space<semaphore_mem>>)
      %add3A_160 = arith.constant 240 : i32
      %add3A_161 = arith.addi %add3A_147, %add3A_160 : i32
      %dma_start3A_162 = tpu.memref_slice %arg2[%add3A_161] : memref<320000xi32, #tpu.memory_space<hbm>> -> memref<80xi32, #tpu.memory_space<hbm>>
      %dma_start3A_163 = tpu.memref_slice %arg2[%add3A_161] : memref<320000xi32, #tpu.memory_space<hbm>> -> memref<80xi32, #tpu.memory_space<hbm>>
      tpu.enqueue_dma source(%dma_start3A_163 : memref<80xi32, #tpu.memory_space<hbm>>) target(%arg13 : memref<80xi32, #tpu.memory_space<vmem>>) target_semaphore(%arg15 : memref<!tpu.dma_semaphore, #tpu.memory_space<semaphore_mem>>)
      %dma_wait3A_164 = arith.constant 0 : i32
      %dma_wait3A_165 = tpu.memref_slice %arg2[%dma_wait3A_164] : memref<320000xi32, #tpu.memory_space<hbm>> -> memref<80xi32, #tpu.memory_space<hbm>>
      %dma_wait3A_166 = arith.constant 0 : i32
      %dma_wait3A_167 = tpu.memref_slice %arg2[%dma_wait3A_166] : memref<320000xi32, #tpu.memory_space<hbm>> -> memref<80xi32, #tpu.memory_space<hbm>>
      tpu.wait_dma2 semaphore(%arg14 : memref<!tpu.dma_semaphore, #tpu.memory_space<semaphore_mem>>) src(%dma_wait3A_167 : memref<80xi32, #tpu.memory_space<hbm>>) dst(%arg6 : memref<80xi32, #tpu.memory_space<vmem>>)
      %dma_wait3A_168 = arith.constant 0 : i32
      %dma_wait3A_169 = tpu.memref_slice %arg2[%dma_wait3A_168] : memref<320000xi32, #tpu.memory_space<hbm>> -> memref<80xi32, #tpu.memory_space<hbm>>
      %dma_wait3A_170 = arith.constant 0 : i32
      %dma_wait3A_171 = tpu.memref_slice %arg2[%dma_wait3A_170] : memref<320000xi32, #tpu.memory_space<hbm>> -> memref<80xi32, #tpu.memory_space<hbm>>
      tpu.wait_dma2 semaphore(%arg14 : memref<!tpu.dma_semaphore, #tpu.memory_space<semaphore_mem>>) src(%dma_wait3A_171 : memref<80xi32, #tpu.memory_space<hbm>>) dst(%arg7 : memref<80xi32, #tpu.memory_space<vmem>>)
      %dma_wait3A_172 = arith.constant 0 : i32
      %dma_wait3A_173 = tpu.memref_slice %arg2[%dma_wait3A_172] : memref<320000xi32, #tpu.memory_space<hbm>> -> memref<80xi32, #tpu.memory_space<hbm>>
      %dma_wait3A_174 = arith.constant 0 : i32
      %dma_wait3A_175 = tpu.memref_slice %arg2[%dma_wait3A_174] : memref<320000xi32, #tpu.memory_space<hbm>> -> memref<80xi32, #tpu.memory_space<hbm>>
      tpu.wait_dma2 semaphore(%arg14 : memref<!tpu.dma_semaphore, #tpu.memory_space<semaphore_mem>>) src(%dma_wait3A_175 : memref<80xi32, #tpu.memory_space<hbm>>) dst(%arg8 : memref<80xi32, #tpu.memory_space<vmem>>)
      %dma_wait3A_176 = arith.constant 0 : i32
      %dma_wait3A_177 = tpu.memref_slice %arg2[%dma_wait3A_176] : memref<320000xi32, #tpu.memory_space<hbm>> -> memref<80xi32, #tpu.memory_space<hbm>>
      %dma_wait3A_178 = arith.constant 0 : i32
      %dma_wait3A_179 = tpu.memref_slice %arg2[%dma_wait3A_178] : memref<320000xi32, #tpu.memory_space<hbm>> -> memref<80xi32, #tpu.memory_space<hbm>>
      tpu.wait_dma2 semaphore(%arg14 : memref<!tpu.dma_semaphore, #tpu.memory_space<semaphore_mem>>) src(%dma_wait3A_179 : memref<80xi32, #tpu.memory_space<hbm>>) dst(%arg9 : memref<80xi32, #tpu.memory_space<vmem>>)
    }
    %scan3A_67 = arith.constant 15 : i32
    %dma_wait3A_68 = arith.constant 0 : i32
    %dma_wait3A_69 = tpu.memref_slice %arg2[%dma_wait3A_68] : memref<320000xi32, #tpu.memory_space<hbm>> -> memref<80xi32, #tpu.memory_space<hbm>>
    %dma_wait3A_70 = arith.constant 0 : i32
    %dma_wait3A_71 = tpu.memref_slice %arg2[%dma_wait3A_70] : memref<320000xi32, #tpu.memory_space<hbm>> -> memref<80xi32, #tpu.memory_space<hbm>>
    tpu.wait_dma2 semaphore(%arg15 : memref<!tpu.dma_semaphore, #tpu.memory_space<semaphore_mem>>) src(%dma_wait3A_71 : memref<80xi32, #tpu.memory_space<hbm>>) dst(%arg10 : memref<80xi32, #tpu.memory_space<vmem>>)
    %dma_wait3A_72 = arith.constant 0 : i32
    %dma_wait3A_73 = tpu.memref_slice %arg2[%dma_wait3A_72] : memref<320000xi32, #tpu.memory_space<hbm>> -> memref<80xi32, #tpu.memory_space<hbm>>
    %dma_wait3A_74 = arith.constant 0 : i32
    %dma_wait3A_75 = tpu.memref_slice %arg2[%dma_wait3A_74] : memref<320000xi32, #tpu.memory_space<hbm>> -> memref<80xi32, #tpu.memory_space<hbm>>
    tpu.wait_dma2 semaphore(%arg15 : memref<!tpu.dma_semaphore, #tpu.memory_space<semaphore_mem>>) src(%dma_wait3A_75 : memref<80xi32, #tpu.memory_space<hbm>>) dst(%arg11 : memref<80xi32, #tpu.memory_space<vmem>>)
    %dma_wait3A_76 = arith.constant 0 : i32
    %dma_wait3A_77 = tpu.memref_slice %arg2[%dma_wait3A_76] : memref<320000xi32, #tpu.memory_space<hbm>> -> memref<80xi32, #tpu.memory_space<hbm>>
    %dma_wait3A_78 = arith.constant 0 : i32
    %dma_wait3A_79 = tpu.memref_slice %arg2[%dma_wait3A_78] : memref<320000xi32, #tpu.memory_space<hbm>> -> memref<80xi32, #tpu.memory_space<hbm>>
    tpu.wait_dma2 semaphore(%arg15 : memref<!tpu.dma_semaphore, #tpu.memory_space<semaphore_mem>>) src(%dma_wait3A_79 : memref<80xi32, #tpu.memory_space<hbm>>) dst(%arg12 : memref<80xi32, #tpu.memory_space<vmem>>)
    %dma_wait3A_80 = arith.constant 0 : i32
    %dma_wait3A_81 = tpu.memref_slice %arg2[%dma_wait3A_80] : memref<320000xi32, #tpu.memory_space<hbm>> -> memref<80xi32, #tpu.memory_space<hbm>>
    %dma_wait3A_82 = arith.constant 0 : i32
    %dma_wait3A_83 = tpu.memref_slice %arg2[%dma_wait3A_82] : memref<320000xi32, #tpu.memory_space<hbm>> -> memref<80xi32, #tpu.memory_space<hbm>>
    tpu.wait_dma2 semaphore(%arg15 : memref<!tpu.dma_semaphore, #tpu.memory_space<semaphore_mem>>) src(%dma_wait3A_83 : memref<80xi32, #tpu.memory_space<hbm>>) dst(%arg13 : memref<80xi32, #tpu.memory_space<vmem>>)
    "tpu.region"() ({
      %run_scoped3A = tpu.sem_alloc : memref<!tpu.dma_semaphore, #tpu.memory_space<semaphore_mem>>
      %dma_start3A_92 = arith.constant 0 : i32
      %dma_start3A_93 = arith.constant 0 : i32
      %dma_start3A_94 = tpu.memref_slice %arg16[%dma_start3A_92, %dma_start3A_93] : memref<10240x128xf32, #tpu.memory_space<vmem_shared>> -> memref<10240x128xf32, #tpu.memory_space<vmem_shared>>
      tpu.enqueue_indirect_dma source(%arg5 : memref<80x128xf32, #tpu.memory_space<vmem>>) target(%dma_start3A_94 : memref<10240x128xf32, #tpu.memory_space<vmem_shared>>) offsets(%arg6 : memref<80xi32, #tpu.memory_space<vmem>>) semaphore(%run_scoped3A : memref<!tpu.dma_semaphore, #tpu.memory_space<semaphore_mem>>) {add = true}
      %dma_wait3A_95 = arith.constant 0 : i32
      %dma_wait3A_96 = arith.constant 0 : i32
      %dma_wait3A_97 = tpu.memref_slice %arg16[%dma_wait3A_95, %dma_wait3A_96] : memref<10240x128xf32, #tpu.memory_space<vmem_shared>> -> memref<10240x128xf32, #tpu.memory_space<vmem_shared>>
      tpu.wait_indirect_dma semaphore(%run_scoped3A : memref<!tpu.dma_semaphore, #tpu.memory_space<semaphore_mem>>) src(%arg5 : memref<80x128xf32, #tpu.memory_space<vmem>>) dst(%dma_wait3A_97 : memref<10240x128xf32, #tpu.memory_space<vmem_shared>>)
      tpu.yield
    }) : () -> ()
    "tpu.region"() ({
      %run_scoped3A = tpu.sem_alloc : memref<!tpu.dma_semaphore, #tpu.memory_space<semaphore_mem>>
      %dma_start3A_92 = arith.constant 0 : i32
      %dma_start3A_93 = arith.constant 0 : i32
      %dma_start3A_94 = tpu.memref_slice %arg16[%dma_start3A_92, %dma_start3A_93] : memref<10240x128xf32, #tpu.memory_space<vmem_shared>> -> memref<10240x128xf32, #tpu.memory_space<vmem_shared>>
      tpu.enqueue_indirect_dma source(%arg5 : memref<80x128xf32, #tpu.memory_space<vmem>>) target(%dma_start3A_94 : memref<10240x128xf32, #tpu.memory_space<vmem_shared>>) offsets(%arg7 : memref<80xi32, #tpu.memory_space<vmem>>) semaphore(%run_scoped3A : memref<!tpu.dma_semaphore, #tpu.memory_space<semaphore_mem>>) {add = true}
      %dma_wait3A_95 = arith.constant 0 : i32
      %dma_wait3A_96 = arith.constant 0 : i32
      %dma_wait3A_97 = tpu.memref_slice %arg16[%dma_wait3A_95, %dma_wait3A_96] : memref<10240x128xf32, #tpu.memory_space<vmem_shared>> -> memref<10240x128xf32, #tpu.memory_space<vmem_shared>>
      tpu.wait_indirect_dma semaphore(%run_scoped3A : memref<!tpu.dma_semaphore, #tpu.memory_space<semaphore_mem>>) src(%arg5 : memref<80x128xf32, #tpu.memory_space<vmem>>) dst(%dma_wait3A_97 : memref<10240x128xf32, #tpu.memory_space<vmem_shared>>)
      tpu.yield
    }) : () -> ()
    "tpu.region"() ({
      %run_scoped3A = tpu.sem_alloc : memref<!tpu.dma_semaphore, #tpu.memory_space<semaphore_mem>>
      %dma_start3A_92 = arith.constant 0 : i32
      %dma_start3A_93 = arith.constant 0 : i32
      %dma_start3A_94 = tpu.memref_slice %arg16[%dma_start3A_92, %dma_start3A_93] : memref<10240x128xf32, #tpu.memory_space<vmem_shared>> -> memref<10240x128xf32, #tpu.memory_space<vmem_shared>>
      tpu.enqueue_indirect_dma source(%arg5 : memref<80x128xf32, #tpu.memory_space<vmem>>) target(%dma_start3A_94 : memref<10240x128xf32, #tpu.memory_space<vmem_shared>>) offsets(%arg8 : memref<80xi32, #tpu.memory_space<vmem>>) semaphore(%run_scoped3A : memref<!tpu.dma_semaphore, #tpu.memory_space<semaphore_mem>>) {add = true}
      %dma_wait3A_95 = arith.constant 0 : i32
      %dma_wait3A_96 = arith.constant 0 : i32
      %dma_wait3A_97 = tpu.memref_slice %arg16[%dma_wait3A_95, %dma_wait3A_96] : memref<10240x128xf32, #tpu.memory_space<vmem_shared>> -> memref<10240x128xf32, #tpu.memory_space<vmem_shared>>
      tpu.wait_indirect_dma semaphore(%run_scoped3A : memref<!tpu.dma_semaphore, #tpu.memory_space<semaphore_mem>>) src(%arg5 : memref<80x128xf32, #tpu.memory_space<vmem>>) dst(%dma_wait3A_97 : memref<10240x128xf32, #tpu.memory_space<vmem_shared>>)
      tpu.yield
    }) : () -> ()
    "tpu.region"() ({
      %run_scoped3A = tpu.sem_alloc : memref<!tpu.dma_semaphore, #tpu.memory_space<semaphore_mem>>
      %dma_start3A_92 = arith.constant 0 : i32
      %dma_start3A_93 = arith.constant 0 : i32
      %dma_start3A_94 = tpu.memref_slice %arg16[%dma_start3A_92, %dma_start3A_93] : memref<10240x128xf32, #tpu.memory_space<vmem_shared>> -> memref<10240x128xf32, #tpu.memory_space<vmem_shared>>
      tpu.enqueue_indirect_dma source(%arg5 : memref<80x128xf32, #tpu.memory_space<vmem>>) target(%dma_start3A_94 : memref<10240x128xf32, #tpu.memory_space<vmem_shared>>) offsets(%arg9 : memref<80xi32, #tpu.memory_space<vmem>>) semaphore(%run_scoped3A : memref<!tpu.dma_semaphore, #tpu.memory_space<semaphore_mem>>) {add = true}
      %dma_wait3A_95 = arith.constant 0 : i32
      %dma_wait3A_96 = arith.constant 0 : i32
      %dma_wait3A_97 = tpu.memref_slice %arg16[%dma_wait3A_95, %dma_wait3A_96] : memref<10240x128xf32, #tpu.memory_space<vmem_shared>> -> memref<10240x128xf32, #tpu.memory_space<vmem_shared>>
      tpu.wait_indirect_dma semaphore(%run_scoped3A : memref<!tpu.dma_semaphore, #tpu.memory_space<semaphore_mem>>) src(%arg5 : memref<80x128xf32, #tpu.memory_space<vmem>>) dst(%dma_wait3A_97 : memref<10240x128xf32, #tpu.memory_space<vmem_shared>>)
      tpu.yield
    }) : () -> ()
    %add3A_84 = arith.constant 9920 : i32
    %add3A_85 = arith.addi %mul3A_4, %add3A_84 : i32
    "tpu.region"() ({
      %run_scoped3A = tpu.sem_alloc : memref<!tpu.dma_semaphore, #tpu.memory_space<semaphore_mem>>
      %dma_start3A_92 = tpu.memref_slice %arg2[%add3A_85] : memref<320000xi32, #tpu.memory_space<hbm>> -> memref<80xi32, #tpu.memory_space<hbm>>
      %dma_start3A_93 = tpu.memref_slice %arg2[%add3A_85] : memref<320000xi32, #tpu.memory_space<hbm>> -> memref<80xi32, #tpu.memory_space<hbm>>
      tpu.enqueue_dma source(%dma_start3A_93 : memref<80xi32, #tpu.memory_space<hbm>>) target(%arg6 : memref<80xi32, #tpu.memory_space<vmem>>) target_semaphore(%run_scoped3A : memref<!tpu.dma_semaphore, #tpu.memory_space<semaphore_mem>>)
      %dma_wait3A_94 = tpu.memref_slice %arg2[%add3A_85] : memref<320000xi32, #tpu.memory_space<hbm>> -> memref<80xi32, #tpu.memory_space<hbm>>
      %dma_wait3A_95 = tpu.memref_slice %arg2[%add3A_85] : memref<320000xi32, #tpu.memory_space<hbm>> -> memref<80xi32, #tpu.memory_space<hbm>>
      tpu.wait_dma2 semaphore(%run_scoped3A : memref<!tpu.dma_semaphore, #tpu.memory_space<semaphore_mem>>) src(%dma_wait3A_95 : memref<80xi32, #tpu.memory_space<hbm>>) dst(%arg6 : memref<80xi32, #tpu.memory_space<vmem>>)
      tpu.yield
    }) : () -> ()
    "tpu.region"() ({
      %run_scoped3A = tpu.sem_alloc : memref<!tpu.dma_semaphore, #tpu.memory_space<semaphore_mem>>
      %dma_start3A_92 = arith.constant 0 : i32
      %dma_start3A_93 = arith.constant 0 : i32
      %dma_start3A_94 = tpu.memref_slice %arg16[%dma_start3A_92, %dma_start3A_93] : memref<10240x128xf32, #tpu.memory_space<vmem_shared>> -> memref<10240x128xf32, #tpu.memory_space<vmem_shared>>
      tpu.enqueue_indirect_dma source(%arg5 : memref<80x128xf32, #tpu.memory_space<vmem>>) target(%dma_start3A_94 : memref<10240x128xf32, #tpu.memory_space<vmem_shared>>) offsets(%arg6 : memref<80xi32, #tpu.memory_space<vmem>>) semaphore(%run_scoped3A : memref<!tpu.dma_semaphore, #tpu.memory_space<semaphore_mem>>) {add = true}
      %dma_wait3A_95 = arith.constant 0 : i32
      %dma_wait3A_96 = arith.constant 0 : i32
      %dma_wait3A_97 = tpu.memref_slice %arg16[%dma_wait3A_95, %dma_wait3A_96] : memref<10240x128xf32, #tpu.memory_space<vmem_shared>> -> memref<10240x128xf32, #tpu.memory_space<vmem_shared>>
      tpu.wait_indirect_dma semaphore(%run_scoped3A : memref<!tpu.dma_semaphore, #tpu.memory_space<semaphore_mem>>) src(%arg5 : memref<80x128xf32, #tpu.memory_space<vmem>>) dst(%dma_wait3A_97 : memref<10240x128xf32, #tpu.memory_space<vmem_shared>>)
      tpu.yield
    }) : () -> ()
    %barrier3A_86 = arith.constant 0 : index
    tpu.barrier barrier_id(%barrier3A_86)
    %eq3A_87 = arith.constant 0 : i32
    %eq3A_88 = arith.cmpi eq, %arg1, %eq3A_87 : i32
    %convert_element_type3A_89 = arith.extui %eq3A_88 : i1 to i32
    %cond3A_90 = arith.constant 0 : i32
    %cond3A_91 = arith.cmpi ne, %convert_element_type3A_89, %cond3A_90 : i32
    scf.if %cond3A_91 {
      "tpu.region"() ({
        %run_scoped3A = tpu.sem_alloc : memref<!tpu.dma_semaphore, #tpu.memory_space<semaphore_mem>>
        %dma_start3A_92 = arith.constant 0 : i32
        %dma_start3A_93 = arith.constant 0 : i32
        %dma_start3A_94 = tpu.memref_slice %arg4[%arg0, %dma_start3A_92, %dma_start3A_93] : memref<2x10240x128xf32, #tpu.memory_space<hbm>> -> memref<1x10240x128xf32, #tpu.memory_space<hbm>>
        %dma_start3A_95 = tpu.memref_squeeze %dma_start3A_94 : memref<1x10240x128xf32, #tpu.memory_space<hbm>> -> memref<10240x128xf32, #tpu.memory_space<hbm>>
        tpu.enqueue_dma source(%arg16 : memref<10240x128xf32, #tpu.memory_space<vmem_shared>>) target(%dma_start3A_95 : memref<10240x128xf32, #tpu.memory_space<hbm>>) target_semaphore(%run_scoped3A : memref<!tpu.dma_semaphore, #tpu.memory_space<semaphore_mem>>)
        %dma_wait3A_96 = arith.constant 0 : i32
        %dma_wait3A_97 = arith.constant 0 : i32
        %dma_wait3A_98 = tpu.memref_slice %arg4[%arg0, %dma_wait3A_96, %dma_wait3A_97] : memref<2x10240x128xf32, #tpu.memory_space<hbm>> -> memref<1x10240x128xf32, #tpu.memory_space<hbm>>
        %dma_wait3A_99 = tpu.memref_squeeze %dma_wait3A_98 : memref<1x10240x128xf32, #tpu.memory_space<hbm>> -> memref<10240x128xf32, #tpu.memory_space<hbm>>
        tpu.wait_dma2 semaphore(%run_scoped3A : memref<!tpu.dma_semaphore, #tpu.memory_space<semaphore_mem>>) src(%arg16 : memref<10240x128xf32, #tpu.memory_space<vmem_shared>>) dst(%dma_wait3A_99 : memref<10240x128xf32, #tpu.memory_space<hbm>>)
        tpu.yield
      }) : () -> ()
    } else {
    }
    return
  }
}

#map = affine_map<(d0, d1) -> (0, 0)>
#map1 = affine_map<(d0, d1) -> (0)>
#map2 = affine_map<(d0, d1) -> (0, 0, 0)>
module attributes {stable_mosaic.version = 14 : i64} {
  func.func @_spass_body(%arg0: i32, %arg1: i32, %arg2: memref<10000x128xf32, #tpu.memory_space<hbm>>, %arg3: memref<320000xi32, #tpu.memory_space<hbm>>, %arg4: memref<320000xi32, #tpu.memory_space<hbm>>, %arg5: memref<10240x128xf32, #tpu.memory_space<hbm>>, %arg6: memref<2x10240x128xf32, #tpu.memory_space<hbm>>, %arg7: memref<80x128xf32, #tpu.memory_space<vmem>>, %arg8: memref<80x128xf32, #tpu.memory_space<vmem>>, %arg9: memref<80x128xf32, #tpu.memory_space<vmem>>, %arg10: memref<80x128xf32, #tpu.memory_space<vmem>>, %arg11: memref<80xi32, #tpu.memory_space<vmem>>, %arg12: memref<80xi32, #tpu.memory_space<vmem>>, %arg13: memref<80xi32, #tpu.memory_space<vmem>>, %arg14: memref<80xi32, #tpu.memory_space<vmem>>, %arg15: memref<80xi32, #tpu.memory_space<vmem>>, %arg16: memref<80xi32, #tpu.memory_space<vmem>>, %arg17: memref<80xi32, #tpu.memory_space<vmem>>, %arg18: memref<80xi32, #tpu.memory_space<vmem>>, %arg19: memref<80xi32, #tpu.memory_space<vmem>>, %arg20: memref<80xi32, #tpu.memory_space<vmem>>, %arg21: memref<80xi32, #tpu.memory_space<vmem>>, %arg22: memref<80xi32, #tpu.memory_space<vmem>>, %arg23: memref<80xi32, #tpu.memory_space<vmem>>, %arg24: memref<80xi32, #tpu.memory_space<vmem>>, %arg25: memref<80xi32, #tpu.memory_space<vmem>>, %arg26: memref<80xi32, #tpu.memory_space<vmem>>, %arg27: memref<!tpu.dma_semaphore, #tpu.memory_space<semaphore_mem>>, %arg28: memref<!tpu.dma_semaphore, #tpu.memory_space<semaphore_mem>>, %arg29: memref<!tpu.dma_semaphore, #tpu.memory_space<semaphore_mem>>, %arg30: memref<!tpu.dma_semaphore, #tpu.memory_space<semaphore_mem>>, %arg31: memref<!tpu.dma_semaphore, #tpu.memory_space<semaphore_mem>>, %arg32: memref<!tpu.dma_semaphore, #tpu.memory_space<semaphore_mem>>, %arg33: memref<10240x128xf32, #tpu.memory_space<vmem_shared>>) attributes {dimension_semantics = [#tpu.dimension_semantics<core_parallel>, #tpu.dimension_semantics<subcore_parallel>], iteration_bounds = array<i64: 2, 16>, scalar_prefetch = 0 : i64, scratch_operands = 27 : i64, tpu.core_type = #tpu.core_type<sc_vector_subcore>, window_params = [{transform_indices = #map}, {transform_indices = #map1}, {transform_indices = #map1}, {transform_indices = #map}, {transform_indices = #map2}]} {
    %mul3A = arith.constant 16 : i32
    %mul3A_0 = arith.muli %arg0, %mul3A : i32
    %add3A = arith.addi %mul3A_0, %arg1 : i32
    %mul3A_1 = arith.constant 125 : i32
    %mul3A_2 = arith.muli %add3A, %mul3A_1 : i32
    %mul3A_3 = arith.constant 80 : i32
    %mul3A_4 = arith.muli %mul3A_2, %mul3A_3 : i32
    %eq3A = arith.constant 0 : i32
    %eq3A_5 = arith.cmpi eq, %arg1, %eq3A : i32
    %convert_element_type3A = arith.extui %eq3A_5 : i1 to i32
    %cond3A = arith.constant 0 : i32
    %cond3A_6 = arith.cmpi ne, %convert_element_type3A, %cond3A : i32
    scf.if %cond3A_6 {
      "tpu.region"() ({
        %run_scoped3A = tpu.sem_alloc : memref<!tpu.dma_semaphore, #tpu.memory_space<semaphore_mem>>
        tpu.enqueue_dma source(%arg5 : memref<10240x128xf32, #tpu.memory_space<hbm>>) target(%arg33 : memref<10240x128xf32, #tpu.memory_space<vmem_shared>>) target_semaphore(%run_scoped3A : memref<!tpu.dma_semaphore, #tpu.memory_space<semaphore_mem>>)
        tpu.wait_dma2 semaphore(%run_scoped3A : memref<!tpu.dma_semaphore, #tpu.memory_space<semaphore_mem>>) src(%arg5 : memref<10240x128xf32, #tpu.memory_space<hbm>>) dst(%arg33 : memref<10240x128xf32, #tpu.memory_space<vmem_shared>>)
        tpu.yield
      }) : () -> ()
    } else {
    }
    %barrier3A = arith.constant 0 : index
    tpu.barrier barrier_id(%barrier3A)
    %add3A_7 = arith.constant 0 : i32
    %add3A_8 = arith.addi %mul3A_4, %add3A_7 : i32
    %add3A_9 = arith.constant 0 : i32
    %add3A_10 = arith.addi %add3A_8, %add3A_9 : i32
    %dma_start3A = tpu.memref_slice %arg3[%add3A_10] : memref<320000xi32, #tpu.memory_space<hbm>> -> memref<80xi32, #tpu.memory_space<hbm>>
    %dma_start3A_11 = tpu.memref_slice %arg3[%add3A_10] : memref<320000xi32, #tpu.memory_space<hbm>> -> memref<80xi32, #tpu.memory_space<hbm>>
    tpu.enqueue_dma source(%dma_start3A_11 : memref<80xi32, #tpu.memory_space<hbm>>) target(%arg11 : memref<80xi32, #tpu.memory_space<vmem>>) target_semaphore(%arg31 : memref<!tpu.dma_semaphore, #tpu.memory_space<semaphore_mem>>)
    %add3A_12 = arith.constant 0 : i32
    %add3A_13 = arith.addi %add3A_8, %add3A_12 : i32
    %dma_start3A_14 = tpu.memref_slice %arg4[%add3A_13] : memref<320000xi32, #tpu.memory_space<hbm>> -> memref<80xi32, #tpu.memory_space<hbm>>
    %dma_start3A_15 = tpu.memref_slice %arg4[%add3A_13] : memref<320000xi32, #tpu.memory_space<hbm>> -> memref<80xi32, #tpu.memory_space<hbm>>
    tpu.enqueue_dma source(%dma_start3A_15 : memref<80xi32, #tpu.memory_space<hbm>>) target(%arg19 : memref<80xi32, #tpu.memory_space<vmem>>) target_semaphore(%arg31 : memref<!tpu.dma_semaphore, #tpu.memory_space<semaphore_mem>>)
    %add3A_16 = arith.constant 80 : i32
    %add3A_17 = arith.addi %add3A_8, %add3A_16 : i32
    %dma_start3A_18 = tpu.memref_slice %arg3[%add3A_17] : memref<320000xi32, #tpu.memory_space<hbm>> -> memref<80xi32, #tpu.memory_space<hbm>>
    %dma_start3A_19 = tpu.memref_slice %arg3[%add3A_17] : memref<320000xi32, #tpu.memory_space<hbm>> -> memref<80xi32, #tpu.memory_space<hbm>>
    tpu.enqueue_dma source(%dma_start3A_19 : memref<80xi32, #tpu.memory_space<hbm>>) target(%arg12 : memref<80xi32, #tpu.memory_space<vmem>>) target_semaphore(%arg31 : memref<!tpu.dma_semaphore, #tpu.memory_space<semaphore_mem>>)
    %add3A_20 = arith.constant 80 : i32
    %add3A_21 = arith.addi %add3A_8, %add3A_20 : i32
    %dma_start3A_22 = tpu.memref_slice %arg4[%add3A_21] : memref<320000xi32, #tpu.memory_space<hbm>> -> memref<80xi32, #tpu.memory_space<hbm>>
    %dma_start3A_23 = tpu.memref_slice %arg4[%add3A_21] : memref<320000xi32, #tpu.memory_space<hbm>> -> memref<80xi32, #tpu.memory_space<hbm>>
    tpu.enqueue_dma source(%dma_start3A_23 : memref<80xi32, #tpu.memory_space<hbm>>) target(%arg20 : memref<80xi32, #tpu.memory_space<vmem>>) target_semaphore(%arg31 : memref<!tpu.dma_semaphore, #tpu.memory_space<semaphore_mem>>)
    %add3A_24 = arith.constant 160 : i32
    %add3A_25 = arith.addi %add3A_8, %add3A_24 : i32
    %dma_start3A_26 = tpu.memref_slice %arg3[%add3A_25] : memref<320000xi32, #tpu.memory_space<hbm>> -> memref<80xi32, #tpu.memory_space<hbm>>
    %dma_start3A_27 = tpu.memref_slice %arg3[%add3A_25] : memref<320000xi32, #tpu.memory_space<hbm>> -> memref<80xi32, #tpu.memory_space<hbm>>
    tpu.enqueue_dma source(%dma_start3A_27 : memref<80xi32, #tpu.memory_space<hbm>>) target(%arg13 : memref<80xi32, #tpu.memory_space<vmem>>) target_semaphore(%arg31 : memref<!tpu.dma_semaphore, #tpu.memory_space<semaphore_mem>>)
    %add3A_28 = arith.constant 160 : i32
    %add3A_29 = arith.addi %add3A_8, %add3A_28 : i32
    %dma_start3A_30 = tpu.memref_slice %arg4[%add3A_29] : memref<320000xi32, #tpu.memory_space<hbm>> -> memref<80xi32, #tpu.memory_space<hbm>>
    %dma_start3A_31 = tpu.memref_slice %arg4[%add3A_29] : memref<320000xi32, #tpu.memory_space<hbm>> -> memref<80xi32, #tpu.memory_space<hbm>>
    tpu.enqueue_dma source(%dma_start3A_31 : memref<80xi32, #tpu.memory_space<hbm>>) target(%arg21 : memref<80xi32, #tpu.memory_space<vmem>>) target_semaphore(%arg31 : memref<!tpu.dma_semaphore, #tpu.memory_space<semaphore_mem>>)
    %add3A_32 = arith.constant 240 : i32
    %add3A_33 = arith.addi %add3A_8, %add3A_32 : i32
    %dma_start3A_34 = tpu.memref_slice %arg3[%add3A_33] : memref<320000xi32, #tpu.memory_space<hbm>> -> memref<80xi32, #tpu.memory_space<hbm>>
    %dma_start3A_35 = tpu.memref_slice %arg3[%add3A_33] : memref<320000xi32, #tpu.memory_space<hbm>> -> memref<80xi32, #tpu.memory_space<hbm>>
    tpu.enqueue_dma source(%dma_start3A_35 : memref<80xi32, #tpu.memory_space<hbm>>) target(%arg14 : memref<80xi32, #tpu.memory_space<vmem>>) target_semaphore(%arg31 : memref<!tpu.dma_semaphore, #tpu.memory_space<semaphore_mem>>)
    %add3A_36 = arith.constant 240 : i32
    %add3A_37 = arith.addi %add3A_8, %add3A_36 : i32
    %dma_start3A_38 = tpu.memref_slice %arg4[%add3A_37] : memref<320000xi32, #tpu.memory_space<hbm>> -> memref<80xi32, #tpu.memory_space<hbm>>
    %dma_start3A_39 = tpu.memref_slice %arg4[%add3A_37] : memref<320000xi32, #tpu.memory_space<hbm>> -> memref<80xi32, #tpu.memory_space<hbm>>
    tpu.enqueue_dma source(%dma_start3A_39 : memref<80xi32, #tpu.memory_space<hbm>>) target(%arg22 : memref<80xi32, #tpu.memory_space<vmem>>) target_semaphore(%arg31 : memref<!tpu.dma_semaphore, #tpu.memory_space<semaphore_mem>>)
    %dma_wait3A = arith.constant 0 : i32
    %dma_wait3A_40 = tpu.memref_slice %arg3[%dma_wait3A] : memref<320000xi32, #tpu.memory_space<hbm>> -> memref<80xi32, #tpu.memory_space<hbm>>
    %dma_wait3A_41 = arith.constant 0 : i32
    %dma_wait3A_42 = tpu.memref_slice %arg3[%dma_wait3A_41] : memref<320000xi32, #tpu.memory_space<hbm>> -> memref<80xi32, #tpu.memory_space<hbm>>
    tpu.wait_dma2 semaphore(%arg31 : memref<!tpu.dma_semaphore, #tpu.memory_space<semaphore_mem>>) src(%dma_wait3A_42 : memref<80xi32, #tpu.memory_space<hbm>>) dst(%arg11 : memref<80xi32, #tpu.memory_space<vmem>>)
    %dma_wait3A_43 = arith.constant 0 : i32
    %dma_wait3A_44 = tpu.memref_slice %arg4[%dma_wait3A_43] : memref<320000xi32, #tpu.memory_space<hbm>> -> memref<80xi32, #tpu.memory_space<hbm>>
    %dma_wait3A_45 = arith.constant 0 : i32
    %dma_wait3A_46 = tpu.memref_slice %arg4[%dma_wait3A_45] : memref<320000xi32, #tpu.memory_space<hbm>> -> memref<80xi32, #tpu.memory_space<hbm>>
    tpu.wait_dma2 semaphore(%arg31 : memref<!tpu.dma_semaphore, #tpu.memory_space<semaphore_mem>>) src(%dma_wait3A_46 : memref<80xi32, #tpu.memory_space<hbm>>) dst(%arg19 : memref<80xi32, #tpu.memory_space<vmem>>)
    %dma_wait3A_47 = arith.constant 0 : i32
    %dma_wait3A_48 = tpu.memref_slice %arg3[%dma_wait3A_47] : memref<320000xi32, #tpu.memory_space<hbm>> -> memref<80xi32, #tpu.memory_space<hbm>>
    %dma_wait3A_49 = arith.constant 0 : i32
    %dma_wait3A_50 = tpu.memref_slice %arg3[%dma_wait3A_49] : memref<320000xi32, #tpu.memory_space<hbm>> -> memref<80xi32, #tpu.memory_space<hbm>>
    tpu.wait_dma2 semaphore(%arg31 : memref<!tpu.dma_semaphore, #tpu.memory_space<semaphore_mem>>) src(%dma_wait3A_50 : memref<80xi32, #tpu.memory_space<hbm>>) dst(%arg12 : memref<80xi32, #tpu.memory_space<vmem>>)
    %dma_wait3A_51 = arith.constant 0 : i32
    %dma_wait3A_52 = tpu.memref_slice %arg4[%dma_wait3A_51] : memref<320000xi32, #tpu.memory_space<hbm>> -> memref<80xi32, #tpu.memory_space<hbm>>
    %dma_wait3A_53 = arith.constant 0 : i32
    %dma_wait3A_54 = tpu.memref_slice %arg4[%dma_wait3A_53] : memref<320000xi32, #tpu.memory_space<hbm>> -> memref<80xi32, #tpu.memory_space<hbm>>
    tpu.wait_dma2 semaphore(%arg31 : memref<!tpu.dma_semaphore, #tpu.memory_space<semaphore_mem>>) src(%dma_wait3A_54 : memref<80xi32, #tpu.memory_space<hbm>>) dst(%arg20 : memref<80xi32, #tpu.memory_space<vmem>>)
    %dma_wait3A_55 = arith.constant 0 : i32
    %dma_wait3A_56 = tpu.memref_slice %arg3[%dma_wait3A_55] : memref<320000xi32, #tpu.memory_space<hbm>> -> memref<80xi32, #tpu.memory_space<hbm>>
    %dma_wait3A_57 = arith.constant 0 : i32
    %dma_wait3A_58 = tpu.memref_slice %arg3[%dma_wait3A_57] : memref<320000xi32, #tpu.memory_space<hbm>> -> memref<80xi32, #tpu.memory_space<hbm>>
    tpu.wait_dma2 semaphore(%arg31 : memref<!tpu.dma_semaphore, #tpu.memory_space<semaphore_mem>>) src(%dma_wait3A_58 : memref<80xi32, #tpu.memory_space<hbm>>) dst(%arg13 : memref<80xi32, #tpu.memory_space<vmem>>)
    %dma_wait3A_59 = arith.constant 0 : i32
    %dma_wait3A_60 = tpu.memref_slice %arg4[%dma_wait3A_59] : memref<320000xi32, #tpu.memory_space<hbm>> -> memref<80xi32, #tpu.memory_space<hbm>>
    %dma_wait3A_61 = arith.constant 0 : i32
    %dma_wait3A_62 = tpu.memref_slice %arg4[%dma_wait3A_61] : memref<320000xi32, #tpu.memory_space<hbm>> -> memref<80xi32, #tpu.memory_space<hbm>>
    tpu.wait_dma2 semaphore(%arg31 : memref<!tpu.dma_semaphore, #tpu.memory_space<semaphore_mem>>) src(%dma_wait3A_62 : memref<80xi32, #tpu.memory_space<hbm>>) dst(%arg21 : memref<80xi32, #tpu.memory_space<vmem>>)
    %dma_wait3A_63 = arith.constant 0 : i32
    %dma_wait3A_64 = tpu.memref_slice %arg3[%dma_wait3A_63] : memref<320000xi32, #tpu.memory_space<hbm>> -> memref<80xi32, #tpu.memory_space<hbm>>
    %dma_wait3A_65 = arith.constant 0 : i32
    %dma_wait3A_66 = tpu.memref_slice %arg3[%dma_wait3A_65] : memref<320000xi32, #tpu.memory_space<hbm>> -> memref<80xi32, #tpu.memory_space<hbm>>
    tpu.wait_dma2 semaphore(%arg31 : memref<!tpu.dma_semaphore, #tpu.memory_space<semaphore_mem>>) src(%dma_wait3A_66 : memref<80xi32, #tpu.memory_space<hbm>>) dst(%arg14 : memref<80xi32, #tpu.memory_space<vmem>>)
    %dma_wait3A_67 = arith.constant 0 : i32
    %dma_wait3A_68 = tpu.memref_slice %arg4[%dma_wait3A_67] : memref<320000xi32, #tpu.memory_space<hbm>> -> memref<80xi32, #tpu.memory_space<hbm>>
    %dma_wait3A_69 = arith.constant 0 : i32
    %dma_wait3A_70 = tpu.memref_slice %arg4[%dma_wait3A_69] : memref<320000xi32, #tpu.memory_space<hbm>> -> memref<80xi32, #tpu.memory_space<hbm>>
    tpu.wait_dma2 semaphore(%arg31 : memref<!tpu.dma_semaphore, #tpu.memory_space<semaphore_mem>>) src(%dma_wait3A_70 : memref<80xi32, #tpu.memory_space<hbm>>) dst(%arg22 : memref<80xi32, #tpu.memory_space<vmem>>)
    %dma_start3A_71 = arith.constant 0 : i32
    %dma_start3A_72 = arith.constant 0 : i32
    %dma_start3A_73 = tpu.memref_slice %arg2[%dma_start3A_71, %dma_start3A_72] : memref<10000x128xf32, #tpu.memory_space<hbm>> -> memref<10000x128xf32, #tpu.memory_space<hbm>>
    tpu.enqueue_indirect_dma source(%dma_start3A_73 : memref<10000x128xf32, #tpu.memory_space<hbm>>) target(%arg7 : memref<80x128xf32, #tpu.memory_space<vmem>>) offsets(%arg11 : memref<80xi32, #tpu.memory_space<vmem>>) semaphore(%arg27 : memref<!tpu.dma_semaphore, #tpu.memory_space<semaphore_mem>>)
    %dma_start3A_74 = arith.constant 0 : i32
    %dma_start3A_75 = arith.constant 0 : i32
    %dma_start3A_76 = tpu.memref_slice %arg2[%dma_start3A_74, %dma_start3A_75] : memref<10000x128xf32, #tpu.memory_space<hbm>> -> memref<10000x128xf32, #tpu.memory_space<hbm>>
    tpu.enqueue_indirect_dma source(%dma_start3A_76 : memref<10000x128xf32, #tpu.memory_space<hbm>>) target(%arg8 : memref<80x128xf32, #tpu.memory_space<vmem>>) offsets(%arg12 : memref<80xi32, #tpu.memory_space<vmem>>) semaphore(%arg28 : memref<!tpu.dma_semaphore, #tpu.memory_space<semaphore_mem>>)
    %dma_start3A_77 = arith.constant 0 : i32
    %dma_start3A_78 = arith.constant 0 : i32
    %dma_start3A_79 = tpu.memref_slice %arg2[%dma_start3A_77, %dma_start3A_78] : memref<10000x128xf32, #tpu.memory_space<hbm>> -> memref<10000x128xf32, #tpu.memory_space<hbm>>
    tpu.enqueue_indirect_dma source(%dma_start3A_79 : memref<10000x128xf32, #tpu.memory_space<hbm>>) target(%arg9 : memref<80x128xf32, #tpu.memory_space<vmem>>) offsets(%arg13 : memref<80xi32, #tpu.memory_space<vmem>>) semaphore(%arg29 : memref<!tpu.dma_semaphore, #tpu.memory_space<semaphore_mem>>)
    %dma_start3A_80 = arith.constant 0 : i32
    %dma_start3A_81 = arith.constant 0 : i32
    %dma_start3A_82 = tpu.memref_slice %arg2[%dma_start3A_80, %dma_start3A_81] : memref<10000x128xf32, #tpu.memory_space<hbm>> -> memref<10000x128xf32, #tpu.memory_space<hbm>>
    tpu.enqueue_indirect_dma source(%dma_start3A_82 : memref<10000x128xf32, #tpu.memory_space<hbm>>) target(%arg10 : memref<80x128xf32, #tpu.memory_space<vmem>>) offsets(%arg14 : memref<80xi32, #tpu.memory_space<vmem>>) semaphore(%arg30 : memref<!tpu.dma_semaphore, #tpu.memory_space<semaphore_mem>>)
    %add3A_83 = arith.constant 320 : i32
    %add3A_84 = arith.addi %mul3A_4, %add3A_83 : i32
    %add3A_85 = arith.constant 0 : i32
    %add3A_86 = arith.addi %add3A_84, %add3A_85 : i32
    %dma_start3A_87 = tpu.memref_slice %arg3[%add3A_86] : memref<320000xi32, #tpu.memory_space<hbm>> -> memref<80xi32, #tpu.memory_space<hbm>>
    %dma_start3A_88 = tpu.memref_slice %arg3[%add3A_86] : memref<320000xi32, #tpu.memory_space<hbm>> -> memref<80xi32, #tpu.memory_space<hbm>>
    tpu.enqueue_dma source(%dma_start3A_88 : memref<80xi32, #tpu.memory_space<hbm>>) target(%arg15 : memref<80xi32, #tpu.memory_space<vmem>>) target_semaphore(%arg32 : memref<!tpu.dma_semaphore, #tpu.memory_space<semaphore_mem>>)
    %add3A_89 = arith.constant 0 : i32
    %add3A_90 = arith.addi %add3A_84, %add3A_89 : i32
    %dma_start3A_91 = tpu.memref_slice %arg4[%add3A_90] : memref<320000xi32, #tpu.memory_space<hbm>> -> memref<80xi32, #tpu.memory_space<hbm>>
    %dma_start3A_92 = tpu.memref_slice %arg4[%add3A_90] : memref<320000xi32, #tpu.memory_space<hbm>> -> memref<80xi32, #tpu.memory_space<hbm>>
    tpu.enqueue_dma source(%dma_start3A_92 : memref<80xi32, #tpu.memory_space<hbm>>) target(%arg23 : memref<80xi32, #tpu.memory_space<vmem>>) target_semaphore(%arg32 : memref<!tpu.dma_semaphore, #tpu.memory_space<semaphore_mem>>)
    %add3A_93 = arith.constant 80 : i32
    %add3A_94 = arith.addi %add3A_84, %add3A_93 : i32
    %dma_start3A_95 = tpu.memref_slice %arg3[%add3A_94] : memref<320000xi32, #tpu.memory_space<hbm>> -> memref<80xi32, #tpu.memory_space<hbm>>
    %dma_start3A_96 = tpu.memref_slice %arg3[%add3A_94] : memref<320000xi32, #tpu.memory_space<hbm>> -> memref<80xi32, #tpu.memory_space<hbm>>
    tpu.enqueue_dma source(%dma_start3A_96 : memref<80xi32, #tpu.memory_space<hbm>>) target(%arg16 : memref<80xi32, #tpu.memory_space<vmem>>) target_semaphore(%arg32 : memref<!tpu.dma_semaphore, #tpu.memory_space<semaphore_mem>>)
    %add3A_97 = arith.constant 80 : i32
    %add3A_98 = arith.addi %add3A_84, %add3A_97 : i32
    %dma_start3A_99 = tpu.memref_slice %arg4[%add3A_98] : memref<320000xi32, #tpu.memory_space<hbm>> -> memref<80xi32, #tpu.memory_space<hbm>>
    %dma_start3A_100 = tpu.memref_slice %arg4[%add3A_98] : memref<320000xi32, #tpu.memory_space<hbm>> -> memref<80xi32, #tpu.memory_space<hbm>>
    tpu.enqueue_dma source(%dma_start3A_100 : memref<80xi32, #tpu.memory_space<hbm>>) target(%arg24 : memref<80xi32, #tpu.memory_space<vmem>>) target_semaphore(%arg32 : memref<!tpu.dma_semaphore, #tpu.memory_space<semaphore_mem>>)
    %add3A_101 = arith.constant 160 : i32
    %add3A_102 = arith.addi %add3A_84, %add3A_101 : i32
    %dma_start3A_103 = tpu.memref_slice %arg3[%add3A_102] : memref<320000xi32, #tpu.memory_space<hbm>> -> memref<80xi32, #tpu.memory_space<hbm>>
    %dma_start3A_104 = tpu.memref_slice %arg3[%add3A_102] : memref<320000xi32, #tpu.memory_space<hbm>> -> memref<80xi32, #tpu.memory_space<hbm>>
    tpu.enqueue_dma source(%dma_start3A_104 : memref<80xi32, #tpu.memory_space<hbm>>) target(%arg17 : memref<80xi32, #tpu.memory_space<vmem>>) target_semaphore(%arg32 : memref<!tpu.dma_semaphore, #tpu.memory_space<semaphore_mem>>)
    %add3A_105 = arith.constant 160 : i32
    %add3A_106 = arith.addi %add3A_84, %add3A_105 : i32
    %dma_start3A_107 = tpu.memref_slice %arg4[%add3A_106] : memref<320000xi32, #tpu.memory_space<hbm>> -> memref<80xi32, #tpu.memory_space<hbm>>
    %dma_start3A_108 = tpu.memref_slice %arg4[%add3A_106] : memref<320000xi32, #tpu.memory_space<hbm>> -> memref<80xi32, #tpu.memory_space<hbm>>
    tpu.enqueue_dma source(%dma_start3A_108 : memref<80xi32, #tpu.memory_space<hbm>>) target(%arg25 : memref<80xi32, #tpu.memory_space<vmem>>) target_semaphore(%arg32 : memref<!tpu.dma_semaphore, #tpu.memory_space<semaphore_mem>>)
    %add3A_109 = arith.constant 240 : i32
    %add3A_110 = arith.addi %add3A_84, %add3A_109 : i32
    %dma_start3A_111 = tpu.memref_slice %arg3[%add3A_110] : memref<320000xi32, #tpu.memory_space<hbm>> -> memref<80xi32, #tpu.memory_space<hbm>>
    %dma_start3A_112 = tpu.memref_slice %arg3[%add3A_110] : memref<320000xi32, #tpu.memory_space<hbm>> -> memref<80xi32, #tpu.memory_space<hbm>>
    tpu.enqueue_dma source(%dma_start3A_112 : memref<80xi32, #tpu.memory_space<hbm>>) target(%arg18 : memref<80xi32, #tpu.memory_space<vmem>>) target_semaphore(%arg32 : memref<!tpu.dma_semaphore, #tpu.memory_space<semaphore_mem>>)
    %add3A_113 = arith.constant 240 : i32
    %add3A_114 = arith.addi %add3A_84, %add3A_113 : i32
    %dma_start3A_115 = tpu.memref_slice %arg4[%add3A_114] : memref<320000xi32, #tpu.memory_space<hbm>> -> memref<80xi32, #tpu.memory_space<hbm>>
    %dma_start3A_116 = tpu.memref_slice %arg4[%add3A_114] : memref<320000xi32, #tpu.memory_space<hbm>> -> memref<80xi32, #tpu.memory_space<hbm>>
    tpu.enqueue_dma source(%dma_start3A_116 : memref<80xi32, #tpu.memory_space<hbm>>) target(%arg26 : memref<80xi32, #tpu.memory_space<vmem>>) target_semaphore(%arg32 : memref<!tpu.dma_semaphore, #tpu.memory_space<semaphore_mem>>)
    %scan3A = arith.constant 0 : i32
    %scan3A_117 = arith.constant 0 : i32
    %scan3A_118 = arith.constant 15 : i32
    %scan3A_119 = arith.addi %scan3A_117, %scan3A_118 : i32
    %scan3A_120 = arith.constant 1 : i32
    scf.for %scan3A_180 = %scan3A_117 to %scan3A_119 step %scan3A_120  : i32 {
      %mul3A_181 = arith.constant 2 : i32
      %mul3A_182 = arith.muli %mul3A_181, %scan3A_180 : i32
      %dma_wait3A_183 = arith.constant 0 : i32
      %dma_wait3A_184 = tpu.memref_slice %arg3[%dma_wait3A_183] : memref<320000xi32, #tpu.memory_space<hbm>> -> memref<80xi32, #tpu.memory_space<hbm>>
      %dma_wait3A_185 = arith.constant 0 : i32
      %dma_wait3A_186 = tpu.memref_slice %arg3[%dma_wait3A_185] : memref<320000xi32, #tpu.memory_space<hbm>> -> memref<80xi32, #tpu.memory_space<hbm>>
      tpu.wait_dma2 semaphore(%arg32 : memref<!tpu.dma_semaphore, #tpu.memory_space<semaphore_mem>>) src(%dma_wait3A_186 : memref<80xi32, #tpu.memory_space<hbm>>) dst(%arg15 : memref<80xi32, #tpu.memory_space<vmem>>)
      %dma_wait3A_187 = arith.constant 0 : i32
      %dma_wait3A_188 = tpu.memref_slice %arg4[%dma_wait3A_187] : memref<320000xi32, #tpu.memory_space<hbm>> -> memref<80xi32, #tpu.memory_space<hbm>>
      %dma_wait3A_189 = arith.constant 0 : i32
      %dma_wait3A_190 = tpu.memref_slice %arg4[%dma_wait3A_189] : memref<320000xi32, #tpu.memory_space<hbm>> -> memref<80xi32, #tpu.memory_space<hbm>>
      tpu.wait_dma2 semaphore(%arg32 : memref<!tpu.dma_semaphore, #tpu.memory_space<semaphore_mem>>) src(%dma_wait3A_190 : memref<80xi32, #tpu.memory_space<hbm>>) dst(%arg23 : memref<80xi32, #tpu.memory_space<vmem>>)
      %dma_wait3A_191 = arith.constant 0 : i32
      %dma_wait3A_192 = tpu.memref_slice %arg3[%dma_wait3A_191] : memref<320000xi32, #tpu.memory_space<hbm>> -> memref<80xi32, #tpu.memory_space<hbm>>
      %dma_wait3A_193 = arith.constant 0 : i32
      %dma_wait3A_194 = tpu.memref_slice %arg3[%dma_wait3A_193] : memref<320000xi32, #tpu.memory_space<hbm>> -> memref<80xi32, #tpu.memory_space<hbm>>
      tpu.wait_dma2 semaphore(%arg32 : memref<!tpu.dma_semaphore, #tpu.memory_space<semaphore_mem>>) src(%dma_wait3A_194 : memref<80xi32, #tpu.memory_space<hbm>>) dst(%arg16 : memref<80xi32, #tpu.memory_space<vmem>>)
      %dma_wait3A_195 = arith.constant 0 : i32
      %dma_wait3A_196 = tpu.memref_slice %arg4[%dma_wait3A_195] : memref<320000xi32, #tpu.memory_space<hbm>> -> memref<80xi32, #tpu.memory_space<hbm>>
      %dma_wait3A_197 = arith.constant 0 : i32
      %dma_wait3A_198 = tpu.memref_slice %arg4[%dma_wait3A_197] : memref<320000xi32, #tpu.memory_space<hbm>> -> memref<80xi32, #tpu.memory_space<hbm>>
      tpu.wait_dma2 semaphore(%arg32 : memref<!tpu.dma_semaphore, #tpu.memory_space<semaphore_mem>>) src(%dma_wait3A_198 : memref<80xi32, #tpu.memory_space<hbm>>) dst(%arg24 : memref<80xi32, #tpu.memory_space<vmem>>)
      %dma_wait3A_199 = arith.constant 0 : i32
      %dma_wait3A_200 = tpu.memref_slice %arg3[%dma_wait3A_199] : memref<320000xi32, #tpu.memory_space<hbm>> -> memref<80xi32, #tpu.memory_space<hbm>>
      %dma_wait3A_201 = arith.constant 0 : i32
      %dma_wait3A_202 = tpu.memref_slice %arg3[%dma_wait3A_201] : memref<320000xi32, #tpu.memory_space<hbm>> -> memref<80xi32, #tpu.memory_space<hbm>>
      tpu.wait_dma2 semaphore(%arg32 : memref<!tpu.dma_semaphore, #tpu.memory_space<semaphore_mem>>) src(%dma_wait3A_202 : memref<80xi32, #tpu.memory_space<hbm>>) dst(%arg17 : memref<80xi32, #tpu.memory_space<vmem>>)
      %dma_wait3A_203 = arith.constant 0 : i32
      %dma_wait3A_204 = tpu.memref_slice %arg4[%dma_wait3A_203] : memref<320000xi32, #tpu.memory_space<hbm>> -> memref<80xi32, #tpu.memory_space<hbm>>
      %dma_wait3A_205 = arith.constant 0 : i32
      %dma_wait3A_206 = tpu.memref_slice %arg4[%dma_wait3A_205] : memref<320000xi32, #tpu.memory_space<hbm>> -> memref<80xi32, #tpu.memory_space<hbm>>
      tpu.wait_dma2 semaphore(%arg32 : memref<!tpu.dma_semaphore, #tpu.memory_space<semaphore_mem>>) src(%dma_wait3A_206 : memref<80xi32, #tpu.memory_space<hbm>>) dst(%arg25 : memref<80xi32, #tpu.memory_space<vmem>>)
      %dma_wait3A_207 = arith.constant 0 : i32
      %dma_wait3A_208 = tpu.memref_slice %arg3[%dma_wait3A_207] : memref<320000xi32, #tpu.memory_space<hbm>> -> memref<80xi32, #tpu.memory_space<hbm>>
      %dma_wait3A_209 = arith.constant 0 : i32
      %dma_wait3A_210 = tpu.memref_slice %arg3[%dma_wait3A_209] : memref<320000xi32, #tpu.memory_space<hbm>> -> memref<80xi32, #tpu.memory_space<hbm>>
      tpu.wait_dma2 semaphore(%arg32 : memref<!tpu.dma_semaphore, #tpu.memory_space<semaphore_mem>>) src(%dma_wait3A_210 : memref<80xi32, #tpu.memory_space<hbm>>) dst(%arg18 : memref<80xi32, #tpu.memory_space<vmem>>)
      %dma_wait3A_211 = arith.constant 0 : i32
      %dma_wait3A_212 = tpu.memref_slice %arg4[%dma_wait3A_211] : memref<320000xi32, #tpu.memory_space<hbm>> -> memref<80xi32, #tpu.memory_space<hbm>>
      %dma_wait3A_213 = arith.constant 0 : i32
      %dma_wait3A_214 = tpu.memref_slice %arg4[%dma_wait3A_213] : memref<320000xi32, #tpu.memory_space<hbm>> -> memref<80xi32, #tpu.memory_space<hbm>>
      tpu.wait_dma2 semaphore(%arg32 : memref<!tpu.dma_semaphore, #tpu.memory_space<semaphore_mem>>) src(%dma_wait3A_214 : memref<80xi32, #tpu.memory_space<hbm>>) dst(%arg26 : memref<80xi32, #tpu.memory_space<vmem>>)
      %dma_wait3A_215 = arith.constant 0 : i32
      %dma_wait3A_216 = arith.constant 0 : i32
      %dma_wait3A_217 = tpu.memref_slice %arg2[%dma_wait3A_215, %dma_wait3A_216] : memref<10000x128xf32, #tpu.memory_space<hbm>> -> memref<10000x128xf32, #tpu.memory_space<hbm>>
      tpu.wait_indirect_dma semaphore(%arg27 : memref<!tpu.dma_semaphore, #tpu.memory_space<semaphore_mem>>) src(%dma_wait3A_217 : memref<10000x128xf32, #tpu.memory_space<hbm>>) dst(%arg7 : memref<80x128xf32, #tpu.memory_space<vmem>>)
      "tpu.region"() ({
        %run_scoped3A = tpu.sem_alloc : memref<!tpu.dma_semaphore, #tpu.memory_space<semaphore_mem>>
        %dma_start3A_380 = arith.constant 0 : i32
        %dma_start3A_381 = arith.constant 0 : i32
        %dma_start3A_382 = tpu.memref_slice %arg33[%dma_start3A_380, %dma_start3A_381] : memref<10240x128xf32, #tpu.memory_space<vmem_shared>> -> memref<10240x128xf32, #tpu.memory_space<vmem_shared>>
        tpu.enqueue_indirect_dma source(%arg7 : memref<80x128xf32, #tpu.memory_space<vmem>>) target(%dma_start3A_382 : memref<10240x128xf32, #tpu.memory_space<vmem_shared>>) offsets(%arg19 : memref<80xi32, #tpu.memory_space<vmem>>) semaphore(%run_scoped3A : memref<!tpu.dma_semaphore, #tpu.memory_space<semaphore_mem>>) {add = true}
        %dma_wait3A_383 = arith.constant 0 : i32
        %dma_wait3A_384 = arith.constant 0 : i32
        %dma_wait3A_385 = tpu.memref_slice %arg33[%dma_wait3A_383, %dma_wait3A_384] : memref<10240x128xf32, #tpu.memory_space<vmem_shared>> -> memref<10240x128xf32, #tpu.memory_space<vmem_shared>>
        tpu.wait_indirect_dma semaphore(%run_scoped3A : memref<!tpu.dma_semaphore, #tpu.memory_space<semaphore_mem>>) src(%arg7 : memref<80x128xf32, #tpu.memory_space<vmem>>) dst(%dma_wait3A_385 : memref<10240x128xf32, #tpu.memory_space<vmem_shared>>)
        tpu.yield
      }) : () -> ()
      %dma_start3A_218 = arith.constant 0 : i32
      %dma_start3A_219 = arith.constant 0 : i32
      %dma_start3A_220 = tpu.memref_slice %arg2[%dma_start3A_218, %dma_start3A_219] : memref<10000x128xf32, #tpu.memory_space<hbm>> -> memref<10000x128xf32, #tpu.memory_space<hbm>>
      tpu.enqueue_indirect_dma source(%dma_start3A_220 : memref<10000x128xf32, #tpu.memory_space<hbm>>) target(%arg7 : memref<80x128xf32, #tpu.memory_space<vmem>>) offsets(%arg15 : memref<80xi32, #tpu.memory_space<vmem>>) semaphore(%arg27 : memref<!tpu.dma_semaphore, #tpu.memory_space<semaphore_mem>>)
      %dma_wait3A_221 = arith.constant 0 : i32
      %dma_wait3A_222 = arith.constant 0 : i32
      %dma_wait3A_223 = tpu.memref_slice %arg2[%dma_wait3A_221, %dma_wait3A_222] : memref<10000x128xf32, #tpu.memory_space<hbm>> -> memref<10000x128xf32, #tpu.memory_space<hbm>>
      tpu.wait_indirect_dma semaphore(%arg28 : memref<!tpu.dma_semaphore, #tpu.memory_space<semaphore_mem>>) src(%dma_wait3A_223 : memref<10000x128xf32, #tpu.memory_space<hbm>>) dst(%arg8 : memref<80x128xf32, #tpu.memory_space<vmem>>)
      "tpu.region"() ({
        %run_scoped3A = tpu.sem_alloc : memref<!tpu.dma_semaphore, #tpu.memory_space<semaphore_mem>>
        %dma_start3A_380 = arith.constant 0 : i32
        %dma_start3A_381 = arith.constant 0 : i32
        %dma_start3A_382 = tpu.memref_slice %arg33[%dma_start3A_380, %dma_start3A_381] : memref<10240x128xf32, #tpu.memory_space<vmem_shared>> -> memref<10240x128xf32, #tpu.memory_space<vmem_shared>>
        tpu.enqueue_indirect_dma source(%arg8 : memref<80x128xf32, #tpu.memory_space<vmem>>) target(%dma_start3A_382 : memref<10240x128xf32, #tpu.memory_space<vmem_shared>>) offsets(%arg20 : memref<80xi32, #tpu.memory_space<vmem>>) semaphore(%run_scoped3A : memref<!tpu.dma_semaphore, #tpu.memory_space<semaphore_mem>>) {add = true}
        %dma_wait3A_383 = arith.constant 0 : i32
        %dma_wait3A_384 = arith.constant 0 : i32
        %dma_wait3A_385 = tpu.memref_slice %arg33[%dma_wait3A_383, %dma_wait3A_384] : memref<10240x128xf32, #tpu.memory_space<vmem_shared>> -> memref<10240x128xf32, #tpu.memory_space<vmem_shared>>
        tpu.wait_indirect_dma semaphore(%run_scoped3A : memref<!tpu.dma_semaphore, #tpu.memory_space<semaphore_mem>>) src(%arg8 : memref<80x128xf32, #tpu.memory_space<vmem>>) dst(%dma_wait3A_385 : memref<10240x128xf32, #tpu.memory_space<vmem_shared>>)
        tpu.yield
      }) : () -> ()
      %dma_start3A_224 = arith.constant 0 : i32
      %dma_start3A_225 = arith.constant 0 : i32
      %dma_start3A_226 = tpu.memref_slice %arg2[%dma_start3A_224, %dma_start3A_225] : memref<10000x128xf32, #tpu.memory_space<hbm>> -> memref<10000x128xf32, #tpu.memory_space<hbm>>
      tpu.enqueue_indirect_dma source(%dma_start3A_226 : memref<10000x128xf32, #tpu.memory_space<hbm>>) target(%arg8 : memref<80x128xf32, #tpu.memory_space<vmem>>) offsets(%arg16 : memref<80xi32, #tpu.memory_space<vmem>>) semaphore(%arg28 : memref<!tpu.dma_semaphore, #tpu.memory_space<semaphore_mem>>)
      %dma_wait3A_227 = arith.constant 0 : i32
      %dma_wait3A_228 = arith.constant 0 : i32
      %dma_wait3A_229 = tpu.memref_slice %arg2[%dma_wait3A_227, %dma_wait3A_228] : memref<10000x128xf32, #tpu.memory_space<hbm>> -> memref<10000x128xf32, #tpu.memory_space<hbm>>
      tpu.wait_indirect_dma semaphore(%arg29 : memref<!tpu.dma_semaphore, #tpu.memory_space<semaphore_mem>>) src(%dma_wait3A_229 : memref<10000x128xf32, #tpu.memory_space<hbm>>) dst(%arg9 : memref<80x128xf32, #tpu.memory_space<vmem>>)
      "tpu.region"() ({
        %run_scoped3A = tpu.sem_alloc : memref<!tpu.dma_semaphore, #tpu.memory_space<semaphore_mem>>
        %dma_start3A_380 = arith.constant 0 : i32
        %dma_start3A_381 = arith.constant 0 : i32
        %dma_start3A_382 = tpu.memref_slice %arg33[%dma_start3A_380, %dma_start3A_381] : memref<10240x128xf32, #tpu.memory_space<vmem_shared>> -> memref<10240x128xf32, #tpu.memory_space<vmem_shared>>
        tpu.enqueue_indirect_dma source(%arg9 : memref<80x128xf32, #tpu.memory_space<vmem>>) target(%dma_start3A_382 : memref<10240x128xf32, #tpu.memory_space<vmem_shared>>) offsets(%arg21 : memref<80xi32, #tpu.memory_space<vmem>>) semaphore(%run_scoped3A : memref<!tpu.dma_semaphore, #tpu.memory_space<semaphore_mem>>) {add = true}
        %dma_wait3A_383 = arith.constant 0 : i32
        %dma_wait3A_384 = arith.constant 0 : i32
        %dma_wait3A_385 = tpu.memref_slice %arg33[%dma_wait3A_383, %dma_wait3A_384] : memref<10240x128xf32, #tpu.memory_space<vmem_shared>> -> memref<10240x128xf32, #tpu.memory_space<vmem_shared>>
        tpu.wait_indirect_dma semaphore(%run_scoped3A : memref<!tpu.dma_semaphore, #tpu.memory_space<semaphore_mem>>) src(%arg9 : memref<80x128xf32, #tpu.memory_space<vmem>>) dst(%dma_wait3A_385 : memref<10240x128xf32, #tpu.memory_space<vmem_shared>>)
        tpu.yield
      }) : () -> ()
      %dma_start3A_230 = arith.constant 0 : i32
      %dma_start3A_231 = arith.constant 0 : i32
      %dma_start3A_232 = tpu.memref_slice %arg2[%dma_start3A_230, %dma_start3A_231] : memref<10000x128xf32, #tpu.memory_space<hbm>> -> memref<10000x128xf32, #tpu.memory_space<hbm>>
      tpu.enqueue_indirect_dma source(%dma_start3A_232 : memref<10000x128xf32, #tpu.memory_space<hbm>>) target(%arg9 : memref<80x128xf32, #tpu.memory_space<vmem>>) offsets(%arg17 : memref<80xi32, #tpu.memory_space<vmem>>) semaphore(%arg29 : memref<!tpu.dma_semaphore, #tpu.memory_space<semaphore_mem>>)
      %dma_wait3A_233 = arith.constant 0 : i32
      %dma_wait3A_234 = arith.constant 0 : i32
      %dma_wait3A_235 = tpu.memref_slice %arg2[%dma_wait3A_233, %dma_wait3A_234] : memref<10000x128xf32, #tpu.memory_space<hbm>> -> memref<10000x128xf32, #tpu.memory_space<hbm>>
      tpu.wait_indirect_dma semaphore(%arg30 : memref<!tpu.dma_semaphore, #tpu.memory_space<semaphore_mem>>) src(%dma_wait3A_235 : memref<10000x128xf32, #tpu.memory_space<hbm>>) dst(%arg10 : memref<80x128xf32, #tpu.memory_space<vmem>>)
      "tpu.region"() ({
        %run_scoped3A = tpu.sem_alloc : memref<!tpu.dma_semaphore, #tpu.memory_space<semaphore_mem>>
        %dma_start3A_380 = arith.constant 0 : i32
        %dma_start3A_381 = arith.constant 0 : i32
        %dma_start3A_382 = tpu.memref_slice %arg33[%dma_start3A_380, %dma_start3A_381] : memref<10240x128xf32, #tpu.memory_space<vmem_shared>> -> memref<10240x128xf32, #tpu.memory_space<vmem_shared>>
        tpu.enqueue_indirect_dma source(%arg10 : memref<80x128xf32, #tpu.memory_space<vmem>>) target(%dma_start3A_382 : memref<10240x128xf32, #tpu.memory_space<vmem_shared>>) offsets(%arg22 : memref<80xi32, #tpu.memory_space<vmem>>) semaphore(%run_scoped3A : memref<!tpu.dma_semaphore, #tpu.memory_space<semaphore_mem>>) {add = true}
        %dma_wait3A_383 = arith.constant 0 : i32
        %dma_wait3A_384 = arith.constant 0 : i32
        %dma_wait3A_385 = tpu.memref_slice %arg33[%dma_wait3A_383, %dma_wait3A_384] : memref<10240x128xf32, #tpu.memory_space<vmem_shared>> -> memref<10240x128xf32, #tpu.memory_space<vmem_shared>>
        tpu.wait_indirect_dma semaphore(%run_scoped3A : memref<!tpu.dma_semaphore, #tpu.memory_space<semaphore_mem>>) src(%arg10 : memref<80x128xf32, #tpu.memory_space<vmem>>) dst(%dma_wait3A_385 : memref<10240x128xf32, #tpu.memory_space<vmem_shared>>)
        tpu.yield
      }) : () -> ()
      %dma_start3A_236 = arith.constant 0 : i32
      %dma_start3A_237 = arith.constant 0 : i32
      %dma_start3A_238 = tpu.memref_slice %arg2[%dma_start3A_236, %dma_start3A_237] : memref<10000x128xf32, #tpu.memory_space<hbm>> -> memref<10000x128xf32, #tpu.memory_space<hbm>>
      tpu.enqueue_indirect_dma source(%dma_start3A_238 : memref<10000x128xf32, #tpu.memory_space<hbm>>) target(%arg10 : memref<80x128xf32, #tpu.memory_space<vmem>>) offsets(%arg18 : memref<80xi32, #tpu.memory_space<vmem>>) semaphore(%arg30 : memref<!tpu.dma_semaphore, #tpu.memory_space<semaphore_mem>>)
      %add3A_239 = arith.constant 2 : i32
      %add3A_240 = arith.addi %mul3A_182, %add3A_239 : i32
      %min3A = arith.constant 30 : i32
      %min3A_241 = arith.minsi %add3A_240, %min3A : i32
      %mul3A_242 = arith.constant 4 : i32
      %mul3A_243 = arith.muli %min3A_241, %mul3A_242 : i32
      %mul3A_244 = arith.constant 80 : i32
      %mul3A_245 = arith.muli %mul3A_243, %mul3A_244 : i32
      %add3A_246 = arith.addi %mul3A_4, %mul3A_245 : i32
      %add3A_247 = arith.constant 0 : i32
      %add3A_248 = arith.addi %add3A_246, %add3A_247 : i32
      %dma_start3A_249 = tpu.memref_slice %arg3[%add3A_248] : memref<320000xi32, #tpu.memory_space<hbm>> -> memref<80xi32, #tpu.memory_space<hbm>>
      %dma_start3A_250 = tpu.memref_slice %arg3[%add3A_248] : memref<320000xi32, #tpu.memory_space<hbm>> -> memref<80xi32, #tpu.memory_space<hbm>>
      tpu.enqueue_dma source(%dma_start3A_250 : memref<80xi32, #tpu.memory_space<hbm>>) target(%arg11 : memref<80xi32, #tpu.memory_space<vmem>>) target_semaphore(%arg31 : memref<!tpu.dma_semaphore, #tpu.memory_space<semaphore_mem>>)
      %add3A_251 = arith.constant 0 : i32
      %add3A_252 = arith.addi %add3A_246, %add3A_251 : i32
      %dma_start3A_253 = tpu.memref_slice %arg4[%add3A_252] : memref<320000xi32, #tpu.memory_space<hbm>> -> memref<80xi32, #tpu.memory_space<hbm>>
      %dma_start3A_254 = tpu.memref_slice %arg4[%add3A_252] : memref<320000xi32, #tpu.memory_space<hbm>> -> memref<80xi32, #tpu.memory_space<hbm>>
      tpu.enqueue_dma source(%dma_start3A_254 : memref<80xi32, #tpu.memory_space<hbm>>) target(%arg19 : memref<80xi32, #tpu.memory_space<vmem>>) target_semaphore(%arg31 : memref<!tpu.dma_semaphore, #tpu.memory_space<semaphore_mem>>)
      %add3A_255 = arith.constant 80 : i32
      %add3A_256 = arith.addi %add3A_246, %add3A_255 : i32
      %dma_start3A_257 = tpu.memref_slice %arg3[%add3A_256] : memref<320000xi32, #tpu.memory_space<hbm>> -> memref<80xi32, #tpu.memory_space<hbm>>
      %dma_start3A_258 = tpu.memref_slice %arg3[%add3A_256] : memref<320000xi32, #tpu.memory_space<hbm>> -> memref<80xi32, #tpu.memory_space<hbm>>
      tpu.enqueue_dma source(%dma_start3A_258 : memref<80xi32, #tpu.memory_space<hbm>>) target(%arg12 : memref<80xi32, #tpu.memory_space<vmem>>) target_semaphore(%arg31 : memref<!tpu.dma_semaphore, #tpu.memory_space<semaphore_mem>>)
      %add3A_259 = arith.constant 80 : i32
      %add3A_260 = arith.addi %add3A_246, %add3A_259 : i32
      %dma_start3A_261 = tpu.memref_slice %arg4[%add3A_260] : memref<320000xi32, #tpu.memory_space<hbm>> -> memref<80xi32, #tpu.memory_space<hbm>>
      %dma_start3A_262 = tpu.memref_slice %arg4[%add3A_260] : memref<320000xi32, #tpu.memory_space<hbm>> -> memref<80xi32, #tpu.memory_space<hbm>>
      tpu.enqueue_dma source(%dma_start3A_262 : memref<80xi32, #tpu.memory_space<hbm>>) target(%arg20 : memref<80xi32, #tpu.memory_space<vmem>>) target_semaphore(%arg31 : memref<!tpu.dma_semaphore, #tpu.memory_space<semaphore_mem>>)
      %add3A_263 = arith.constant 160 : i32
      %add3A_264 = arith.addi %add3A_246, %add3A_263 : i32
      %dma_start3A_265 = tpu.memref_slice %arg3[%add3A_264] : memref<320000xi32, #tpu.memory_space<hbm>> -> memref<80xi32, #tpu.memory_space<hbm>>
      %dma_start3A_266 = tpu.memref_slice %arg3[%add3A_264] : memref<320000xi32, #tpu.memory_space<hbm>> -> memref<80xi32, #tpu.memory_space<hbm>>
      tpu.enqueue_dma source(%dma_start3A_266 : memref<80xi32, #tpu.memory_space<hbm>>) target(%arg13 : memref<80xi32, #tpu.memory_space<vmem>>) target_semaphore(%arg31 : memref<!tpu.dma_semaphore, #tpu.memory_space<semaphore_mem>>)
      %add3A_267 = arith.constant 160 : i32
      %add3A_268 = arith.addi %add3A_246, %add3A_267 : i32
      %dma_start3A_269 = tpu.memref_slice %arg4[%add3A_268] : memref<320000xi32, #tpu.memory_space<hbm>> -> memref<80xi32, #tpu.memory_space<hbm>>
      %dma_start3A_270 = tpu.memref_slice %arg4[%add3A_268] : memref<320000xi32, #tpu.memory_space<hbm>> -> memref<80xi32, #tpu.memory_space<hbm>>
      tpu.enqueue_dma source(%dma_start3A_270 : memref<80xi32, #tpu.memory_space<hbm>>) target(%arg21 : memref<80xi32, #tpu.memory_space<vmem>>) target_semaphore(%arg31 : memref<!tpu.dma_semaphore, #tpu.memory_space<semaphore_mem>>)
      %add3A_271 = arith.constant 240 : i32
      %add3A_272 = arith.addi %add3A_246, %add3A_271 : i32
      %dma_start3A_273 = tpu.memref_slice %arg3[%add3A_272] : memref<320000xi32, #tpu.memory_space<hbm>> -> memref<80xi32, #tpu.memory_space<hbm>>
      %dma_start3A_274 = tpu.memref_slice %arg3[%add3A_272] : memref<320000xi32, #tpu.memory_space<hbm>> -> memref<80xi32, #tpu.memory_space<hbm>>
      tpu.enqueue_dma source(%dma_start3A_274 : memref<80xi32, #tpu.memory_space<hbm>>) target(%arg14 : memref<80xi32, #tpu.memory_space<vmem>>) target_semaphore(%arg31 : memref<!tpu.dma_semaphore, #tpu.memory_space<semaphore_mem>>)
      %add3A_275 = arith.constant 240 : i32
      %add3A_276 = arith.addi %add3A_246, %add3A_275 : i32
      %dma_start3A_277 = tpu.memref_slice %arg4[%add3A_276] : memref<320000xi32, #tpu.memory_space<hbm>> -> memref<80xi32, #tpu.memory_space<hbm>>
      %dma_start3A_278 = tpu.memref_slice %arg4[%add3A_276] : memref<320000xi32, #tpu.memory_space<hbm>> -> memref<80xi32, #tpu.memory_space<hbm>>
      tpu.enqueue_dma source(%dma_start3A_278 : memref<80xi32, #tpu.memory_space<hbm>>) target(%arg22 : memref<80xi32, #tpu.memory_space<vmem>>) target_semaphore(%arg31 : memref<!tpu.dma_semaphore, #tpu.memory_space<semaphore_mem>>)
      %mul3A_279 = arith.constant 2 : i32
      %mul3A_280 = arith.muli %mul3A_279, %scan3A_180 : i32
      %add3A_281 = arith.constant 1 : i32
      %add3A_282 = arith.addi %mul3A_280, %add3A_281 : i32
      %dma_wait3A_283 = arith.constant 0 : i32
      %dma_wait3A_284 = tpu.memref_slice %arg3[%dma_wait3A_283] : memref<320000xi32, #tpu.memory_space<hbm>> -> memref<80xi32, #tpu.memory_space<hbm>>
      %dma_wait3A_285 = arith.constant 0 : i32
      %dma_wait3A_286 = tpu.memref_slice %arg3[%dma_wait3A_285] : memref<320000xi32, #tpu.memory_space<hbm>> -> memref<80xi32, #tpu.memory_space<hbm>>
      tpu.wait_dma2 semaphore(%arg31 : memref<!tpu.dma_semaphore, #tpu.memory_space<semaphore_mem>>) src(%dma_wait3A_286 : memref<80xi32, #tpu.memory_space<hbm>>) dst(%arg11 : memref<80xi32, #tpu.memory_space<vmem>>)
      %dma_wait3A_287 = arith.constant 0 : i32
      %dma_wait3A_288 = tpu.memref_slice %arg4[%dma_wait3A_287] : memref<320000xi32, #tpu.memory_space<hbm>> -> memref<80xi32, #tpu.memory_space<hbm>>
      %dma_wait3A_289 = arith.constant 0 : i32
      %dma_wait3A_290 = tpu.memref_slice %arg4[%dma_wait3A_289] : memref<320000xi32, #tpu.memory_space<hbm>> -> memref<80xi32, #tpu.memory_space<hbm>>
      tpu.wait_dma2 semaphore(%arg31 : memref<!tpu.dma_semaphore, #tpu.memory_space<semaphore_mem>>) src(%dma_wait3A_290 : memref<80xi32, #tpu.memory_space<hbm>>) dst(%arg19 : memref<80xi32, #tpu.memory_space<vmem>>)
      %dma_wait3A_291 = arith.constant 0 : i32
      %dma_wait3A_292 = tpu.memref_slice %arg3[%dma_wait3A_291] : memref<320000xi32, #tpu.memory_space<hbm>> -> memref<80xi32, #tpu.memory_space<hbm>>
      %dma_wait3A_293 = arith.constant 0 : i32
      %dma_wait3A_294 = tpu.memref_slice %arg3[%dma_wait3A_293] : memref<320000xi32, #tpu.memory_space<hbm>> -> memref<80xi32, #tpu.memory_space<hbm>>
      tpu.wait_dma2 semaphore(%arg31 : memref<!tpu.dma_semaphore, #tpu.memory_space<semaphore_mem>>) src(%dma_wait3A_294 : memref<80xi32, #tpu.memory_space<hbm>>) dst(%arg12 : memref<80xi32, #tpu.memory_space<vmem>>)
      %dma_wait3A_295 = arith.constant 0 : i32
      %dma_wait3A_296 = tpu.memref_slice %arg4[%dma_wait3A_295] : memref<320000xi32, #tpu.memory_space<hbm>> -> memref<80xi32, #tpu.memory_space<hbm>>
      %dma_wait3A_297 = arith.constant 0 : i32
      %dma_wait3A_298 = tpu.memref_slice %arg4[%dma_wait3A_297] : memref<320000xi32, #tpu.memory_space<hbm>> -> memref<80xi32, #tpu.memory_space<hbm>>
      tpu.wait_dma2 semaphore(%arg31 : memref<!tpu.dma_semaphore, #tpu.memory_space<semaphore_mem>>) src(%dma_wait3A_298 : memref<80xi32, #tpu.memory_space<hbm>>) dst(%arg20 : memref<80xi32, #tpu.memory_space<vmem>>)
      %dma_wait3A_299 = arith.constant 0 : i32
      %dma_wait3A_300 = tpu.memref_slice %arg3[%dma_wait3A_299] : memref<320000xi32, #tpu.memory_space<hbm>> -> memref<80xi32, #tpu.memory_space<hbm>>
      %dma_wait3A_301 = arith.constant 0 : i32
      %dma_wait3A_302 = tpu.memref_slice %arg3[%dma_wait3A_301] : memref<320000xi32, #tpu.memory_space<hbm>> -> memref<80xi32, #tpu.memory_space<hbm>>
      tpu.wait_dma2 semaphore(%arg31 : memref<!tpu.dma_semaphore, #tpu.memory_space<semaphore_mem>>) src(%dma_wait3A_302 : memref<80xi32, #tpu.memory_space<hbm>>) dst(%arg13 : memref<80xi32, #tpu.memory_space<vmem>>)
      %dma_wait3A_303 = arith.constant 0 : i32
      %dma_wait3A_304 = tpu.memref_slice %arg4[%dma_wait3A_303] : memref<320000xi32, #tpu.memory_space<hbm>> -> memref<80xi32, #tpu.memory_space<hbm>>
      %dma_wait3A_305 = arith.constant 0 : i32
      %dma_wait3A_306 = tpu.memref_slice %arg4[%dma_wait3A_305] : memref<320000xi32, #tpu.memory_space<hbm>> -> memref<80xi32, #tpu.memory_space<hbm>>
      tpu.wait_dma2 semaphore(%arg31 : memref<!tpu.dma_semaphore, #tpu.memory_space<semaphore_mem>>) src(%dma_wait3A_306 : memref<80xi32, #tpu.memory_space<hbm>>) dst(%arg21 : memref<80xi32, #tpu.memory_space<vmem>>)
      %dma_wait3A_307 = arith.constant 0 : i32
      %dma_wait3A_308 = tpu.memref_slice %arg3[%dma_wait3A_307] : memref<320000xi32, #tpu.memory_space<hbm>> -> memref<80xi32, #tpu.memory_space<hbm>>
      %dma_wait3A_309 = arith.constant 0 : i32
      %dma_wait3A_310 = tpu.memref_slice %arg3[%dma_wait3A_309] : memref<320000xi32, #tpu.memory_space<hbm>> -> memref<80xi32, #tpu.memory_space<hbm>>
      tpu.wait_dma2 semaphore(%arg31 : memref<!tpu.dma_semaphore, #tpu.memory_space<semaphore_mem>>) src(%dma_wait3A_310 : memref<80xi32, #tpu.memory_space<hbm>>) dst(%arg14 : memref<80xi32, #tpu.memory_space<vmem>>)
      %dma_wait3A_311 = arith.constant 0 : i32
      %dma_wait3A_312 = tpu.memref_slice %arg4[%dma_wait3A_311] : memref<320000xi32, #tpu.memory_space<hbm>> -> memref<80xi32, #tpu.memory_space<hbm>>
      %dma_wait3A_313 = arith.constant 0 : i32
      %dma_wait3A_314 = tpu.memref_slice %arg4[%dma_wait3A_313] : memref<320000xi32, #tpu.memory_space<hbm>> -> memref<80xi32, #tpu.memory_space<hbm>>
      tpu.wait_dma2 semaphore(%arg31 : memref<!tpu.dma_semaphore, #tpu.memory_space<semaphore_mem>>) src(%dma_wait3A_314 : memref<80xi32, #tpu.memory_space<hbm>>) dst(%arg22 : memref<80xi32, #tpu.memory_space<vmem>>)
      %dma_wait3A_315 = arith.constant 0 : i32
      %dma_wait3A_316 = arith.constant 0 : i32
      %dma_wait3A_317 = tpu.memref_slice %arg2[%dma_wait3A_315, %dma_wait3A_316] : memref<10000x128xf32, #tpu.memory_space<hbm>> -> memref<10000x128xf32, #tpu.memory_space<hbm>>
      tpu.wait_indirect_dma semaphore(%arg27 : memref<!tpu.dma_semaphore, #tpu.memory_space<semaphore_mem>>) src(%dma_wait3A_317 : memref<10000x128xf32, #tpu.memory_space<hbm>>) dst(%arg7 : memref<80x128xf32, #tpu.memory_space<vmem>>)
      "tpu.region"() ({
        %run_scoped3A = tpu.sem_alloc : memref<!tpu.dma_semaphore, #tpu.memory_space<semaphore_mem>>
        %dma_start3A_380 = arith.constant 0 : i32
        %dma_start3A_381 = arith.constant 0 : i32
        %dma_start3A_382 = tpu.memref_slice %arg33[%dma_start3A_380, %dma_start3A_381] : memref<10240x128xf32, #tpu.memory_space<vmem_shared>> -> memref<10240x128xf32, #tpu.memory_space<vmem_shared>>
        tpu.enqueue_indirect_dma source(%arg7 : memref<80x128xf32, #tpu.memory_space<vmem>>) target(%dma_start3A_382 : memref<10240x128xf32, #tpu.memory_space<vmem_shared>>) offsets(%arg23 : memref<80xi32, #tpu.memory_space<vmem>>) semaphore(%run_scoped3A : memref<!tpu.dma_semaphore, #tpu.memory_space<semaphore_mem>>) {add = true}
        %dma_wait3A_383 = arith.constant 0 : i32
        %dma_wait3A_384 = arith.constant 0 : i32
        %dma_wait3A_385 = tpu.memref_slice %arg33[%dma_wait3A_383, %dma_wait3A_384] : memref<10240x128xf32, #tpu.memory_space<vmem_shared>> -> memref<10240x128xf32, #tpu.memory_space<vmem_shared>>
        tpu.wait_indirect_dma semaphore(%run_scoped3A : memref<!tpu.dma_semaphore, #tpu.memory_space<semaphore_mem>>) src(%arg7 : memref<80x128xf32, #tpu.memory_space<vmem>>) dst(%dma_wait3A_385 : memref<10240x128xf32, #tpu.memory_space<vmem_shared>>)
        tpu.yield
      }) : () -> ()
      %dma_start3A_318 = arith.constant 0 : i32
      %dma_start3A_319 = arith.constant 0 : i32
      %dma_start3A_320 = tpu.memref_slice %arg2[%dma_start3A_318, %dma_start3A_319] : memref<10000x128xf32, #tpu.memory_space<hbm>> -> memref<10000x128xf32, #tpu.memory_space<hbm>>
      tpu.enqueue_indirect_dma source(%dma_start3A_320 : memref<10000x128xf32, #tpu.memory_space<hbm>>) target(%arg7 : memref<80x128xf32, #tpu.memory_space<vmem>>) offsets(%arg11 : memref<80xi32, #tpu.memory_space<vmem>>) semaphore(%arg27 : memref<!tpu.dma_semaphore, #tpu.memory_space<semaphore_mem>>)
      %dma_wait3A_321 = arith.constant 0 : i32
      %dma_wait3A_322 = arith.constant 0 : i32
      %dma_wait3A_323 = tpu.memref_slice %arg2[%dma_wait3A_321, %dma_wait3A_322] : memref<10000x128xf32, #tpu.memory_space<hbm>> -> memref<10000x128xf32, #tpu.memory_space<hbm>>
      tpu.wait_indirect_dma semaphore(%arg28 : memref<!tpu.dma_semaphore, #tpu.memory_space<semaphore_mem>>) src(%dma_wait3A_323 : memref<10000x128xf32, #tpu.memory_space<hbm>>) dst(%arg8 : memref<80x128xf32, #tpu.memory_space<vmem>>)
      "tpu.region"() ({
        %run_scoped3A = tpu.sem_alloc : memref<!tpu.dma_semaphore, #tpu.memory_space<semaphore_mem>>
        %dma_start3A_380 = arith.constant 0 : i32
        %dma_start3A_381 = arith.constant 0 : i32
        %dma_start3A_382 = tpu.memref_slice %arg33[%dma_start3A_380, %dma_start3A_381] : memref<10240x128xf32, #tpu.memory_space<vmem_shared>> -> memref<10240x128xf32, #tpu.memory_space<vmem_shared>>
        tpu.enqueue_indirect_dma source(%arg8 : memref<80x128xf32, #tpu.memory_space<vmem>>) target(%dma_start3A_382 : memref<10240x128xf32, #tpu.memory_space<vmem_shared>>) offsets(%arg24 : memref<80xi32, #tpu.memory_space<vmem>>) semaphore(%run_scoped3A : memref<!tpu.dma_semaphore, #tpu.memory_space<semaphore_mem>>) {add = true}
        %dma_wait3A_383 = arith.constant 0 : i32
        %dma_wait3A_384 = arith.constant 0 : i32
        %dma_wait3A_385 = tpu.memref_slice %arg33[%dma_wait3A_383, %dma_wait3A_384] : memref<10240x128xf32, #tpu.memory_space<vmem_shared>> -> memref<10240x128xf32, #tpu.memory_space<vmem_shared>>
        tpu.wait_indirect_dma semaphore(%run_scoped3A : memref<!tpu.dma_semaphore, #tpu.memory_space<semaphore_mem>>) src(%arg8 : memref<80x128xf32, #tpu.memory_space<vmem>>) dst(%dma_wait3A_385 : memref<10240x128xf32, #tpu.memory_space<vmem_shared>>)
        tpu.yield
      }) : () -> ()
      %dma_start3A_324 = arith.constant 0 : i32
      %dma_start3A_325 = arith.constant 0 : i32
      %dma_start3A_326 = tpu.memref_slice %arg2[%dma_start3A_324, %dma_start3A_325] : memref<10000x128xf32, #tpu.memory_space<hbm>> -> memref<10000x128xf32, #tpu.memory_space<hbm>>
      tpu.enqueue_indirect_dma source(%dma_start3A_326 : memref<10000x128xf32, #tpu.memory_space<hbm>>) target(%arg8 : memref<80x128xf32, #tpu.memory_space<vmem>>) offsets(%arg12 : memref<80xi32, #tpu.memory_space<vmem>>) semaphore(%arg28 : memref<!tpu.dma_semaphore, #tpu.memory_space<semaphore_mem>>)
      %dma_wait3A_327 = arith.constant 0 : i32
      %dma_wait3A_328 = arith.constant 0 : i32
      %dma_wait3A_329 = tpu.memref_slice %arg2[%dma_wait3A_327, %dma_wait3A_328] : memref<10000x128xf32, #tpu.memory_space<hbm>> -> memref<10000x128xf32, #tpu.memory_space<hbm>>
      tpu.wait_indirect_dma semaphore(%arg29 : memref<!tpu.dma_semaphore, #tpu.memory_space<semaphore_mem>>) src(%dma_wait3A_329 : memref<10000x128xf32, #tpu.memory_space<hbm>>) dst(%arg9 : memref<80x128xf32, #tpu.memory_space<vmem>>)
      "tpu.region"() ({
        %run_scoped3A = tpu.sem_alloc : memref<!tpu.dma_semaphore, #tpu.memory_space<semaphore_mem>>
        %dma_start3A_380 = arith.constant 0 : i32
        %dma_start3A_381 = arith.constant 0 : i32
        %dma_start3A_382 = tpu.memref_slice %arg33[%dma_start3A_380, %dma_start3A_381] : memref<10240x128xf32, #tpu.memory_space<vmem_shared>> -> memref<10240x128xf32, #tpu.memory_space<vmem_shared>>
        tpu.enqueue_indirect_dma source(%arg9 : memref<80x128xf32, #tpu.memory_space<vmem>>) target(%dma_start3A_382 : memref<10240x128xf32, #tpu.memory_space<vmem_shared>>) offsets(%arg25 : memref<80xi32, #tpu.memory_space<vmem>>) semaphore(%run_scoped3A : memref<!tpu.dma_semaphore, #tpu.memory_space<semaphore_mem>>) {add = true}
        %dma_wait3A_383 = arith.constant 0 : i32
        %dma_wait3A_384 = arith.constant 0 : i32
        %dma_wait3A_385 = tpu.memref_slice %arg33[%dma_wait3A_383, %dma_wait3A_384] : memref<10240x128xf32, #tpu.memory_space<vmem_shared>> -> memref<10240x128xf32, #tpu.memory_space<vmem_shared>>
        tpu.wait_indirect_dma semaphore(%run_scoped3A : memref<!tpu.dma_semaphore, #tpu.memory_space<semaphore_mem>>) src(%arg9 : memref<80x128xf32, #tpu.memory_space<vmem>>) dst(%dma_wait3A_385 : memref<10240x128xf32, #tpu.memory_space<vmem_shared>>)
        tpu.yield
      }) : () -> ()
      %dma_start3A_330 = arith.constant 0 : i32
      %dma_start3A_331 = arith.constant 0 : i32
      %dma_start3A_332 = tpu.memref_slice %arg2[%dma_start3A_330, %dma_start3A_331] : memref<10000x128xf32, #tpu.memory_space<hbm>> -> memref<10000x128xf32, #tpu.memory_space<hbm>>
      tpu.enqueue_indirect_dma source(%dma_start3A_332 : memref<10000x128xf32, #tpu.memory_space<hbm>>) target(%arg9 : memref<80x128xf32, #tpu.memory_space<vmem>>) offsets(%arg13 : memref<80xi32, #tpu.memory_space<vmem>>) semaphore(%arg29 : memref<!tpu.dma_semaphore, #tpu.memory_space<semaphore_mem>>)
      %dma_wait3A_333 = arith.constant 0 : i32
      %dma_wait3A_334 = arith.constant 0 : i32
      %dma_wait3A_335 = tpu.memref_slice %arg2[%dma_wait3A_333, %dma_wait3A_334] : memref<10000x128xf32, #tpu.memory_space<hbm>> -> memref<10000x128xf32, #tpu.memory_space<hbm>>
      tpu.wait_indirect_dma semaphore(%arg30 : memref<!tpu.dma_semaphore, #tpu.memory_space<semaphore_mem>>) src(%dma_wait3A_335 : memref<10000x128xf32, #tpu.memory_space<hbm>>) dst(%arg10 : memref<80x128xf32, #tpu.memory_space<vmem>>)
      "tpu.region"() ({
        %run_scoped3A = tpu.sem_alloc : memref<!tpu.dma_semaphore, #tpu.memory_space<semaphore_mem>>
        %dma_start3A_380 = arith.constant 0 : i32
        %dma_start3A_381 = arith.constant 0 : i32
        %dma_start3A_382 = tpu.memref_slice %arg33[%dma_start3A_380, %dma_start3A_381] : memref<10240x128xf32, #tpu.memory_space<vmem_shared>> -> memref<10240x128xf32, #tpu.memory_space<vmem_shared>>
        tpu.enqueue_indirect_dma source(%arg10 : memref<80x128xf32, #tpu.memory_space<vmem>>) target(%dma_start3A_382 : memref<10240x128xf32, #tpu.memory_space<vmem_shared>>) offsets(%arg26 : memref<80xi32, #tpu.memory_space<vmem>>) semaphore(%run_scoped3A : memref<!tpu.dma_semaphore, #tpu.memory_space<semaphore_mem>>) {add = true}
        %dma_wait3A_383 = arith.constant 0 : i32
        %dma_wait3A_384 = arith.constant 0 : i32
        %dma_wait3A_385 = tpu.memref_slice %arg33[%dma_wait3A_383, %dma_wait3A_384] : memref<10240x128xf32, #tpu.memory_space<vmem_shared>> -> memref<10240x128xf32, #tpu.memory_space<vmem_shared>>
        tpu.wait_indirect_dma semaphore(%run_scoped3A : memref<!tpu.dma_semaphore, #tpu.memory_space<semaphore_mem>>) src(%arg10 : memref<80x128xf32, #tpu.memory_space<vmem>>) dst(%dma_wait3A_385 : memref<10240x128xf32, #tpu.memory_space<vmem_shared>>)
        tpu.yield
      }) : () -> ()
      %dma_start3A_336 = arith.constant 0 : i32
      %dma_start3A_337 = arith.constant 0 : i32
      %dma_start3A_338 = tpu.memref_slice %arg2[%dma_start3A_336, %dma_start3A_337] : memref<10000x128xf32, #tpu.memory_space<hbm>> -> memref<10000x128xf32, #tpu.memory_space<hbm>>
      tpu.enqueue_indirect_dma source(%dma_start3A_338 : memref<10000x128xf32, #tpu.memory_space<hbm>>) target(%arg10 : memref<80x128xf32, #tpu.memory_space<vmem>>) offsets(%arg14 : memref<80xi32, #tpu.memory_space<vmem>>) semaphore(%arg30 : memref<!tpu.dma_semaphore, #tpu.memory_space<semaphore_mem>>)
      %add3A_339 = arith.constant 2 : i32
      %add3A_340 = arith.addi %add3A_282, %add3A_339 : i32
      %min3A_341 = arith.constant 30 : i32
      %min3A_342 = arith.minsi %add3A_340, %min3A_341 : i32
      %mul3A_343 = arith.constant 4 : i32
      %mul3A_344 = arith.muli %min3A_342, %mul3A_343 : i32
      %mul3A_345 = arith.constant 80 : i32
      %mul3A_346 = arith.muli %mul3A_344, %mul3A_345 : i32
      %add3A_347 = arith.addi %mul3A_4, %mul3A_346 : i32
      %add3A_348 = arith.constant 0 : i32
      %add3A_349 = arith.addi %add3A_347, %add3A_348 : i32
      %dma_start3A_350 = tpu.memref_slice %arg3[%add3A_349] : memref<320000xi32, #tpu.memory_space<hbm>> -> memref<80xi32, #tpu.memory_space<hbm>>
      %dma_start3A_351 = tpu.memref_slice %arg3[%add3A_349] : memref<320000xi32, #tpu.memory_space<hbm>> -> memref<80xi32, #tpu.memory_space<hbm>>
      tpu.enqueue_dma source(%dma_start3A_351 : memref<80xi32, #tpu.memory_space<hbm>>) target(%arg15 : memref<80xi32, #tpu.memory_space<vmem>>) target_semaphore(%arg32 : memref<!tpu.dma_semaphore, #tpu.memory_space<semaphore_mem>>)
      %add3A_352 = arith.constant 0 : i32
      %add3A_353 = arith.addi %add3A_347, %add3A_352 : i32
      %dma_start3A_354 = tpu.memref_slice %arg4[%add3A_353] : memref<320000xi32, #tpu.memory_space<hbm>> -> memref<80xi32, #tpu.memory_space<hbm>>
      %dma_start3A_355 = tpu.memref_slice %arg4[%add3A_353] : memref<320000xi32, #tpu.memory_space<hbm>> -> memref<80xi32, #tpu.memory_space<hbm>>
      tpu.enqueue_dma source(%dma_start3A_355 : memref<80xi32, #tpu.memory_space<hbm>>) target(%arg23 : memref<80xi32, #tpu.memory_space<vmem>>) target_semaphore(%arg32 : memref<!tpu.dma_semaphore, #tpu.memory_space<semaphore_mem>>)
      %add3A_356 = arith.constant 80 : i32
      %add3A_357 = arith.addi %add3A_347, %add3A_356 : i32
      %dma_start3A_358 = tpu.memref_slice %arg3[%add3A_357] : memref<320000xi32, #tpu.memory_space<hbm>> -> memref<80xi32, #tpu.memory_space<hbm>>
      %dma_start3A_359 = tpu.memref_slice %arg3[%add3A_357] : memref<320000xi32, #tpu.memory_space<hbm>> -> memref<80xi32, #tpu.memory_space<hbm>>
      tpu.enqueue_dma source(%dma_start3A_359 : memref<80xi32, #tpu.memory_space<hbm>>) target(%arg16 : memref<80xi32, #tpu.memory_space<vmem>>) target_semaphore(%arg32 : memref<!tpu.dma_semaphore, #tpu.memory_space<semaphore_mem>>)
      %add3A_360 = arith.constant 80 : i32
      %add3A_361 = arith.addi %add3A_347, %add3A_360 : i32
      %dma_start3A_362 = tpu.memref_slice %arg4[%add3A_361] : memref<320000xi32, #tpu.memory_space<hbm>> -> memref<80xi32, #tpu.memory_space<hbm>>
      %dma_start3A_363 = tpu.memref_slice %arg4[%add3A_361] : memref<320000xi32, #tpu.memory_space<hbm>> -> memref<80xi32, #tpu.memory_space<hbm>>
      tpu.enqueue_dma source(%dma_start3A_363 : memref<80xi32, #tpu.memory_space<hbm>>) target(%arg24 : memref<80xi32, #tpu.memory_space<vmem>>) target_semaphore(%arg32 : memref<!tpu.dma_semaphore, #tpu.memory_space<semaphore_mem>>)
      %add3A_364 = arith.constant 160 : i32
      %add3A_365 = arith.addi %add3A_347, %add3A_364 : i32
      %dma_start3A_366 = tpu.memref_slice %arg3[%add3A_365] : memref<320000xi32, #tpu.memory_space<hbm>> -> memref<80xi32, #tpu.memory_space<hbm>>
      %dma_start3A_367 = tpu.memref_slice %arg3[%add3A_365] : memref<320000xi32, #tpu.memory_space<hbm>> -> memref<80xi32, #tpu.memory_space<hbm>>
      tpu.enqueue_dma source(%dma_start3A_367 : memref<80xi32, #tpu.memory_space<hbm>>) target(%arg17 : memref<80xi32, #tpu.memory_space<vmem>>) target_semaphore(%arg32 : memref<!tpu.dma_semaphore, #tpu.memory_space<semaphore_mem>>)
      %add3A_368 = arith.constant 160 : i32
      %add3A_369 = arith.addi %add3A_347, %add3A_368 : i32
      %dma_start3A_370 = tpu.memref_slice %arg4[%add3A_369] : memref<320000xi32, #tpu.memory_space<hbm>> -> memref<80xi32, #tpu.memory_space<hbm>>
      %dma_start3A_371 = tpu.memref_slice %arg4[%add3A_369] : memref<320000xi32, #tpu.memory_space<hbm>> -> memref<80xi32, #tpu.memory_space<hbm>>
      tpu.enqueue_dma source(%dma_start3A_371 : memref<80xi32, #tpu.memory_space<hbm>>) target(%arg25 : memref<80xi32, #tpu.memory_space<vmem>>) target_semaphore(%arg32 : memref<!tpu.dma_semaphore, #tpu.memory_space<semaphore_mem>>)
      %add3A_372 = arith.constant 240 : i32
      %add3A_373 = arith.addi %add3A_347, %add3A_372 : i32
      %dma_start3A_374 = tpu.memref_slice %arg3[%add3A_373] : memref<320000xi32, #tpu.memory_space<hbm>> -> memref<80xi32, #tpu.memory_space<hbm>>
      %dma_start3A_375 = tpu.memref_slice %arg3[%add3A_373] : memref<320000xi32, #tpu.memory_space<hbm>> -> memref<80xi32, #tpu.memory_space<hbm>>
      tpu.enqueue_dma source(%dma_start3A_375 : memref<80xi32, #tpu.memory_space<hbm>>) target(%arg18 : memref<80xi32, #tpu.memory_space<vmem>>) target_semaphore(%arg32 : memref<!tpu.dma_semaphore, #tpu.memory_space<semaphore_mem>>)
      %add3A_376 = arith.constant 240 : i32
      %add3A_377 = arith.addi %add3A_347, %add3A_376 : i32
      %dma_start3A_378 = tpu.memref_slice %arg4[%add3A_377] : memref<320000xi32, #tpu.memory_space<hbm>> -> memref<80xi32, #tpu.memory_space<hbm>>
      %dma_start3A_379 = tpu.memref_slice %arg4[%add3A_377] : memref<320000xi32, #tpu.memory_space<hbm>> -> memref<80xi32, #tpu.memory_space<hbm>>
      tpu.enqueue_dma source(%dma_start3A_379 : memref<80xi32, #tpu.memory_space<hbm>>) target(%arg26 : memref<80xi32, #tpu.memory_space<vmem>>) target_semaphore(%arg32 : memref<!tpu.dma_semaphore, #tpu.memory_space<semaphore_mem>>)
    }
    %scan3A_121 = arith.constant 15 : i32
    %dma_wait3A_122 = arith.constant 0 : i32
    %dma_wait3A_123 = tpu.memref_slice %arg3[%dma_wait3A_122] : memref<320000xi32, #tpu.memory_space<hbm>> -> memref<80xi32, #tpu.memory_space<hbm>>
    %dma_wait3A_124 = arith.constant 0 : i32
    %dma_wait3A_125 = tpu.memref_slice %arg3[%dma_wait3A_124] : memref<320000xi32, #tpu.memory_space<hbm>> -> memref<80xi32, #tpu.memory_space<hbm>>
    tpu.wait_dma2 semaphore(%arg32 : memref<!tpu.dma_semaphore, #tpu.memory_space<semaphore_mem>>) src(%dma_wait3A_125 : memref<80xi32, #tpu.memory_space<hbm>>) dst(%arg15 : memref<80xi32, #tpu.memory_space<vmem>>)
    %dma_wait3A_126 = arith.constant 0 : i32
    %dma_wait3A_127 = tpu.memref_slice %arg4[%dma_wait3A_126] : memref<320000xi32, #tpu.memory_space<hbm>> -> memref<80xi32, #tpu.memory_space<hbm>>
    %dma_wait3A_128 = arith.constant 0 : i32
    %dma_wait3A_129 = tpu.memref_slice %arg4[%dma_wait3A_128] : memref<320000xi32, #tpu.memory_space<hbm>> -> memref<80xi32, #tpu.memory_space<hbm>>
    tpu.wait_dma2 semaphore(%arg32 : memref<!tpu.dma_semaphore, #tpu.memory_space<semaphore_mem>>) src(%dma_wait3A_129 : memref<80xi32, #tpu.memory_space<hbm>>) dst(%arg23 : memref<80xi32, #tpu.memory_space<vmem>>)
    %dma_wait3A_130 = arith.constant 0 : i32
    %dma_wait3A_131 = tpu.memref_slice %arg3[%dma_wait3A_130] : memref<320000xi32, #tpu.memory_space<hbm>> -> memref<80xi32, #tpu.memory_space<hbm>>
    %dma_wait3A_132 = arith.constant 0 : i32
    %dma_wait3A_133 = tpu.memref_slice %arg3[%dma_wait3A_132] : memref<320000xi32, #tpu.memory_space<hbm>> -> memref<80xi32, #tpu.memory_space<hbm>>
    tpu.wait_dma2 semaphore(%arg32 : memref<!tpu.dma_semaphore, #tpu.memory_space<semaphore_mem>>) src(%dma_wait3A_133 : memref<80xi32, #tpu.memory_space<hbm>>) dst(%arg16 : memref<80xi32, #tpu.memory_space<vmem>>)
    %dma_wait3A_134 = arith.constant 0 : i32
    %dma_wait3A_135 = tpu.memref_slice %arg4[%dma_wait3A_134] : memref<320000xi32, #tpu.memory_space<hbm>> -> memref<80xi32, #tpu.memory_space<hbm>>
    %dma_wait3A_136 = arith.constant 0 : i32
    %dma_wait3A_137 = tpu.memref_slice %arg4[%dma_wait3A_136] : memref<320000xi32, #tpu.memory_space<hbm>> -> memref<80xi32, #tpu.memory_space<hbm>>
    tpu.wait_dma2 semaphore(%arg32 : memref<!tpu.dma_semaphore, #tpu.memory_space<semaphore_mem>>) src(%dma_wait3A_137 : memref<80xi32, #tpu.memory_space<hbm>>) dst(%arg24 : memref<80xi32, #tpu.memory_space<vmem>>)
    %dma_wait3A_138 = arith.constant 0 : i32
    %dma_wait3A_139 = tpu.memref_slice %arg3[%dma_wait3A_138] : memref<320000xi32, #tpu.memory_space<hbm>> -> memref<80xi32, #tpu.memory_space<hbm>>
    %dma_wait3A_140 = arith.constant 0 : i32
    %dma_wait3A_141 = tpu.memref_slice %arg3[%dma_wait3A_140] : memref<320000xi32, #tpu.memory_space<hbm>> -> memref<80xi32, #tpu.memory_space<hbm>>
    tpu.wait_dma2 semaphore(%arg32 : memref<!tpu.dma_semaphore, #tpu.memory_space<semaphore_mem>>) src(%dma_wait3A_141 : memref<80xi32, #tpu.memory_space<hbm>>) dst(%arg17 : memref<80xi32, #tpu.memory_space<vmem>>)
    %dma_wait3A_142 = arith.constant 0 : i32
    %dma_wait3A_143 = tpu.memref_slice %arg4[%dma_wait3A_142] : memref<320000xi32, #tpu.memory_space<hbm>> -> memref<80xi32, #tpu.memory_space<hbm>>
    %dma_wait3A_144 = arith.constant 0 : i32
    %dma_wait3A_145 = tpu.memref_slice %arg4[%dma_wait3A_144] : memref<320000xi32, #tpu.memory_space<hbm>> -> memref<80xi32, #tpu.memory_space<hbm>>
    tpu.wait_dma2 semaphore(%arg32 : memref<!tpu.dma_semaphore, #tpu.memory_space<semaphore_mem>>) src(%dma_wait3A_145 : memref<80xi32, #tpu.memory_space<hbm>>) dst(%arg25 : memref<80xi32, #tpu.memory_space<vmem>>)
    %dma_wait3A_146 = arith.constant 0 : i32
    %dma_wait3A_147 = tpu.memref_slice %arg3[%dma_wait3A_146] : memref<320000xi32, #tpu.memory_space<hbm>> -> memref<80xi32, #tpu.memory_space<hbm>>
    %dma_wait3A_148 = arith.constant 0 : i32
    %dma_wait3A_149 = tpu.memref_slice %arg3[%dma_wait3A_148] : memref<320000xi32, #tpu.memory_space<hbm>> -> memref<80xi32, #tpu.memory_space<hbm>>
    tpu.wait_dma2 semaphore(%arg32 : memref<!tpu.dma_semaphore, #tpu.memory_space<semaphore_mem>>) src(%dma_wait3A_149 : memref<80xi32, #tpu.memory_space<hbm>>) dst(%arg18 : memref<80xi32, #tpu.memory_space<vmem>>)
    %dma_wait3A_150 = arith.constant 0 : i32
    %dma_wait3A_151 = tpu.memref_slice %arg4[%dma_wait3A_150] : memref<320000xi32, #tpu.memory_space<hbm>> -> memref<80xi32, #tpu.memory_space<hbm>>
    %dma_wait3A_152 = arith.constant 0 : i32
    %dma_wait3A_153 = tpu.memref_slice %arg4[%dma_wait3A_152] : memref<320000xi32, #tpu.memory_space<hbm>> -> memref<80xi32, #tpu.memory_space<hbm>>
    tpu.wait_dma2 semaphore(%arg32 : memref<!tpu.dma_semaphore, #tpu.memory_space<semaphore_mem>>) src(%dma_wait3A_153 : memref<80xi32, #tpu.memory_space<hbm>>) dst(%arg26 : memref<80xi32, #tpu.memory_space<vmem>>)
    %dma_wait3A_154 = arith.constant 0 : i32
    %dma_wait3A_155 = arith.constant 0 : i32
    %dma_wait3A_156 = tpu.memref_slice %arg2[%dma_wait3A_154, %dma_wait3A_155] : memref<10000x128xf32, #tpu.memory_space<hbm>> -> memref<10000x128xf32, #tpu.memory_space<hbm>>
    tpu.wait_indirect_dma semaphore(%arg27 : memref<!tpu.dma_semaphore, #tpu.memory_space<semaphore_mem>>) src(%dma_wait3A_156 : memref<10000x128xf32, #tpu.memory_space<hbm>>) dst(%arg7 : memref<80x128xf32, #tpu.memory_space<vmem>>)
    "tpu.region"() ({
      %run_scoped3A = tpu.sem_alloc : memref<!tpu.dma_semaphore, #tpu.memory_space<semaphore_mem>>
      %dma_start3A_180 = arith.constant 0 : i32
      %dma_start3A_181 = arith.constant 0 : i32
      %dma_start3A_182 = tpu.memref_slice %arg33[%dma_start3A_180, %dma_start3A_181] : memref<10240x128xf32, #tpu.memory_space<vmem_shared>> -> memref<10240x128xf32, #tpu.memory_space<vmem_shared>>
      tpu.enqueue_indirect_dma source(%arg7 : memref<80x128xf32, #tpu.memory_space<vmem>>) target(%dma_start3A_182 : memref<10240x128xf32, #tpu.memory_space<vmem_shared>>) offsets(%arg19 : memref<80xi32, #tpu.memory_space<vmem>>) semaphore(%run_scoped3A : memref<!tpu.dma_semaphore, #tpu.memory_space<semaphore_mem>>) {add = true}
      %dma_wait3A_183 = arith.constant 0 : i32
      %dma_wait3A_184 = arith.constant 0 : i32
      %dma_wait3A_185 = tpu.memref_slice %arg33[%dma_wait3A_183, %dma_wait3A_184] : memref<10240x128xf32, #tpu.memory_space<vmem_shared>> -> memref<10240x128xf32, #tpu.memory_space<vmem_shared>>
      tpu.wait_indirect_dma semaphore(%run_scoped3A : memref<!tpu.dma_semaphore, #tpu.memory_space<semaphore_mem>>) src(%arg7 : memref<80x128xf32, #tpu.memory_space<vmem>>) dst(%dma_wait3A_185 : memref<10240x128xf32, #tpu.memory_space<vmem_shared>>)
      tpu.yield
    }) : () -> ()
    %dma_wait3A_157 = arith.constant 0 : i32
    %dma_wait3A_158 = arith.constant 0 : i32
    %dma_wait3A_159 = tpu.memref_slice %arg2[%dma_wait3A_157, %dma_wait3A_158] : memref<10000x128xf32, #tpu.memory_space<hbm>> -> memref<10000x128xf32, #tpu.memory_space<hbm>>
    tpu.wait_indirect_dma semaphore(%arg28 : memref<!tpu.dma_semaphore, #tpu.memory_space<semaphore_mem>>) src(%dma_wait3A_159 : memref<10000x128xf32, #tpu.memory_space<hbm>>) dst(%arg8 : memref<80x128xf32, #tpu.memory_space<vmem>>)
    "tpu.region"() ({
      %run_scoped3A = tpu.sem_alloc : memref<!tpu.dma_semaphore, #tpu.memory_space<semaphore_mem>>
      %dma_start3A_180 = arith.constant 0 : i32
      %dma_start3A_181 = arith.constant 0 : i32
      %dma_start3A_182 = tpu.memref_slice %arg33[%dma_start3A_180, %dma_start3A_181] : memref<10240x128xf32, #tpu.memory_space<vmem_shared>> -> memref<10240x128xf32, #tpu.memory_space<vmem_shared>>
      tpu.enqueue_indirect_dma source(%arg8 : memref<80x128xf32, #tpu.memory_space<vmem>>) target(%dma_start3A_182 : memref<10240x128xf32, #tpu.memory_space<vmem_shared>>) offsets(%arg20 : memref<80xi32, #tpu.memory_space<vmem>>) semaphore(%run_scoped3A : memref<!tpu.dma_semaphore, #tpu.memory_space<semaphore_mem>>) {add = true}
      %dma_wait3A_183 = arith.constant 0 : i32
      %dma_wait3A_184 = arith.constant 0 : i32
      %dma_wait3A_185 = tpu.memref_slice %arg33[%dma_wait3A_183, %dma_wait3A_184] : memref<10240x128xf32, #tpu.memory_space<vmem_shared>> -> memref<10240x128xf32, #tpu.memory_space<vmem_shared>>
      tpu.wait_indirect_dma semaphore(%run_scoped3A : memref<!tpu.dma_semaphore, #tpu.memory_space<semaphore_mem>>) src(%arg8 : memref<80x128xf32, #tpu.memory_space<vmem>>) dst(%dma_wait3A_185 : memref<10240x128xf32, #tpu.memory_space<vmem_shared>>)
      tpu.yield
    }) : () -> ()
    %dma_wait3A_160 = arith.constant 0 : i32
    %dma_wait3A_161 = arith.constant 0 : i32
    %dma_wait3A_162 = tpu.memref_slice %arg2[%dma_wait3A_160, %dma_wait3A_161] : memref<10000x128xf32, #tpu.memory_space<hbm>> -> memref<10000x128xf32, #tpu.memory_space<hbm>>
    tpu.wait_indirect_dma semaphore(%arg29 : memref<!tpu.dma_semaphore, #tpu.memory_space<semaphore_mem>>) src(%dma_wait3A_162 : memref<10000x128xf32, #tpu.memory_space<hbm>>) dst(%arg9 : memref<80x128xf32, #tpu.memory_space<vmem>>)
    "tpu.region"() ({
      %run_scoped3A = tpu.sem_alloc : memref<!tpu.dma_semaphore, #tpu.memory_space<semaphore_mem>>
      %dma_start3A_180 = arith.constant 0 : i32
      %dma_start3A_181 = arith.constant 0 : i32
      %dma_start3A_182 = tpu.memref_slice %arg33[%dma_start3A_180, %dma_start3A_181] : memref<10240x128xf32, #tpu.memory_space<vmem_shared>> -> memref<10240x128xf32, #tpu.memory_space<vmem_shared>>
      tpu.enqueue_indirect_dma source(%arg9 : memref<80x128xf32, #tpu.memory_space<vmem>>) target(%dma_start3A_182 : memref<10240x128xf32, #tpu.memory_space<vmem_shared>>) offsets(%arg21 : memref<80xi32, #tpu.memory_space<vmem>>) semaphore(%run_scoped3A : memref<!tpu.dma_semaphore, #tpu.memory_space<semaphore_mem>>) {add = true}
      %dma_wait3A_183 = arith.constant 0 : i32
      %dma_wait3A_184 = arith.constant 0 : i32
      %dma_wait3A_185 = tpu.memref_slice %arg33[%dma_wait3A_183, %dma_wait3A_184] : memref<10240x128xf32, #tpu.memory_space<vmem_shared>> -> memref<10240x128xf32, #tpu.memory_space<vmem_shared>>
      tpu.wait_indirect_dma semaphore(%run_scoped3A : memref<!tpu.dma_semaphore, #tpu.memory_space<semaphore_mem>>) src(%arg9 : memref<80x128xf32, #tpu.memory_space<vmem>>) dst(%dma_wait3A_185 : memref<10240x128xf32, #tpu.memory_space<vmem_shared>>)
      tpu.yield
    }) : () -> ()
    %dma_wait3A_163 = arith.constant 0 : i32
    %dma_wait3A_164 = arith.constant 0 : i32
    %dma_wait3A_165 = tpu.memref_slice %arg2[%dma_wait3A_163, %dma_wait3A_164] : memref<10000x128xf32, #tpu.memory_space<hbm>> -> memref<10000x128xf32, #tpu.memory_space<hbm>>
    tpu.wait_indirect_dma semaphore(%arg30 : memref<!tpu.dma_semaphore, #tpu.memory_space<semaphore_mem>>) src(%dma_wait3A_165 : memref<10000x128xf32, #tpu.memory_space<hbm>>) dst(%arg10 : memref<80x128xf32, #tpu.memory_space<vmem>>)
    "tpu.region"() ({
      %run_scoped3A = tpu.sem_alloc : memref<!tpu.dma_semaphore, #tpu.memory_space<semaphore_mem>>
      %dma_start3A_180 = arith.constant 0 : i32
      %dma_start3A_181 = arith.constant 0 : i32
      %dma_start3A_182 = tpu.memref_slice %arg33[%dma_start3A_180, %dma_start3A_181] : memref<10240x128xf32, #tpu.memory_space<vmem_shared>> -> memref<10240x128xf32, #tpu.memory_space<vmem_shared>>
      tpu.enqueue_indirect_dma source(%arg10 : memref<80x128xf32, #tpu.memory_space<vmem>>) target(%dma_start3A_182 : memref<10240x128xf32, #tpu.memory_space<vmem_shared>>) offsets(%arg22 : memref<80xi32, #tpu.memory_space<vmem>>) semaphore(%run_scoped3A : memref<!tpu.dma_semaphore, #tpu.memory_space<semaphore_mem>>) {add = true}
      %dma_wait3A_183 = arith.constant 0 : i32
      %dma_wait3A_184 = arith.constant 0 : i32
      %dma_wait3A_185 = tpu.memref_slice %arg33[%dma_wait3A_183, %dma_wait3A_184] : memref<10240x128xf32, #tpu.memory_space<vmem_shared>> -> memref<10240x128xf32, #tpu.memory_space<vmem_shared>>
      tpu.wait_indirect_dma semaphore(%run_scoped3A : memref<!tpu.dma_semaphore, #tpu.memory_space<semaphore_mem>>) src(%arg10 : memref<80x128xf32, #tpu.memory_space<vmem>>) dst(%dma_wait3A_185 : memref<10240x128xf32, #tpu.memory_space<vmem_shared>>)
      tpu.yield
    }) : () -> ()
    %add3A_166 = arith.constant 9920 : i32
    %add3A_167 = arith.addi %mul3A_4, %add3A_166 : i32
    "tpu.region"() ({
      %run_scoped3A = tpu.sem_alloc : memref<!tpu.dma_semaphore, #tpu.memory_space<semaphore_mem>>
      %dma_start3A_180 = tpu.memref_slice %arg3[%add3A_167] : memref<320000xi32, #tpu.memory_space<hbm>> -> memref<80xi32, #tpu.memory_space<hbm>>
      %dma_start3A_181 = tpu.memref_slice %arg3[%add3A_167] : memref<320000xi32, #tpu.memory_space<hbm>> -> memref<80xi32, #tpu.memory_space<hbm>>
      tpu.enqueue_dma source(%dma_start3A_181 : memref<80xi32, #tpu.memory_space<hbm>>) target(%arg11 : memref<80xi32, #tpu.memory_space<vmem>>) target_semaphore(%run_scoped3A : memref<!tpu.dma_semaphore, #tpu.memory_space<semaphore_mem>>)
      %dma_wait3A_182 = tpu.memref_slice %arg3[%add3A_167] : memref<320000xi32, #tpu.memory_space<hbm>> -> memref<80xi32, #tpu.memory_space<hbm>>
      %dma_wait3A_183 = tpu.memref_slice %arg3[%add3A_167] : memref<320000xi32, #tpu.memory_space<hbm>> -> memref<80xi32, #tpu.memory_space<hbm>>
      tpu.wait_dma2 semaphore(%run_scoped3A : memref<!tpu.dma_semaphore, #tpu.memory_space<semaphore_mem>>) src(%dma_wait3A_183 : memref<80xi32, #tpu.memory_space<hbm>>) dst(%arg11 : memref<80xi32, #tpu.memory_space<vmem>>)
      tpu.yield
    }) : () -> ()
    "tpu.region"() ({
      %run_scoped3A = tpu.sem_alloc : memref<!tpu.dma_semaphore, #tpu.memory_space<semaphore_mem>>
      %dma_start3A_180 = tpu.memref_slice %arg4[%add3A_167] : memref<320000xi32, #tpu.memory_space<hbm>> -> memref<80xi32, #tpu.memory_space<hbm>>
      %dma_start3A_181 = tpu.memref_slice %arg4[%add3A_167] : memref<320000xi32, #tpu.memory_space<hbm>> -> memref<80xi32, #tpu.memory_space<hbm>>
      tpu.enqueue_dma source(%dma_start3A_181 : memref<80xi32, #tpu.memory_space<hbm>>) target(%arg19 : memref<80xi32, #tpu.memory_space<vmem>>) target_semaphore(%run_scoped3A : memref<!tpu.dma_semaphore, #tpu.memory_space<semaphore_mem>>)
      %dma_wait3A_182 = tpu.memref_slice %arg4[%add3A_167] : memref<320000xi32, #tpu.memory_space<hbm>> -> memref<80xi32, #tpu.memory_space<hbm>>
      %dma_wait3A_183 = tpu.memref_slice %arg4[%add3A_167] : memref<320000xi32, #tpu.memory_space<hbm>> -> memref<80xi32, #tpu.memory_space<hbm>>
      tpu.wait_dma2 semaphore(%run_scoped3A : memref<!tpu.dma_semaphore, #tpu.memory_space<semaphore_mem>>) src(%dma_wait3A_183 : memref<80xi32, #tpu.memory_space<hbm>>) dst(%arg19 : memref<80xi32, #tpu.memory_space<vmem>>)
      tpu.yield
    }) : () -> ()
    %dma_start3A_168 = arith.constant 0 : i32
    %dma_start3A_169 = arith.constant 0 : i32
    %dma_start3A_170 = tpu.memref_slice %arg2[%dma_start3A_168, %dma_start3A_169] : memref<10000x128xf32, #tpu.memory_space<hbm>> -> memref<10000x128xf32, #tpu.memory_space<hbm>>
    tpu.enqueue_indirect_dma source(%dma_start3A_170 : memref<10000x128xf32, #tpu.memory_space<hbm>>) target(%arg7 : memref<80x128xf32, #tpu.memory_space<vmem>>) offsets(%arg11 : memref<80xi32, #tpu.memory_space<vmem>>) semaphore(%arg27 : memref<!tpu.dma_semaphore, #tpu.memory_space<semaphore_mem>>)
    %dma_wait3A_171 = arith.constant 0 : i32
    %dma_wait3A_172 = arith.constant 0 : i32
    %dma_wait3A_173 = tpu.memref_slice %arg2[%dma_wait3A_171, %dma_wait3A_172] : memref<10000x128xf32, #tpu.memory_space<hbm>> -> memref<10000x128xf32, #tpu.memory_space<hbm>>
    tpu.wait_indirect_dma semaphore(%arg27 : memref<!tpu.dma_semaphore, #tpu.memory_space<semaphore_mem>>) src(%dma_wait3A_173 : memref<10000x128xf32, #tpu.memory_space<hbm>>) dst(%arg7 : memref<80x128xf32, #tpu.memory_space<vmem>>)
    "tpu.region"() ({
      %run_scoped3A = tpu.sem_alloc : memref<!tpu.dma_semaphore, #tpu.memory_space<semaphore_mem>>
      %dma_start3A_180 = arith.constant 0 : i32
      %dma_start3A_181 = arith.constant 0 : i32
      %dma_start3A_182 = tpu.memref_slice %arg33[%dma_start3A_180, %dma_start3A_181] : memref<10240x128xf32, #tpu.memory_space<vmem_shared>> -> memref<10240x128xf32, #tpu.memory_space<vmem_shared>>
      tpu.enqueue_indirect_dma source(%arg7 : memref<80x128xf32, #tpu.memory_space<vmem>>) target(%dma_start3A_182 : memref<10240x128xf32, #tpu.memory_space<vmem_shared>>) offsets(%arg19 : memref<80xi32, #tpu.memory_space<vmem>>) semaphore(%run_scoped3A : memref<!tpu.dma_semaphore, #tpu.memory_space<semaphore_mem>>) {add = true}
      %dma_wait3A_183 = arith.constant 0 : i32
      %dma_wait3A_184 = arith.constant 0 : i32
      %dma_wait3A_185 = tpu.memref_slice %arg33[%dma_wait3A_183, %dma_wait3A_184] : memref<10240x128xf32, #tpu.memory_space<vmem_shared>> -> memref<10240x128xf32, #tpu.memory_space<vmem_shared>>
      tpu.wait_indirect_dma semaphore(%run_scoped3A : memref<!tpu.dma_semaphore, #tpu.memory_space<semaphore_mem>>) src(%arg7 : memref<80x128xf32, #tpu.memory_space<vmem>>) dst(%dma_wait3A_185 : memref<10240x128xf32, #tpu.memory_space<vmem_shared>>)
      tpu.yield
    }) : () -> ()
    %barrier3A_174 = arith.constant 0 : index
    tpu.barrier barrier_id(%barrier3A_174)
    %eq3A_175 = arith.constant 0 : i32
    %eq3A_176 = arith.cmpi eq, %arg1, %eq3A_175 : i32
    %convert_element_type3A_177 = arith.extui %eq3A_176 : i1 to i32
    %cond3A_178 = arith.constant 0 : i32
    %cond3A_179 = arith.cmpi ne, %convert_element_type3A_177, %cond3A_178 : i32
    scf.if %cond3A_179 {
      "tpu.region"() ({
        %run_scoped3A = tpu.sem_alloc : memref<!tpu.dma_semaphore, #tpu.memory_space<semaphore_mem>>
        %dma_start3A_180 = arith.constant 0 : i32
        %dma_start3A_181 = arith.constant 0 : i32
        %dma_start3A_182 = tpu.memref_slice %arg6[%arg0, %dma_start3A_180, %dma_start3A_181] : memref<2x10240x128xf32, #tpu.memory_space<hbm>> -> memref<1x10240x128xf32, #tpu.memory_space<hbm>>
        %dma_start3A_183 = tpu.memref_squeeze %dma_start3A_182 : memref<1x10240x128xf32, #tpu.memory_space<hbm>> -> memref<10240x128xf32, #tpu.memory_space<hbm>>
        tpu.enqueue_dma source(%arg33 : memref<10240x128xf32, #tpu.memory_space<vmem_shared>>) target(%dma_start3A_183 : memref<10240x128xf32, #tpu.memory_space<hbm>>) target_semaphore(%run_scoped3A : memref<!tpu.dma_semaphore, #tpu.memory_space<semaphore_mem>>)
        %dma_wait3A_184 = arith.constant 0 : i32
        %dma_wait3A_185 = arith.constant 0 : i32
        %dma_wait3A_186 = tpu.memref_slice %arg6[%arg0, %dma_wait3A_184, %dma_wait3A_185] : memref<2x10240x128xf32, #tpu.memory_space<hbm>> -> memref<1x10240x128xf32, #tpu.memory_space<hbm>>
        %dma_wait3A_187 = tpu.memref_squeeze %dma_wait3A_186 : memref<1x10240x128xf32, #tpu.memory_space<hbm>> -> memref<10240x128xf32, #tpu.memory_space<hbm>>
        tpu.wait_dma2 semaphore(%run_scoped3A : memref<!tpu.dma_semaphore, #tpu.memory_space<semaphore_mem>>) src(%arg33 : memref<10240x128xf32, #tpu.memory_space<vmem_shared>>) dst(%dma_wait3A_187 : memref<10240x128xf32, #tpu.memory_space<hbm>>)
        tpu.yield
      }) : () -> ()
    } else {
    }
    return
  }
}

#map = affine_map<(d0, d1) -> (0, 0)>
#map1 = affine_map<(d0, d1) -> (0)>
#map2 = affine_map<(d0, d1) -> (0, 0, 0)>
module attributes {stable_mosaic.version = 14 : i64} {
  func.func @_spass_body(%arg0: i32, %arg1: i32, %arg2: memref<10000x128xf32, #tpu.memory_space<hbm>>, %arg3: memref<320000xi32, #tpu.memory_space<hbm>>, %arg4: memref<320000xi32, #tpu.memory_space<hbm>>, %arg5: memref<10240x128xf32, #tpu.memory_space<hbm>>, %arg6: memref<2x10240x128xf32, #tpu.memory_space<hbm>>, %arg7: memref<80x128xf32, #tpu.memory_space<vmem>>, %arg8: memref<80x128xf32, #tpu.memory_space<vmem>>, %arg9: memref<80x128xf32, #tpu.memory_space<vmem>>, %arg10: memref<80x128xf32, #tpu.memory_space<vmem>>, %arg11: memref<80xi32, #tpu.memory_space<vmem>>, %arg12: memref<80xi32, #tpu.memory_space<vmem>>, %arg13: memref<80xi32, #tpu.memory_space<vmem>>, %arg14: memref<80xi32, #tpu.memory_space<vmem>>, %arg15: memref<80xi32, #tpu.memory_space<vmem>>, %arg16: memref<80xi32, #tpu.memory_space<vmem>>, %arg17: memref<80xi32, #tpu.memory_space<vmem>>, %arg18: memref<80xi32, #tpu.memory_space<vmem>>, %arg19: memref<80xi32, #tpu.memory_space<vmem>>, %arg20: memref<80xi32, #tpu.memory_space<vmem>>, %arg21: memref<80xi32, #tpu.memory_space<vmem>>, %arg22: memref<80xi32, #tpu.memory_space<vmem>>, %arg23: memref<80xi32, #tpu.memory_space<vmem>>, %arg24: memref<80xi32, #tpu.memory_space<vmem>>, %arg25: memref<80xi32, #tpu.memory_space<vmem>>, %arg26: memref<80xi32, #tpu.memory_space<vmem>>, %arg27: memref<!tpu.dma_semaphore, #tpu.memory_space<semaphore_mem>>, %arg28: memref<!tpu.dma_semaphore, #tpu.memory_space<semaphore_mem>>, %arg29: memref<!tpu.dma_semaphore, #tpu.memory_space<semaphore_mem>>, %arg30: memref<!tpu.dma_semaphore, #tpu.memory_space<semaphore_mem>>, %arg31: memref<!tpu.dma_semaphore, #tpu.memory_space<semaphore_mem>>, %arg32: memref<!tpu.dma_semaphore, #tpu.memory_space<semaphore_mem>>, %arg33: memref<10240x128xf32, #tpu.memory_space<vmem_shared>>) attributes {dimension_semantics = [#tpu.dimension_semantics<core_parallel>, #tpu.dimension_semantics<subcore_parallel>], iteration_bounds = array<i64: 2, 16>, scalar_prefetch = 0 : i64, scratch_operands = 27 : i64, tpu.core_type = #tpu.core_type<sc_vector_subcore>, window_params = [{transform_indices = #map}, {transform_indices = #map1}, {transform_indices = #map1}, {transform_indices = #map}, {transform_indices = #map2}]} {
    %mul3A = arith.constant 16 : i32
    %mul3A_0 = arith.muli %arg0, %mul3A : i32
    %add3A = arith.addi %mul3A_0, %arg1 : i32
    %mul3A_1 = arith.constant 125 : i32
    %mul3A_2 = arith.muli %add3A, %mul3A_1 : i32
    %mul3A_3 = arith.constant 80 : i32
    %mul3A_4 = arith.muli %mul3A_2, %mul3A_3 : i32
    %eq3A = arith.constant 0 : i32
    %eq3A_5 = arith.cmpi eq, %arg1, %eq3A : i32
    %convert_element_type3A = arith.extui %eq3A_5 : i1 to i32
    %cond3A = arith.constant 0 : i32
    %cond3A_6 = arith.cmpi ne, %convert_element_type3A, %cond3A : i32
    scf.if %cond3A_6 {
      "tpu.region"() ({
        %run_scoped3A = tpu.sem_alloc : memref<!tpu.dma_semaphore, #tpu.memory_space<semaphore_mem>>
        tpu.enqueue_dma source(%arg5 : memref<10240x128xf32, #tpu.memory_space<hbm>>) target(%arg33 : memref<10240x128xf32, #tpu.memory_space<vmem_shared>>) target_semaphore(%run_scoped3A : memref<!tpu.dma_semaphore, #tpu.memory_space<semaphore_mem>>)
        tpu.wait_dma2 semaphore(%run_scoped3A : memref<!tpu.dma_semaphore, #tpu.memory_space<semaphore_mem>>) src(%arg5 : memref<10240x128xf32, #tpu.memory_space<hbm>>) dst(%arg33 : memref<10240x128xf32, #tpu.memory_space<vmem_shared>>)
        tpu.yield
      }) : () -> ()
    } else {
    }
    %barrier3A = arith.constant 0 : index
    tpu.barrier barrier_id(%barrier3A)
    %add3A_7 = arith.constant 0 : i32
    %add3A_8 = arith.addi %mul3A_4, %add3A_7 : i32
    %add3A_9 = arith.constant 0 : i32
    %add3A_10 = arith.addi %add3A_8, %add3A_9 : i32
    %dma_start3A = tpu.memref_slice %arg3[%add3A_10] : memref<320000xi32, #tpu.memory_space<hbm>> -> memref<80xi32, #tpu.memory_space<hbm>>
    %dma_start3A_11 = tpu.memref_slice %arg3[%add3A_10] : memref<320000xi32, #tpu.memory_space<hbm>> -> memref<80xi32, #tpu.memory_space<hbm>>
    tpu.enqueue_dma source(%dma_start3A_11 : memref<80xi32, #tpu.memory_space<hbm>>) target(%arg11 : memref<80xi32, #tpu.memory_space<vmem>>) target_semaphore(%arg31 : memref<!tpu.dma_semaphore, #tpu.memory_space<semaphore_mem>>)
    %add3A_12 = arith.constant 0 : i32
    %add3A_13 = arith.addi %add3A_8, %add3A_12 : i32
    %dma_start3A_14 = tpu.memref_slice %arg4[%add3A_13] : memref<320000xi32, #tpu.memory_space<hbm>> -> memref<80xi32, #tpu.memory_space<hbm>>
    %dma_start3A_15 = tpu.memref_slice %arg4[%add3A_13] : memref<320000xi32, #tpu.memory_space<hbm>> -> memref<80xi32, #tpu.memory_space<hbm>>
    tpu.enqueue_dma source(%dma_start3A_15 : memref<80xi32, #tpu.memory_space<hbm>>) target(%arg19 : memref<80xi32, #tpu.memory_space<vmem>>) target_semaphore(%arg31 : memref<!tpu.dma_semaphore, #tpu.memory_space<semaphore_mem>>)
    %add3A_16 = arith.constant 80 : i32
    %add3A_17 = arith.addi %add3A_8, %add3A_16 : i32
    %dma_start3A_18 = tpu.memref_slice %arg3[%add3A_17] : memref<320000xi32, #tpu.memory_space<hbm>> -> memref<80xi32, #tpu.memory_space<hbm>>
    %dma_start3A_19 = tpu.memref_slice %arg3[%add3A_17] : memref<320000xi32, #tpu.memory_space<hbm>> -> memref<80xi32, #tpu.memory_space<hbm>>
    tpu.enqueue_dma source(%dma_start3A_19 : memref<80xi32, #tpu.memory_space<hbm>>) target(%arg12 : memref<80xi32, #tpu.memory_space<vmem>>) target_semaphore(%arg31 : memref<!tpu.dma_semaphore, #tpu.memory_space<semaphore_mem>>)
    %add3A_20 = arith.constant 80 : i32
    %add3A_21 = arith.addi %add3A_8, %add3A_20 : i32
    %dma_start3A_22 = tpu.memref_slice %arg4[%add3A_21] : memref<320000xi32, #tpu.memory_space<hbm>> -> memref<80xi32, #tpu.memory_space<hbm>>
    %dma_start3A_23 = tpu.memref_slice %arg4[%add3A_21] : memref<320000xi32, #tpu.memory_space<hbm>> -> memref<80xi32, #tpu.memory_space<hbm>>
    tpu.enqueue_dma source(%dma_start3A_23 : memref<80xi32, #tpu.memory_space<hbm>>) target(%arg20 : memref<80xi32, #tpu.memory_space<vmem>>) target_semaphore(%arg31 : memref<!tpu.dma_semaphore, #tpu.memory_space<semaphore_mem>>)
    %add3A_24 = arith.constant 160 : i32
    %add3A_25 = arith.addi %add3A_8, %add3A_24 : i32
    %dma_start3A_26 = tpu.memref_slice %arg3[%add3A_25] : memref<320000xi32, #tpu.memory_space<hbm>> -> memref<80xi32, #tpu.memory_space<hbm>>
    %dma_start3A_27 = tpu.memref_slice %arg3[%add3A_25] : memref<320000xi32, #tpu.memory_space<hbm>> -> memref<80xi32, #tpu.memory_space<hbm>>
    tpu.enqueue_dma source(%dma_start3A_27 : memref<80xi32, #tpu.memory_space<hbm>>) target(%arg13 : memref<80xi32, #tpu.memory_space<vmem>>) target_semaphore(%arg31 : memref<!tpu.dma_semaphore, #tpu.memory_space<semaphore_mem>>)
    %add3A_28 = arith.constant 160 : i32
    %add3A_29 = arith.addi %add3A_8, %add3A_28 : i32
    %dma_start3A_30 = tpu.memref_slice %arg4[%add3A_29] : memref<320000xi32, #tpu.memory_space<hbm>> -> memref<80xi32, #tpu.memory_space<hbm>>
    %dma_start3A_31 = tpu.memref_slice %arg4[%add3A_29] : memref<320000xi32, #tpu.memory_space<hbm>> -> memref<80xi32, #tpu.memory_space<hbm>>
    tpu.enqueue_dma source(%dma_start3A_31 : memref<80xi32, #tpu.memory_space<hbm>>) target(%arg21 : memref<80xi32, #tpu.memory_space<vmem>>) target_semaphore(%arg31 : memref<!tpu.dma_semaphore, #tpu.memory_space<semaphore_mem>>)
    %add3A_32 = arith.constant 240 : i32
    %add3A_33 = arith.addi %add3A_8, %add3A_32 : i32
    %dma_start3A_34 = tpu.memref_slice %arg3[%add3A_33] : memref<320000xi32, #tpu.memory_space<hbm>> -> memref<80xi32, #tpu.memory_space<hbm>>
    %dma_start3A_35 = tpu.memref_slice %arg3[%add3A_33] : memref<320000xi32, #tpu.memory_space<hbm>> -> memref<80xi32, #tpu.memory_space<hbm>>
    tpu.enqueue_dma source(%dma_start3A_35 : memref<80xi32, #tpu.memory_space<hbm>>) target(%arg14 : memref<80xi32, #tpu.memory_space<vmem>>) target_semaphore(%arg31 : memref<!tpu.dma_semaphore, #tpu.memory_space<semaphore_mem>>)
    %add3A_36 = arith.constant 240 : i32
    %add3A_37 = arith.addi %add3A_8, %add3A_36 : i32
    %dma_start3A_38 = tpu.memref_slice %arg4[%add3A_37] : memref<320000xi32, #tpu.memory_space<hbm>> -> memref<80xi32, #tpu.memory_space<hbm>>
    %dma_start3A_39 = tpu.memref_slice %arg4[%add3A_37] : memref<320000xi32, #tpu.memory_space<hbm>> -> memref<80xi32, #tpu.memory_space<hbm>>
    tpu.enqueue_dma source(%dma_start3A_39 : memref<80xi32, #tpu.memory_space<hbm>>) target(%arg22 : memref<80xi32, #tpu.memory_space<vmem>>) target_semaphore(%arg31 : memref<!tpu.dma_semaphore, #tpu.memory_space<semaphore_mem>>)
    %dma_wait3A = arith.constant 0 : i32
    %dma_wait3A_40 = tpu.memref_slice %arg3[%dma_wait3A] : memref<320000xi32, #tpu.memory_space<hbm>> -> memref<80xi32, #tpu.memory_space<hbm>>
    %dma_wait3A_41 = arith.constant 0 : i32
    %dma_wait3A_42 = tpu.memref_slice %arg3[%dma_wait3A_41] : memref<320000xi32, #tpu.memory_space<hbm>> -> memref<80xi32, #tpu.memory_space<hbm>>
    tpu.wait_dma2 semaphore(%arg31 : memref<!tpu.dma_semaphore, #tpu.memory_space<semaphore_mem>>) src(%dma_wait3A_42 : memref<80xi32, #tpu.memory_space<hbm>>) dst(%arg11 : memref<80xi32, #tpu.memory_space<vmem>>)
    %dma_wait3A_43 = arith.constant 0 : i32
    %dma_wait3A_44 = tpu.memref_slice %arg4[%dma_wait3A_43] : memref<320000xi32, #tpu.memory_space<hbm>> -> memref<80xi32, #tpu.memory_space<hbm>>
    %dma_wait3A_45 = arith.constant 0 : i32
    %dma_wait3A_46 = tpu.memref_slice %arg4[%dma_wait3A_45] : memref<320000xi32, #tpu.memory_space<hbm>> -> memref<80xi32, #tpu.memory_space<hbm>>
    tpu.wait_dma2 semaphore(%arg31 : memref<!tpu.dma_semaphore, #tpu.memory_space<semaphore_mem>>) src(%dma_wait3A_46 : memref<80xi32, #tpu.memory_space<hbm>>) dst(%arg19 : memref<80xi32, #tpu.memory_space<vmem>>)
    %dma_wait3A_47 = arith.constant 0 : i32
    %dma_wait3A_48 = tpu.memref_slice %arg3[%dma_wait3A_47] : memref<320000xi32, #tpu.memory_space<hbm>> -> memref<80xi32, #tpu.memory_space<hbm>>
    %dma_wait3A_49 = arith.constant 0 : i32
    %dma_wait3A_50 = tpu.memref_slice %arg3[%dma_wait3A_49] : memref<320000xi32, #tpu.memory_space<hbm>> -> memref<80xi32, #tpu.memory_space<hbm>>
    tpu.wait_dma2 semaphore(%arg31 : memref<!tpu.dma_semaphore, #tpu.memory_space<semaphore_mem>>) src(%dma_wait3A_50 : memref<80xi32, #tpu.memory_space<hbm>>) dst(%arg12 : memref<80xi32, #tpu.memory_space<vmem>>)
    %dma_wait3A_51 = arith.constant 0 : i32
    %dma_wait3A_52 = tpu.memref_slice %arg4[%dma_wait3A_51] : memref<320000xi32, #tpu.memory_space<hbm>> -> memref<80xi32, #tpu.memory_space<hbm>>
    %dma_wait3A_53 = arith.constant 0 : i32
    %dma_wait3A_54 = tpu.memref_slice %arg4[%dma_wait3A_53] : memref<320000xi32, #tpu.memory_space<hbm>> -> memref<80xi32, #tpu.memory_space<hbm>>
    tpu.wait_dma2 semaphore(%arg31 : memref<!tpu.dma_semaphore, #tpu.memory_space<semaphore_mem>>) src(%dma_wait3A_54 : memref<80xi32, #tpu.memory_space<hbm>>) dst(%arg20 : memref<80xi32, #tpu.memory_space<vmem>>)
    %dma_wait3A_55 = arith.constant 0 : i32
    %dma_wait3A_56 = tpu.memref_slice %arg3[%dma_wait3A_55] : memref<320000xi32, #tpu.memory_space<hbm>> -> memref<80xi32, #tpu.memory_space<hbm>>
    %dma_wait3A_57 = arith.constant 0 : i32
    %dma_wait3A_58 = tpu.memref_slice %arg3[%dma_wait3A_57] : memref<320000xi32, #tpu.memory_space<hbm>> -> memref<80xi32, #tpu.memory_space<hbm>>
    tpu.wait_dma2 semaphore(%arg31 : memref<!tpu.dma_semaphore, #tpu.memory_space<semaphore_mem>>) src(%dma_wait3A_58 : memref<80xi32, #tpu.memory_space<hbm>>) dst(%arg13 : memref<80xi32, #tpu.memory_space<vmem>>)
    %dma_wait3A_59 = arith.constant 0 : i32
    %dma_wait3A_60 = tpu.memref_slice %arg4[%dma_wait3A_59] : memref<320000xi32, #tpu.memory_space<hbm>> -> memref<80xi32, #tpu.memory_space<hbm>>
    %dma_wait3A_61 = arith.constant 0 : i32
    %dma_wait3A_62 = tpu.memref_slice %arg4[%dma_wait3A_61] : memref<320000xi32, #tpu.memory_space<hbm>> -> memref<80xi32, #tpu.memory_space<hbm>>
    tpu.wait_dma2 semaphore(%arg31 : memref<!tpu.dma_semaphore, #tpu.memory_space<semaphore_mem>>) src(%dma_wait3A_62 : memref<80xi32, #tpu.memory_space<hbm>>) dst(%arg21 : memref<80xi32, #tpu.memory_space<vmem>>)
    %dma_wait3A_63 = arith.constant 0 : i32
    %dma_wait3A_64 = tpu.memref_slice %arg3[%dma_wait3A_63] : memref<320000xi32, #tpu.memory_space<hbm>> -> memref<80xi32, #tpu.memory_space<hbm>>
    %dma_wait3A_65 = arith.constant 0 : i32
    %dma_wait3A_66 = tpu.memref_slice %arg3[%dma_wait3A_65] : memref<320000xi32, #tpu.memory_space<hbm>> -> memref<80xi32, #tpu.memory_space<hbm>>
    tpu.wait_dma2 semaphore(%arg31 : memref<!tpu.dma_semaphore, #tpu.memory_space<semaphore_mem>>) src(%dma_wait3A_66 : memref<80xi32, #tpu.memory_space<hbm>>) dst(%arg14 : memref<80xi32, #tpu.memory_space<vmem>>)
    %dma_wait3A_67 = arith.constant 0 : i32
    %dma_wait3A_68 = tpu.memref_slice %arg4[%dma_wait3A_67] : memref<320000xi32, #tpu.memory_space<hbm>> -> memref<80xi32, #tpu.memory_space<hbm>>
    %dma_wait3A_69 = arith.constant 0 : i32
    %dma_wait3A_70 = tpu.memref_slice %arg4[%dma_wait3A_69] : memref<320000xi32, #tpu.memory_space<hbm>> -> memref<80xi32, #tpu.memory_space<hbm>>
    tpu.wait_dma2 semaphore(%arg31 : memref<!tpu.dma_semaphore, #tpu.memory_space<semaphore_mem>>) src(%dma_wait3A_70 : memref<80xi32, #tpu.memory_space<hbm>>) dst(%arg22 : memref<80xi32, #tpu.memory_space<vmem>>)
    %dma_start3A_71 = arith.constant 0 : i32
    %dma_start3A_72 = arith.constant 0 : i32
    %dma_start3A_73 = tpu.memref_slice %arg2[%dma_start3A_71, %dma_start3A_72] : memref<10000x128xf32, #tpu.memory_space<hbm>> -> memref<10000x128xf32, #tpu.memory_space<hbm>>
    tpu.enqueue_indirect_dma source(%dma_start3A_73 : memref<10000x128xf32, #tpu.memory_space<hbm>>) target(%arg7 : memref<80x128xf32, #tpu.memory_space<vmem>>) offsets(%arg11 : memref<80xi32, #tpu.memory_space<vmem>>) semaphore(%arg27 : memref<!tpu.dma_semaphore, #tpu.memory_space<semaphore_mem>>)
    %dma_start3A_74 = arith.constant 0 : i32
    %dma_start3A_75 = arith.constant 0 : i32
    %dma_start3A_76 = tpu.memref_slice %arg2[%dma_start3A_74, %dma_start3A_75] : memref<10000x128xf32, #tpu.memory_space<hbm>> -> memref<10000x128xf32, #tpu.memory_space<hbm>>
    tpu.enqueue_indirect_dma source(%dma_start3A_76 : memref<10000x128xf32, #tpu.memory_space<hbm>>) target(%arg8 : memref<80x128xf32, #tpu.memory_space<vmem>>) offsets(%arg12 : memref<80xi32, #tpu.memory_space<vmem>>) semaphore(%arg28 : memref<!tpu.dma_semaphore, #tpu.memory_space<semaphore_mem>>)
    %dma_start3A_77 = arith.constant 0 : i32
    %dma_start3A_78 = arith.constant 0 : i32
    %dma_start3A_79 = tpu.memref_slice %arg2[%dma_start3A_77, %dma_start3A_78] : memref<10000x128xf32, #tpu.memory_space<hbm>> -> memref<10000x128xf32, #tpu.memory_space<hbm>>
    tpu.enqueue_indirect_dma source(%dma_start3A_79 : memref<10000x128xf32, #tpu.memory_space<hbm>>) target(%arg9 : memref<80x128xf32, #tpu.memory_space<vmem>>) offsets(%arg13 : memref<80xi32, #tpu.memory_space<vmem>>) semaphore(%arg29 : memref<!tpu.dma_semaphore, #tpu.memory_space<semaphore_mem>>)
    %dma_start3A_80 = arith.constant 0 : i32
    %dma_start3A_81 = arith.constant 0 : i32
    %dma_start3A_82 = tpu.memref_slice %arg2[%dma_start3A_80, %dma_start3A_81] : memref<10000x128xf32, #tpu.memory_space<hbm>> -> memref<10000x128xf32, #tpu.memory_space<hbm>>
    tpu.enqueue_indirect_dma source(%dma_start3A_82 : memref<10000x128xf32, #tpu.memory_space<hbm>>) target(%arg10 : memref<80x128xf32, #tpu.memory_space<vmem>>) offsets(%arg14 : memref<80xi32, #tpu.memory_space<vmem>>) semaphore(%arg30 : memref<!tpu.dma_semaphore, #tpu.memory_space<semaphore_mem>>)
    %add3A_83 = arith.constant 320 : i32
    %add3A_84 = arith.addi %mul3A_4, %add3A_83 : i32
    %add3A_85 = arith.constant 0 : i32
    %add3A_86 = arith.addi %add3A_84, %add3A_85 : i32
    %dma_start3A_87 = tpu.memref_slice %arg3[%add3A_86] : memref<320000xi32, #tpu.memory_space<hbm>> -> memref<80xi32, #tpu.memory_space<hbm>>
    %dma_start3A_88 = tpu.memref_slice %arg3[%add3A_86] : memref<320000xi32, #tpu.memory_space<hbm>> -> memref<80xi32, #tpu.memory_space<hbm>>
    tpu.enqueue_dma source(%dma_start3A_88 : memref<80xi32, #tpu.memory_space<hbm>>) target(%arg15 : memref<80xi32, #tpu.memory_space<vmem>>) target_semaphore(%arg32 : memref<!tpu.dma_semaphore, #tpu.memory_space<semaphore_mem>>)
    %add3A_89 = arith.constant 0 : i32
    %add3A_90 = arith.addi %add3A_84, %add3A_89 : i32
    %dma_start3A_91 = tpu.memref_slice %arg4[%add3A_90] : memref<320000xi32, #tpu.memory_space<hbm>> -> memref<80xi32, #tpu.memory_space<hbm>>
    %dma_start3A_92 = tpu.memref_slice %arg4[%add3A_90] : memref<320000xi32, #tpu.memory_space<hbm>> -> memref<80xi32, #tpu.memory_space<hbm>>
    tpu.enqueue_dma source(%dma_start3A_92 : memref<80xi32, #tpu.memory_space<hbm>>) target(%arg23 : memref<80xi32, #tpu.memory_space<vmem>>) target_semaphore(%arg32 : memref<!tpu.dma_semaphore, #tpu.memory_space<semaphore_mem>>)
    %add3A_93 = arith.constant 80 : i32
    %add3A_94 = arith.addi %add3A_84, %add3A_93 : i32
    %dma_start3A_95 = tpu.memref_slice %arg3[%add3A_94] : memref<320000xi32, #tpu.memory_space<hbm>> -> memref<80xi32, #tpu.memory_space<hbm>>
    %dma_start3A_96 = tpu.memref_slice %arg3[%add3A_94] : memref<320000xi32, #tpu.memory_space<hbm>> -> memref<80xi32, #tpu.memory_space<hbm>>
    tpu.enqueue_dma source(%dma_start3A_96 : memref<80xi32, #tpu.memory_space<hbm>>) target(%arg16 : memref<80xi32, #tpu.memory_space<vmem>>) target_semaphore(%arg32 : memref<!tpu.dma_semaphore, #tpu.memory_space<semaphore_mem>>)
    %add3A_97 = arith.constant 80 : i32
    %add3A_98 = arith.addi %add3A_84, %add3A_97 : i32
    %dma_start3A_99 = tpu.memref_slice %arg4[%add3A_98] : memref<320000xi32, #tpu.memory_space<hbm>> -> memref<80xi32, #tpu.memory_space<hbm>>
    %dma_start3A_100 = tpu.memref_slice %arg4[%add3A_98] : memref<320000xi32, #tpu.memory_space<hbm>> -> memref<80xi32, #tpu.memory_space<hbm>>
    tpu.enqueue_dma source(%dma_start3A_100 : memref<80xi32, #tpu.memory_space<hbm>>) target(%arg24 : memref<80xi32, #tpu.memory_space<vmem>>) target_semaphore(%arg32 : memref<!tpu.dma_semaphore, #tpu.memory_space<semaphore_mem>>)
    %add3A_101 = arith.constant 160 : i32
    %add3A_102 = arith.addi %add3A_84, %add3A_101 : i32
    %dma_start3A_103 = tpu.memref_slice %arg3[%add3A_102] : memref<320000xi32, #tpu.memory_space<hbm>> -> memref<80xi32, #tpu.memory_space<hbm>>
    %dma_start3A_104 = tpu.memref_slice %arg3[%add3A_102] : memref<320000xi32, #tpu.memory_space<hbm>> -> memref<80xi32, #tpu.memory_space<hbm>>
    tpu.enqueue_dma source(%dma_start3A_104 : memref<80xi32, #tpu.memory_space<hbm>>) target(%arg17 : memref<80xi32, #tpu.memory_space<vmem>>) target_semaphore(%arg32 : memref<!tpu.dma_semaphore, #tpu.memory_space<semaphore_mem>>)
    %add3A_105 = arith.constant 160 : i32
    %add3A_106 = arith.addi %add3A_84, %add3A_105 : i32
    %dma_start3A_107 = tpu.memref_slice %arg4[%add3A_106] : memref<320000xi32, #tpu.memory_space<hbm>> -> memref<80xi32, #tpu.memory_space<hbm>>
    %dma_start3A_108 = tpu.memref_slice %arg4[%add3A_106] : memref<320000xi32, #tpu.memory_space<hbm>> -> memref<80xi32, #tpu.memory_space<hbm>>
    tpu.enqueue_dma source(%dma_start3A_108 : memref<80xi32, #tpu.memory_space<hbm>>) target(%arg25 : memref<80xi32, #tpu.memory_space<vmem>>) target_semaphore(%arg32 : memref<!tpu.dma_semaphore, #tpu.memory_space<semaphore_mem>>)
    %add3A_109 = arith.constant 240 : i32
    %add3A_110 = arith.addi %add3A_84, %add3A_109 : i32
    %dma_start3A_111 = tpu.memref_slice %arg3[%add3A_110] : memref<320000xi32, #tpu.memory_space<hbm>> -> memref<80xi32, #tpu.memory_space<hbm>>
    %dma_start3A_112 = tpu.memref_slice %arg3[%add3A_110] : memref<320000xi32, #tpu.memory_space<hbm>> -> memref<80xi32, #tpu.memory_space<hbm>>
    tpu.enqueue_dma source(%dma_start3A_112 : memref<80xi32, #tpu.memory_space<hbm>>) target(%arg18 : memref<80xi32, #tpu.memory_space<vmem>>) target_semaphore(%arg32 : memref<!tpu.dma_semaphore, #tpu.memory_space<semaphore_mem>>)
    %add3A_113 = arith.constant 240 : i32
    %add3A_114 = arith.addi %add3A_84, %add3A_113 : i32
    %dma_start3A_115 = tpu.memref_slice %arg4[%add3A_114] : memref<320000xi32, #tpu.memory_space<hbm>> -> memref<80xi32, #tpu.memory_space<hbm>>
    %dma_start3A_116 = tpu.memref_slice %arg4[%add3A_114] : memref<320000xi32, #tpu.memory_space<hbm>> -> memref<80xi32, #tpu.memory_space<hbm>>
    tpu.enqueue_dma source(%dma_start3A_116 : memref<80xi32, #tpu.memory_space<hbm>>) target(%arg26 : memref<80xi32, #tpu.memory_space<vmem>>) target_semaphore(%arg32 : memref<!tpu.dma_semaphore, #tpu.memory_space<semaphore_mem>>)
    %scan3A = arith.constant 0 : i32
    %scan3A_117 = arith.constant 0 : i32
    %scan3A_118 = arith.constant 15 : i32
    %scan3A_119 = arith.addi %scan3A_117, %scan3A_118 : i32
    %scan3A_120 = arith.constant 1 : i32
    scf.for %scan3A_180 = %scan3A_117 to %scan3A_119 step %scan3A_120  : i32 {
      %mul3A_181 = arith.constant 2 : i32
      %mul3A_182 = arith.muli %mul3A_181, %scan3A_180 : i32
      %dma_wait3A_183 = arith.constant 0 : i32
      %dma_wait3A_184 = tpu.memref_slice %arg3[%dma_wait3A_183] : memref<320000xi32, #tpu.memory_space<hbm>> -> memref<80xi32, #tpu.memory_space<hbm>>
      %dma_wait3A_185 = arith.constant 0 : i32
      %dma_wait3A_186 = tpu.memref_slice %arg3[%dma_wait3A_185] : memref<320000xi32, #tpu.memory_space<hbm>> -> memref<80xi32, #tpu.memory_space<hbm>>
      tpu.wait_dma2 semaphore(%arg32 : memref<!tpu.dma_semaphore, #tpu.memory_space<semaphore_mem>>) src(%dma_wait3A_186 : memref<80xi32, #tpu.memory_space<hbm>>) dst(%arg15 : memref<80xi32, #tpu.memory_space<vmem>>)
      %dma_wait3A_187 = arith.constant 0 : i32
      %dma_wait3A_188 = tpu.memref_slice %arg4[%dma_wait3A_187] : memref<320000xi32, #tpu.memory_space<hbm>> -> memref<80xi32, #tpu.memory_space<hbm>>
      %dma_wait3A_189 = arith.constant 0 : i32
      %dma_wait3A_190 = tpu.memref_slice %arg4[%dma_wait3A_189] : memref<320000xi32, #tpu.memory_space<hbm>> -> memref<80xi32, #tpu.memory_space<hbm>>
      tpu.wait_dma2 semaphore(%arg32 : memref<!tpu.dma_semaphore, #tpu.memory_space<semaphore_mem>>) src(%dma_wait3A_190 : memref<80xi32, #tpu.memory_space<hbm>>) dst(%arg23 : memref<80xi32, #tpu.memory_space<vmem>>)
      %dma_wait3A_191 = arith.constant 0 : i32
      %dma_wait3A_192 = tpu.memref_slice %arg3[%dma_wait3A_191] : memref<320000xi32, #tpu.memory_space<hbm>> -> memref<80xi32, #tpu.memory_space<hbm>>
      %dma_wait3A_193 = arith.constant 0 : i32
      %dma_wait3A_194 = tpu.memref_slice %arg3[%dma_wait3A_193] : memref<320000xi32, #tpu.memory_space<hbm>> -> memref<80xi32, #tpu.memory_space<hbm>>
      tpu.wait_dma2 semaphore(%arg32 : memref<!tpu.dma_semaphore, #tpu.memory_space<semaphore_mem>>) src(%dma_wait3A_194 : memref<80xi32, #tpu.memory_space<hbm>>) dst(%arg16 : memref<80xi32, #tpu.memory_space<vmem>>)
      %dma_wait3A_195 = arith.constant 0 : i32
      %dma_wait3A_196 = tpu.memref_slice %arg4[%dma_wait3A_195] : memref<320000xi32, #tpu.memory_space<hbm>> -> memref<80xi32, #tpu.memory_space<hbm>>
      %dma_wait3A_197 = arith.constant 0 : i32
      %dma_wait3A_198 = tpu.memref_slice %arg4[%dma_wait3A_197] : memref<320000xi32, #tpu.memory_space<hbm>> -> memref<80xi32, #tpu.memory_space<hbm>>
      tpu.wait_dma2 semaphore(%arg32 : memref<!tpu.dma_semaphore, #tpu.memory_space<semaphore_mem>>) src(%dma_wait3A_198 : memref<80xi32, #tpu.memory_space<hbm>>) dst(%arg24 : memref<80xi32, #tpu.memory_space<vmem>>)
      %dma_wait3A_199 = arith.constant 0 : i32
      %dma_wait3A_200 = tpu.memref_slice %arg3[%dma_wait3A_199] : memref<320000xi32, #tpu.memory_space<hbm>> -> memref<80xi32, #tpu.memory_space<hbm>>
      %dma_wait3A_201 = arith.constant 0 : i32
      %dma_wait3A_202 = tpu.memref_slice %arg3[%dma_wait3A_201] : memref<320000xi32, #tpu.memory_space<hbm>> -> memref<80xi32, #tpu.memory_space<hbm>>
      tpu.wait_dma2 semaphore(%arg32 : memref<!tpu.dma_semaphore, #tpu.memory_space<semaphore_mem>>) src(%dma_wait3A_202 : memref<80xi32, #tpu.memory_space<hbm>>) dst(%arg17 : memref<80xi32, #tpu.memory_space<vmem>>)
      %dma_wait3A_203 = arith.constant 0 : i32
      %dma_wait3A_204 = tpu.memref_slice %arg4[%dma_wait3A_203] : memref<320000xi32, #tpu.memory_space<hbm>> -> memref<80xi32, #tpu.memory_space<hbm>>
      %dma_wait3A_205 = arith.constant 0 : i32
      %dma_wait3A_206 = tpu.memref_slice %arg4[%dma_wait3A_205] : memref<320000xi32, #tpu.memory_space<hbm>> -> memref<80xi32, #tpu.memory_space<hbm>>
      tpu.wait_dma2 semaphore(%arg32 : memref<!tpu.dma_semaphore, #tpu.memory_space<semaphore_mem>>) src(%dma_wait3A_206 : memref<80xi32, #tpu.memory_space<hbm>>) dst(%arg25 : memref<80xi32, #tpu.memory_space<vmem>>)
      %dma_wait3A_207 = arith.constant 0 : i32
      %dma_wait3A_208 = tpu.memref_slice %arg3[%dma_wait3A_207] : memref<320000xi32, #tpu.memory_space<hbm>> -> memref<80xi32, #tpu.memory_space<hbm>>
      %dma_wait3A_209 = arith.constant 0 : i32
      %dma_wait3A_210 = tpu.memref_slice %arg3[%dma_wait3A_209] : memref<320000xi32, #tpu.memory_space<hbm>> -> memref<80xi32, #tpu.memory_space<hbm>>
      tpu.wait_dma2 semaphore(%arg32 : memref<!tpu.dma_semaphore, #tpu.memory_space<semaphore_mem>>) src(%dma_wait3A_210 : memref<80xi32, #tpu.memory_space<hbm>>) dst(%arg18 : memref<80xi32, #tpu.memory_space<vmem>>)
      %dma_wait3A_211 = arith.constant 0 : i32
      %dma_wait3A_212 = tpu.memref_slice %arg4[%dma_wait3A_211] : memref<320000xi32, #tpu.memory_space<hbm>> -> memref<80xi32, #tpu.memory_space<hbm>>
      %dma_wait3A_213 = arith.constant 0 : i32
      %dma_wait3A_214 = tpu.memref_slice %arg4[%dma_wait3A_213] : memref<320000xi32, #tpu.memory_space<hbm>> -> memref<80xi32, #tpu.memory_space<hbm>>
      tpu.wait_dma2 semaphore(%arg32 : memref<!tpu.dma_semaphore, #tpu.memory_space<semaphore_mem>>) src(%dma_wait3A_214 : memref<80xi32, #tpu.memory_space<hbm>>) dst(%arg26 : memref<80xi32, #tpu.memory_space<vmem>>)
      %dma_wait3A_215 = arith.constant 0 : i32
      %dma_wait3A_216 = arith.constant 0 : i32
      %dma_wait3A_217 = tpu.memref_slice %arg2[%dma_wait3A_215, %dma_wait3A_216] : memref<10000x128xf32, #tpu.memory_space<hbm>> -> memref<10000x128xf32, #tpu.memory_space<hbm>>
      tpu.wait_indirect_dma semaphore(%arg27 : memref<!tpu.dma_semaphore, #tpu.memory_space<semaphore_mem>>) src(%dma_wait3A_217 : memref<10000x128xf32, #tpu.memory_space<hbm>>) dst(%arg7 : memref<80x128xf32, #tpu.memory_space<vmem>>)
      "tpu.region"() ({
        %run_scoped3A = tpu.sem_alloc : memref<!tpu.dma_semaphore, #tpu.memory_space<semaphore_mem>>
        %dma_start3A_380 = arith.constant 0 : i32
        %dma_start3A_381 = arith.constant 0 : i32
        %dma_start3A_382 = tpu.memref_slice %arg33[%dma_start3A_380, %dma_start3A_381] : memref<10240x128xf32, #tpu.memory_space<vmem_shared>> -> memref<10240x128xf32, #tpu.memory_space<vmem_shared>>
        tpu.enqueue_indirect_dma source(%arg7 : memref<80x128xf32, #tpu.memory_space<vmem>>) target(%dma_start3A_382 : memref<10240x128xf32, #tpu.memory_space<vmem_shared>>) offsets(%arg19 : memref<80xi32, #tpu.memory_space<vmem>>) semaphore(%run_scoped3A : memref<!tpu.dma_semaphore, #tpu.memory_space<semaphore_mem>>) {add = true}
        %dma_wait3A_383 = arith.constant 0 : i32
        %dma_wait3A_384 = arith.constant 0 : i32
        %dma_wait3A_385 = tpu.memref_slice %arg33[%dma_wait3A_383, %dma_wait3A_384] : memref<10240x128xf32, #tpu.memory_space<vmem_shared>> -> memref<10240x128xf32, #tpu.memory_space<vmem_shared>>
        tpu.wait_indirect_dma semaphore(%run_scoped3A : memref<!tpu.dma_semaphore, #tpu.memory_space<semaphore_mem>>) src(%arg7 : memref<80x128xf32, #tpu.memory_space<vmem>>) dst(%dma_wait3A_385 : memref<10240x128xf32, #tpu.memory_space<vmem_shared>>)
        tpu.yield
      }) : () -> ()
      %dma_start3A_218 = arith.constant 0 : i32
      %dma_start3A_219 = arith.constant 0 : i32
      %dma_start3A_220 = tpu.memref_slice %arg2[%dma_start3A_218, %dma_start3A_219] : memref<10000x128xf32, #tpu.memory_space<hbm>> -> memref<10000x128xf32, #tpu.memory_space<hbm>>
      tpu.enqueue_indirect_dma source(%dma_start3A_220 : memref<10000x128xf32, #tpu.memory_space<hbm>>) target(%arg7 : memref<80x128xf32, #tpu.memory_space<vmem>>) offsets(%arg15 : memref<80xi32, #tpu.memory_space<vmem>>) semaphore(%arg27 : memref<!tpu.dma_semaphore, #tpu.memory_space<semaphore_mem>>)
      %dma_wait3A_221 = arith.constant 0 : i32
      %dma_wait3A_222 = arith.constant 0 : i32
      %dma_wait3A_223 = tpu.memref_slice %arg2[%dma_wait3A_221, %dma_wait3A_222] : memref<10000x128xf32, #tpu.memory_space<hbm>> -> memref<10000x128xf32, #tpu.memory_space<hbm>>
      tpu.wait_indirect_dma semaphore(%arg28 : memref<!tpu.dma_semaphore, #tpu.memory_space<semaphore_mem>>) src(%dma_wait3A_223 : memref<10000x128xf32, #tpu.memory_space<hbm>>) dst(%arg8 : memref<80x128xf32, #tpu.memory_space<vmem>>)
      "tpu.region"() ({
        %run_scoped3A = tpu.sem_alloc : memref<!tpu.dma_semaphore, #tpu.memory_space<semaphore_mem>>
        %dma_start3A_380 = arith.constant 0 : i32
        %dma_start3A_381 = arith.constant 0 : i32
        %dma_start3A_382 = tpu.memref_slice %arg33[%dma_start3A_380, %dma_start3A_381] : memref<10240x128xf32, #tpu.memory_space<vmem_shared>> -> memref<10240x128xf32, #tpu.memory_space<vmem_shared>>
        tpu.enqueue_indirect_dma source(%arg8 : memref<80x128xf32, #tpu.memory_space<vmem>>) target(%dma_start3A_382 : memref<10240x128xf32, #tpu.memory_space<vmem_shared>>) offsets(%arg20 : memref<80xi32, #tpu.memory_space<vmem>>) semaphore(%run_scoped3A : memref<!tpu.dma_semaphore, #tpu.memory_space<semaphore_mem>>) {add = true}
        %dma_wait3A_383 = arith.constant 0 : i32
        %dma_wait3A_384 = arith.constant 0 : i32
        %dma_wait3A_385 = tpu.memref_slice %arg33[%dma_wait3A_383, %dma_wait3A_384] : memref<10240x128xf32, #tpu.memory_space<vmem_shared>> -> memref<10240x128xf32, #tpu.memory_space<vmem_shared>>
        tpu.wait_indirect_dma semaphore(%run_scoped3A : memref<!tpu.dma_semaphore, #tpu.memory_space<semaphore_mem>>) src(%arg8 : memref<80x128xf32, #tpu.memory_space<vmem>>) dst(%dma_wait3A_385 : memref<10240x128xf32, #tpu.memory_space<vmem_shared>>)
        tpu.yield
      }) : () -> ()
      %dma_start3A_224 = arith.constant 0 : i32
      %dma_start3A_225 = arith.constant 0 : i32
      %dma_start3A_226 = tpu.memref_slice %arg2[%dma_start3A_224, %dma_start3A_225] : memref<10000x128xf32, #tpu.memory_space<hbm>> -> memref<10000x128xf32, #tpu.memory_space<hbm>>
      tpu.enqueue_indirect_dma source(%dma_start3A_226 : memref<10000x128xf32, #tpu.memory_space<hbm>>) target(%arg8 : memref<80x128xf32, #tpu.memory_space<vmem>>) offsets(%arg16 : memref<80xi32, #tpu.memory_space<vmem>>) semaphore(%arg28 : memref<!tpu.dma_semaphore, #tpu.memory_space<semaphore_mem>>)
      %dma_wait3A_227 = arith.constant 0 : i32
      %dma_wait3A_228 = arith.constant 0 : i32
      %dma_wait3A_229 = tpu.memref_slice %arg2[%dma_wait3A_227, %dma_wait3A_228] : memref<10000x128xf32, #tpu.memory_space<hbm>> -> memref<10000x128xf32, #tpu.memory_space<hbm>>
      tpu.wait_indirect_dma semaphore(%arg29 : memref<!tpu.dma_semaphore, #tpu.memory_space<semaphore_mem>>) src(%dma_wait3A_229 : memref<10000x128xf32, #tpu.memory_space<hbm>>) dst(%arg9 : memref<80x128xf32, #tpu.memory_space<vmem>>)
      "tpu.region"() ({
        %run_scoped3A = tpu.sem_alloc : memref<!tpu.dma_semaphore, #tpu.memory_space<semaphore_mem>>
        %dma_start3A_380 = arith.constant 0 : i32
        %dma_start3A_381 = arith.constant 0 : i32
        %dma_start3A_382 = tpu.memref_slice %arg33[%dma_start3A_380, %dma_start3A_381] : memref<10240x128xf32, #tpu.memory_space<vmem_shared>> -> memref<10240x128xf32, #tpu.memory_space<vmem_shared>>
        tpu.enqueue_indirect_dma source(%arg9 : memref<80x128xf32, #tpu.memory_space<vmem>>) target(%dma_start3A_382 : memref<10240x128xf32, #tpu.memory_space<vmem_shared>>) offsets(%arg21 : memref<80xi32, #tpu.memory_space<vmem>>) semaphore(%run_scoped3A : memref<!tpu.dma_semaphore, #tpu.memory_space<semaphore_mem>>) {add = true}
        %dma_wait3A_383 = arith.constant 0 : i32
        %dma_wait3A_384 = arith.constant 0 : i32
        %dma_wait3A_385 = tpu.memref_slice %arg33[%dma_wait3A_383, %dma_wait3A_384] : memref<10240x128xf32, #tpu.memory_space<vmem_shared>> -> memref<10240x128xf32, #tpu.memory_space<vmem_shared>>
        tpu.wait_indirect_dma semaphore(%run_scoped3A : memref<!tpu.dma_semaphore, #tpu.memory_space<semaphore_mem>>) src(%arg9 : memref<80x128xf32, #tpu.memory_space<vmem>>) dst(%dma_wait3A_385 : memref<10240x128xf32, #tpu.memory_space<vmem_shared>>)
        tpu.yield
      }) : () -> ()
      %dma_start3A_230 = arith.constant 0 : i32
      %dma_start3A_231 = arith.constant 0 : i32
      %dma_start3A_232 = tpu.memref_slice %arg2[%dma_start3A_230, %dma_start3A_231] : memref<10000x128xf32, #tpu.memory_space<hbm>> -> memref<10000x128xf32, #tpu.memory_space<hbm>>
      tpu.enqueue_indirect_dma source(%dma_start3A_232 : memref<10000x128xf32, #tpu.memory_space<hbm>>) target(%arg9 : memref<80x128xf32, #tpu.memory_space<vmem>>) offsets(%arg17 : memref<80xi32, #tpu.memory_space<vmem>>) semaphore(%arg29 : memref<!tpu.dma_semaphore, #tpu.memory_space<semaphore_mem>>)
      %dma_wait3A_233 = arith.constant 0 : i32
      %dma_wait3A_234 = arith.constant 0 : i32
      %dma_wait3A_235 = tpu.memref_slice %arg2[%dma_wait3A_233, %dma_wait3A_234] : memref<10000x128xf32, #tpu.memory_space<hbm>> -> memref<10000x128xf32, #tpu.memory_space<hbm>>
      tpu.wait_indirect_dma semaphore(%arg30 : memref<!tpu.dma_semaphore, #tpu.memory_space<semaphore_mem>>) src(%dma_wait3A_235 : memref<10000x128xf32, #tpu.memory_space<hbm>>) dst(%arg10 : memref<80x128xf32, #tpu.memory_space<vmem>>)
      "tpu.region"() ({
        %run_scoped3A = tpu.sem_alloc : memref<!tpu.dma_semaphore, #tpu.memory_space<semaphore_mem>>
        %dma_start3A_380 = arith.constant 0 : i32
        %dma_start3A_381 = arith.constant 0 : i32
        %dma_start3A_382 = tpu.memref_slice %arg33[%dma_start3A_380, %dma_start3A_381] : memref<10240x128xf32, #tpu.memory_space<vmem_shared>> -> memref<10240x128xf32, #tpu.memory_space<vmem_shared>>
        tpu.enqueue_indirect_dma source(%arg10 : memref<80x128xf32, #tpu.memory_space<vmem>>) target(%dma_start3A_382 : memref<10240x128xf32, #tpu.memory_space<vmem_shared>>) offsets(%arg22 : memref<80xi32, #tpu.memory_space<vmem>>) semaphore(%run_scoped3A : memref<!tpu.dma_semaphore, #tpu.memory_space<semaphore_mem>>) {add = true}
        %dma_wait3A_383 = arith.constant 0 : i32
        %dma_wait3A_384 = arith.constant 0 : i32
        %dma_wait3A_385 = tpu.memref_slice %arg33[%dma_wait3A_383, %dma_wait3A_384] : memref<10240x128xf32, #tpu.memory_space<vmem_shared>> -> memref<10240x128xf32, #tpu.memory_space<vmem_shared>>
        tpu.wait_indirect_dma semaphore(%run_scoped3A : memref<!tpu.dma_semaphore, #tpu.memory_space<semaphore_mem>>) src(%arg10 : memref<80x128xf32, #tpu.memory_space<vmem>>) dst(%dma_wait3A_385 : memref<10240x128xf32, #tpu.memory_space<vmem_shared>>)
        tpu.yield
      }) : () -> ()
      %dma_start3A_236 = arith.constant 0 : i32
      %dma_start3A_237 = arith.constant 0 : i32
      %dma_start3A_238 = tpu.memref_slice %arg2[%dma_start3A_236, %dma_start3A_237] : memref<10000x128xf32, #tpu.memory_space<hbm>> -> memref<10000x128xf32, #tpu.memory_space<hbm>>
      tpu.enqueue_indirect_dma source(%dma_start3A_238 : memref<10000x128xf32, #tpu.memory_space<hbm>>) target(%arg10 : memref<80x128xf32, #tpu.memory_space<vmem>>) offsets(%arg18 : memref<80xi32, #tpu.memory_space<vmem>>) semaphore(%arg30 : memref<!tpu.dma_semaphore, #tpu.memory_space<semaphore_mem>>)
      %add3A_239 = arith.constant 2 : i32
      %add3A_240 = arith.addi %mul3A_182, %add3A_239 : i32
      %min3A = arith.constant 30 : i32
      %min3A_241 = arith.minsi %add3A_240, %min3A : i32
      %mul3A_242 = arith.constant 4 : i32
      %mul3A_243 = arith.muli %min3A_241, %mul3A_242 : i32
      %mul3A_244 = arith.constant 80 : i32
      %mul3A_245 = arith.muli %mul3A_243, %mul3A_244 : i32
      %add3A_246 = arith.addi %mul3A_4, %mul3A_245 : i32
      %add3A_247 = arith.constant 0 : i32
      %add3A_248 = arith.addi %add3A_246, %add3A_247 : i32
      %dma_start3A_249 = tpu.memref_slice %arg3[%add3A_248] : memref<320000xi32, #tpu.memory_space<hbm>> -> memref<80xi32, #tpu.memory_space<hbm>>
      %dma_start3A_250 = tpu.memref_slice %arg3[%add3A_248] : memref<320000xi32, #tpu.memory_space<hbm>> -> memref<80xi32, #tpu.memory_space<hbm>>
      tpu.enqueue_dma source(%dma_start3A_250 : memref<80xi32, #tpu.memory_space<hbm>>) target(%arg11 : memref<80xi32, #tpu.memory_space<vmem>>) target_semaphore(%arg31 : memref<!tpu.dma_semaphore, #tpu.memory_space<semaphore_mem>>)
      %add3A_251 = arith.constant 0 : i32
      %add3A_252 = arith.addi %add3A_246, %add3A_251 : i32
      %dma_start3A_253 = tpu.memref_slice %arg4[%add3A_252] : memref<320000xi32, #tpu.memory_space<hbm>> -> memref<80xi32, #tpu.memory_space<hbm>>
      %dma_start3A_254 = tpu.memref_slice %arg4[%add3A_252] : memref<320000xi32, #tpu.memory_space<hbm>> -> memref<80xi32, #tpu.memory_space<hbm>>
      tpu.enqueue_dma source(%dma_start3A_254 : memref<80xi32, #tpu.memory_space<hbm>>) target(%arg19 : memref<80xi32, #tpu.memory_space<vmem>>) target_semaphore(%arg31 : memref<!tpu.dma_semaphore, #tpu.memory_space<semaphore_mem>>)
      %add3A_255 = arith.constant 80 : i32
      %add3A_256 = arith.addi %add3A_246, %add3A_255 : i32
      %dma_start3A_257 = tpu.memref_slice %arg3[%add3A_256] : memref<320000xi32, #tpu.memory_space<hbm>> -> memref<80xi32, #tpu.memory_space<hbm>>
      %dma_start3A_258 = tpu.memref_slice %arg3[%add3A_256] : memref<320000xi32, #tpu.memory_space<hbm>> -> memref<80xi32, #tpu.memory_space<hbm>>
      tpu.enqueue_dma source(%dma_start3A_258 : memref<80xi32, #tpu.memory_space<hbm>>) target(%arg12 : memref<80xi32, #tpu.memory_space<vmem>>) target_semaphore(%arg31 : memref<!tpu.dma_semaphore, #tpu.memory_space<semaphore_mem>>)
      %add3A_259 = arith.constant 80 : i32
      %add3A_260 = arith.addi %add3A_246, %add3A_259 : i32
      %dma_start3A_261 = tpu.memref_slice %arg4[%add3A_260] : memref<320000xi32, #tpu.memory_space<hbm>> -> memref<80xi32, #tpu.memory_space<hbm>>
      %dma_start3A_262 = tpu.memref_slice %arg4[%add3A_260] : memref<320000xi32, #tpu.memory_space<hbm>> -> memref<80xi32, #tpu.memory_space<hbm>>
      tpu.enqueue_dma source(%dma_start3A_262 : memref<80xi32, #tpu.memory_space<hbm>>) target(%arg20 : memref<80xi32, #tpu.memory_space<vmem>>) target_semaphore(%arg31 : memref<!tpu.dma_semaphore, #tpu.memory_space<semaphore_mem>>)
      %add3A_263 = arith.constant 160 : i32
      %add3A_264 = arith.addi %add3A_246, %add3A_263 : i32
      %dma_start3A_265 = tpu.memref_slice %arg3[%add3A_264] : memref<320000xi32, #tpu.memory_space<hbm>> -> memref<80xi32, #tpu.memory_space<hbm>>
      %dma_start3A_266 = tpu.memref_slice %arg3[%add3A_264] : memref<320000xi32, #tpu.memory_space<hbm>> -> memref<80xi32, #tpu.memory_space<hbm>>
      tpu.enqueue_dma source(%dma_start3A_266 : memref<80xi32, #tpu.memory_space<hbm>>) target(%arg13 : memref<80xi32, #tpu.memory_space<vmem>>) target_semaphore(%arg31 : memref<!tpu.dma_semaphore, #tpu.memory_space<semaphore_mem>>)
      %add3A_267 = arith.constant 160 : i32
      %add3A_268 = arith.addi %add3A_246, %add3A_267 : i32
      %dma_start3A_269 = tpu.memref_slice %arg4[%add3A_268] : memref<320000xi32, #tpu.memory_space<hbm>> -> memref<80xi32, #tpu.memory_space<hbm>>
      %dma_start3A_270 = tpu.memref_slice %arg4[%add3A_268] : memref<320000xi32, #tpu.memory_space<hbm>> -> memref<80xi32, #tpu.memory_space<hbm>>
      tpu.enqueue_dma source(%dma_start3A_270 : memref<80xi32, #tpu.memory_space<hbm>>) target(%arg21 : memref<80xi32, #tpu.memory_space<vmem>>) target_semaphore(%arg31 : memref<!tpu.dma_semaphore, #tpu.memory_space<semaphore_mem>>)
      %add3A_271 = arith.constant 240 : i32
      %add3A_272 = arith.addi %add3A_246, %add3A_271 : i32
      %dma_start3A_273 = tpu.memref_slice %arg3[%add3A_272] : memref<320000xi32, #tpu.memory_space<hbm>> -> memref<80xi32, #tpu.memory_space<hbm>>
      %dma_start3A_274 = tpu.memref_slice %arg3[%add3A_272] : memref<320000xi32, #tpu.memory_space<hbm>> -> memref<80xi32, #tpu.memory_space<hbm>>
      tpu.enqueue_dma source(%dma_start3A_274 : memref<80xi32, #tpu.memory_space<hbm>>) target(%arg14 : memref<80xi32, #tpu.memory_space<vmem>>) target_semaphore(%arg31 : memref<!tpu.dma_semaphore, #tpu.memory_space<semaphore_mem>>)
      %add3A_275 = arith.constant 240 : i32
      %add3A_276 = arith.addi %add3A_246, %add3A_275 : i32
      %dma_start3A_277 = tpu.memref_slice %arg4[%add3A_276] : memref<320000xi32, #tpu.memory_space<hbm>> -> memref<80xi32, #tpu.memory_space<hbm>>
      %dma_start3A_278 = tpu.memref_slice %arg4[%add3A_276] : memref<320000xi32, #tpu.memory_space<hbm>> -> memref<80xi32, #tpu.memory_space<hbm>>
      tpu.enqueue_dma source(%dma_start3A_278 : memref<80xi32, #tpu.memory_space<hbm>>) target(%arg22 : memref<80xi32, #tpu.memory_space<vmem>>) target_semaphore(%arg31 : memref<!tpu.dma_semaphore, #tpu.memory_space<semaphore_mem>>)
      %mul3A_279 = arith.constant 2 : i32
      %mul3A_280 = arith.muli %mul3A_279, %scan3A_180 : i32
      %add3A_281 = arith.constant 1 : i32
      %add3A_282 = arith.addi %mul3A_280, %add3A_281 : i32
      %dma_wait3A_283 = arith.constant 0 : i32
      %dma_wait3A_284 = tpu.memref_slice %arg3[%dma_wait3A_283] : memref<320000xi32, #tpu.memory_space<hbm>> -> memref<80xi32, #tpu.memory_space<hbm>>
      %dma_wait3A_285 = arith.constant 0 : i32
      %dma_wait3A_286 = tpu.memref_slice %arg3[%dma_wait3A_285] : memref<320000xi32, #tpu.memory_space<hbm>> -> memref<80xi32, #tpu.memory_space<hbm>>
      tpu.wait_dma2 semaphore(%arg31 : memref<!tpu.dma_semaphore, #tpu.memory_space<semaphore_mem>>) src(%dma_wait3A_286 : memref<80xi32, #tpu.memory_space<hbm>>) dst(%arg11 : memref<80xi32, #tpu.memory_space<vmem>>)
      %dma_wait3A_287 = arith.constant 0 : i32
      %dma_wait3A_288 = tpu.memref_slice %arg4[%dma_wait3A_287] : memref<320000xi32, #tpu.memory_space<hbm>> -> memref<80xi32, #tpu.memory_space<hbm>>
      %dma_wait3A_289 = arith.constant 0 : i32
      %dma_wait3A_290 = tpu.memref_slice %arg4[%dma_wait3A_289] : memref<320000xi32, #tpu.memory_space<hbm>> -> memref<80xi32, #tpu.memory_space<hbm>>
      tpu.wait_dma2 semaphore(%arg31 : memref<!tpu.dma_semaphore, #tpu.memory_space<semaphore_mem>>) src(%dma_wait3A_290 : memref<80xi32, #tpu.memory_space<hbm>>) dst(%arg19 : memref<80xi32, #tpu.memory_space<vmem>>)
      %dma_wait3A_291 = arith.constant 0 : i32
      %dma_wait3A_292 = tpu.memref_slice %arg3[%dma_wait3A_291] : memref<320000xi32, #tpu.memory_space<hbm>> -> memref<80xi32, #tpu.memory_space<hbm>>
      %dma_wait3A_293 = arith.constant 0 : i32
      %dma_wait3A_294 = tpu.memref_slice %arg3[%dma_wait3A_293] : memref<320000xi32, #tpu.memory_space<hbm>> -> memref<80xi32, #tpu.memory_space<hbm>>
      tpu.wait_dma2 semaphore(%arg31 : memref<!tpu.dma_semaphore, #tpu.memory_space<semaphore_mem>>) src(%dma_wait3A_294 : memref<80xi32, #tpu.memory_space<hbm>>) dst(%arg12 : memref<80xi32, #tpu.memory_space<vmem>>)
      %dma_wait3A_295 = arith.constant 0 : i32
      %dma_wait3A_296 = tpu.memref_slice %arg4[%dma_wait3A_295] : memref<320000xi32, #tpu.memory_space<hbm>> -> memref<80xi32, #tpu.memory_space<hbm>>
      %dma_wait3A_297 = arith.constant 0 : i32
      %dma_wait3A_298 = tpu.memref_slice %arg4[%dma_wait3A_297] : memref<320000xi32, #tpu.memory_space<hbm>> -> memref<80xi32, #tpu.memory_space<hbm>>
      tpu.wait_dma2 semaphore(%arg31 : memref<!tpu.dma_semaphore, #tpu.memory_space<semaphore_mem>>) src(%dma_wait3A_298 : memref<80xi32, #tpu.memory_space<hbm>>) dst(%arg20 : memref<80xi32, #tpu.memory_space<vmem>>)
      %dma_wait3A_299 = arith.constant 0 : i32
      %dma_wait3A_300 = tpu.memref_slice %arg3[%dma_wait3A_299] : memref<320000xi32, #tpu.memory_space<hbm>> -> memref<80xi32, #tpu.memory_space<hbm>>
      %dma_wait3A_301 = arith.constant 0 : i32
      %dma_wait3A_302 = tpu.memref_slice %arg3[%dma_wait3A_301] : memref<320000xi32, #tpu.memory_space<hbm>> -> memref<80xi32, #tpu.memory_space<hbm>>
      tpu.wait_dma2 semaphore(%arg31 : memref<!tpu.dma_semaphore, #tpu.memory_space<semaphore_mem>>) src(%dma_wait3A_302 : memref<80xi32, #tpu.memory_space<hbm>>) dst(%arg13 : memref<80xi32, #tpu.memory_space<vmem>>)
      %dma_wait3A_303 = arith.constant 0 : i32
      %dma_wait3A_304 = tpu.memref_slice %arg4[%dma_wait3A_303] : memref<320000xi32, #tpu.memory_space<hbm>> -> memref<80xi32, #tpu.memory_space<hbm>>
      %dma_wait3A_305 = arith.constant 0 : i32
      %dma_wait3A_306 = tpu.memref_slice %arg4[%dma_wait3A_305] : memref<320000xi32, #tpu.memory_space<hbm>> -> memref<80xi32, #tpu.memory_space<hbm>>
      tpu.wait_dma2 semaphore(%arg31 : memref<!tpu.dma_semaphore, #tpu.memory_space<semaphore_mem>>) src(%dma_wait3A_306 : memref<80xi32, #tpu.memory_space<hbm>>) dst(%arg21 : memref<80xi32, #tpu.memory_space<vmem>>)
      %dma_wait3A_307 = arith.constant 0 : i32
      %dma_wait3A_308 = tpu.memref_slice %arg3[%dma_wait3A_307] : memref<320000xi32, #tpu.memory_space<hbm>> -> memref<80xi32, #tpu.memory_space<hbm>>
      %dma_wait3A_309 = arith.constant 0 : i32
      %dma_wait3A_310 = tpu.memref_slice %arg3[%dma_wait3A_309] : memref<320000xi32, #tpu.memory_space<hbm>> -> memref<80xi32, #tpu.memory_space<hbm>>
      tpu.wait_dma2 semaphore(%arg31 : memref<!tpu.dma_semaphore, #tpu.memory_space<semaphore_mem>>) src(%dma_wait3A_310 : memref<80xi32, #tpu.memory_space<hbm>>) dst(%arg14 : memref<80xi32, #tpu.memory_space<vmem>>)
      %dma_wait3A_311 = arith.constant 0 : i32
      %dma_wait3A_312 = tpu.memref_slice %arg4[%dma_wait3A_311] : memref<320000xi32, #tpu.memory_space<hbm>> -> memref<80xi32, #tpu.memory_space<hbm>>
      %dma_wait3A_313 = arith.constant 0 : i32
      %dma_wait3A_314 = tpu.memref_slice %arg4[%dma_wait3A_313] : memref<320000xi32, #tpu.memory_space<hbm>> -> memref<80xi32, #tpu.memory_space<hbm>>
      tpu.wait_dma2 semaphore(%arg31 : memref<!tpu.dma_semaphore, #tpu.memory_space<semaphore_mem>>) src(%dma_wait3A_314 : memref<80xi32, #tpu.memory_space<hbm>>) dst(%arg22 : memref<80xi32, #tpu.memory_space<vmem>>)
      %dma_wait3A_315 = arith.constant 0 : i32
      %dma_wait3A_316 = arith.constant 0 : i32
      %dma_wait3A_317 = tpu.memref_slice %arg2[%dma_wait3A_315, %dma_wait3A_316] : memref<10000x128xf32, #tpu.memory_space<hbm>> -> memref<10000x128xf32, #tpu.memory_space<hbm>>
      tpu.wait_indirect_dma semaphore(%arg27 : memref<!tpu.dma_semaphore, #tpu.memory_space<semaphore_mem>>) src(%dma_wait3A_317 : memref<10000x128xf32, #tpu.memory_space<hbm>>) dst(%arg7 : memref<80x128xf32, #tpu.memory_space<vmem>>)
      "tpu.region"() ({
        %run_scoped3A = tpu.sem_alloc : memref<!tpu.dma_semaphore, #tpu.memory_space<semaphore_mem>>
        %dma_start3A_380 = arith.constant 0 : i32
        %dma_start3A_381 = arith.constant 0 : i32
        %dma_start3A_382 = tpu.memref_slice %arg33[%dma_start3A_380, %dma_start3A_381] : memref<10240x128xf32, #tpu.memory_space<vmem_shared>> -> memref<10240x128xf32, #tpu.memory_space<vmem_shared>>
        tpu.enqueue_indirect_dma source(%arg7 : memref<80x128xf32, #tpu.memory_space<vmem>>) target(%dma_start3A_382 : memref<10240x128xf32, #tpu.memory_space<vmem_shared>>) offsets(%arg23 : memref<80xi32, #tpu.memory_space<vmem>>) semaphore(%run_scoped3A : memref<!tpu.dma_semaphore, #tpu.memory_space<semaphore_mem>>) {add = true}
        %dma_wait3A_383 = arith.constant 0 : i32
        %dma_wait3A_384 = arith.constant 0 : i32
        %dma_wait3A_385 = tpu.memref_slice %arg33[%dma_wait3A_383, %dma_wait3A_384] : memref<10240x128xf32, #tpu.memory_space<vmem_shared>> -> memref<10240x128xf32, #tpu.memory_space<vmem_shared>>
        tpu.wait_indirect_dma semaphore(%run_scoped3A : memref<!tpu.dma_semaphore, #tpu.memory_space<semaphore_mem>>) src(%arg7 : memref<80x128xf32, #tpu.memory_space<vmem>>) dst(%dma_wait3A_385 : memref<10240x128xf32, #tpu.memory_space<vmem_shared>>)
        tpu.yield
      }) : () -> ()
      %dma_start3A_318 = arith.constant 0 : i32
      %dma_start3A_319 = arith.constant 0 : i32
      %dma_start3A_320 = tpu.memref_slice %arg2[%dma_start3A_318, %dma_start3A_319] : memref<10000x128xf32, #tpu.memory_space<hbm>> -> memref<10000x128xf32, #tpu.memory_space<hbm>>
      tpu.enqueue_indirect_dma source(%dma_start3A_320 : memref<10000x128xf32, #tpu.memory_space<hbm>>) target(%arg7 : memref<80x128xf32, #tpu.memory_space<vmem>>) offsets(%arg11 : memref<80xi32, #tpu.memory_space<vmem>>) semaphore(%arg27 : memref<!tpu.dma_semaphore, #tpu.memory_space<semaphore_mem>>)
      %dma_wait3A_321 = arith.constant 0 : i32
      %dma_wait3A_322 = arith.constant 0 : i32
      %dma_wait3A_323 = tpu.memref_slice %arg2[%dma_wait3A_321, %dma_wait3A_322] : memref<10000x128xf32, #tpu.memory_space<hbm>> -> memref<10000x128xf32, #tpu.memory_space<hbm>>
      tpu.wait_indirect_dma semaphore(%arg28 : memref<!tpu.dma_semaphore, #tpu.memory_space<semaphore_mem>>) src(%dma_wait3A_323 : memref<10000x128xf32, #tpu.memory_space<hbm>>) dst(%arg8 : memref<80x128xf32, #tpu.memory_space<vmem>>)
      "tpu.region"() ({
        %run_scoped3A = tpu.sem_alloc : memref<!tpu.dma_semaphore, #tpu.memory_space<semaphore_mem>>
        %dma_start3A_380 = arith.constant 0 : i32
        %dma_start3A_381 = arith.constant 0 : i32
        %dma_start3A_382 = tpu.memref_slice %arg33[%dma_start3A_380, %dma_start3A_381] : memref<10240x128xf32, #tpu.memory_space<vmem_shared>> -> memref<10240x128xf32, #tpu.memory_space<vmem_shared>>
        tpu.enqueue_indirect_dma source(%arg8 : memref<80x128xf32, #tpu.memory_space<vmem>>) target(%dma_start3A_382 : memref<10240x128xf32, #tpu.memory_space<vmem_shared>>) offsets(%arg24 : memref<80xi32, #tpu.memory_space<vmem>>) semaphore(%run_scoped3A : memref<!tpu.dma_semaphore, #tpu.memory_space<semaphore_mem>>) {add = true}
        %dma_wait3A_383 = arith.constant 0 : i32
        %dma_wait3A_384 = arith.constant 0 : i32
        %dma_wait3A_385 = tpu.memref_slice %arg33[%dma_wait3A_383, %dma_wait3A_384] : memref<10240x128xf32, #tpu.memory_space<vmem_shared>> -> memref<10240x128xf32, #tpu.memory_space<vmem_shared>>
        tpu.wait_indirect_dma semaphore(%run_scoped3A : memref<!tpu.dma_semaphore, #tpu.memory_space<semaphore_mem>>) src(%arg8 : memref<80x128xf32, #tpu.memory_space<vmem>>) dst(%dma_wait3A_385 : memref<10240x128xf32, #tpu.memory_space<vmem_shared>>)
        tpu.yield
      }) : () -> ()
      %dma_start3A_324 = arith.constant 0 : i32
      %dma_start3A_325 = arith.constant 0 : i32
      %dma_start3A_326 = tpu.memref_slice %arg2[%dma_start3A_324, %dma_start3A_325] : memref<10000x128xf32, #tpu.memory_space<hbm>> -> memref<10000x128xf32, #tpu.memory_space<hbm>>
      tpu.enqueue_indirect_dma source(%dma_start3A_326 : memref<10000x128xf32, #tpu.memory_space<hbm>>) target(%arg8 : memref<80x128xf32, #tpu.memory_space<vmem>>) offsets(%arg12 : memref<80xi32, #tpu.memory_space<vmem>>) semaphore(%arg28 : memref<!tpu.dma_semaphore, #tpu.memory_space<semaphore_mem>>)
      %dma_wait3A_327 = arith.constant 0 : i32
      %dma_wait3A_328 = arith.constant 0 : i32
      %dma_wait3A_329 = tpu.memref_slice %arg2[%dma_wait3A_327, %dma_wait3A_328] : memref<10000x128xf32, #tpu.memory_space<hbm>> -> memref<10000x128xf32, #tpu.memory_space<hbm>>
      tpu.wait_indirect_dma semaphore(%arg29 : memref<!tpu.dma_semaphore, #tpu.memory_space<semaphore_mem>>) src(%dma_wait3A_329 : memref<10000x128xf32, #tpu.memory_space<hbm>>) dst(%arg9 : memref<80x128xf32, #tpu.memory_space<vmem>>)
      "tpu.region"() ({
        %run_scoped3A = tpu.sem_alloc : memref<!tpu.dma_semaphore, #tpu.memory_space<semaphore_mem>>
        %dma_start3A_380 = arith.constant 0 : i32
        %dma_start3A_381 = arith.constant 0 : i32
        %dma_start3A_382 = tpu.memref_slice %arg33[%dma_start3A_380, %dma_start3A_381] : memref<10240x128xf32, #tpu.memory_space<vmem_shared>> -> memref<10240x128xf32, #tpu.memory_space<vmem_shared>>
        tpu.enqueue_indirect_dma source(%arg9 : memref<80x128xf32, #tpu.memory_space<vmem>>) target(%dma_start3A_382 : memref<10240x128xf32, #tpu.memory_space<vmem_shared>>) offsets(%arg25 : memref<80xi32, #tpu.memory_space<vmem>>) semaphore(%run_scoped3A : memref<!tpu.dma_semaphore, #tpu.memory_space<semaphore_mem>>) {add = true}
        %dma_wait3A_383 = arith.constant 0 : i32
        %dma_wait3A_384 = arith.constant 0 : i32
        %dma_wait3A_385 = tpu.memref_slice %arg33[%dma_wait3A_383, %dma_wait3A_384] : memref<10240x128xf32, #tpu.memory_space<vmem_shared>> -> memref<10240x128xf32, #tpu.memory_space<vmem_shared>>
        tpu.wait_indirect_dma semaphore(%run_scoped3A : memref<!tpu.dma_semaphore, #tpu.memory_space<semaphore_mem>>) src(%arg9 : memref<80x128xf32, #tpu.memory_space<vmem>>) dst(%dma_wait3A_385 : memref<10240x128xf32, #tpu.memory_space<vmem_shared>>)
        tpu.yield
      }) : () -> ()
      %dma_start3A_330 = arith.constant 0 : i32
      %dma_start3A_331 = arith.constant 0 : i32
      %dma_start3A_332 = tpu.memref_slice %arg2[%dma_start3A_330, %dma_start3A_331] : memref<10000x128xf32, #tpu.memory_space<hbm>> -> memref<10000x128xf32, #tpu.memory_space<hbm>>
      tpu.enqueue_indirect_dma source(%dma_start3A_332 : memref<10000x128xf32, #tpu.memory_space<hbm>>) target(%arg9 : memref<80x128xf32, #tpu.memory_space<vmem>>) offsets(%arg13 : memref<80xi32, #tpu.memory_space<vmem>>) semaphore(%arg29 : memref<!tpu.dma_semaphore, #tpu.memory_space<semaphore_mem>>)
      %dma_wait3A_333 = arith.constant 0 : i32
      %dma_wait3A_334 = arith.constant 0 : i32
      %dma_wait3A_335 = tpu.memref_slice %arg2[%dma_wait3A_333, %dma_wait3A_334] : memref<10000x128xf32, #tpu.memory_space<hbm>> -> memref<10000x128xf32, #tpu.memory_space<hbm>>
      tpu.wait_indirect_dma semaphore(%arg30 : memref<!tpu.dma_semaphore, #tpu.memory_space<semaphore_mem>>) src(%dma_wait3A_335 : memref<10000x128xf32, #tpu.memory_space<hbm>>) dst(%arg10 : memref<80x128xf32, #tpu.memory_space<vmem>>)
      "tpu.region"() ({
        %run_scoped3A = tpu.sem_alloc : memref<!tpu.dma_semaphore, #tpu.memory_space<semaphore_mem>>
        %dma_start3A_380 = arith.constant 0 : i32
        %dma_start3A_381 = arith.constant 0 : i32
        %dma_start3A_382 = tpu.memref_slice %arg33[%dma_start3A_380, %dma_start3A_381] : memref<10240x128xf32, #tpu.memory_space<vmem_shared>> -> memref<10240x128xf32, #tpu.memory_space<vmem_shared>>
        tpu.enqueue_indirect_dma source(%arg10 : memref<80x128xf32, #tpu.memory_space<vmem>>) target(%dma_start3A_382 : memref<10240x128xf32, #tpu.memory_space<vmem_shared>>) offsets(%arg26 : memref<80xi32, #tpu.memory_space<vmem>>) semaphore(%run_scoped3A : memref<!tpu.dma_semaphore, #tpu.memory_space<semaphore_mem>>) {add = true}
        %dma_wait3A_383 = arith.constant 0 : i32
        %dma_wait3A_384 = arith.constant 0 : i32
        %dma_wait3A_385 = tpu.memref_slice %arg33[%dma_wait3A_383, %dma_wait3A_384] : memref<10240x128xf32, #tpu.memory_space<vmem_shared>> -> memref<10240x128xf32, #tpu.memory_space<vmem_shared>>
        tpu.wait_indirect_dma semaphore(%run_scoped3A : memref<!tpu.dma_semaphore, #tpu.memory_space<semaphore_mem>>) src(%arg10 : memref<80x128xf32, #tpu.memory_space<vmem>>) dst(%dma_wait3A_385 : memref<10240x128xf32, #tpu.memory_space<vmem_shared>>)
        tpu.yield
      }) : () -> ()
      %dma_start3A_336 = arith.constant 0 : i32
      %dma_start3A_337 = arith.constant 0 : i32
      %dma_start3A_338 = tpu.memref_slice %arg2[%dma_start3A_336, %dma_start3A_337] : memref<10000x128xf32, #tpu.memory_space<hbm>> -> memref<10000x128xf32, #tpu.memory_space<hbm>>
      tpu.enqueue_indirect_dma source(%dma_start3A_338 : memref<10000x128xf32, #tpu.memory_space<hbm>>) target(%arg10 : memref<80x128xf32, #tpu.memory_space<vmem>>) offsets(%arg14 : memref<80xi32, #tpu.memory_space<vmem>>) semaphore(%arg30 : memref<!tpu.dma_semaphore, #tpu.memory_space<semaphore_mem>>)
      %add3A_339 = arith.constant 2 : i32
      %add3A_340 = arith.addi %add3A_282, %add3A_339 : i32
      %min3A_341 = arith.constant 30 : i32
      %min3A_342 = arith.minsi %add3A_340, %min3A_341 : i32
      %mul3A_343 = arith.constant 4 : i32
      %mul3A_344 = arith.muli %min3A_342, %mul3A_343 : i32
      %mul3A_345 = arith.constant 80 : i32
      %mul3A_346 = arith.muli %mul3A_344, %mul3A_345 : i32
      %add3A_347 = arith.addi %mul3A_4, %mul3A_346 : i32
      %add3A_348 = arith.constant 0 : i32
      %add3A_349 = arith.addi %add3A_347, %add3A_348 : i32
      %dma_start3A_350 = tpu.memref_slice %arg3[%add3A_349] : memref<320000xi32, #tpu.memory_space<hbm>> -> memref<80xi32, #tpu.memory_space<hbm>>
      %dma_start3A_351 = tpu.memref_slice %arg3[%add3A_349] : memref<320000xi32, #tpu.memory_space<hbm>> -> memref<80xi32, #tpu.memory_space<hbm>>
      tpu.enqueue_dma source(%dma_start3A_351 : memref<80xi32, #tpu.memory_space<hbm>>) target(%arg15 : memref<80xi32, #tpu.memory_space<vmem>>) target_semaphore(%arg32 : memref<!tpu.dma_semaphore, #tpu.memory_space<semaphore_mem>>)
      %add3A_352 = arith.constant 0 : i32
      %add3A_353 = arith.addi %add3A_347, %add3A_352 : i32
      %dma_start3A_354 = tpu.memref_slice %arg4[%add3A_353] : memref<320000xi32, #tpu.memory_space<hbm>> -> memref<80xi32, #tpu.memory_space<hbm>>
      %dma_start3A_355 = tpu.memref_slice %arg4[%add3A_353] : memref<320000xi32, #tpu.memory_space<hbm>> -> memref<80xi32, #tpu.memory_space<hbm>>
      tpu.enqueue_dma source(%dma_start3A_355 : memref<80xi32, #tpu.memory_space<hbm>>) target(%arg23 : memref<80xi32, #tpu.memory_space<vmem>>) target_semaphore(%arg32 : memref<!tpu.dma_semaphore, #tpu.memory_space<semaphore_mem>>)
      %add3A_356 = arith.constant 80 : i32
      %add3A_357 = arith.addi %add3A_347, %add3A_356 : i32
      %dma_start3A_358 = tpu.memref_slice %arg3[%add3A_357] : memref<320000xi32, #tpu.memory_space<hbm>> -> memref<80xi32, #tpu.memory_space<hbm>>
      %dma_start3A_359 = tpu.memref_slice %arg3[%add3A_357] : memref<320000xi32, #tpu.memory_space<hbm>> -> memref<80xi32, #tpu.memory_space<hbm>>
      tpu.enqueue_dma source(%dma_start3A_359 : memref<80xi32, #tpu.memory_space<hbm>>) target(%arg16 : memref<80xi32, #tpu.memory_space<vmem>>) target_semaphore(%arg32 : memref<!tpu.dma_semaphore, #tpu.memory_space<semaphore_mem>>)
      %add3A_360 = arith.constant 80 : i32
      %add3A_361 = arith.addi %add3A_347, %add3A_360 : i32
      %dma_start3A_362 = tpu.memref_slice %arg4[%add3A_361] : memref<320000xi32, #tpu.memory_space<hbm>> -> memref<80xi32, #tpu.memory_space<hbm>>
      %dma_start3A_363 = tpu.memref_slice %arg4[%add3A_361] : memref<320000xi32, #tpu.memory_space<hbm>> -> memref<80xi32, #tpu.memory_space<hbm>>
      tpu.enqueue_dma source(%dma_start3A_363 : memref<80xi32, #tpu.memory_space<hbm>>) target(%arg24 : memref<80xi32, #tpu.memory_space<vmem>>) target_semaphore(%arg32 : memref<!tpu.dma_semaphore, #tpu.memory_space<semaphore_mem>>)
      %add3A_364 = arith.constant 160 : i32
      %add3A_365 = arith.addi %add3A_347, %add3A_364 : i32
      %dma_start3A_366 = tpu.memref_slice %arg3[%add3A_365] : memref<320000xi32, #tpu.memory_space<hbm>> -> memref<80xi32, #tpu.memory_space<hbm>>
      %dma_start3A_367 = tpu.memref_slice %arg3[%add3A_365] : memref<320000xi32, #tpu.memory_space<hbm>> -> memref<80xi32, #tpu.memory_space<hbm>>
      tpu.enqueue_dma source(%dma_start3A_367 : memref<80xi32, #tpu.memory_space<hbm>>) target(%arg17 : memref<80xi32, #tpu.memory_space<vmem>>) target_semaphore(%arg32 : memref<!tpu.dma_semaphore, #tpu.memory_space<semaphore_mem>>)
      %add3A_368 = arith.constant 160 : i32
      %add3A_369 = arith.addi %add3A_347, %add3A_368 : i32
      %dma_start3A_370 = tpu.memref_slice %arg4[%add3A_369] : memref<320000xi32, #tpu.memory_space<hbm>> -> memref<80xi32, #tpu.memory_space<hbm>>
      %dma_start3A_371 = tpu.memref_slice %arg4[%add3A_369] : memref<320000xi32, #tpu.memory_space<hbm>> -> memref<80xi32, #tpu.memory_space<hbm>>
      tpu.enqueue_dma source(%dma_start3A_371 : memref<80xi32, #tpu.memory_space<hbm>>) target(%arg25 : memref<80xi32, #tpu.memory_space<vmem>>) target_semaphore(%arg32 : memref<!tpu.dma_semaphore, #tpu.memory_space<semaphore_mem>>)
      %add3A_372 = arith.constant 240 : i32
      %add3A_373 = arith.addi %add3A_347, %add3A_372 : i32
      %dma_start3A_374 = tpu.memref_slice %arg3[%add3A_373] : memref<320000xi32, #tpu.memory_space<hbm>> -> memref<80xi32, #tpu.memory_space<hbm>>
      %dma_start3A_375 = tpu.memref_slice %arg3[%add3A_373] : memref<320000xi32, #tpu.memory_space<hbm>> -> memref<80xi32, #tpu.memory_space<hbm>>
      tpu.enqueue_dma source(%dma_start3A_375 : memref<80xi32, #tpu.memory_space<hbm>>) target(%arg18 : memref<80xi32, #tpu.memory_space<vmem>>) target_semaphore(%arg32 : memref<!tpu.dma_semaphore, #tpu.memory_space<semaphore_mem>>)
      %add3A_376 = arith.constant 240 : i32
      %add3A_377 = arith.addi %add3A_347, %add3A_376 : i32
      %dma_start3A_378 = tpu.memref_slice %arg4[%add3A_377] : memref<320000xi32, #tpu.memory_space<hbm>> -> memref<80xi32, #tpu.memory_space<hbm>>
      %dma_start3A_379 = tpu.memref_slice %arg4[%add3A_377] : memref<320000xi32, #tpu.memory_space<hbm>> -> memref<80xi32, #tpu.memory_space<hbm>>
      tpu.enqueue_dma source(%dma_start3A_379 : memref<80xi32, #tpu.memory_space<hbm>>) target(%arg26 : memref<80xi32, #tpu.memory_space<vmem>>) target_semaphore(%arg32 : memref<!tpu.dma_semaphore, #tpu.memory_space<semaphore_mem>>)
    }
    %scan3A_121 = arith.constant 15 : i32
    %dma_wait3A_122 = arith.constant 0 : i32
    %dma_wait3A_123 = tpu.memref_slice %arg3[%dma_wait3A_122] : memref<320000xi32, #tpu.memory_space<hbm>> -> memref<80xi32, #tpu.memory_space<hbm>>
    %dma_wait3A_124 = arith.constant 0 : i32
    %dma_wait3A_125 = tpu.memref_slice %arg3[%dma_wait3A_124] : memref<320000xi32, #tpu.memory_space<hbm>> -> memref<80xi32, #tpu.memory_space<hbm>>
    tpu.wait_dma2 semaphore(%arg32 : memref<!tpu.dma_semaphore, #tpu.memory_space<semaphore_mem>>) src(%dma_wait3A_125 : memref<80xi32, #tpu.memory_space<hbm>>) dst(%arg15 : memref<80xi32, #tpu.memory_space<vmem>>)
    %dma_wait3A_126 = arith.constant 0 : i32
    %dma_wait3A_127 = tpu.memref_slice %arg4[%dma_wait3A_126] : memref<320000xi32, #tpu.memory_space<hbm>> -> memref<80xi32, #tpu.memory_space<hbm>>
    %dma_wait3A_128 = arith.constant 0 : i32
    %dma_wait3A_129 = tpu.memref_slice %arg4[%dma_wait3A_128] : memref<320000xi32, #tpu.memory_space<hbm>> -> memref<80xi32, #tpu.memory_space<hbm>>
    tpu.wait_dma2 semaphore(%arg32 : memref<!tpu.dma_semaphore, #tpu.memory_space<semaphore_mem>>) src(%dma_wait3A_129 : memref<80xi32, #tpu.memory_space<hbm>>) dst(%arg23 : memref<80xi32, #tpu.memory_space<vmem>>)
    %dma_wait3A_130 = arith.constant 0 : i32
    %dma_wait3A_131 = tpu.memref_slice %arg3[%dma_wait3A_130] : memref<320000xi32, #tpu.memory_space<hbm>> -> memref<80xi32, #tpu.memory_space<hbm>>
    %dma_wait3A_132 = arith.constant 0 : i32
    %dma_wait3A_133 = tpu.memref_slice %arg3[%dma_wait3A_132] : memref<320000xi32, #tpu.memory_space<hbm>> -> memref<80xi32, #tpu.memory_space<hbm>>
    tpu.wait_dma2 semaphore(%arg32 : memref<!tpu.dma_semaphore, #tpu.memory_space<semaphore_mem>>) src(%dma_wait3A_133 : memref<80xi32, #tpu.memory_space<hbm>>) dst(%arg16 : memref<80xi32, #tpu.memory_space<vmem>>)
    %dma_wait3A_134 = arith.constant 0 : i32
    %dma_wait3A_135 = tpu.memref_slice %arg4[%dma_wait3A_134] : memref<320000xi32, #tpu.memory_space<hbm>> -> memref<80xi32, #tpu.memory_space<hbm>>
    %dma_wait3A_136 = arith.constant 0 : i32
    %dma_wait3A_137 = tpu.memref_slice %arg4[%dma_wait3A_136] : memref<320000xi32, #tpu.memory_space<hbm>> -> memref<80xi32, #tpu.memory_space<hbm>>
    tpu.wait_dma2 semaphore(%arg32 : memref<!tpu.dma_semaphore, #tpu.memory_space<semaphore_mem>>) src(%dma_wait3A_137 : memref<80xi32, #tpu.memory_space<hbm>>) dst(%arg24 : memref<80xi32, #tpu.memory_space<vmem>>)
    %dma_wait3A_138 = arith.constant 0 : i32
    %dma_wait3A_139 = tpu.memref_slice %arg3[%dma_wait3A_138] : memref<320000xi32, #tpu.memory_space<hbm>> -> memref<80xi32, #tpu.memory_space<hbm>>
    %dma_wait3A_140 = arith.constant 0 : i32
    %dma_wait3A_141 = tpu.memref_slice %arg3[%dma_wait3A_140] : memref<320000xi32, #tpu.memory_space<hbm>> -> memref<80xi32, #tpu.memory_space<hbm>>
    tpu.wait_dma2 semaphore(%arg32 : memref<!tpu.dma_semaphore, #tpu.memory_space<semaphore_mem>>) src(%dma_wait3A_141 : memref<80xi32, #tpu.memory_space<hbm>>) dst(%arg17 : memref<80xi32, #tpu.memory_space<vmem>>)
    %dma_wait3A_142 = arith.constant 0 : i32
    %dma_wait3A_143 = tpu.memref_slice %arg4[%dma_wait3A_142] : memref<320000xi32, #tpu.memory_space<hbm>> -> memref<80xi32, #tpu.memory_space<hbm>>
    %dma_wait3A_144 = arith.constant 0 : i32
    %dma_wait3A_145 = tpu.memref_slice %arg4[%dma_wait3A_144] : memref<320000xi32, #tpu.memory_space<hbm>> -> memref<80xi32, #tpu.memory_space<hbm>>
    tpu.wait_dma2 semaphore(%arg32 : memref<!tpu.dma_semaphore, #tpu.memory_space<semaphore_mem>>) src(%dma_wait3A_145 : memref<80xi32, #tpu.memory_space<hbm>>) dst(%arg25 : memref<80xi32, #tpu.memory_space<vmem>>)
    %dma_wait3A_146 = arith.constant 0 : i32
    %dma_wait3A_147 = tpu.memref_slice %arg3[%dma_wait3A_146] : memref<320000xi32, #tpu.memory_space<hbm>> -> memref<80xi32, #tpu.memory_space<hbm>>
    %dma_wait3A_148 = arith.constant 0 : i32
    %dma_wait3A_149 = tpu.memref_slice %arg3[%dma_wait3A_148] : memref<320000xi32, #tpu.memory_space<hbm>> -> memref<80xi32, #tpu.memory_space<hbm>>
    tpu.wait_dma2 semaphore(%arg32 : memref<!tpu.dma_semaphore, #tpu.memory_space<semaphore_mem>>) src(%dma_wait3A_149 : memref<80xi32, #tpu.memory_space<hbm>>) dst(%arg18 : memref<80xi32, #tpu.memory_space<vmem>>)
    %dma_wait3A_150 = arith.constant 0 : i32
    %dma_wait3A_151 = tpu.memref_slice %arg4[%dma_wait3A_150] : memref<320000xi32, #tpu.memory_space<hbm>> -> memref<80xi32, #tpu.memory_space<hbm>>
    %dma_wait3A_152 = arith.constant 0 : i32
    %dma_wait3A_153 = tpu.memref_slice %arg4[%dma_wait3A_152] : memref<320000xi32, #tpu.memory_space<hbm>> -> memref<80xi32, #tpu.memory_space<hbm>>
    tpu.wait_dma2 semaphore(%arg32 : memref<!tpu.dma_semaphore, #tpu.memory_space<semaphore_mem>>) src(%dma_wait3A_153 : memref<80xi32, #tpu.memory_space<hbm>>) dst(%arg26 : memref<80xi32, #tpu.memory_space<vmem>>)
    %dma_wait3A_154 = arith.constant 0 : i32
    %dma_wait3A_155 = arith.constant 0 : i32
    %dma_wait3A_156 = tpu.memref_slice %arg2[%dma_wait3A_154, %dma_wait3A_155] : memref<10000x128xf32, #tpu.memory_space<hbm>> -> memref<10000x128xf32, #tpu.memory_space<hbm>>
    tpu.wait_indirect_dma semaphore(%arg27 : memref<!tpu.dma_semaphore, #tpu.memory_space<semaphore_mem>>) src(%dma_wait3A_156 : memref<10000x128xf32, #tpu.memory_space<hbm>>) dst(%arg7 : memref<80x128xf32, #tpu.memory_space<vmem>>)
    "tpu.region"() ({
      %run_scoped3A = tpu.sem_alloc : memref<!tpu.dma_semaphore, #tpu.memory_space<semaphore_mem>>
      %dma_start3A_180 = arith.constant 0 : i32
      %dma_start3A_181 = arith.constant 0 : i32
      %dma_start3A_182 = tpu.memref_slice %arg33[%dma_start3A_180, %dma_start3A_181] : memref<10240x128xf32, #tpu.memory_space<vmem_shared>> -> memref<10240x128xf32, #tpu.memory_space<vmem_shared>>
      tpu.enqueue_indirect_dma source(%arg7 : memref<80x128xf32, #tpu.memory_space<vmem>>) target(%dma_start3A_182 : memref<10240x128xf32, #tpu.memory_space<vmem_shared>>) offsets(%arg19 : memref<80xi32, #tpu.memory_space<vmem>>) semaphore(%run_scoped3A : memref<!tpu.dma_semaphore, #tpu.memory_space<semaphore_mem>>) {add = true}
      %dma_wait3A_183 = arith.constant 0 : i32
      %dma_wait3A_184 = arith.constant 0 : i32
      %dma_wait3A_185 = tpu.memref_slice %arg33[%dma_wait3A_183, %dma_wait3A_184] : memref<10240x128xf32, #tpu.memory_space<vmem_shared>> -> memref<10240x128xf32, #tpu.memory_space<vmem_shared>>
      tpu.wait_indirect_dma semaphore(%run_scoped3A : memref<!tpu.dma_semaphore, #tpu.memory_space<semaphore_mem>>) src(%arg7 : memref<80x128xf32, #tpu.memory_space<vmem>>) dst(%dma_wait3A_185 : memref<10240x128xf32, #tpu.memory_space<vmem_shared>>)
      tpu.yield
    }) : () -> ()
    %dma_wait3A_157 = arith.constant 0 : i32
    %dma_wait3A_158 = arith.constant 0 : i32
    %dma_wait3A_159 = tpu.memref_slice %arg2[%dma_wait3A_157, %dma_wait3A_158] : memref<10000x128xf32, #tpu.memory_space<hbm>> -> memref<10000x128xf32, #tpu.memory_space<hbm>>
    tpu.wait_indirect_dma semaphore(%arg28 : memref<!tpu.dma_semaphore, #tpu.memory_space<semaphore_mem>>) src(%dma_wait3A_159 : memref<10000x128xf32, #tpu.memory_space<hbm>>) dst(%arg8 : memref<80x128xf32, #tpu.memory_space<vmem>>)
    "tpu.region"() ({
      %run_scoped3A = tpu.sem_alloc : memref<!tpu.dma_semaphore, #tpu.memory_space<semaphore_mem>>
      %dma_start3A_180 = arith.constant 0 : i32
      %dma_start3A_181 = arith.constant 0 : i32
      %dma_start3A_182 = tpu.memref_slice %arg33[%dma_start3A_180, %dma_start3A_181] : memref<10240x128xf32, #tpu.memory_space<vmem_shared>> -> memref<10240x128xf32, #tpu.memory_space<vmem_shared>>
      tpu.enqueue_indirect_dma source(%arg8 : memref<80x128xf32, #tpu.memory_space<vmem>>) target(%dma_start3A_182 : memref<10240x128xf32, #tpu.memory_space<vmem_shared>>) offsets(%arg20 : memref<80xi32, #tpu.memory_space<vmem>>) semaphore(%run_scoped3A : memref<!tpu.dma_semaphore, #tpu.memory_space<semaphore_mem>>) {add = true}
      %dma_wait3A_183 = arith.constant 0 : i32
      %dma_wait3A_184 = arith.constant 0 : i32
      %dma_wait3A_185 = tpu.memref_slice %arg33[%dma_wait3A_183, %dma_wait3A_184] : memref<10240x128xf32, #tpu.memory_space<vmem_shared>> -> memref<10240x128xf32, #tpu.memory_space<vmem_shared>>
      tpu.wait_indirect_dma semaphore(%run_scoped3A : memref<!tpu.dma_semaphore, #tpu.memory_space<semaphore_mem>>) src(%arg8 : memref<80x128xf32, #tpu.memory_space<vmem>>) dst(%dma_wait3A_185 : memref<10240x128xf32, #tpu.memory_space<vmem_shared>>)
      tpu.yield
    }) : () -> ()
    %dma_wait3A_160 = arith.constant 0 : i32
    %dma_wait3A_161 = arith.constant 0 : i32
    %dma_wait3A_162 = tpu.memref_slice %arg2[%dma_wait3A_160, %dma_wait3A_161] : memref<10000x128xf32, #tpu.memory_space<hbm>> -> memref<10000x128xf32, #tpu.memory_space<hbm>>
    tpu.wait_indirect_dma semaphore(%arg29 : memref<!tpu.dma_semaphore, #tpu.memory_space<semaphore_mem>>) src(%dma_wait3A_162 : memref<10000x128xf32, #tpu.memory_space<hbm>>) dst(%arg9 : memref<80x128xf32, #tpu.memory_space<vmem>>)
    "tpu.region"() ({
      %run_scoped3A = tpu.sem_alloc : memref<!tpu.dma_semaphore, #tpu.memory_space<semaphore_mem>>
      %dma_start3A_180 = arith.constant 0 : i32
      %dma_start3A_181 = arith.constant 0 : i32
      %dma_start3A_182 = tpu.memref_slice %arg33[%dma_start3A_180, %dma_start3A_181] : memref<10240x128xf32, #tpu.memory_space<vmem_shared>> -> memref<10240x128xf32, #tpu.memory_space<vmem_shared>>
      tpu.enqueue_indirect_dma source(%arg9 : memref<80x128xf32, #tpu.memory_space<vmem>>) target(%dma_start3A_182 : memref<10240x128xf32, #tpu.memory_space<vmem_shared>>) offsets(%arg21 : memref<80xi32, #tpu.memory_space<vmem>>) semaphore(%run_scoped3A : memref<!tpu.dma_semaphore, #tpu.memory_space<semaphore_mem>>) {add = true}
      %dma_wait3A_183 = arith.constant 0 : i32
      %dma_wait3A_184 = arith.constant 0 : i32
      %dma_wait3A_185 = tpu.memref_slice %arg33[%dma_wait3A_183, %dma_wait3A_184] : memref<10240x128xf32, #tpu.memory_space<vmem_shared>> -> memref<10240x128xf32, #tpu.memory_space<vmem_shared>>
      tpu.wait_indirect_dma semaphore(%run_scoped3A : memref<!tpu.dma_semaphore, #tpu.memory_space<semaphore_mem>>) src(%arg9 : memref<80x128xf32, #tpu.memory_space<vmem>>) dst(%dma_wait3A_185 : memref<10240x128xf32, #tpu.memory_space<vmem_shared>>)
      tpu.yield
    }) : () -> ()
    %dma_wait3A_163 = arith.constant 0 : i32
    %dma_wait3A_164 = arith.constant 0 : i32
    %dma_wait3A_165 = tpu.memref_slice %arg2[%dma_wait3A_163, %dma_wait3A_164] : memref<10000x128xf32, #tpu.memory_space<hbm>> -> memref<10000x128xf32, #tpu.memory_space<hbm>>
    tpu.wait_indirect_dma semaphore(%arg30 : memref<!tpu.dma_semaphore, #tpu.memory_space<semaphore_mem>>) src(%dma_wait3A_165 : memref<10000x128xf32, #tpu.memory_space<hbm>>) dst(%arg10 : memref<80x128xf32, #tpu.memory_space<vmem>>)
    "tpu.region"() ({
      %run_scoped3A = tpu.sem_alloc : memref<!tpu.dma_semaphore, #tpu.memory_space<semaphore_mem>>
      %dma_start3A_180 = arith.constant 0 : i32
      %dma_start3A_181 = arith.constant 0 : i32
      %dma_start3A_182 = tpu.memref_slice %arg33[%dma_start3A_180, %dma_start3A_181] : memref<10240x128xf32, #tpu.memory_space<vmem_shared>> -> memref<10240x128xf32, #tpu.memory_space<vmem_shared>>
      tpu.enqueue_indirect_dma source(%arg10 : memref<80x128xf32, #tpu.memory_space<vmem>>) target(%dma_start3A_182 : memref<10240x128xf32, #tpu.memory_space<vmem_shared>>) offsets(%arg22 : memref<80xi32, #tpu.memory_space<vmem>>) semaphore(%run_scoped3A : memref<!tpu.dma_semaphore, #tpu.memory_space<semaphore_mem>>) {add = true}
      %dma_wait3A_183 = arith.constant 0 : i32
      %dma_wait3A_184 = arith.constant 0 : i32
      %dma_wait3A_185 = tpu.memref_slice %arg33[%dma_wait3A_183, %dma_wait3A_184] : memref<10240x128xf32, #tpu.memory_space<vmem_shared>> -> memref<10240x128xf32, #tpu.memory_space<vmem_shared>>
      tpu.wait_indirect_dma semaphore(%run_scoped3A : memref<!tpu.dma_semaphore, #tpu.memory_space<semaphore_mem>>) src(%arg10 : memref<80x128xf32, #tpu.memory_space<vmem>>) dst(%dma_wait3A_185 : memref<10240x128xf32, #tpu.memory_space<vmem_shared>>)
      tpu.yield
    }) : () -> ()
    %add3A_166 = arith.constant 9920 : i32
    %add3A_167 = arith.addi %mul3A_4, %add3A_166 : i32
    "tpu.region"() ({
      %run_scoped3A = tpu.sem_alloc : memref<!tpu.dma_semaphore, #tpu.memory_space<semaphore_mem>>
      %dma_start3A_180 = tpu.memref_slice %arg3[%add3A_167] : memref<320000xi32, #tpu.memory_space<hbm>> -> memref<80xi32, #tpu.memory_space<hbm>>
      %dma_start3A_181 = tpu.memref_slice %arg3[%add3A_167] : memref<320000xi32, #tpu.memory_space<hbm>> -> memref<80xi32, #tpu.memory_space<hbm>>
      tpu.enqueue_dma source(%dma_start3A_181 : memref<80xi32, #tpu.memory_space<hbm>>) target(%arg11 : memref<80xi32, #tpu.memory_space<vmem>>) target_semaphore(%run_scoped3A : memref<!tpu.dma_semaphore, #tpu.memory_space<semaphore_mem>>)
      %dma_wait3A_182 = tpu.memref_slice %arg3[%add3A_167] : memref<320000xi32, #tpu.memory_space<hbm>> -> memref<80xi32, #tpu.memory_space<hbm>>
      %dma_wait3A_183 = tpu.memref_slice %arg3[%add3A_167] : memref<320000xi32, #tpu.memory_space<hbm>> -> memref<80xi32, #tpu.memory_space<hbm>>
      tpu.wait_dma2 semaphore(%run_scoped3A : memref<!tpu.dma_semaphore, #tpu.memory_space<semaphore_mem>>) src(%dma_wait3A_183 : memref<80xi32, #tpu.memory_space<hbm>>) dst(%arg11 : memref<80xi32, #tpu.memory_space<vmem>>)
      tpu.yield
    }) : () -> ()
    "tpu.region"() ({
      %run_scoped3A = tpu.sem_alloc : memref<!tpu.dma_semaphore, #tpu.memory_space<semaphore_mem>>
      %dma_start3A_180 = tpu.memref_slice %arg4[%add3A_167] : memref<320000xi32, #tpu.memory_space<hbm>> -> memref<80xi32, #tpu.memory_space<hbm>>
      %dma_start3A_181 = tpu.memref_slice %arg4[%add3A_167] : memref<320000xi32, #tpu.memory_space<hbm>> -> memref<80xi32, #tpu.memory_space<hbm>>
      tpu.enqueue_dma source(%dma_start3A_181 : memref<80xi32, #tpu.memory_space<hbm>>) target(%arg19 : memref<80xi32, #tpu.memory_space<vmem>>) target_semaphore(%run_scoped3A : memref<!tpu.dma_semaphore, #tpu.memory_space<semaphore_mem>>)
      %dma_wait3A_182 = tpu.memref_slice %arg4[%add3A_167] : memref<320000xi32, #tpu.memory_space<hbm>> -> memref<80xi32, #tpu.memory_space<hbm>>
      %dma_wait3A_183 = tpu.memref_slice %arg4[%add3A_167] : memref<320000xi32, #tpu.memory_space<hbm>> -> memref<80xi32, #tpu.memory_space<hbm>>
      tpu.wait_dma2 semaphore(%run_scoped3A : memref<!tpu.dma_semaphore, #tpu.memory_space<semaphore_mem>>) src(%dma_wait3A_183 : memref<80xi32, #tpu.memory_space<hbm>>) dst(%arg19 : memref<80xi32, #tpu.memory_space<vmem>>)
      tpu.yield
    }) : () -> ()
    %dma_start3A_168 = arith.constant 0 : i32
    %dma_start3A_169 = arith.constant 0 : i32
    %dma_start3A_170 = tpu.memref_slice %arg2[%dma_start3A_168, %dma_start3A_169] : memref<10000x128xf32, #tpu.memory_space<hbm>> -> memref<10000x128xf32, #tpu.memory_space<hbm>>
    tpu.enqueue_indirect_dma source(%dma_start3A_170 : memref<10000x128xf32, #tpu.memory_space<hbm>>) target(%arg7 : memref<80x128xf32, #tpu.memory_space<vmem>>) offsets(%arg11 : memref<80xi32, #tpu.memory_space<vmem>>) semaphore(%arg27 : memref<!tpu.dma_semaphore, #tpu.memory_space<semaphore_mem>>)
    %dma_wait3A_171 = arith.constant 0 : i32
    %dma_wait3A_172 = arith.constant 0 : i32
    %dma_wait3A_173 = tpu.memref_slice %arg2[%dma_wait3A_171, %dma_wait3A_172] : memref<10000x128xf32, #tpu.memory_space<hbm>> -> memref<10000x128xf32, #tpu.memory_space<hbm>>
    tpu.wait_indirect_dma semaphore(%arg27 : memref<!tpu.dma_semaphore, #tpu.memory_space<semaphore_mem>>) src(%dma_wait3A_173 : memref<10000x128xf32, #tpu.memory_space<hbm>>) dst(%arg7 : memref<80x128xf32, #tpu.memory_space<vmem>>)
    "tpu.region"() ({
      %run_scoped3A = tpu.sem_alloc : memref<!tpu.dma_semaphore, #tpu.memory_space<semaphore_mem>>
      %dma_start3A_180 = arith.constant 0 : i32
      %dma_start3A_181 = arith.constant 0 : i32
      %dma_start3A_182 = tpu.memref_slice %arg33[%dma_start3A_180, %dma_start3A_181] : memref<10240x128xf32, #tpu.memory_space<vmem_shared>> -> memref<10240x128xf32, #tpu.memory_space<vmem_shared>>
      tpu.enqueue_indirect_dma source(%arg7 : memref<80x128xf32, #tpu.memory_space<vmem>>) target(%dma_start3A_182 : memref<10240x128xf32, #tpu.memory_space<vmem_shared>>) offsets(%arg19 : memref<80xi32, #tpu.memory_space<vmem>>) semaphore(%run_scoped3A : memref<!tpu.dma_semaphore, #tpu.memory_space<semaphore_mem>>) {add = true}
      %dma_wait3A_183 = arith.constant 0 : i32
      %dma_wait3A_184 = arith.constant 0 : i32
      %dma_wait3A_185 = tpu.memref_slice %arg33[%dma_wait3A_183, %dma_wait3A_184] : memref<10240x128xf32, #tpu.memory_space<vmem_shared>> -> memref<10240x128xf32, #tpu.memory_space<vmem_shared>>
      tpu.wait_indirect_dma semaphore(%run_scoped3A : memref<!tpu.dma_semaphore, #tpu.memory_space<semaphore_mem>>) src(%arg7 : memref<80x128xf32, #tpu.memory_space<vmem>>) dst(%dma_wait3A_185 : memref<10240x128xf32, #tpu.memory_space<vmem_shared>>)
      tpu.yield
    }) : () -> ()
    %barrier3A_174 = arith.constant 0 : index
    tpu.barrier barrier_id(%barrier3A_174)
    %eq3A_175 = arith.constant 0 : i32
    %eq3A_176 = arith.cmpi eq, %arg1, %eq3A_175 : i32
    %convert_element_type3A_177 = arith.extui %eq3A_176 : i1 to i32
    %cond3A_178 = arith.constant 0 : i32
    %cond3A_179 = arith.cmpi ne, %convert_element_type3A_177, %cond3A_178 : i32
    scf.if %cond3A_179 {
      "tpu.region"() ({
        %run_scoped3A = tpu.sem_alloc : memref<!tpu.dma_semaphore, #tpu.memory_space<semaphore_mem>>
        %dma_start3A_180 = arith.constant 0 : i32
        %dma_start3A_181 = arith.constant 0 : i32
        %dma_start3A_182 = tpu.memref_slice %arg6[%arg0, %dma_start3A_180, %dma_start3A_181] : memref<2x10240x128xf32, #tpu.memory_space<hbm>> -> memref<1x10240x128xf32, #tpu.memory_space<hbm>>
        %dma_start3A_183 = tpu.memref_squeeze %dma_start3A_182 : memref<1x10240x128xf32, #tpu.memory_space<hbm>> -> memref<10240x128xf32, #tpu.memory_space<hbm>>
        tpu.enqueue_dma source(%arg33 : memref<10240x128xf32, #tpu.memory_space<vmem_shared>>) target(%dma_start3A_183 : memref<10240x128xf32, #tpu.memory_space<hbm>>) target_semaphore(%run_scoped3A : memref<!tpu.dma_semaphore, #tpu.memory_space<semaphore_mem>>)
        %dma_wait3A_184 = arith.constant 0 : i32
        %dma_wait3A_185 = arith.constant 0 : i32
        %dma_wait3A_186 = tpu.memref_slice %arg6[%arg0, %dma_wait3A_184, %dma_wait3A_185] : memref<2x10240x128xf32, #tpu.memory_space<hbm>> -> memref<1x10240x128xf32, #tpu.memory_space<hbm>>
        %dma_wait3A_187 = tpu.memref_squeeze %dma_wait3A_186 : memref<1x10240x128xf32, #tpu.memory_space<hbm>> -> memref<10240x128xf32, #tpu.memory_space<hbm>>
        tpu.wait_dma2 semaphore(%run_scoped3A : memref<!tpu.dma_semaphore, #tpu.memory_space<semaphore_mem>>) src(%arg33 : memref<10240x128xf32, #tpu.memory_space<vmem_shared>>) dst(%dma_wait3A_187 : memref<10240x128xf32, #tpu.memory_space<hbm>>)
        tpu.yield
      }) : () -> ()
    } else {
    }
    return
  }
}

module attributes {stable_mosaic.version = 14 : i64} {
  func.func @_l1_body(%arg0: i32, %arg1: memref<2x1000x128xf32, #tpu.memory_space<vmem>>, %arg2: memref<1000x128xf32, #tpu.memory_space<vmem>>, %arg3: memref<128x128xf32, #tpu.memory_space<vmem>>, %arg4: memref<1000x128xf32, #tpu.memory_space<vmem>>, %arg5: memref<1000x128xf32, #tpu.memory_space<vmem>>) attributes {dimension_semantics = [#tpu.dimension_semantics<arbitrary>], iteration_bounds = array<i64: 10>, scalar_prefetch = 0 : i64, scratch_operands = 0 : i64, tpu.core_type = #tpu.core_type<tc>, window_params = [{transform_indices = @transform_0, window_bounds = array<i64: 2, 1000, 128>}, {transform_indices = @transform_1, window_bounds = array<i64: 1000, 128>}, {pipeline_mode = #tpu.pipeline_mode<synchronous>, transform_indices = @transform_2, window_bounds = array<i64: 128, 128>}, {transform_indices = @transform_3, window_bounds = array<i64: 1000, 128>}, {transform_indices = @transform_4, window_bounds = array<i64: 1000, 128>}]} {
    %get3A = arith.constant 0 : index
    %get3A_0 = arith.constant 0 : index
    %get3A_1 = arith.constant 0 : index
    %get3A_2 = vector.load %arg1[%get3A, %get3A_0, %get3A_1] : memref<2x1000x128xf32, #tpu.memory_space<vmem>>, vector<2x1000x128xf32>
    %slice3A = vector.extract_strided_slice %get3A_2 {offsets = [0, 0, 0], sizes = [1, 1000, 128], strides = [1, 1, 1]} : vector<2x1000x128xf32> to vector<1x1000x128xf32>
    %squeeze3A = vector.shape_cast %slice3A : vector<1x1000x128xf32> to vector<1000x128xf32>
    %slice3A_3 = vector.extract_strided_slice %get3A_2 {offsets = [1, 0, 0], sizes = [1, 1000, 128], strides = [1, 1, 1]} : vector<2x1000x128xf32> to vector<1x1000x128xf32>
    %squeeze3A_4 = vector.shape_cast %slice3A_3 : vector<1x1000x128xf32> to vector<1000x128xf32>
    %add3A = arith.addf %squeeze3A, %squeeze3A_4 : vector<1000x128xf32>
    %add3A_5 = arith.constant 1.000000e+00 : f32
    %add3A_6 = vector.broadcast %add3A_5 : f32 to vector<1000x128xf32>
    %add3A_7 = arith.addf %add3A, %add3A_6 : vector<1000x128xf32>
    %rsqrt3A = math.rsqrt %add3A_7 : vector<1000x128xf32>
    %slice3A_8 = vector.extract_strided_slice %rsqrt3A {offsets = [0, 0], sizes = [1000, 1], strides = [1, 1]} : vector<1000x128xf32> to vector<1000x1xf32>
    %get3A_9 = arith.constant 0 : index
    %get3A_10 = arith.constant 0 : index
    %get3A_11 = vector.load %arg2[%get3A_9, %get3A_10] : memref<1000x128xf32, #tpu.memory_space<vmem>>, vector<1000x128xf32>
    %get3A_12 = arith.constant 0 : index
    %get3A_13 = arith.constant 0 : index
    %get3A_14 = vector.load %arg3[%get3A_12, %get3A_13] : memref<128x128xf32, #tpu.memory_space<vmem>>, vector<128x128xf32>
    %dot_general3A = arith.constant dense<0.000000e+00> : vector<1000x128xf32>
    %dot_general3A_15 = tpu.matmul %get3A_11, %get3A_14, %dot_general3A {dimension_numbers = #tpu.dot_dimension_numbers<[1], [0], [0], [1], [0, 0, 1, 1], [], []>, transpose_lhs_hint = false} : vector<1000x128xf32>, vector<128x128xf32>, vector<1000x128xf32> -> vector<1000x128xf32>
    %swap3A = arith.constant 0 : index
    %swap3A_16 = arith.constant 0 : index
    %swap3A_17 = vector.load %arg4[%swap3A, %swap3A_16] : memref<1000x128xf32, #tpu.memory_space<vmem>>, vector<1000x128xf32>
    tpu.vector_store %arg4[%swap3A, %swap3A_16], %dot_general3A_15 {strides = array<i32>} : memref<1000x128xf32, #tpu.memory_space<vmem>>, vector<1000x128xf32>,
    %mul3A = vector.broadcast %slice3A_8 : vector<1000x1xf32> to vector<1000x128xf32>
    %mul3A_18 = arith.mulf %dot_general3A_15, %mul3A : vector<1000x128xf32>
    %swap3A_19 = arith.constant 0 : index
    %swap3A_20 = arith.constant 0 : index
    %swap3A_21 = vector.load %arg5[%swap3A_19, %swap3A_20] : memref<1000x128xf32, #tpu.memory_space<vmem>>, vector<1000x128xf32>
    tpu.vector_store %arg5[%swap3A_19, %swap3A_20], %mul3A_18 {strides = array<i32>} : memref<1000x128xf32, #tpu.memory_space<vmem>>, vector<1000x128xf32>,
    return
  }
  func.func @transform_0(%arg0: i32) -> (i32, i32, i32) {
    %c0_i32 = arith.constant 0 : i32
    %c0_i32_0 = arith.constant 0 : i32
    %c0_i32_1 = arith.constant 0 : i32
    return %c0_i32, %arg0, %c0_i32_0 : i32, i32, i32
  }
  func.func @transform_1(%arg0: i32) -> (i32, i32) {
    %c0_i32 = arith.constant 0 : i32
    %c0_i32_0 = arith.constant 0 : i32
    return %arg0, %c0_i32 : i32, i32
  }
  func.func @transform_2(%arg0: i32) -> (i32, i32) {
    %c0_i32 = arith.constant 0 : i32
    %c0_i32_0 = arith.constant 0 : i32
    %c0_i32_1 = arith.constant 0 : i32
    return %c0_i32, %c0_i32_0 : i32, i32
  }
  func.func @transform_3(%arg0: i32) -> (i32, i32) {
    %c0_i32 = arith.constant 0 : i32
    %c0_i32_0 = arith.constant 0 : i32
    return %arg0, %c0_i32 : i32, i32
  }
  func.func @transform_4(%arg0: i32) -> (i32, i32) {
    %c0_i32 = arith.constant 0 : i32
    %c0_i32_0 = arith.constant 0 : i32
    return %arg0, %c0_i32 : i32, i32
  }
}

module attributes {stable_mosaic.version = 14 : i64} {
  func.func @_post1_body(%arg0: i32, %arg1: memref<2x1000x128xf32, #tpu.memory_space<vmem>>, %arg2: memref<1000x128xf32, #tpu.memory_space<vmem>>, %arg3: memref<2x1000x128xf32, #tpu.memory_space<vmem>>, %arg4: memref<1x128xf32, #tpu.memory_space<vmem>>, %arg5: memref<1000x128xf32, #tpu.memory_space<vmem>>, %arg6: memref<1000x128xf32, #tpu.memory_space<vmem>>, %arg7: memref<1000x128xf32, #tpu.memory_space<vmem>>) attributes {dimension_semantics = [#tpu.dimension_semantics<arbitrary>], iteration_bounds = array<i64: 10>, scalar_prefetch = 0 : i64, scratch_operands = 0 : i64, tpu.core_type = #tpu.core_type<tc>, window_params = [{transform_indices = @transform_0, window_bounds = array<i64: 2, 1000, 128>}, {transform_indices = @transform_1, window_bounds = array<i64: 1000, 128>}, {transform_indices = @transform_2, window_bounds = array<i64: 2, 1000, 128>}, {pipeline_mode = #tpu.pipeline_mode<synchronous>, transform_indices = @transform_3, window_bounds = array<i64: 1, 128>}, {transform_indices = @transform_4, window_bounds = array<i64: 1000, 128>}, {transform_indices = @transform_5, window_bounds = array<i64: 1000, 128>}, {transform_indices = @transform_6, window_bounds = array<i64: 1000, 128>}]} {
    %get3A = arith.constant 0 : index
    %get3A_0 = arith.constant 0 : index
    %get3A_1 = arith.constant 0 : index
    %get3A_2 = vector.load %arg1[%get3A, %get3A_0, %get3A_1] : memref<2x1000x128xf32, #tpu.memory_space<vmem>>, vector<2x1000x128xf32>
    %slice3A = vector.extract_strided_slice %get3A_2 {offsets = [0, 0, 0], sizes = [1, 1000, 128], strides = [1, 1, 1]} : vector<2x1000x128xf32> to vector<1x1000x128xf32>
    %squeeze3A = vector.shape_cast %slice3A : vector<1x1000x128xf32> to vector<1000x128xf32>
    %slice3A_3 = vector.extract_strided_slice %get3A_2 {offsets = [1, 0, 0], sizes = [1, 1000, 128], strides = [1, 1, 1]} : vector<2x1000x128xf32> to vector<1x1000x128xf32>
    %squeeze3A_4 = vector.shape_cast %slice3A_3 : vector<1x1000x128xf32> to vector<1000x128xf32>
    %add3A = arith.addf %squeeze3A, %squeeze3A_4 : vector<1000x128xf32>
    %add3A_5 = arith.constant 1.000000e+00 : f32
    %add3A_6 = vector.broadcast %add3A_5 : f32 to vector<1000x128xf32>
    %add3A_7 = arith.addf %add3A, %add3A_6 : vector<1000x128xf32>
    %rsqrt3A = math.rsqrt %add3A_7 : vector<1000x128xf32>
    %slice3A_8 = vector.extract_strided_slice %rsqrt3A {offsets = [0, 0], sizes = [1000, 1], strides = [1, 1]} : vector<1000x128xf32> to vector<1000x1xf32>
    %get3A_9 = arith.constant 0 : index
    %get3A_10 = arith.constant 0 : index
    %get3A_11 = arith.constant 0 : index
    %get3A_12 = vector.load %arg3[%get3A_9, %get3A_10, %get3A_11] : memref<2x1000x128xf32, #tpu.memory_space<vmem>>, vector<1x1000x128xf32>
    %get3A_13 = vector.shape_cast %get3A_12 : vector<1x1000x128xf32> to vector<1000x128xf32>
    %get3A_14 = arith.constant 1 : index
    %get3A_15 = arith.constant 0 : index
    %get3A_16 = arith.constant 0 : index
    %get3A_17 = vector.load %arg3[%get3A_14, %get3A_15, %get3A_16] : memref<2x1000x128xf32, #tpu.memory_space<vmem>>, vector<1x1000x128xf32>
    %get3A_18 = vector.shape_cast %get3A_17 : vector<1x1000x128xf32> to vector<1000x128xf32>
    %add3A_19 = arith.addf %get3A_13, %get3A_18 : vector<1000x128xf32>
    %get3A_20 = arith.constant 0 : index
    %get3A_21 = arith.constant 0 : index
    %get3A_22 = vector.load %arg2[%get3A_20, %get3A_21] : memref<1000x128xf32, #tpu.memory_space<vmem>>, vector<1000x128xf32>
    %mul3A = vector.broadcast %slice3A_8 : vector<1000x1xf32> to vector<1000x128xf32>
    %mul3A_23 = arith.mulf %mul3A, %add3A_19 : vector<1000x128xf32>
    %mul3A_24 = arith.mulf %slice3A_8, %slice3A_8 : vector<1000x1xf32>
    %mul3A_25 = vector.broadcast %mul3A_24 : vector<1000x1xf32> to vector<1000x128xf32>
    %mul3A_26 = arith.mulf %mul3A_25, %get3A_22 : vector<1000x128xf32>
    %add3A_27 = arith.addf %mul3A_23, %mul3A_26 : vector<1000x128xf32>
    %get3A_28 = arith.constant 0 : index
    %get3A_29 = arith.constant 0 : index
    %get3A_30 = vector.load %arg4[%get3A_28, %get3A_29] : memref<1x128xf32, #tpu.memory_space<vmem>>, vector<1x128xf32>
    %add3A_31 = vector.broadcast %get3A_30 : vector<1x128xf32> to vector<1000x128xf32>
    %add3A_32 = arith.addf %add3A_27, %add3A_31 : vector<1000x128xf32>
    %ge3A = arith.constant 0.000000e+00 : f32
    %ge3A_33 = vector.broadcast %ge3A : f32 to vector<1000x128xf32>
    %ge3A_34 = arith.cmpf oge, %add3A_32, %ge3A_33 : vector<1000x128xf32>
    %mul3A_35 = arith.constant 0.00999999977 : f32
    %mul3A_36 = vector.broadcast %mul3A_35 : f32 to vector<1000x128xf32>
    %mul3A_37 = arith.mulf %mul3A_36, %add3A_32 : vector<1000x128xf32>
    %select_n3A = arith.select %ge3A_34, %add3A_32, %mul3A_37 : vector<1000x128xi1>, vector<1000x128xf32>
    %jit3A = arith.constant -3.000000e+00 : f32
    %jit3A_38 = arith.constant 1.000000e+00 : f32
    %max3A = vector.broadcast %jit3A : f32 to vector<1000x128xf32>
    %max3A_39 = arith.maximumf %max3A, %select_n3A : vector<1000x128xf32>
    %min3A = vector.broadcast %jit3A_38 : f32 to vector<1000x128xf32>
    %min3A_40 = arith.minimumf %min3A, %max3A_39 : vector<1000x128xf32>
    %swap3A = arith.constant 0 : index
    %swap3A_41 = arith.constant 0 : index
    %swap3A_42 = vector.load %arg5[%swap3A, %swap3A_41] : memref<1000x128xf32, #tpu.memory_space<vmem>>, vector<1000x128xf32>
    tpu.vector_store %arg5[%swap3A, %swap3A_41], %add3A_32 {strides = array<i32>} : memref<1000x128xf32, #tpu.memory_space<vmem>>, vector<1000x128xf32>,
    %swap3A_43 = arith.constant 0 : index
    %swap3A_44 = arith.constant 0 : index
    %swap3A_45 = vector.load %arg6[%swap3A_43, %swap3A_44] : memref<1000x128xf32, #tpu.memory_space<vmem>>, vector<1000x128xf32>
    tpu.vector_store %arg6[%swap3A_43, %swap3A_44], %min3A_40 {strides = array<i32>} : memref<1000x128xf32, #tpu.memory_space<vmem>>, vector<1000x128xf32>,
    %mul3A_46 = vector.broadcast %slice3A_8 : vector<1000x1xf32> to vector<1000x128xf32>
    %mul3A_47 = arith.mulf %min3A_40, %mul3A_46 : vector<1000x128xf32>
    %swap3A_48 = arith.constant 0 : index
    %swap3A_49 = arith.constant 0 : index
    %swap3A_50 = vector.load %arg7[%swap3A_48, %swap3A_49] : memref<1000x128xf32, #tpu.memory_space<vmem>>, vector<1000x128xf32>
    tpu.vector_store %arg7[%swap3A_48, %swap3A_49], %mul3A_47 {strides = array<i32>} : memref<1000x128xf32, #tpu.memory_space<vmem>>, vector<1000x128xf32>,
    return
  }
  func.func @transform_0(%arg0: i32) -> (i32, i32, i32) {
    %c0_i32 = arith.constant 0 : i32
    %c0_i32_0 = arith.constant 0 : i32
    %c0_i32_1 = arith.constant 0 : i32
    return %c0_i32, %arg0, %c0_i32_0 : i32, i32, i32
  }
  func.func @transform_1(%arg0: i32) -> (i32, i32) {
    %c0_i32 = arith.constant 0 : i32
    %c0_i32_0 = arith.constant 0 : i32
    return %arg0, %c0_i32 : i32, i32
  }
  func.func @transform_2(%arg0: i32) -> (i32, i32, i32) {
    %c0_i32 = arith.constant 0 : i32
    %c0_i32_0 = arith.constant 0 : i32
    %c0_i32_1 = arith.constant 0 : i32
    return %c0_i32, %arg0, %c0_i32_0 : i32, i32, i32
  }
  func.func @transform_3(%arg0: i32) -> (i32, i32) {
    %c0_i32 = arith.constant 0 : i32
    %c0_i32_0 = arith.constant 0 : i32
    %c0_i32_1 = arith.constant 0 : i32
    return %c0_i32, %c0_i32_0 : i32, i32
  }
  func.func @transform_4(%arg0: i32) -> (i32, i32) {
    %c0_i32 = arith.constant 0 : i32
    %c0_i32_0 = arith.constant 0 : i32
    return %arg0, %c0_i32 : i32, i32
  }
  func.func @transform_5(%arg0: i32) -> (i32, i32) {
    %c0_i32 = arith.constant 0 : i32
    %c0_i32_0 = arith.constant 0 : i32
    return %arg0, %c0_i32 : i32, i32
  }
  func.func @transform_6(%arg0: i32) -> (i32, i32) {
    %c0_i32 = arith.constant 0 : i32
    %c0_i32_0 = arith.constant 0 : i32
    return %arg0, %c0_i32 : i32, i32
  }
}

module attributes {stable_mosaic.version = 14 : i64} {
  func.func @_post2_body(%arg0: i32, %arg1: memref<2x1000x128xf32, #tpu.memory_space<vmem>>, %arg2: memref<1000x128xf32, #tpu.memory_space<vmem>>, %arg3: memref<2x1000x128xf32, #tpu.memory_space<vmem>>, %arg4: memref<128x64xf32, #tpu.memory_space<vmem>>, %arg5: memref<128x64xf32, #tpu.memory_space<vmem>>, %arg6: memref<1x64xf32, #tpu.memory_space<vmem>>, %arg7: memref<1x64xf32, #tpu.memory_space<vmem>>, %arg8: memref<1000x64xf32, #tpu.memory_space<vmem>>, %arg9: memref<1000x64xf32, #tpu.memory_space<vmem>>, %arg10: memref<1000x64xf32, #tpu.memory_space<vmem>>, %arg11: memref<1000x64xf32, #tpu.memory_space<vmem>>) attributes {dimension_semantics = [#tpu.dimension_semantics<arbitrary>], iteration_bounds = array<i64: 10>, scalar_prefetch = 0 : i64, scratch_operands = 0 : i64, tpu.core_type = #tpu.core_type<tc>, window_params = [{transform_indices = @transform_0, window_bounds = array<i64: 2, 1000, 128>}, {transform_indices = @transform_1, window_bounds = array<i64: 1000, 128>}, {transform_indices = @transform_2, window_bounds = array<i64: 2, 1000, 128>}, {pipeline_mode = #tpu.pipeline_mode<synchronous>, transform_indices = @transform_3, window_bounds = array<i64: 128, 64>}, {pipeline_mode = #tpu.pipeline_mode<synchronous>, transform_indices = @transform_4, window_bounds = array<i64: 128, 64>}, {pipeline_mode = #tpu.pipeline_mode<synchronous>, transform_indices = @transform_5, window_bounds = array<i64: 1, 64>}, {pipeline_mode = #tpu.pipeline_mode<synchronous>, transform_indices = @transform_6, window_bounds = array<i64: 1, 64>}, {transform_indices = @transform_7, window_bounds = array<i64: 1000, 64>}, {transform_indices = @transform_8, window_bounds = array<i64: 1000, 64>}, {transform_indices = @transform_9, window_bounds = array<i64: 1000, 64>}, {transform_indices = @transform_10, window_bounds = array<i64: 1000, 64>}]} {
    %get3A = arith.constant 0 : index
    %get3A_0 = arith.constant 0 : index
    %get3A_1 = arith.constant 0 : index
    %get3A_2 = vector.load %arg1[%get3A, %get3A_0, %get3A_1] : memref<2x1000x128xf32, #tpu.memory_space<vmem>>, vector<2x1000x128xf32>
    %slice3A = vector.extract_strided_slice %get3A_2 {offsets = [0, 0, 0], sizes = [1, 1000, 128], strides = [1, 1, 1]} : vector<2x1000x128xf32> to vector<1x1000x128xf32>
    %squeeze3A = vector.shape_cast %slice3A : vector<1x1000x128xf32> to vector<1000x128xf32>
    %slice3A_3 = vector.extract_strided_slice %get3A_2 {offsets = [1, 0, 0], sizes = [1, 1000, 128], strides = [1, 1, 1]} : vector<2x1000x128xf32> to vector<1x1000x128xf32>
    %squeeze3A_4 = vector.shape_cast %slice3A_3 : vector<1x1000x128xf32> to vector<1000x128xf32>
    %add3A = arith.addf %squeeze3A, %squeeze3A_4 : vector<1000x128xf32>
    %add3A_5 = arith.constant 1.000000e+00 : f32
    %add3A_6 = vector.broadcast %add3A_5 : f32 to vector<1000x128xf32>
    %add3A_7 = arith.addf %add3A, %add3A_6 : vector<1000x128xf32>
    %rsqrt3A = math.rsqrt %add3A_7 : vector<1000x128xf32>
    %slice3A_8 = vector.extract_strided_slice %rsqrt3A {offsets = [0, 0], sizes = [1000, 1], strides = [1, 1]} : vector<1000x128xf32> to vector<1000x1xf32>
    %get3A_9 = arith.constant 0 : index
    %get3A_10 = arith.constant 0 : index
    %get3A_11 = arith.constant 0 : index
    %get3A_12 = vector.load %arg3[%get3A_9, %get3A_10, %get3A_11] : memref<2x1000x128xf32, #tpu.memory_space<vmem>>, vector<1x1000x128xf32>
    %get3A_13 = vector.shape_cast %get3A_12 : vector<1x1000x128xf32> to vector<1000x128xf32>
    %get3A_14 = arith.constant 1 : index
    %get3A_15 = arith.constant 0 : index
    %get3A_16 = arith.constant 0 : index
    %get3A_17 = vector.load %arg3[%get3A_14, %get3A_15, %get3A_16] : memref<2x1000x128xf32, #tpu.memory_space<vmem>>, vector<1x1000x128xf32>
    %get3A_18 = vector.shape_cast %get3A_17 : vector<1x1000x128xf32> to vector<1000x128xf32>
    %add3A_19 = arith.addf %get3A_13, %get3A_18 : vector<1000x128xf32>
    %mul3A = vector.broadcast %slice3A_8 : vector<1000x1xf32> to vector<1000x128xf32>
    %mul3A_20 = arith.mulf %mul3A, %add3A_19 : vector<1000x128xf32>
    %mul3A_21 = arith.mulf %slice3A_8, %slice3A_8 : vector<1000x1xf32>
    %get3A_22 = arith.constant 0 : index
    %get3A_23 = arith.constant 0 : index
    %get3A_24 = vector.load %arg2[%get3A_22, %get3A_23] : memref<1000x128xf32, #tpu.memory_space<vmem>>, vector<1000x128xf32>
    %mul3A_25 = vector.broadcast %mul3A_21 : vector<1000x1xf32> to vector<1000x128xf32>
    %mul3A_26 = arith.mulf %mul3A_25, %get3A_24 : vector<1000x128xf32>
    %add3A_27 = arith.addf %mul3A_20, %mul3A_26 : vector<1000x128xf32>
    %get3A_28 = arith.constant 0 : index
    %get3A_29 = arith.constant 0 : index
    %get3A_30 = vector.load %arg4[%get3A_28, %get3A_29] : memref<128x64xf32, #tpu.memory_space<vmem>>, vector<128x64xf32>
    %dot_general3A = arith.constant dense<0.000000e+00> : vector<1000x64xf32>
    %dot_general3A_31 = tpu.matmul %add3A_27, %get3A_30, %dot_general3A {dimension_numbers = #tpu.dot_dimension_numbers<[1], [0], [0], [1], [0, 0, 1, 1], [], []>, transpose_lhs_hint = false} : vector<1000x128xf32>, vector<128x64xf32>, vector<1000x64xf32> -> vector<1000x64xf32>
    %get3A_32 = arith.constant 0 : index
    %get3A_33 = arith.constant 0 : index
    %get3A_34 = vector.load %arg6[%get3A_32, %get3A_33] : memref<1x64xf32, #tpu.memory_space<vmem>>, vector<1x64xf32>
    %add3A_35 = vector.broadcast %get3A_34 : vector<1x64xf32> to vector<1000x64xf32>
    %add3A_36 = arith.addf %dot_general3A_31, %add3A_35 : vector<1000x64xf32>
    %get3A_37 = arith.constant 0 : index
    %get3A_38 = arith.constant 0 : index
    %get3A_39 = vector.load %arg5[%get3A_37, %get3A_38] : memref<128x64xf32, #tpu.memory_space<vmem>>, vector<128x64xf32>
    %dot_general3A_40 = arith.constant dense<0.000000e+00> : vector<1000x64xf32>
    %dot_general3A_41 = tpu.matmul %add3A_27, %get3A_39, %dot_general3A_40 {dimension_numbers = #tpu.dot_dimension_numbers<[1], [0], [0], [1], [0, 0, 1, 1], [], []>, transpose_lhs_hint = false} : vector<1000x128xf32>, vector<128x64xf32>, vector<1000x64xf32> -> vector<1000x64xf32>
    %get3A_42 = arith.constant 0 : index
    %get3A_43 = arith.constant 0 : index
    %get3A_44 = vector.load %arg7[%get3A_42, %get3A_43] : memref<1x64xf32, #tpu.memory_space<vmem>>, vector<1x64xf32>
    %add3A_45 = vector.broadcast %get3A_44 : vector<1x64xf32> to vector<1000x64xf32>
    %add3A_46 = arith.addf %dot_general3A_41, %add3A_45 : vector<1000x64xf32>
    %swap3A = arith.constant 0 : index
    %swap3A_47 = arith.constant 0 : index
    %swap3A_48 = vector.load %arg8[%swap3A, %swap3A_47] : memref<1000x64xf32, #tpu.memory_space<vmem>>, vector<1000x64xf32>
    tpu.vector_store %arg8[%swap3A, %swap3A_47], %add3A_36 {strides = array<i32>} : memref<1000x64xf32, #tpu.memory_space<vmem>>, vector<1000x64xf32>,
    %swap3A_49 = arith.constant 0 : index
    %swap3A_50 = arith.constant 0 : index
    %swap3A_51 = vector.load %arg9[%swap3A_49, %swap3A_50] : memref<1000x64xf32, #tpu.memory_space<vmem>>, vector<1000x64xf32>
    tpu.vector_store %arg9[%swap3A_49, %swap3A_50], %add3A_46 {strides = array<i32>} : memref<1000x64xf32, #tpu.memory_space<vmem>>, vector<1000x64xf32>,
    %ge3A = arith.constant 0.000000e+00 : f32
    %ge3A_52 = vector.broadcast %ge3A : f32 to vector<1000x64xf32>
    %ge3A_53 = arith.cmpf oge, %add3A_36, %ge3A_52 : vector<1000x64xf32>
    %mul3A_54 = arith.constant 0.00999999977 : f32
    %mul3A_55 = vector.broadcast %mul3A_54 : f32 to vector<1000x64xf32>
    %mul3A_56 = arith.mulf %mul3A_55, %add3A_36 : vector<1000x64xf32>
    %select_n3A = arith.select %ge3A_53, %add3A_36, %mul3A_56 : vector<1000x64xi1>, vector<1000x64xf32>
    %jit3A = arith.constant -3.000000e+00 : f32
    %jit3A_57 = arith.constant 1.000000e+00 : f32
    %max3A = vector.broadcast %jit3A : f32 to vector<1000x64xf32>
    %max3A_58 = arith.maximumf %max3A, %select_n3A : vector<1000x64xf32>
    %min3A = vector.broadcast %jit3A_57 : f32 to vector<1000x64xf32>
    %min3A_59 = arith.minimumf %min3A, %max3A_58 : vector<1000x64xf32>
    %swap3A_60 = arith.constant 0 : index
    %swap3A_61 = arith.constant 0 : index
    %swap3A_62 = vector.load %arg10[%swap3A_60, %swap3A_61] : memref<1000x64xf32, #tpu.memory_space<vmem>>, vector<1000x64xf32>
    tpu.vector_store %arg10[%swap3A_60, %swap3A_61], %min3A_59 {strides = array<i32>} : memref<1000x64xf32, #tpu.memory_space<vmem>>, vector<1000x64xf32>,
    %ge3A_63 = arith.constant 0.000000e+00 : f32
    %ge3A_64 = vector.broadcast %ge3A_63 : f32 to vector<1000x64xf32>
    %ge3A_65 = arith.cmpf oge, %add3A_46, %ge3A_64 : vector<1000x64xf32>
    %mul3A_66 = arith.constant 0.00999999977 : f32
    %mul3A_67 = vector.broadcast %mul3A_66 : f32 to vector<1000x64xf32>
    %mul3A_68 = arith.mulf %mul3A_67, %add3A_46 : vector<1000x64xf32>
    %select_n3A_69 = arith.select %ge3A_65, %add3A_46, %mul3A_68 : vector<1000x64xi1>, vector<1000x64xf32>
    %jit3A_70 = arith.constant -3.000000e+00 : f32
    %jit3A_71 = arith.constant 1.000000e+00 : f32
    %max3A_72 = vector.broadcast %jit3A_70 : f32 to vector<1000x64xf32>
    %max3A_73 = arith.maximumf %max3A_72, %select_n3A_69 : vector<1000x64xf32>
    %min3A_74 = vector.broadcast %jit3A_71 : f32 to vector<1000x64xf32>
    %min3A_75 = arith.minimumf %min3A_74, %max3A_73 : vector<1000x64xf32>
    %swap3A_76 = arith.constant 0 : index
    %swap3A_77 = arith.constant 0 : index
    %swap3A_78 = vector.load %arg11[%swap3A_76, %swap3A_77] : memref<1000x64xf32, #tpu.memory_space<vmem>>, vector<1000x64xf32>
    tpu.vector_store %arg11[%swap3A_76, %swap3A_77], %min3A_75 {strides = array<i32>} : memref<1000x64xf32, #tpu.memory_space<vmem>>, vector<1000x64xf32>,
    return
  }
  func.func @transform_0(%arg0: i32) -> (i32, i32, i32) {
    %c0_i32 = arith.constant 0 : i32
    %c0_i32_0 = arith.constant 0 : i32
    %c0_i32_1 = arith.constant 0 : i32
    return %c0_i32, %arg0, %c0_i32_0 : i32, i32, i32
  }
  func.func @transform_1(%arg0: i32) -> (i32, i32) {
    %c0_i32 = arith.constant 0 : i32
    %c0_i32_0 = arith.constant 0 : i32
    return %arg0, %c0_i32 : i32, i32
  }
  func.func @transform_2(%arg0: i32) -> (i32, i32, i32) {
    %c0_i32 = arith.constant 0 : i32
    %c0_i32_0 = arith.constant 0 : i32
    %c0_i32_1 = arith.constant 0 : i32
    return %c0_i32, %arg0, %c0_i32_0 : i32, i32, i32
  }
  func.func @transform_3(%arg0: i32) -> (i32, i32) {
    %c0_i32 = arith.constant 0 : i32
    %c0_i32_0 = arith.constant 0 : i32
    %c0_i32_1 = arith.constant 0 : i32
    return %c0_i32, %c0_i32_0 : i32, i32
  }
  func.func @transform_4(%arg0: i32) -> (i32, i32) {
    %c0_i32 = arith.constant 0 : i32
    %c0_i32_0 = arith.constant 0 : i32
    %c0_i32_1 = arith.constant 0 : i32
    return %c0_i32, %c0_i32_0 : i32, i32
  }
  func.func @transform_5(%arg0: i32) -> (i32, i32) {
    %c0_i32 = arith.constant 0 : i32
    %c0_i32_0 = arith.constant 0 : i32
    %c0_i32_1 = arith.constant 0 : i32
    return %c0_i32, %c0_i32_0 : i32, i32
  }
  func.func @transform_6(%arg0: i32) -> (i32, i32) {
    %c0_i32 = arith.constant 0 : i32
    %c0_i32_0 = arith.constant 0 : i32
    %c0_i32_1 = arith.constant 0 : i32
    return %c0_i32, %c0_i32_0 : i32, i32
  }
  func.func @transform_7(%arg0: i32) -> (i32, i32) {
    %c0_i32 = arith.constant 0 : i32
    %c0_i32_0 = arith.constant 0 : i32
    return %arg0, %c0_i32 : i32, i32
  }
  func.func @transform_8(%arg0: i32) -> (i32, i32) {
    %c0_i32 = arith.constant 0 : i32
    %c0_i32_0 = arith.constant 0 : i32
    return %arg0, %c0_i32 : i32, i32
  }
  func.func @transform_9(%arg0: i32) -> (i32, i32) {
    %c0_i32 = arith.constant 0 : i32
    %c0_i32_0 = arith.constant 0 : i32
    return %arg0, %c0_i32 : i32, i32
  }
  func.func @transform_10(%arg0: i32) -> (i32, i32) {
    %c0_i32 = arith.constant 0 : i32
    %c0_i32_0 = arith.constant 0 : i32
    return %arg0, %c0_i32 : i32, i32
  }
}

</mosaic_0001>

<sc_bundles>
// kernel: kernel.11.cloned.1.call-start
scs
__scs_entry_jumppad:
0x0: {  	(pc) =	sbr.rel $0x88, $3  }
0x1: {  	(tag) =	ssettag $0x0;
	lr =	simm.s32 $0x1  }
0x2: {  	[smem:$0x3F99] =	sst lr;
	_ =	strace $0xD0000000  }
0x3: {  	_ = 	snop  }
0x4: {  	_ = 	snop  }
0x5: {  	_ = 	snop  }
0x6: {  	_ = 	snop  }
0x7: {  	_ = 	snop  }
__scs_overlays_trampoline_lowered:
0x8: {  	[smem:$0x3FA8] =	sst s0  }
0x9: {  	[smem:$0x3FA9] =	sst s1  }
0xa: {  	[smem:$0x3FAA] =	sst s2  }
0xb: {  	[smem:$0x3FAB] =	sst s3  }
0xc: {  	[smem:$0x3FAC] =	sst s4  }
0xd: {  	[smem:$0x3FAD] =	sst s5  }
0xe: {  	[smem:$0x3FAE] =	sst s6  }
0xf: {  	[smem:$0x3FAF] =	sst s7  }
0x10: {  	[smem:$0x3FB0] =	sst s8  }
0x11: {  	[smem:$0x3FB1] =	sst s9;
	s0 =	simm.s32 @!p0 $0x0  }
0x12: {  	s1 =	sld [smem:$0x3F97];
	s0 =	simm.s32 @p0 $0x1  }
0x13: {  	[smem:$0x3FB2] =	sst s0;
	s0 =	simm.s32 @!p1 $0x0  }
0x14: {  	s2 =	sld [smem:$0x3F96];
	s0 =	simm.s32 @p1 $0x1  }
0x15: {  	[smem:$0x3FB3] =	sst s0;
	s0 =	simm.s32 @!p2 $0x0  }
0x16: {  	s3 =	sld [smem:$0x3FDB];
	s0 =	simm.s32 @p2 $0x1  }
0x17: {  	s4 =	simm.s32 $0x1BF5;
	[smem:$0x3FB5] =	sst s0  }
0x18: {  	s0 =	sld [smem:$0x3F98];
	_ =	swait.ge [sflag:s4], $0x0  }
0x19: {  	s7 =	sld [smem:$0x3F99]  }
0x1a: {  	s8 =	sadd.s32 $0xFFFFE003, lr  }
0x1b: {  	s9 =	sadd.s32 $0xFFFFFEF7, lr;
	s5 =	simm.s32 $0xFFFFFFFF;
	p2 =	slt.u32 s8, $0xFFFFF086  }
0x1c: {  	p1 =	slt.u32 s9, $0xF7A;
	s5 =	simm.s32 @!p2 $0x0  }
0x1d: {  	s5 =	simm.s32 @p1 $0x1;
	p0 =	seq.s32 s7, s2  }
0x1e: {  	s7 =	smul.u32 @!p0 $0xF7A, s2;
	p2 =	seq.s32 @!p0 s5, $0x0  }
0x1f: {  	s9 =	smul.u32 $0xF7A, s1;
	s8 =	simm.s32 @!p0 $0x1BF5;
	p2 =	por !p2, p0  }
0x20: {  	[sflag:s8] =	ssyncset.s32 @!p0 $0xFFFFF086;
	s6 =	sadd.s32 @!p0 s3, s7;
	s7 =	simm.s32 @!p0 $0x108  }
0x21: {  	s3 =	sadd.s32 s3, s9;
	s6 =	sadd.s32 @!p0 $0x88, s6;
	s7 =	simm.s32 @p2 $0x1082  }
0x22: {  	[simem:s7], [sflag:s8] =	dma.local @!p0 [hbm:s6], $0xF7A  }
0x23: {  	s9 =	sor.u32 $0xD0000000, s2;
	s6 =	simm.s32 $0x108;
	_ =	swait.ge @!p0 [sflag:s8], $0x0  }
0x24: {  	s3 =	sadd.s32 $0x88, s3;
	s6 =	simm.s32 @!p1 $0x1082;
	[sflag:s4] =	ssyncset.s32 $0xFFFFF086  }
0x25: {  	[simem:s6], [sflag:s4] =	dma.local [hbm:s3], $0xF7A  }
0x26: {  	[smem:$0x3F99] =	sst s1;
	(tag) =	ssettag s2;
	_ =	strace s9  }
0x27: {  	s1 =	sld [smem:$0x3FA9]  }
0x28: {  	s2 =	sld [smem:$0x3FAA]  }
0x29: {  	s4 =	sld [smem:$0x3FAC]  }
0x2a: {  	p0 =	seq.s32 s5, $0x0;
	s5 =	sld [smem:$0x3FAD]  }
0x2b: {  	s6 =	sld [smem:$0x3FAE]  }
0x2c: {  	s7 =	sld [smem:$0x3FAF]  }
0x2d: {  	s3 =	simm.s32 $0x108;
	s8 =	sld [smem:$0x3FB0]  }
0x2e: {  	s3 =	simm.s32 @!p0 $0x1082;
	s9 =	sld [smem:$0x3FB1]  }
0x2f: {  	lr =	sadd.s32 s0, s3;
	s0 =	sld [smem:$0x3FA8]  }
0x30: {  	s3 =	sld [smem:$0x3FAB]  }
0x31: {  	[smem:$0x3FB4] =	sst s10  }
0x32: {  	s10 =	sld [smem:$0x3FB2];
	_ =	sdelay $0x3  }
0x33: {  	p0 =	seq.s32 s10, $0x1;
	s10 =	sld [smem:$0x3FB4];
	_ =	sdelay $0x3  }
0x34: {  	[smem:$0x3FB4] =	sst s10  }
0x35: {  	s10 =	sld [smem:$0x3FB3];
	_ =	sdelay $0x3  }
0x36: {  	p1 =	seq.s32 s10, $0x1;
	s10 =	sld [smem:$0x3FB4];
	_ =	sdelay $0x3  }
0x37: {  	[smem:$0x3FB4] =	sst s10  }
0x38: {  	s10 =	sld [smem:$0x3FB5]  }
0x39: {  	_ = 	snop;
	(pc) =	sbr.ind lr, $3  }
0x3a: {  	_ = 	snop  }
0x3b: {  	_ = 	snop  }
0x3c: {  	p2 =	seq.s32 s10, $0x1;
	s10 =	sld [smem:$0x3FB4]  }
0x3d: {  	_ =	shalt  }
0x3e: {  	_ =	shalt  }
0x3f: {  	_ =	shalt  }
0x40: {  	_ =	shalt  }
0x41: {  	_ =	shalt  }
0x42: {  	_ =	shalt  }
0x43: {  	_ =	shalt  }
0x44: {  	_ =	shalt  }
0x45: {  	_ =	shalt  }
0x46: {  	_ =	shalt  }
0x47: {  	_ =	shalt  }
0x48: {  	_ =	shalt  }
0x49: {  	_ =	shalt  }
0x4a: {  	_ =	shalt  }
0x4b: {  	_ =	shalt  }
0x4c: {  	_ =	shalt  }
0x4d: {  	_ =	shalt  }
0x4e: {  	_ =	shalt  }
0x4f: {  	_ =	shalt  }
0x50: {  	_ =	shalt  }
0x51: {  	_ =	shalt  }
0x52: {  	_ =	shalt  }
0x53: {  	_ =	shalt  }
0x54: {  	_ =	shalt  }
0x55: {  	_ =	shalt  }
0x56: {  	_ =	shalt  }
0x57: {  	_ =	shalt  }
0x58: {  	_ =	shalt  }
0x59: {  	_ =	shalt  }
0x5a: {  	_ =	shalt  }
0x5b: {  	_ =	shalt  }
0x5c: {  	_ =	shalt  }
0x5d: {  	_ =	shalt  }
0x5e: {  	_ =	shalt  }
0x5f: {  	_ =	shalt  }
0x60: {  	_ =	shalt  }
0x61: {  	_ =	shalt  }
0x62: {  	_ =	shalt  }
0x63: {  	_ =	shalt  }
0x64: {  	_ =	shalt  }
0x65: {  	_ =	shalt  }
0x66: {  	_ =	shalt  }
0x67: {  	_ =	shalt  }
0x68: {  	_ =	shalt  }
0x69: {  	_ =	shalt  }
0x6a: {  	_ =	shalt  }
0x6b: {  	_ =	shalt  }
0x6c: {  	_ =	shalt  }
0x6d: {  	_ =	shalt  }
0x6e: {  	_ =	shalt  }
0x6f: {  	_ =	shalt  }
0x70: {  	_ =	shalt  }
0x71: {  	_ =	shalt  }
0x72: {  	_ =	shalt  }
0x73: {  	_ =	shalt  }
0x74: {  	_ =	shalt  }
0x75: {  	_ =	shalt  }
0x76: {  	_ =	shalt  }
0x77: {  	_ =	shalt  }
0x78: {  	_ =	shalt  }
0x79: {  	_ =	shalt  }
0x7a: {  	_ =	shalt  }
0x7b: {  	_ =	shalt  }
0x7c: {  	_ =	shalt  }
0x7d: {  	_ =	shalt  }
0x7e: {  	_ =	shalt  }
0x7f: {  	_ =	shalt  }
0x80: {  	_ =	shalt  }
0x81: {  	_ =	shalt  }
0x82: {  	_ =	shalt  }
0x83: {  	_ =	shalt  }
0x84: {  	_ =	shalt  }
0x85: {  	_ =	shalt  }
0x86: {  	_ =	shalt  }
0x87: {  	_ =	shalt  }
.Lfunc_end0:
.L_simem_size_0:
called_computation.1_lowered:
.L_overlay_start_0:
0x88: {  	s2 =	sld [smem:$0x3FD9]  }
0x89: {  	s3 =	sld [smem:$0x3FFE];
	_ =	sdelay $0x1  }
0x8a: {  	s1 =	srdreg.scid  }
0x8b: {  	s0 =	sand.u32 $0x1, s1  }
0x8c: {  	s14 =	sshll.u32 s0, $0xA;
	s2 =	sadd.s32 s3, s2  }
0x8d: {  	s2 =	sadd.s32 s2, s14  }
0x8e: {  	[smem:$0x3FC0] =	sst s2  }
0x8f: {  	_ = 	snop  }
0x90: {  	s2 =	sld [smem:$0x3FD0];
	_ =	sdelay $0x2  }
0x91: {  	s15 =	simm.s32 $0xA;
	s4 =	simm.s32 $0x10  }
0x92: {  	[smem:s4], [sflag:s15] =	dma.local [hbm:s2], $0x1  }
0x93: {  	_ =	swait.eq [sflag:s15], $0x1  }
0x94: {  	s16 =	sld [smem:$0x10];
	[sflag:s15] =	ssyncset.done $0x0  }
0x95: {  	s17 =	sld [smem:$0x14];
	[sflag:s15] =	ssyncadd.s32 $0xFFFFFFFF  }
0x96: {  	s18 =	sld [smem:$0x15];
	(tm) =	ssettm $0x1  }
0x97: {  	s5 =	sld [smem:$0x3FFB];
	_ =	sdelay $0x3  }
0x98: {  	_ =	strace s5  }
0x99: {  	s5 =	sld [smem:$0x3FFC];
	_ =	sdelay $0x3  }
0x9a: {  	_ =	strace s5  }
0x9b: {  	s5 =	sld [smem:$0x3FFD];
	_ =	sdelay $0x3  }
0x9c: {  	_ =	strace s5  }
0x9d: {  	_ =	strace $0x8FFFFFFF  }
0x9e: {  	s19 =	sld [smem:$0x3FDB];
	_ =	sdelay $0x1  }
0x9f: {  	s6 =	simm.s32 $_scs_section_size  }
0xa0: {  	s7 =	simm.s32 $_size__tile_overlayer_lowered;
	s8 =	simm.s32 $_tile_overlayer_lowered  }
0xa1: {  	s22 =	simm.s32 $0x1BFF;
	s21 =	sshll.u32 s8, $0x1;
	s5 =	sadd.s32 s6, s19  }
0xa2: {  	s9 =	simm.s32 $0x0;
	s20 =	sshll.u32 s7, $0x1;
	s7 =	sadd.s32 s21, s5  }
0xa3: {  	[timem:s9], [sflag:s22] =	dma.local [hbm:s7], s20  }
0xa4: {  	_ =	swait.ge [sflag:s22], s20  }
0xa5: {  	s6 =	ssub.s32 $0x0, s20;
	[sflag:s22] =	ssyncset.done $0x0  }
0xa6: {  	[sflag:s22] =	ssyncadd.s32 s6;
	_ =	sdelay $0x1  }
0xa7: {  	s23 =	simm.s32 $0x1B8B  }
0xa8: {  	_ =	swait.ge [sflag:s23], $0x1  }
0xa9: {  	[sflag:s23] =	ssyncset.done $0x0  }
0xaa: {  	s25 =	simm.s32 $0x1B8E;
	s24 =	sld [smem:$0x3FFE];
	[sflag:s23] =	ssyncadd.s32 $0xFFFFFFFF  }
0xab: {  	s26 =	simm.s32 $execute0_lowered;
	[smem:$0x3FD2] =	sst s25  }
0xac: {  	s7 =	sshll.u32 s26, $0x1;
	_ =	strace $0x80000049;
	[dreg:$0x1] =	wrdreg $0xFFFFFFFF  }
0xad: {  	s28 =	simm.s32 $_size_execute0_lowered;
	s5 =	sadd.s32 s5, s7;
	[dreg:$0x0] =	wrdreg $0x0  }
0xae: {  	s7 =	sshll.u32 s28, $0x1;
	[dreg:$0x2] =	wrdreg s5  }
0xaf: {  	[dreg:$0x3] =	wrdreg s7  }
0xb0: {  	[dreg:$0x4] =	wrdreg $0xC0  }
0xb1: {  	_ =	task [dreg:s9], $0x5FFFF  }
0xb2: {  	[dreg:$0x1] =	wrdreg $0xFFFFFFFF  }
0xb3: {  	[dreg:$0x0] =	wrdreg $0x60  }
0xb4: {  	[dreg:$0x2] =	wrdreg s16  }
0xb5: {  	[dreg:$0x3] =	wrdreg s18  }
0xb6: {  	[dreg:$0x4] =	wrdreg s17  }
0xb7: {  	[dreg:$0x5] =	wrdreg s24  }
0xb8: {  	[dreg:$0x6] =	wrdreg $0xA8000  }
0xb9: {  	[dreg:$0x7] =	wrdreg $0x9  }
0xba: {  	_ =	task.clear_ibuf [dreg:s9], $0x8FFFF;
	_ =	strace $0x90000049  }
0xbb: {  	s29 =	simm.s32 $0x9;
	_ =	strace $0x8000004B  }
0xbc: {  	_ =	swait.ge [sflag:s29], $0x1  }
0xbd: {  	[sflag:s29] =	ssyncadd.s32 $0xFFFFFFFF  }
0xbe: {  	_ =	strace $0x9000004B  }
0xbf: {  	_ =	sfence  }
0xc0: {  	s30 =	sld [smem:$0x0];
	_ =	sdelay $0x2  }
0xc1: {  	s31 =	sshll.u32 s1, $0xD;
	s1 =	sshrl.u32 s1, $0x2  }
0xc2: {  	s3 =	sand.u32 $0x4000, s31;
	s1 =	sadd.s32 s1, s30  }
0xc3: {  	s0 =	sor.u32 s3, s0;
	s1 =	sshll.u32 s1, $0x11  }
0xc4: {  	s0 =	sor.u32 s1, s0  }
0xc5: {  	s0 =	sadd.s32 $0x8F2B, s0  }
0xc6: {  	[sflag:s0] =	ssyncadd.remote.s32 $0x1  }
0xc7: {  	_ =	sfence.sel $0xFFFF  }
0xc8: {  	[dreg:$0x0] =	wrdreg $0xFFFFFFFF;
	(pc) =	sbr.abs _section_cstart, $3  }
0xc9: {  	[dreg:$0x1] =	wrdreg $0xFFFFFFFF  }
0xca: {  	_ =	task.clear_ibuf [dreg:s9], $0x2FFFF;
	_ =	strace $0x9FFFFFFF  }
0xcb: {  	(tm) =	ssettm $0x7FFFFFFF  }
tec
execute0_lowered:
.L_overlay_start_1:
0x0: {  	(tag) =	ssettag $0x1  }
0x1: {  	s2 =	rddreg [dreg:$0x1]  }
0x2: {  	s24 =	rddreg [dreg:$0x2]  }
0x3: {  	s3 =	srdreg.scid;
	s6 =	rddreg [dreg:$0x3]  }
0x4: {  	s7 =	stileid.u32;
	s5 =	simm.s32 $0x0;
	s3 =	sand.u32 $0x1, s3  }
0x5: {  	[smem:$0x7FF] =	sst s5;
	s8 =	sshll.u32 s3, $0x4;
	s9 =	smul.u32 $0x28000, s3  }
0x6: {  	s13 =	ssub.s32 $0x2, s3;
	s3 =	smul.u32 $0x27100, s3;
	s8 =	sor.u32 s7, s8  }
0x7: {  	s10 =	sadd.s32 $0x2E00, s6;
	s14 =	sshrl.u32 s13, $0x1;
	s8 =	smul.u32 $0x2710, s8  }
0x8: {  	s6 =	sadd.s32 s9, s6;
	s9 =	ssub.s32 s13, s14;
	s13 =	smul.u32 $0x2710, s7  }
0x9: {  	_ =	strace $0x8000004A;
	[dreg:$0xd] =	wrdreg s10;
	s6 =	sadd.s32 $0x7AE00, s6  }
0xa: {  	s11 =	sshrl.u32 s8, $0x3;
	s3 =	sadd.s32 s13, s3;
	s8 =	sadd.s32 $0x3C0, s8  }
0xb: {  	[smem:$0x7FB] =	sst s6;
	s12 =	sadd.s32 $0xA, s11;
	s15 =	sadd.s32 s2, s11  }
0xc: {  	s26 =	sadd.s32 $0x370, s3;
	[dreg:$0x6] =	wrdreg s8;
	s0 =	sadd.s32 $0x320, s3  }
0xd: {  	s14 =	sadd.s32 $0x2D0, s3;
	s3 =	sadd.s32 $0x280, s3;
	[dreg:$0xe] =	wrdreg s15  }
0xe: {  	s16 =	sadd.s32 s2, s12;
	[smem:$0x7FD] =	sst s3  }
0xf: {  	s18 =	sadd.s32 $0x14, s11;
	s17 =	sadd.s32 s24, s12;
	[dreg:$0xf] =	wrdreg s16  }
0x10: {  	s19 =	sadd.s32 s2, s18;
	[dreg:$0x10] =	wrdreg s17  }
0x11: {  	s20 =	sadd.s32 $0x1E, s11;
	s10 =	sadd.s32 s24, s18;
	[dreg:$0x11] =	wrdreg s19  }
0x12: {  	s21 =	sadd.s32 s2, s20;
	[dreg:$0x12] =	wrdreg s10  }
0x13: {  	s22 =	sadd.s32 $0x28, s11;
	s12 =	sadd.s32 s24, s20;
	[dreg:$0x13] =	wrdreg s21  }
0x14: {  	s25 =	sadd.s32 $0x32, s11;
	s23 =	sadd.s32 s2, s22;
	[dreg:$0x14] =	wrdreg s12  }
0x15: {  	s28 =	sadd.s32 s2, s25;
	[dreg:$0x15] =	wrdreg s23  }
0x16: {  	s4 =	sshrl.u32 s0, $0x3;
	s10 =	sadd.s32 s24, s22;
	[dreg:$0x17] =	wrdreg s28  }
0x17: {  	s13 =	sadd.s32 s4, s24;
	[dreg:$0x16] =	wrdreg s10  }
0x18: {  	s18 =	sadd.s32 $0x3C, s11;
	s15 =	sadd.s32 s4, s2;
	[dreg:$0x9] =	wrdreg s13  }
0x19: {  	s12 =	sshrl.u32 s26, $0x3;
	s20 =	sadd.s32 s2, s18;
	[dreg:$0xa] =	wrdreg s15  }
0x1a: {  	s30 =	simm.s32 $0xA600;
	s29 =	sadd.s32 s12, s24;
	[dreg:$0x19] =	wrdreg s20  }
0x1b: {  	s31 =	simm.s32 $0xA280;
	s1 =	sadd.s32 s12, s2;
	[dreg:$0x7] =	wrdreg s29  }
0x1c: {  	s16 =	sshrl.u32 s14, $0x3;
	s10 =	sadd.s32 s24, s25;
	[dreg:$0x8] =	wrdreg s1  }
0x1d: {  	p0 =	sne.s32 s7, $0x0;
	s17 =	sadd.s32 s16, s24;
	[dreg:$0x18] =	wrdreg s10  }
0x1e: {  	s21 =	sadd.s32 $0x46, s11;
	s19 =	sadd.s32 s16, s2;
	[dreg:$0xb] =	wrdreg s17  }
0x1f: {  	s8 =	simm.s32 $0xA700;
	s22 =	sadd.s32 s2, s21;
	[dreg:$0xc] =	wrdreg s19  }
0x20: {  	s0 =	simm.s32 $0x0;
	s23 =	sadd.s32 s24, s21;
	[dreg:$0x1b] =	wrdreg s22  }
0x21: {  	s26 =	sadd.s32 $0x4D8, s11;
	s25 =	sadd.s32 s24, s11;
	[dreg:$0x1c] =	wrdreg s23  }
0x22: {  	s28 =	sadd.s32 s2, s26;
	s7 =	sadd.s32 s24, s26;
	[dreg:$0x1d] =	wrdreg s25  }
0x23: {  	s16 =	simm.s32 $0xA080;
	s21 =	simm.s32 $0xA180;
	[dreg:$0x1e] =	wrdreg s28  }
0x24: {  	s11 =	simm.s32 $0x50;
	s10 =	sadd.s32 s24, s18;
	[dreg:$0x1f] =	wrdreg s7  }
0x25: {  	s29 =	smax.u32 s9, $0x1;
	s19 =	simm.s32 $0xA100;
	s22 =	simm.s32 $0xA200  }
0x26: {  	s7 =	simm.s32 $0xA680;
	s23 =	simm.s32 $0x6;
	[dreg:$0x1a] =	wrdreg s10  }
0x27: {  	s25 =	simm.s32 $0x7;
	[smem:$0x7FC] =	sst s29;
	s10 =	simm.s32 $0x5  }
.LBB2_1:
0x28: {  	[smem:$0x7F9] =	sst s0  }
0x29: {  	s1 =	rddreg [dreg:$0x4]  }
0x2a: {  	s6 =	rddreg [dreg:$0xd];
	s0 =	sshrl.u32 @!p0 s1, $0x3  }
0x2b: {  	s3 =	simm.s32 @!p0 $0x1C07;
	[smem:$0x7FA] =	sst s0  }
0x2c: {  	[spmem:s0], [sflag:s3] =	dma.local @!p0 [hbm:s6], $0x28000  }
0x2d: {  	s3 =	simm.s32 @!p0 $0x7  }
0x2e: {  	_ =	swait.ge @!p0 [sflag:s3], $0x28000  }
0x2f: {  	[sflag:s3] =	ssyncset.done @!p0 $0x0  }
0x30: {  	[sflag:s3] =	ssyncadd.s32 @!p0 $0xFFFD8000  }
0x31: {  	[bflag:$0x0] =	sbarrier.arrive $0xFFFF  }
0x32: {  	s9 =	simm.s32 $0xA000;
	s26 =	rddreg [dreg:$0xe]  }
0x33: {  	[tilespmem:s9], [sflag:$0x5] =	stream.linear.gather [hbm4b:s26+s5], $0x50, $0x38;
	[tilespmem:$0x1E800] =	vst v63  }
0x34: {  	s15 =	simm.s32 $0xA400;
	s28 =	rddreg [dreg:$0x1d]  }
0x35: {  	[tilespmem:s15], [sflag:$0x5] =	stream.linear.gather [hbm4b:s28+s5], $0x50, $0x38;
	[tilespmem:$0x1E800] =	vst v63  }
0x36: {  	s29 =	rddreg [dreg:$0xf]  }
0x37: {  	[tilespmem:s16], [sflag:$0x5] =	stream.linear.gather [hbm4b:s29+s5], $0x50, $0x38;
	[tilespmem:$0x1E800] =	vst v63  }
0x38: {  	s17 =	simm.s32 $0xA480;
	s0 =	rddreg [dreg:$0x10]  }
0x39: {  	[tilespmem:s17], [sflag:$0x5] =	stream.linear.gather [hbm4b:s0+s5], $0x50, $0x38;
	[tilespmem:$0x1E800] =	vst v63  }
0x3a: {  	s4 =	rddreg [dreg:$0x11]  }
0x3b: {  	[tilespmem:s19], [sflag:$0x5] =	stream.linear.gather [hbm4b:s4+s5], $0x50, $0x38;
	[tilespmem:$0x1E800] =	vst v63  }
0x3c: {  	s18 =	simm.s32 $0xA500;
	s12 =	rddreg [dreg:$0x12]  }
0x3d: {  	[tilespmem:s18], [sflag:$0x5] =	stream.linear.gather [hbm4b:s12+s5], $0x50, $0x38;
	[tilespmem:$0x1E800] =	vst v63  }
0x3e: {  	s13 =	rddreg [dreg:$0x13]  }
0x3f: {  	[tilespmem:s21], [sflag:$0x5] =	stream.linear.gather [hbm4b:s13+s5], $0x50, $0x38;
	[tilespmem:$0x1E800] =	vst v63  }
0x40: {  	s20 =	simm.s32 $0xA580;
	s14 =	rddreg [dreg:$0x14]  }
0x41: {  	[tilespmem:s20], [sflag:$0x5] =	stream.linear.gather [hbm4b:s14+s5], $0x50, $0x38;
	[tilespmem:$0x1E800] =	vst v63  }
0x42: {  	_ =	swait.ge [sflag:s10], $0x50  }
0x43: {  	[sflag:s10] =	ssyncset.done $0x0  }
0x44: {  	[sflag:s10] =	ssyncadd.s32 $0xFFFFFFB0  }
0x45: {  	_ =	swait.ge [sflag:s10], $0x50  }
0x46: {  	[sflag:s10] =	ssyncset.done $0x0  }
0x47: {  	[sflag:s10] =	ssyncadd.s32 $0xFFFFFFB0  }
0x48: {  	_ =	swait.ge [sflag:s10], $0x50  }
0x49: {  	[sflag:s10] =	ssyncset.done $0x0  }
0x4a: {  	[sflag:s10] =	ssyncadd.s32 $0xFFFFFFB0  }
0x4b: {  	_ =	swait.ge [sflag:s10], $0x50  }
0x4c: {  	[sflag:s10] =	ssyncset.done $0x0  }
0x4d: {  	[sflag:s10] =	ssyncadd.s32 $0xFFFFFFB0  }
0x4e: {  	_ =	swait.ge [sflag:s10], $0x50  }
0x4f: {  	[sflag:s10] =	ssyncset.done $0x0  }
0x50: {  	[sflag:s10] =	ssyncadd.s32 $0xFFFFFFB0  }
0x51: {  	_ =	swait.ge [sflag:s10], $0x50  }
0x52: {  	[sflag:s10] =	ssyncset.done $0x0  }
0x53: {  	[sflag:s10] =	ssyncadd.s32 $0xFFFFFFB0  }
0x54: {  	_ =	swait.ge [sflag:s10], $0x50  }
0x55: {  	[sflag:s10] =	ssyncset.done $0x0  }
0x56: {  	[sflag:s10] =	ssyncadd.s32 $0xFFFFFFB0  }
0x57: {  	_ =	swait.ge [sflag:s10], $0x50  }
0x58: {  	[sflag:s10] =	ssyncset.done $0x0  }
0x59: {  	[sflag:s10] =	ssyncadd.s32 $0xFFFFFFB0  }
0x5a: {  	s4 =	rddreg [dreg:$0x0]  }
0x5b: {  	[tilespmem:s5], [sflag:$0x1] =	stream.indirect.gather [hbm4b:s4+s11], $0x80, s9, s11, $0xb8;
	[tilespmem:$0x1E800] =	vst v63  }
0x5c: {  	s12 =	simm.s32 $0x2800  }
0x5d: {  	[tilespmem:s12], [sflag:$0x2] =	stream.indirect.gather [hbm4b:s4+s11], $0x80, s16, s11, $0xb8;
	[tilespmem:$0x1E800] =	vst v63  }
0x5e: {  	s13 =	simm.s32 $0x5000  }
0x5f: {  	[tilespmem:s13], [sflag:$0x3] =	stream.indirect.gather [hbm4b:s4+s11], $0x80, s19, s11, $0xb8;
	[tilespmem:$0x1E800] =	vst v63  }
0x60: {  	s14 =	simm.s32 $0x7800  }
0x61: {  	[tilespmem:s14], [sflag:$0x4] =	stream.indirect.gather [hbm4b:s4+s11], $0x80, s21, s11, $0xb8;
	[tilespmem:$0x1E800] =	vst v63  }
0x62: {  	s26 =	rddreg [dreg:$0x15]  }
0x63: {  	[tilespmem:s22], [sflag:$0x6] =	stream.linear.gather [hbm4b:s26+s5], $0x50, $0x38;
	[tilespmem:$0x1E800] =	vst v63  }
0x64: {  	s28 =	rddreg [dreg:$0x16]  }
0x65: {  	[tilespmem:s30], [sflag:$0x6] =	stream.linear.gather [hbm4b:s28+s5], $0x50, $0x38;
	[tilespmem:$0x1E800] =	vst v63  }
0x66: {  	s29 =	rddreg [dreg:$0x17]  }
0x67: {  	[tilespmem:s31], [sflag:$0x6] =	stream.linear.gather [hbm4b:s29+s5], $0x50, $0x38;
	[tilespmem:$0x1E800] =	vst v63  }
0x68: {  	s0 =	rddreg [dreg:$0x18]  }
0x69: {  	[tilespmem:s7], [sflag:$0x6] =	stream.linear.gather [hbm4b:s0+s5], $0x50, $0x38;
	[tilespmem:$0x1E800] =	vst v63  }
0x6a: {  	s6 =	simm.s32 $0xA300;
	s26 =	rddreg [dreg:$0x19]  }
0x6b: {  	[tilespmem:s6], [sflag:$0x6] =	stream.linear.gather [hbm4b:s26+s5], $0x50, $0x38;
	[tilespmem:$0x1E800] =	vst v63  }
0x6c: {  	s28 =	rddreg [dreg:$0x1a]  }
0x6d: {  	[tilespmem:s8], [sflag:$0x6] =	stream.linear.gather [hbm4b:s28+s5], $0x50, $0x38;
	[tilespmem:$0x1E800] =	vst v63  }
0x6e: {  	s29 =	rddreg [dreg:$0x1b];
	s7 =	simm.s32 $0xA380  }
0x6f: {  	[tilespmem:s7], [sflag:$0x6] =	stream.linear.gather [hbm4b:s29+s5], $0x50, $0x38;
	[tilespmem:$0x1E800] =	vst v63  }
0x70: {  	s0 =	rddreg [dreg:$0x1c];
	s8 =	simm.s32 $0xA780  }
0x71: {  	[tilespmem:s8], [sflag:$0x6] =	stream.linear.gather [hbm4b:s0+s5], $0x50, $0x38;
	[tilespmem:$0x1E800] =	vst v63  }
0x72: {  	_ =	swait.ge [sflag:s23], $0x50  }
0x73: {  	[sflag:s23] =	ssyncset.done $0x0  }
0x74: {  	[sflag:s23] =	ssyncadd.s32 $0xFFFFFFB0  }
0x75: {  	_ =	swait.ge [sflag:s23], $0x50  }
0x76: {  	[sflag:s23] =	ssyncset.done $0x0  }
0x77: {  	[sflag:s23] =	ssyncadd.s32 $0xFFFFFFB0  }
0x78: {  	_ =	swait.ge [sflag:s23], $0x50  }
0x79: {  	[sflag:s23] =	ssyncset.done $0x0  }
0x7a: {  	[sflag:s23] =	ssyncadd.s32 $0xFFFFFFB0  }
0x7b: {  	_ =	swait.ge [sflag:s23], $0x50  }
0x7c: {  	[sflag:s23] =	ssyncset.done $0x0  }
0x7d: {  	[sflag:s23] =	ssyncadd.s32 $0xFFFFFFB0  }
0x7e: {  	_ =	swait.ge [sflag:s23], $0x50  }
0x7f: {  	[sflag:s23] =	ssyncset.done $0x0  }
0x80: {  	[sflag:s23] =	ssyncadd.s32 $0xFFFFFFB0  }
0x81: {  	_ =	swait.ge [sflag:s23], $0x50  }
0x82: {  	[sflag:s23] =	ssyncset.done $0x0  }
0x83: {  	[sflag:s23] =	ssyncadd.s32 $0xFFFFFFB0  }
0x84: {  	_ =	swait.ge [sflag:s23], $0x50  }
0x85: {  	[sflag:s23] =	ssyncset.done $0x0  }
0x86: {  	[sflag:s23] =	ssyncadd.s32 $0xFFFFFFB0  }
0x87: {  	_ =	swait.ge [sflag:s23], $0x50  }
0x88: {  	[sflag:s23] =	ssyncset.done $0x0  }
0x89: {  	s0 =	simm.s32 $0x1;
	[sflag:s23] =	ssyncadd.s32 $0xFFFFFFB0  }
0x8a: {  	_ =	swait.ge [sflag:s0], $0x2800  }
0x8b: {  	[sflag:s0] =	ssyncset.done $0x0  }
0x8c: {  	[sflag:s0] =	ssyncadd.s32 $0xFFFFD800  }
0x8d: {  	[spmem:s1] =	stream.indirect.scatter.add.f32 [tilespmem:s5], [sflag:$0x7], $0x80, s15, s11, $0xb8;
	[tilespmem:$0x1E800] =	vst v63  }
0x8e: {  	_ =	swait.ge [sflag:s25], $0x2800  }
0x8f: {  	[sflag:s25] =	ssyncset.done $0x0  }
0x90: {  	s28 =	simm.s32 $0x2;
	[sflag:s25] =	ssyncadd.s32 $0xFFFFD800  }
0x91: {  	[tilespmem:s5], [sflag:$0x1] =	stream.indirect.gather [hbm4b:s4+s11], $0x80, s22, s11, $0xb8;
	[tilespmem:$0x1E800] =	vst v63  }
0x92: {  	_ =	swait.ge [sflag:s28], $0x2800  }
0x93: {  	[sflag:s28] =	ssyncset.done $0x0  }
0x94: {  	[sflag:s28] =	ssyncadd.s32 $0xFFFFD800  }
0x95: {  	[spmem:s1] =	stream.indirect.scatter.add.f32 [tilespmem:s12], [sflag:$0x7], $0x80, s17, s11, $0xb8;
	[tilespmem:$0x1E800] =	vst v63  }
0x96: {  	_ =	swait.ge [sflag:s25], $0x2800  }
0x97: {  	[sflag:s25] =	ssyncset.done $0x0  }
0x98: {  	s29 =	simm.s32 $0x3;
	[sflag:s25] =	ssyncadd.s32 $0xFFFFD800  }
0x99: {  	[tilespmem:s12], [sflag:$0x2] =	stream.indirect.gather [hbm4b:s4+s11], $0x80, s31, s11, $0xb8;
	[tilespmem:$0x1E800] =	vst v63  }
0x9a: {  	_ =	swait.ge [sflag:s29], $0x2800  }
0x9b: {  	[sflag:s29] =	ssyncset.done $0x0  }
0x9c: {  	[sflag:s29] =	ssyncadd.s32 $0xFFFFD800  }
0x9d: {  	[spmem:s1] =	stream.indirect.scatter.add.f32 [tilespmem:s13], [sflag:$0x7], $0x80, s18, s11, $0xb8;
	[tilespmem:$0x1E800] =	vst v63  }
0x9e: {  	_ =	swait.ge [sflag:s25], $0x2800  }
0x9f: {  	[sflag:s25] =	ssyncset.done $0x0  }
0xa0: {  	s26 =	simm.s32 $0x4;
	[sflag:s25] =	ssyncadd.s32 $0xFFFFD800  }
0xa1: {  	[tilespmem:s13], [sflag:$0x3] =	stream.indirect.gather [hbm4b:s4+s11], $0x80, s6, s11, $0xb8;
	[tilespmem:$0x1E800] =	vst v63  }
0xa2: {  	_ =	swait.ge [sflag:s26], $0x2800  }
0xa3: {  	[sflag:s26] =	ssyncset.done $0x0  }
0xa4: {  	[sflag:s26] =	ssyncadd.s32 $0xFFFFD800  }
0xa5: {  	[spmem:s1] =	stream.indirect.scatter.add.f32 [tilespmem:s14], [sflag:$0x7], $0x80, s20, s11, $0xb8;
	[tilespmem:$0x1E800] =	vst v63  }
0xa6: {  	_ =	swait.ge [sflag:s25], $0x2800  }
0xa7: {  	[sflag:s25] =	ssyncset.done $0x0;
	s8 =	sld [smem:$0x7FD]  }
0xa8: {  	[sflag:s25] =	ssyncadd.s32 $0xFFFFD800  }
0xa9: {  	[tilespmem:s14], [sflag:$0x4] =	stream.indirect.gather [hbm4b:s4+s11], $0x80, s7, s11, $0xb8;
	[tilespmem:$0x1E800] =	vst v63  }
0xaa: {  	s3 =	sshrl.u32 s8, $0x3  }
0xab: {  	s6 =	sadd.s32 s2, s3  }
0xac: {  	[tilespmem:s9], [sflag:$0x5] =	stream.linear.gather [hbm4b:s6+s5], $0x50, $0x38;
	[tilespmem:$0x1E800] =	vst v63  }
0xad: {  	s7 =	rddreg [dreg:$0xc];
	s3 =	sadd.s32 s24, s3  }
0xae: {  	[tilespmem:s15], [sflag:$0x5] =	stream.linear.gather [hbm4b:s3+s5], $0x50, $0x38;
	[tilespmem:$0x1E800] =	vst v63  }
0xaf: {  	s6 =	rddreg [dreg:$0xb];
	s15 =	sadd.s32 $0x0, s7  }
0xb0: {  	[tilespmem:s16], [sflag:$0x5] =	stream.linear.gather [hbm4b:s15+s5], $0x50, $0x38;
	[tilespmem:$0x1E800] =	vst v63  }
0xb1: {  	s7 =	rddreg [dreg:$0xa];
	s15 =	sadd.s32 $0x0, s6  }
0xb2: {  	[tilespmem:s17], [sflag:$0x5] =	stream.linear.gather [hbm4b:s15+s5], $0x50, $0x38;
	[tilespmem:$0x1E800] =	vst v63  }
0xb3: {  	s6 =	rddreg [dreg:$0x9];
	s15 =	sadd.s32 $0x0, s7  }
0xb4: {  	[tilespmem:s19], [sflag:$0x5] =	stream.linear.gather [hbm4b:s15+s5], $0x50, $0x38;
	[tilespmem:$0x1E800] =	vst v63  }
0xb5: {  	s6 =	sadd.s32 $0x0, s6;
	s17 =	rddreg [dreg:$0x8]  }
0xb6: {  	[tilespmem:s18], [sflag:$0x5] =	stream.linear.gather [hbm4b:s6+s5], $0x50, $0x38;
	[tilespmem:$0x1E800] =	vst v63  }
0xb7: {  	s17 =	sadd.s32 $0x0, s17;
	s15 =	rddreg [dreg:$0x7]  }
0xb8: {  	[tilespmem:s21], [sflag:$0x5] =	stream.linear.gather [hbm4b:s17+s5], $0x50, $0x38;
	[tilespmem:$0x1E800] =	vst v63  }
0xb9: {  	s18 =	sadd.s32 $0x0, s15  }
0xba: {  	[tilespmem:s20], [sflag:$0x5] =	stream.linear.gather [hbm4b:s18+s5], $0x50, $0x38;
	[tilespmem:$0x1E800] =	vst v63  }
0xbb: {  	_ =	swait.ge [sflag:s10], $0x50  }
0xbc: {  	[sflag:s10] =	ssyncset.done $0x0  }
0xbd: {  	[sflag:s10] =	ssyncadd.s32 $0xFFFFFFB0  }
0xbe: {  	_ =	swait.ge [sflag:s10], $0x50  }
0xbf: {  	[sflag:s10] =	ssyncset.done $0x0  }
0xc0: {  	[sflag:s10] =	ssyncadd.s32 $0xFFFFFFB0  }
0xc1: {  	_ =	swait.ge [sflag:s10], $0x50  }
0xc2: {  	[sflag:s10] =	ssyncset.done $0x0  }
0xc3: {  	[sflag:s10] =	ssyncadd.s32 $0xFFFFFFB0  }
0xc4: {  	_ =	swait.ge [sflag:s10], $0x50  }
0xc5: {  	[sflag:s10] =	ssyncset.done $0x0  }
0xc6: {  	[sflag:s10] =	ssyncadd.s32 $0xFFFFFFB0  }
0xc7: {  	_ =	swait.ge [sflag:s10], $0x50  }
0xc8: {  	[sflag:s10] =	ssyncset.done $0x0  }
0xc9: {  	[sflag:s10] =	ssyncadd.s32 $0xFFFFFFB0  }
0xca: {  	_ =	swait.ge [sflag:s10], $0x50  }
0xcb: {  	[sflag:s10] =	ssyncset.done $0x0  }
0xcc: {  	[sflag:s10] =	ssyncadd.s32 $0xFFFFFFB0  }
0xcd: {  	_ =	swait.ge [sflag:s10], $0x50  }
0xce: {  	[sflag:s10] =	ssyncset.done $0x0  }
0xcf: {  	[sflag:s10] =	ssyncadd.s32 $0xFFFFFFB0  }
0xd0: {  	_ =	swait.ge [sflag:s10], $0x50  }
0xd1: {  	[sflag:s10] =	ssyncset.done $0x0  }
0xd2: {  	[sflag:s10] =	ssyncadd.s32 $0xFFFFFFB0  }
0xd3: {  	_ =	swait.ge [sflag:s0], $0x2800  }
0xd4: {  	[sflag:s0] =	ssyncset.done $0x0  }
0xd5: {  	[sflag:s0] =	ssyncadd.s32 $0xFFFFD800  }
0xd6: {  	[spmem:s1] =	stream.indirect.scatter.add.f32 [tilespmem:s5], [sflag:$0x7], $0x80, s30, s11, $0xb8;
	[tilespmem:$0x1E800] =	vst v63  }
0xd7: {  	_ =	swait.ge [sflag:s25], $0x2800  }
0xd8: {  	[sflag:s25] =	ssyncset.done $0x0  }
0xd9: {  	[sflag:s25] =	ssyncadd.s32 $0xFFFFD800  }
0xda: {  	[tilespmem:s5], [sflag:$0x1] =	stream.indirect.gather [hbm4b:s4+s11], $0x80, s9, s11, $0xb8;
	[tilespmem:$0x1E800] =	vst v63  }
0xdb: {  	_ =	swait.ge [sflag:s28], $0x2800  }
0xdc: {  	[sflag:s28] =	ssyncset.done $0x0  }
0xdd: {  	s20 =	simm.s32 $0xA680;
	[sflag:s28] =	ssyncadd.s32 $0xFFFFD800  }
0xde: {  	[spmem:s1] =	stream.indirect.scatter.add.f32 [tilespmem:s12], [sflag:$0x7], $0x80, s20, s11, $0xb8;
	[tilespmem:$0x1E800] =	vst v63  }
0xdf: {  	_ =	swait.ge [sflag:s25], $0x2800  }
0xe0: {  	[sflag:s25] =	ssyncset.done $0x0  }
0xe1: {  	[sflag:s25] =	ssyncadd.s32 $0xFFFFD800  }
0xe2: {  	[tilespmem:s12], [sflag:$0x2] =	stream.indirect.gather [hbm4b:s4+s11], $0x80, s16, s11, $0xb8;
	[tilespmem:$0x1E800] =	vst v63  }
0xe3: {  	_ =	swait.ge [sflag:s29], $0x2800  }
0xe4: {  	[sflag:s29] =	ssyncset.done $0x0  }
0xe5: {  	s12 =	simm.s32 $0xA700;
	[sflag:s29] =	ssyncadd.s32 $0xFFFFD800  }
0xe6: {  	[spmem:s1] =	stream.indirect.scatter.add.f32 [tilespmem:s13], [sflag:$0x7], $0x80, s12, s11, $0xb8;
	[tilespmem:$0x1E800] =	vst v63  }
0xe7: {  	_ =	swait.ge [sflag:s25], $0x2800  }
0xe8: {  	[sflag:s25] =	ssyncset.done $0x0  }
0xe9: {  	[sflag:s25] =	ssyncadd.s32 $0xFFFFD800  }
0xea: {  	[tilespmem:s13], [sflag:$0x3] =	stream.indirect.gather [hbm4b:s4+s11], $0x80, s19, s11, $0xb8;
	[tilespmem:$0x1E800] =	vst v63  }
0xeb: {  	_ =	swait.ge [sflag:s26], $0x2800  }
0xec: {  	[sflag:s26] =	ssyncset.done $0x0  }
0xed: {  	s17 =	smin.u32 s5, $0x1B;
	s16 =	simm.s32 $0xA780;
	[sflag:s26] =	ssyncadd.s32 $0xFFFFD800  }
0xee: {  	[spmem:s1] =	stream.indirect.scatter.add.f32 [tilespmem:s14], [sflag:$0x7], $0x80, s16, s11, $0xb8;
	[tilespmem:$0x1E800] =	vst v63  }
0xef: {  	s3 =	smul.u32 $0x140, s17;
	_ =	swait.ge [sflag:s25], $0x2800  }
0xf0: {  	[sflag:s25] =	ssyncset.done $0x0;
	s18 =	rddreg [dreg:$0x6]  }
0xf1: {  	[sflag:s25] =	ssyncadd.s32 $0xFFFFD800;
	s3 =	sadd.s32 s3, s18  }
0xf2: {  	[tilespmem:s14], [sflag:$0x4] =	stream.indirect.gather [hbm4b:s4+s11], $0x80, s21, s11, $0xb8;
	[tilespmem:$0x1E800] =	vst v63  }
0xf3: {  	s3 =	sshrl.u32 s3, $0x3  }
0xf4: {  	s19 =	sadd.s32 s2, s3  }
0xf5: {  	[tilespmem:s22], [sflag:$0x6] =	stream.linear.gather [hbm4b:s19+s5], $0x50, $0x38;
	[tilespmem:$0x1E800] =	vst v63  }
0xf6: {  	s9 =	simm.s32 $0xA300;
	s20 =	sadd.s32 $0xA, s3;
	s21 =	sadd.s32 s24, s3  }
0xf7: {  	[tilespmem:s30], [sflag:$0x6] =	stream.linear.gather [hbm4b:s21+s5], $0x50, $0x38;
	[tilespmem:$0x1E800] =	vst v63  }
0xf8: {  	s28 =	simm.s32 $0xA680;
	s26 =	sadd.s32 $0x14, s3;
	s22 =	sadd.s32 s2, s20  }
0xf9: {  	[tilespmem:s31], [sflag:$0x6] =	stream.linear.gather [hbm4b:s22+s5], $0x50, $0x38;
	[tilespmem:$0x1E800] =	vst v63  }
0xfa: {  	s3 =	sadd.s32 $0x1E, s3;
	s6 =	sadd.s32 s24, s20;
	s29 =	sadd.s32 s24, s26  }
0xfb: {  	[tilespmem:s28], [sflag:$0x6] =	stream.linear.gather [hbm4b:s6+s5], $0x50, $0x38;
	[tilespmem:$0x1E800] =	vst v63  }
0xfc: {  	s7 =	sadd.s32 s24, s3;
	s30 =	simm.s32 $0x50;
	s28 =	sadd.s32 s2, s26  }
0xfd: {  	[tilespmem:s9], [sflag:$0x6] =	stream.linear.gather [hbm4b:s28+s5], $0x50, $0x38;
	[tilespmem:$0x1E800] =	vst v63  }
0xfe: {  	s31 =	simm.s32 $0x0;
	s6 =	sadd.s32 s2, s3;
	s3 =	smov.u32 s8  }
0xff: {  	[tilespmem:s12], [sflag:$0x6] =	stream.linear.gather [hbm4b:s29+s5], $0x50, $0x38;
	[tilespmem:$0x1E800] =	vst v63  }
.LBB2_2:
0x100: {  	s8 =	simm.s32 $0xA380  }
0x101: {  	[tilespmem:s8], [sflag:$0x6] =	stream.linear.gather [hbm4b:s6+s5], $0x50, $0x38;
	[tilespmem:$0x1E800] =	vst v63  }
0x102: {  	s0 =	simm.s32 $0xA780  }
0x103: {  	[tilespmem:s0], [sflag:$0x6] =	stream.linear.gather [hbm4b:s7+s5], $0x50, $0x38;
	[tilespmem:$0x1E800] =	vst v63  }
0x104: {  	_ =	swait.ge [sflag:s23], $0x50  }
0x105: {  	[sflag:s23] =	ssyncset.done $0x0  }
0x106: {  	[sflag:s23] =	ssyncadd.s32 $0xFFFFFFB0  }
0x107: {  	_ =	swait.ge [sflag:s23], $0x50  }
0x108: {  	[sflag:s23] =	ssyncset.done $0x0  }
0x109: {  	[sflag:s23] =	ssyncadd.s32 $0xFFFFFFB0  }
0x10a: {  	_ =	swait.ge [sflag:s23], $0x50  }
0x10b: {  	[sflag:s23] =	ssyncset.done $0x0  }
0x10c: {  	[sflag:s23] =	ssyncadd.s32 $0xFFFFFFB0  }
0x10d: {  	_ =	swait.ge [sflag:s23], $0x50  }
0x10e: {  	[sflag:s23] =	ssyncset.done $0x0  }
0x10f: {  	[sflag:s23] =	ssyncadd.s32 $0xFFFFFFB0  }
0x110: {  	_ =	swait.ge [sflag:s23], $0x50  }
0x111: {  	[sflag:s23] =	ssyncset.done $0x0  }
0x112: {  	[sflag:s23] =	ssyncadd.s32 $0xFFFFFFB0  }
0x113: {  	_ =	swait.ge [sflag:s23], $0x50  }
0x114: {  	[sflag:s23] =	ssyncset.done $0x0  }
0x115: {  	[sflag:s23] =	ssyncadd.s32 $0xFFFFFFB0  }
0x116: {  	_ =	swait.ge [sflag:s23], $0x50  }
0x117: {  	[sflag:s23] =	ssyncset.done $0x0  }
0x118: {  	[sflag:s23] =	ssyncadd.s32 $0xFFFFFFB0  }
0x119: {  	_ =	swait.ge [sflag:s23], $0x50  }
0x11a: {  	[sflag:s23] =	ssyncset.done $0x0  }
0x11b: {  	s28 =	simm.s32 $0x1;
	[sflag:s23] =	ssyncadd.s32 $0xFFFFFFB0  }
0x11c: {  	_ =	swait.ge [sflag:s28], $0x2800  }
0x11d: {  	[sflag:s28] =	ssyncset.done $0x0  }
0x11e: {  	[sflag:s28] =	ssyncadd.s32 $0xFFFFD800  }
0x11f: {  	s16 =	simm.s32 $0xA400;
	s18 =	rddreg [dreg:$0x4]  }
0x120: {  	[spmem:s18] =	stream.indirect.scatter.add.f32 [tilespmem:s5], [sflag:$0x7], $0x80, s16, s11, $0xb8;
	[tilespmem:$0x1E800] =	vst v63  }
0x121: {  	_ =	swait.ge [sflag:s25], $0x2800  }
0x122: {  	[sflag:s25] =	ssyncset.done $0x0  }
0x123: {  	[sflag:s25] =	ssyncadd.s32 $0xFFFFD800  }
0x124: {  	s20 =	simm.s32 $0xA200;
	s29 =	simm.s32 $0x2;
	s4 =	rddreg [dreg:$0x0]  }
0x125: {  	[tilespmem:s5], [sflag:$0x1] =	stream.indirect.gather [hbm4b:s4+s11], $0x80, s20, s11, $0xb8;
	[tilespmem:$0x1E800] =	vst v63  }
0x126: {  	_ =	swait.ge [sflag:s29], $0x2800  }
0x127: {  	[sflag:s29] =	ssyncset.done $0x0  }
0x128: {  	s19 =	simm.s32 $0xA480;
	s13 =	simm.s32 $0x2800;
	[sflag:s29] =	ssyncadd.s32 $0xFFFFD800  }
0x129: {  	[spmem:s18] =	stream.indirect.scatter.add.f32 [tilespmem:s13], [sflag:$0x7], $0x80, s19, s11, $0xb8;
	[tilespmem:$0x1E800] =	vst v63  }
0x12a: {  	_ =	swait.ge [sflag:s25], $0x2800  }
0x12b: {  	[sflag:s25] =	ssyncset.done $0x0  }
0x12c: {  	s21 =	simm.s32 $0xA280;
	s0 =	simm.s32 $0x3;
	[sflag:s25] =	ssyncadd.s32 $0xFFFFD800  }
0x12d: {  	[tilespmem:s13], [sflag:$0x2] =	stream.indirect.gather [hbm4b:s4+s11], $0x80, s21, s11, $0xb8;
	[tilespmem:$0x1E800] =	vst v63  }
0x12e: {  	_ =	swait.ge [sflag:s0], $0x2800  }
0x12f: {  	[sflag:s0] =	ssyncset.done $0x0  }
0x130: {  	s14 =	simm.s32 $0x5000;
	s21 =	simm.s32 $0xA500;
	[sflag:s0] =	ssyncadd.s32 $0xFFFFD800  }
0x131: {  	[spmem:s18] =	stream.indirect.scatter.add.f32 [tilespmem:s14], [sflag:$0x7], $0x80, s21, s11, $0xb8;
	[tilespmem:$0x1E800] =	vst v63  }
0x132: {  	_ =	swait.ge [sflag:s25], $0x2800  }
0x133: {  	[sflag:s25] =	ssyncset.done $0x0  }
0x134: {  	s26 =	simm.s32 $0x4;
	[sflag:s25] =	ssyncadd.s32 $0xFFFFD800  }
0x135: {  	[tilespmem:s14], [sflag:$0x3] =	stream.indirect.gather [hbm4b:s4+s11], $0x80, s9, s11, $0xb8;
	[tilespmem:$0x1E800] =	vst v63  }
0x136: {  	_ =	swait.ge [sflag:s26], $0x2800  }
0x137: {  	[sflag:s26] =	ssyncset.done $0x0  }
0x138: {  	s17 =	simm.s32 $0xA580;
	s1 =	simm.s32 $0x7800;
	[sflag:s26] =	ssyncadd.s32 $0xFFFFD800  }
0x139: {  	[spmem:s18] =	stream.indirect.scatter.add.f32 [tilespmem:s1], [sflag:$0x7], $0x80, s17, s11, $0xb8;
	[tilespmem:$0x1E800] =	vst v63  }
0x13a: {  	_ =	swait.ge [sflag:s25], $0x2800  }
0x13b: {  	s3 =	sadd.s32 $0x280, s3;
	[sflag:s25] =	ssyncset.done $0x0  }
0x13c: {  	s22 =	sshrl.u32 s3, $0x3;
	[sflag:s25] =	ssyncadd.s32 $0xFFFFD800  }
0x13d: {  	[tilespmem:s1], [sflag:$0x4] =	stream.indirect.gather [hbm4b:s4+s11], $0x80, s8, s11, $0xb8;
	[tilespmem:$0x1E800] =	vst v63  }
0x13e: {  	s15 =	simm.s32 $0xA000;
	s9 =	sadd.s32 s2, s22  }
0x13f: {  	[tilespmem:s15], [sflag:$0x5] =	stream.linear.gather [hbm4b:s9+s5], $0x50, $0x38;
	[tilespmem:$0x1E800] =	vst v63  }
0x140: {  	s6 =	smov.u32 s30;
	s7 =	sadd.s32 s24, s22;
	s20 =	rddreg [dreg:$0xc]  }
0x141: {  	[tilespmem:s16], [sflag:$0x5] =	stream.linear.gather [hbm4b:s7+s5], $0x50, $0x38;
	[tilespmem:$0x1E800] =	vst v63  }
0x142: {  	s22 =	rddreg [dreg:$0xb];
	s9 =	sadd.s32 s6, s20;
	s16 =	simm.s32 $0xA080  }
0x143: {  	[tilespmem:s16], [sflag:$0x5] =	stream.linear.gather [hbm4b:s9+s5], $0x50, $0x38;
	[tilespmem:$0x1E800] =	vst v63  }
0x144: {  	s22 =	sadd.s32 s6, s22;
	s20 =	rddreg [dreg:$0xa]  }
0x145: {  	[tilespmem:s19], [sflag:$0x5] =	stream.linear.gather [hbm4b:s22+s5], $0x50, $0x38;
	[tilespmem:$0x1E800] =	vst v63  }
0x146: {  	s8 =	rddreg [dreg:$0x9];
	s20 =	sadd.s32 s6, s20;
	s19 =	simm.s32 $0xA100  }
0x147: {  	[tilespmem:s19], [sflag:$0x5] =	stream.linear.gather [hbm4b:s20+s5], $0x50, $0x38;
	[tilespmem:$0x1E800] =	vst v63  }
0x148: {  	s8 =	sadd.s32 s6, s8;
	s22 =	rddreg [dreg:$0x8]  }
0x149: {  	[tilespmem:s21], [sflag:$0x5] =	stream.linear.gather [hbm4b:s8+s5], $0x50, $0x38;
	[tilespmem:$0x1E800] =	vst v63  }
0x14a: {  	s22 =	sadd.s32 s6, s22;
	s20 =	rddreg [dreg:$0x7];
	s21 =	simm.s32 $0xA180  }
0x14b: {  	[tilespmem:s21], [sflag:$0x5] =	stream.linear.gather [hbm4b:s22+s5], $0x50, $0x38;
	[tilespmem:$0x1E800] =	vst v63  }
0x14c: {  	s6 =	sadd.s32 s6, s20  }
0x14d: {  	[tilespmem:s17], [sflag:$0x5] =	stream.linear.gather [hbm4b:s6+s5], $0x50, $0x38;
	[tilespmem:$0x1E800] =	vst v63  }
0x14e: {  	_ =	swait.ge [sflag:s10], $0x50  }
0x14f: {  	[sflag:s10] =	ssyncset.done $0x0  }
0x150: {  	[sflag:s10] =	ssyncadd.s32 $0xFFFFFFB0  }
0x151: {  	_ =	swait.ge [sflag:s10], $0x50  }
0x152: {  	[sflag:s10] =	ssyncset.done $0x0  }
0x153: {  	[sflag:s10] =	ssyncadd.s32 $0xFFFFFFB0  }
0x154: {  	_ =	swait.ge [sflag:s10], $0x50  }
0x155: {  	[sflag:s10] =	ssyncset.done $0x0  }
0x156: {  	[sflag:s10] =	ssyncadd.s32 $0xFFFFFFB0  }
0x157: {  	_ =	swait.ge [sflag:s10], $0x50  }
0x158: {  	[sflag:s10] =	ssyncset.done $0x0  }
0x159: {  	[sflag:s10] =	ssyncadd.s32 $0xFFFFFFB0  }
0x15a: {  	_ =	swait.ge [sflag:s10], $0x50  }
0x15b: {  	[sflag:s10] =	ssyncset.done $0x0  }
0x15c: {  	[sflag:s10] =	ssyncadd.s32 $0xFFFFFFB0  }
0x15d: {  	_ =	swait.ge [sflag:s10], $0x50  }
0x15e: {  	[sflag:s10] =	ssyncset.done $0x0  }
0x15f: {  	[sflag:s10] =	ssyncadd.s32 $0xFFFFFFB0  }
0x160: {  	_ =	swait.ge [sflag:s10], $0x50  }
0x161: {  	[sflag:s10] =	ssyncset.done $0x0  }
0x162: {  	[sflag:s10] =	ssyncadd.s32 $0xFFFFFFB0  }
0x163: {  	_ =	swait.ge [sflag:s10], $0x50  }
0x164: {  	[sflag:s10] =	ssyncset.done $0x0  }
0x165: {  	[sflag:s10] =	ssyncadd.s32 $0xFFFFFFB0  }
0x166: {  	_ =	swait.ge [sflag:s28], $0x2800  }
0x167: {  	[sflag:s28] =	ssyncset.done $0x0  }
0x168: {  	s20 =	simm.s32 $0xA600;
	[sflag:s28] =	ssyncadd.s32 $0xFFFFD800  }
0x169: {  	[spmem:s18] =	stream.indirect.scatter.add.f32 [tilespmem:s5], [sflag:$0x7], $0x80, s20, s11, $0xb8;
	[tilespmem:$0x1E800] =	vst v63  }
0x16a: {  	_ =	swait.ge [sflag:s25], $0x2800  }
0x16b: {  	[sflag:s25] =	ssyncset.done $0x0  }
0x16c: {  	[sflag:s25] =	ssyncadd.s32 $0xFFFFD800  }
0x16d: {  	[tilespmem:s5], [sflag:$0x1] =	stream.indirect.gather [hbm4b:s4+s11], $0x80, s15, s11, $0xb8;
	[tilespmem:$0x1E800] =	vst v63  }
0x16e: {  	_ =	swait.ge [sflag:s29], $0x2800  }
0x16f: {  	[sflag:s29] =	ssyncset.done $0x0  }
0x170: {  	[sflag:s29] =	ssyncadd.s32 $0xFFFFD800;
	s29 =	simm.s32 $0xA680  }
0x171: {  	[spmem:s18] =	stream.indirect.scatter.add.f32 [tilespmem:s13], [sflag:$0x7], $0x80, s29, s11, $0xb8;
	[tilespmem:$0x1E800] =	vst v63  }
0x172: {  	_ =	swait.ge [sflag:s25], $0x2800  }
0x173: {  	[sflag:s25] =	ssyncset.done $0x0  }
0x174: {  	[sflag:s25] =	ssyncadd.s32 $0xFFFFD800  }
0x175: {  	[tilespmem:s13], [sflag:$0x2] =	stream.indirect.gather [hbm4b:s4+s11], $0x80, s16, s11, $0xb8;
	[tilespmem:$0x1E800] =	vst v63  }
0x176: {  	_ =	swait.ge [sflag:s0], $0x2800  }
0x177: {  	[sflag:s0] =	ssyncset.done $0x0  }
0x178: {  	[sflag:s0] =	ssyncadd.s32 $0xFFFFD800;
	s0 =	simm.s32 $0xA700  }
0x179: {  	[spmem:s18] =	stream.indirect.scatter.add.f32 [tilespmem:s14], [sflag:$0x7], $0x80, s0, s11, $0xb8;
	[tilespmem:$0x1E800] =	vst v63  }
0x17a: {  	_ =	swait.ge [sflag:s25], $0x2800  }
0x17b: {  	[sflag:s25] =	ssyncset.done $0x0  }
0x17c: {  	[sflag:s25] =	ssyncadd.s32 $0xFFFFD800  }
0x17d: {  	[tilespmem:s14], [sflag:$0x3] =	stream.indirect.gather [hbm4b:s4+s11], $0x80, s19, s11, $0xb8;
	[tilespmem:$0x1E800] =	vst v63  }
0x17e: {  	_ =	swait.ge [sflag:s26], $0x2800  }
0x17f: {  	s31 =	sadd.s32 $0x2, s31;
	[sflag:s26] =	ssyncset.done $0x0  }
0x180: {  	s7 =	smin.u32 s31, $0x1B;
	[sflag:s26] =	ssyncadd.s32 $0xFFFFD800;
	s26 =	simm.s32 $0xA780  }
0x181: {  	[spmem:s18] =	stream.indirect.scatter.add.f32 [tilespmem:s1], [sflag:$0x7], $0x80, s26, s11, $0xb8;
	[tilespmem:$0x1E800] =	vst v63  }
0x182: {  	s6 =	smul.u32 $0x140, s7;
	_ =	swait.ge [sflag:s25], $0x2800  }
0x183: {  	[sflag:s25] =	ssyncset.done $0x0;
	s8 =	rddreg [dreg:$0x6]  }
0x184: {  	[sflag:s25] =	ssyncadd.s32 $0xFFFFD800;
	s6 =	sadd.s32 s6, s8  }
0x185: {  	[tilespmem:s1], [sflag:$0x4] =	stream.indirect.gather [hbm4b:s4+s11], $0x80, s21, s11, $0xb8;
	[tilespmem:$0x1E800] =	vst v63  }
0x186: {  	p1 =	sne.s32 s30, $0x460;
	s12 =	simm.s32 $0xA380;
	s6 =	sshrl.u32 s6, $0x3  }
0x187: {  	s30 =	sadd.s32 $0x50, s30;
	s18 =	simm.s32 $0xA200;
	s9 =	sadd.s32 s2, s6  }
0x188: {  	[tilespmem:s18], [sflag:$0x6] =	stream.linear.gather [hbm4b:s9+s5], $0x50, $0x38;
	[tilespmem:$0x1E800] =	vst v63  }
0x189: {  	s22 =	simm.s32 $0xA580;
	s15 =	sadd.s32 $0xA, s6;
	s26 =	sadd.s32 s24, s6  }
0x18a: {  	[tilespmem:s20], [sflag:$0x6] =	stream.linear.gather [hbm4b:s26+s5], $0x50, $0x38;
	[tilespmem:$0x1E800] =	vst v63  }
0x18b: {  	s17 =	simm.s32 $0x2800;
	s1 =	sadd.s32 s2, s15;
	s20 =	simm.s32 $0xA280  }
0x18c: {  	[tilespmem:s20], [sflag:$0x6] =	stream.linear.gather [hbm4b:s1+s5], $0x50, $0x38;
	[tilespmem:$0x1E800] =	vst v63  }
0x18d: {  	s28 =	simm.s32 $0xA780;
	s13 =	simm.s32 $0x5000;
	s18 =	sadd.s32 s24, s15  }
0x18e: {  	[tilespmem:s29], [sflag:$0x6] =	stream.linear.gather [hbm4b:s18+s5], $0x50, $0x38;
	[tilespmem:$0x1E800] =	vst v63  }
.Ltmp0:
0x18f: {  	s14 =	simm.s32 $0x7800;
	s16 =	sadd.s32 $0x14, s6;
	(pc) =	sbr.rel @p1 .LBB2_2-.Ltmp0, $4  }
0x190: {  	s4 =	sadd.s32 $0x1E, s6;
	s9 =	simm.s32 $0xA300;
	s26 =	sadd.s32 s2, s16  }
0x191: {  	[tilespmem:s9], [sflag:$0x6] =	stream.linear.gather [hbm4b:s26+s5], $0x50, $0x38;
	[tilespmem:$0x1E800] =	vst v63  }
0x192: {  	s6 =	sadd.s32 s2, s4;
	s7 =	sadd.s32 s24, s4;
	s29 =	sadd.s32 s24, s16  }
0x193: {  	[tilespmem:s0], [sflag:$0x6] =	stream.linear.gather [hbm4b:s29+s5], $0x50, $0x38;
	[tilespmem:$0x1E800] =	vst v63  }
0x194: {  	[tilespmem:s12], [sflag:$0x6] =	stream.linear.gather [hbm4b:s6+s5], $0x50, $0x38;
	[tilespmem:$0x1E800] =	vst v63  }
0x195: {  	_ = 	snop  }
0x196: {  	[tilespmem:s28], [sflag:$0x6] =	stream.linear.gather [hbm4b:s7+s5], $0x50, $0x38;
	[tilespmem:$0x1E800] =	vst v63  }
0x197: {  	_ =	swait.ge [sflag:s23], $0x50  }
0x198: {  	[sflag:s23] =	ssyncset.done $0x0  }
0x199: {  	[sflag:s23] =	ssyncadd.s32 $0xFFFFFFB0  }
0x19a: {  	_ =	swait.ge [sflag:s23], $0x50  }
0x19b: {  	[sflag:s23] =	ssyncset.done $0x0  }
0x19c: {  	[sflag:s23] =	ssyncadd.s32 $0xFFFFFFB0  }
0x19d: {  	_ =	swait.ge [sflag:s23], $0x50  }
0x19e: {  	[sflag:s23] =	ssyncset.done $0x0  }
0x19f: {  	[sflag:s23] =	ssyncadd.s32 $0xFFFFFFB0  }
0x1a0: {  	_ =	swait.ge [sflag:s23], $0x50  }
0x1a1: {  	[sflag:s23] =	ssyncset.done $0x0  }
0x1a2: {  	[sflag:s23] =	ssyncadd.s32 $0xFFFFFFB0  }
0x1a3: {  	_ =	swait.ge [sflag:s23], $0x50  }
0x1a4: {  	[sflag:s23] =	ssyncset.done $0x0  }
0x1a5: {  	[sflag:s23] =	ssyncadd.s32 $0xFFFFFFB0  }
0x1a6: {  	_ =	swait.ge [sflag:s23], $0x50  }
0x1a7: {  	[sflag:s23] =	ssyncset.done $0x0  }
0x1a8: {  	[sflag:s23] =	ssyncadd.s32 $0xFFFFFFB0  }
0x1a9: {  	_ =	swait.ge [sflag:s23], $0x50  }
0x1aa: {  	[sflag:s23] =	ssyncset.done $0x0  }
0x1ab: {  	[sflag:s23] =	ssyncadd.s32 $0xFFFFFFB0  }
0x1ac: {  	_ =	swait.ge [sflag:s23], $0x50  }
0x1ad: {  	[sflag:s23] =	ssyncset.done $0x0  }
0x1ae: {  	s1 =	simm.s32 $0x1;
	[sflag:s23] =	ssyncadd.s32 $0xFFFFFFB0  }
0x1af: {  	_ =	swait.ge [sflag:s1], $0x2800  }
0x1b0: {  	[sflag:s1] =	ssyncset.done $0x0  }
0x1b1: {  	[sflag:s1] =	ssyncadd.s32 $0xFFFFD800  }
0x1b2: {  	s12 =	simm.s32 $0xA400;
	s4 =	rddreg [dreg:$0x4]  }
0x1b3: {  	[spmem:s4] =	stream.indirect.scatter.add.f32 [tilespmem:s5], [sflag:$0x7], $0x80, s12, s11, $0xb8;
	[tilespmem:$0x1E800] =	vst v63  }
0x1b4: {  	_ =	swait.ge [sflag:s25], $0x2800  }
0x1b5: {  	[sflag:s25] =	ssyncset.done $0x0  }
0x1b6: {  	s3 =	simm.s32 $0x2;
	[sflag:s25] =	ssyncadd.s32 $0xFFFFD800  }
0x1b7: {  	_ =	swait.ge [sflag:s3], $0x2800  }
0x1b8: {  	[sflag:s3] =	ssyncset.done $0x0  }
0x1b9: {  	s0 =	simm.s32 $0xA480;
	[sflag:s3] =	ssyncadd.s32 $0xFFFFD800  }
0x1ba: {  	[spmem:s4] =	stream.indirect.scatter.add.f32 [tilespmem:s17], [sflag:$0x7], $0x80, s0, s11, $0xb8;
	[tilespmem:$0x1E800] =	vst v63  }
0x1bb: {  	_ =	swait.ge [sflag:s25], $0x2800  }
0x1bc: {  	[sflag:s25] =	ssyncset.done $0x0  }
0x1bd: {  	s15 =	simm.s32 $0x3;
	[sflag:s25] =	ssyncadd.s32 $0xFFFFD800  }
0x1be: {  	_ =	swait.ge [sflag:s15], $0x2800  }
0x1bf: {  	[sflag:s15] =	ssyncset.done $0x0  }
0x1c0: {  	s16 =	simm.s32 $0xA500;
	[sflag:s15] =	ssyncadd.s32 $0xFFFFD800  }
0x1c1: {  	[spmem:s4] =	stream.indirect.scatter.add.f32 [tilespmem:s13], [sflag:$0x7], $0x80, s16, s11, $0xb8;
	[tilespmem:$0x1E800] =	vst v63  }
0x1c2: {  	_ =	swait.ge [sflag:s25], $0x2800  }
0x1c3: {  	[sflag:s25] =	ssyncset.done $0x0  }
0x1c4: {  	s17 =	simm.s32 $0x4;
	[sflag:s25] =	ssyncadd.s32 $0xFFFFD800  }
0x1c5: {  	_ =	swait.ge [sflag:s17], $0x2800  }
0x1c6: {  	[sflag:s17] =	ssyncset.done $0x0  }
0x1c7: {  	[sflag:s17] =	ssyncadd.s32 $0xFFFFD800  }
0x1c8: {  	[spmem:s4] =	stream.indirect.scatter.add.f32 [tilespmem:s14], [sflag:$0x7], $0x80, s22, s11, $0xb8;
	[tilespmem:$0x1E800] =	vst v63  }
0x1c9: {  	_ =	swait.ge [sflag:s25], $0x2800  }
0x1ca: {  	[sflag:s25] =	ssyncset.done $0x0  }
0x1cb: {  	s20 =	simm.s32 $0xA000;
	s18 =	rddreg [dreg:$0x1e];
	[sflag:s25] =	ssyncadd.s32 $0xFFFFD800  }
0x1cc: {  	[tilespmem:s20], [sflag:$0x7] =	stream.linear.gather [hbm4b:s18+s5], $0x50, $0x38;
	[tilespmem:$0x1E800] =	vst v63  }
0x1cd: {  	_ =	swait.ge [sflag:s25], $0x50  }
0x1ce: {  	[sflag:s25] =	ssyncset.done $0x0  }
0x1cf: {  	s22 =	rddreg [dreg:$0x1f];
	[sflag:s25] =	ssyncadd.s32 $0xFFFFFFB0  }
0x1d0: {  	[tilespmem:s12], [sflag:$0x7] =	stream.linear.gather [hbm4b:s22+s5], $0x50, $0x38;
	[tilespmem:$0x1E800] =	vst v63  }
0x1d1: {  	_ =	swait.ge [sflag:s25], $0x50  }
0x1d2: {  	[sflag:s25] =	ssyncset.done $0x0  }
0x1d3: {  	[sflag:s25] =	ssyncadd.s32 $0xFFFFFFB0  }
0x1d4: {  	s26 =	rddreg [dreg:$0x0]  }
0x1d5: {  	[tilespmem:s5], [sflag:$0x1] =	stream.indirect.gather [hbm4b:s26+s11], $0x80, s20, s11, $0xb8;
	[tilespmem:$0x1E800] =	vst v63  }
0x1d6: {  	_ =	swait.ge [sflag:s1], $0x2800  }
0x1d7: {  	[sflag:s1] =	ssyncset.done $0x0  }
0x1d8: {  	[sflag:s1] =	ssyncadd.s32 $0xFFFFD800  }
0x1d9: {  	[spmem:s4] =	stream.indirect.scatter.add.f32 [tilespmem:s5], [sflag:$0x7], $0x80, s12, s11, $0xb8;
	[tilespmem:$0x1E800] =	vst v63  }
0x1da: {  	_ =	swait.ge [sflag:s25], $0x2800  }
0x1db: {  	[sflag:s25] =	ssyncset.done $0x0  }
0x1dc: {  	[sflag:s25] =	ssyncadd.s32 $0xFFFFD800  }
0x1dd: {  	[bflag:$0x0] =	sbarrier.arrive $0xFFFF  }
0x1de: {  	s6 =	sld [smem:$0x7FB]  }
0x1df: {  	s0 =	sld [smem:$0x7FA];
	_ =	sdelay $0x1  }
0x1e0: {  	s3 =	simm.s32 @!p0 $0x1C07  }
0x1e1: {  	[hbm:s6], [sflag:s3] =	dma.local @!p0 [spmem:s0], $0x28000  }
0x1e2: {  	s3 =	simm.s32 @!p0 $0x7  }
0x1e3: {  	_ =	swait.ge @!p0 [sflag:s3], $0x28000  }
0x1e4: {  	s28 =	sld [smem:$0x7F9]  }
0x1e5: {  	s29 =	sld [smem:$0x7FC];
	_ =	sdelay $0x1  }
0x1e6: {  	s0 =	sadd.s32 $0x1, s28  }
0x1e7: {  	p1 =	sne.s32 s0, s29  }
.Ltmp1:
0x1e8: {  	_ = 	snop;
	(pc) =	sbr.rel @p1 .LBB2_1-.Ltmp1, $4  }
0x1e9: {  	_ = 	snop  }
0x1ea: {  	s30 =	simm.s32 $0xA600;
	s31 =	simm.s32 $0xA280  }
0x1eb: {  	s8 =	simm.s32 $0xA700;
	s7 =	simm.s32 $0xA680;
	[sflag:s3] =	ssyncset.done @!p0 $0x0  }
0x1ec: {  	s16 =	simm.s32 $0xA080;
	s22 =	simm.s32 $0xA200;
	[sflag:s3] =	ssyncadd.s32 @!p0 $0xFFFD8000  }
0x1ed: {  	_ =	sfence.sel $0x180000  }
0x1ee: {  	[bflag:$0x0] =	sbarrier.arrive $0xFFFF  }
0x1ef: {  	_ =	strace $0x9000004A  }
0x1f0: {  	[bflag:$0x2] =	sbarrier.arrive $0xFFFF  }
0x1f1: {  	s0 =	rddreg [dreg:$0x5]  }
0x1f2: {  	s0 =	sadd.s32 @!p0 $0x100000, s0  }
0x1f3: {  	[sflag:s0] =	ssyncadd.tile.s32 @!p0 $0x1;
	_ =	shalt  }
.Lfunc_end2:
_tile_overlayer_lowered:
.L_overlay_start_2:
0x1f4: {  	(tag) =	ssettag $0x2  }
0x1f5: {  	s0 =	rddreg [dreg:$0x0];
	s2 =	stileid.u32  }
0x1f6: {  	s1 =	rddreg [dreg:$0x1];
	p0 =	sne.s32 s2, $0x0  }
0x1f7: {  	s3 =	rddreg [dreg:$0x2];
	[bflag:$0x3] =	sbarrier.arrive $0xFFFF;
	s2 =	simm.s32 @!p0 $0x1C07  }
0x1f8: {  	[timem:s3], [sflag:s2] =	dma.local @!p0 [hbm:s0], s1  }
0x1f9: {  	s0 =	simm.s32 @!p0 $0x7  }
0x1fa: {  	_ =	swait.ge @!p0 [sflag:s0], s1  }
0x1fb: {  	s1 =	ssub.s32 @!p0 $0x0, s1;
	[sflag:s0] =	ssyncset.done @!p0 $0x0  }
0x1fc: {  	[sflag:s0] =	ssyncadd.s32 @!p0 s1  }
0x1fd: {  	[bflag:$0x3] =	sbarrier.arrive $0xFFFF  }
0x1fe: {  	_ =	shalt  }

// kernel: kernel.14.cloned.1.call-start
scs
__scs_entry_jumppad:
0x0: {  	(pc) =	sbr.rel $0x88, $3  }
0x1: {  	(tag) =	ssettag $0x0;
	lr =	simm.s32 $0x1  }
0x2: {  	[smem:$0x3F99] =	sst lr;
	_ =	strace $0xD0000000  }
0x3: {  	_ = 	snop  }
0x4: {  	_ = 	snop  }
0x5: {  	_ = 	snop  }
0x6: {  	_ = 	snop  }
0x7: {  	_ = 	snop  }
__scs_overlays_trampoline_lowered:
0x8: {  	[smem:$0x3FA8] =	sst s0  }
0x9: {  	[smem:$0x3FA9] =	sst s1  }
0xa: {  	[smem:$0x3FAA] =	sst s2  }
0xb: {  	[smem:$0x3FAB] =	sst s3  }
0xc: {  	[smem:$0x3FAC] =	sst s4  }
0xd: {  	[smem:$0x3FAD] =	sst s5  }
0xe: {  	[smem:$0x3FAE] =	sst s6  }
0xf: {  	[smem:$0x3FAF] =	sst s7  }
0x10: {  	[smem:$0x3FB0] =	sst s8  }
0x11: {  	[smem:$0x3FB1] =	sst s9;
	s0 =	simm.s32 @!p0 $0x0  }
0x12: {  	s1 =	sld [smem:$0x3F97];
	s0 =	simm.s32 @p0 $0x1  }
0x13: {  	[smem:$0x3FB2] =	sst s0;
	s0 =	simm.s32 @!p1 $0x0  }
0x14: {  	s2 =	sld [smem:$0x3F96];
	s0 =	simm.s32 @p1 $0x1  }
0x15: {  	[smem:$0x3FB3] =	sst s0;
	s0 =	simm.s32 @!p2 $0x0  }
0x16: {  	s3 =	sld [smem:$0x3FDB];
	s0 =	simm.s32 @p2 $0x1  }
0x17: {  	s4 =	simm.s32 $0x1BF5;
	[smem:$0x3FB5] =	sst s0  }
0x18: {  	s0 =	sld [smem:$0x3F98];
	_ =	swait.ge [sflag:s4], $0x0  }
0x19: {  	s7 =	sld [smem:$0x3F99]  }
0x1a: {  	s8 =	sadd.s32 $0xFFFFE003, lr  }
0x1b: {  	s9 =	sadd.s32 $0xFFFFFEF7, lr;
	s5 =	simm.s32 $0xFFFFFFFF;
	p2 =	slt.u32 s8, $0xFFFFF086  }
0x1c: {  	p1 =	slt.u32 s9, $0xF7A;
	s5 =	simm.s32 @!p2 $0x0  }
0x1d: {  	s5 =	simm.s32 @p1 $0x1;
	p0 =	seq.s32 s7, s2  }
0x1e: {  	s7 =	smul.u32 @!p0 $0xF7A, s2;
	p2 =	seq.s32 @!p0 s5, $0x0  }
0x1f: {  	s9 =	smul.u32 $0xF7A, s1;
	s8 =	simm.s32 @!p0 $0x1BF5;
	p2 =	por !p2, p0  }
0x20: {  	[sflag:s8] =	ssyncset.s32 @!p0 $0xFFFFF086;
	s6 =	sadd.s32 @!p0 s3, s7;
	s7 =	simm.s32 @!p0 $0x108  }
0x21: {  	s3 =	sadd.s32 s3, s9;
	s6 =	sadd.s32 @!p0 $0x88, s6;
	s7 =	simm.s32 @p2 $0x1082  }
0x22: {  	[simem:s7], [sflag:s8] =	dma.local @!p0 [hbm:s6], $0xF7A  }
0x23: {  	s9 =	sor.u32 $0xD0000000, s2;
	s6 =	simm.s32 $0x108;
	_ =	swait.ge @!p0 [sflag:s8], $0x0  }
0x24: {  	s3 =	sadd.s32 $0x88, s3;
	s6 =	simm.s32 @!p1 $0x1082;
	[sflag:s4] =	ssyncset.s32 $0xFFFFF086  }
0x25: {  	[simem:s6], [sflag:s4] =	dma.local [hbm:s3], $0xF7A  }
0x26: {  	[smem:$0x3F99] =	sst s1;
	(tag) =	ssettag s2;
	_ =	strace s9  }
0x27: {  	s1 =	sld [smem:$0x3FA9]  }
0x28: {  	s2 =	sld [smem:$0x3FAA]  }
0x29: {  	s4 =	sld [smem:$0x3FAC]  }
0x2a: {  	p0 =	seq.s32 s5, $0x0;
	s5 =	sld [smem:$0x3FAD]  }
0x2b: {  	s6 =	sld [smem:$0x3FAE]  }
0x2c: {  	s7 =	sld [smem:$0x3FAF]  }
0x2d: {  	s3 =	simm.s32 $0x108;
	s8 =	sld [smem:$0x3FB0]  }
0x2e: {  	s3 =	simm.s32 @!p0 $0x1082;
	s9 =	sld [smem:$0x3FB1]  }
0x2f: {  	lr =	sadd.s32 s0, s3;
	s0 =	sld [smem:$0x3FA8]  }
0x30: {  	s3 =	sld [smem:$0x3FAB]  }
0x31: {  	[smem:$0x3FB4] =	sst s10  }
0x32: {  	s10 =	sld [smem:$0x3FB2];
	_ =	sdelay $0x3  }
0x33: {  	p0 =	seq.s32 s10, $0x1;
	s10 =	sld [smem:$0x3FB4];
	_ =	sdelay $0x3  }
0x34: {  	[smem:$0x3FB4] =	sst s10  }
0x35: {  	s10 =	sld [smem:$0x3FB3];
	_ =	sdelay $0x3  }
0x36: {  	p1 =	seq.s32 s10, $0x1;
	s10 =	sld [smem:$0x3FB4];
	_ =	sdelay $0x3  }
0x37: {  	[smem:$0x3FB4] =	sst s10  }
0x38: {  	s10 =	sld [smem:$0x3FB5]  }
0x39: {  	_ = 	snop;
	(pc) =	sbr.ind lr, $3  }
0x3a: {  	_ = 	snop  }
0x3b: {  	_ = 	snop  }
0x3c: {  	p2 =	seq.s32 s10, $0x1;
	s10 =	sld [smem:$0x3FB4]  }
0x3d: {  	_ =	shalt  }
0x3e: {  	_ =	shalt  }
0x3f: {  	_ =	shalt  }
0x40: {  	_ =	shalt  }
0x41: {  	_ =	shalt  }
0x42: {  	_ =	shalt  }
0x43: {  	_ =	shalt  }
0x44: {  	_ =	shalt  }
0x45: {  	_ =	shalt  }
0x46: {  	_ =	shalt  }
0x47: {  	_ =	shalt  }
0x48: {  	_ =	shalt  }
0x49: {  	_ =	shalt  }
0x4a: {  	_ =	shalt  }
0x4b: {  	_ =	shalt  }
0x4c: {  	_ =	shalt  }
0x4d: {  	_ =	shalt  }
0x4e: {  	_ =	shalt  }
0x4f: {  	_ =	shalt  }
0x50: {  	_ =	shalt  }
0x51: {  	_ =	shalt  }
0x52: {  	_ =	shalt  }
0x53: {  	_ =	shalt  }
0x54: {  	_ =	shalt  }
0x55: {  	_ =	shalt  }
0x56: {  	_ =	shalt  }
0x57: {  	_ =	shalt  }
0x58: {  	_ =	shalt  }
0x59: {  	_ =	shalt  }
0x5a: {  	_ =	shalt  }
0x5b: {  	_ =	shalt  }
0x5c: {  	_ =	shalt  }
0x5d: {  	_ =	shalt  }
0x5e: {  	_ =	shalt  }
0x5f: {  	_ =	shalt  }
0x60: {  	_ =	shalt  }
0x61: {  	_ =	shalt  }
0x62: {  	_ =	shalt  }
0x63: {  	_ =	shalt  }
0x64: {  	_ =	shalt  }
0x65: {  	_ =	shalt  }
0x66: {  	_ =	shalt  }
0x67: {  	_ =	shalt  }
0x68: {  	_ =	shalt  }
0x69: {  	_ =	shalt  }
0x6a: {  	_ =	shalt  }
0x6b: {  	_ =	shalt  }
0x6c: {  	_ =	shalt  }
0x6d: {  	_ =	shalt  }
0x6e: {  	_ =	shalt  }
0x6f: {  	_ =	shalt  }
0x70: {  	_ =	shalt  }
0x71: {  	_ =	shalt  }
0x72: {  	_ =	shalt  }
0x73: {  	_ =	shalt  }
0x74: {  	_ =	shalt  }
0x75: {  	_ =	shalt  }
0x76: {  	_ =	shalt  }
0x77: {  	_ =	shalt  }
0x78: {  	_ =	shalt  }
0x79: {  	_ =	shalt  }
0x7a: {  	_ =	shalt  }
0x7b: {  	_ =	shalt  }
0x7c: {  	_ =	shalt  }
0x7d: {  	_ =	shalt  }
0x7e: {  	_ =	shalt  }
0x7f: {  	_ =	shalt  }
0x80: {  	_ =	shalt  }
0x81: {  	_ =	shalt  }
0x82: {  	_ =	shalt  }
0x83: {  	_ =	shalt  }
0x84: {  	_ =	shalt  }
0x85: {  	_ =	shalt  }
0x86: {  	_ =	shalt  }
0x87: {  	_ =	shalt  }
.Lfunc_end0:
.L_simem_size_0:
called_computation.2_lowered:
.L_overlay_start_0:
0x88: {  	s2 =	sld [smem:$0x3FD9]  }
0x89: {  	s3 =	sld [smem:$0x3FFE];
	_ =	sdelay $0x1  }
0x8a: {  	s1 =	srdreg.scid  }
0x8b: {  	s0 =	sand.u32 $0x1, s1  }
0x8c: {  	s14 =	sshll.u32 s0, $0xA;
	s2 =	sadd.s32 s3, s2  }
0x8d: {  	s2 =	sadd.s32 s2, s14  }
0x8e: {  	[smem:$0x3FC0] =	sst s2  }
0x8f: {  	_ = 	snop  }
0x90: {  	s2 =	sld [smem:$0x3FD0];
	_ =	sdelay $0x2  }
0x91: {  	s15 =	simm.s32 $0xA;
	s4 =	simm.s32 $0x10  }
0x92: {  	[smem:s4], [sflag:s15] =	dma.local [hbm:s2], $0x1  }
0x93: {  	_ =	swait.eq [sflag:s15], $0x1  }
0x94: {  	[sflag:s15] =	ssyncset.done $0x0  }
0x95: {  	s16 =	sld [smem:$0x14];
	[sflag:s15] =	ssyncadd.s32 $0xFFFFFFFF  }
0x96: {  	s17 =	sld [smem:$0x15];
	(tm) =	ssettm $0x1  }
0x97: {  	s18 =	sld [smem:$0x3FFB];
	_ =	sdelay $0x3  }
0x98: {  	_ =	strace s18  }
0x99: {  	s4 =	sld [smem:$0x3FFC];
	_ =	sdelay $0x3  }
0x9a: {  	_ =	strace s4  }
0x9b: {  	s4 =	sld [smem:$0x3FFD];
	_ =	sdelay $0x3  }
0x9c: {  	_ =	strace s4  }
0x9d: {  	_ =	strace $0x8FFFFFFF  }
0x9e: {  	s19 =	sld [smem:$0x3FDB];
	_ =	sdelay $0x1  }
0x9f: {  	s5 =	simm.s32 $_scs_section_size  }
0xa0: {  	s6 =	simm.s32 $_size__tile_overlayer_lowered;
	s7 =	simm.s32 $_tile_overlayer_lowered  }
0xa1: {  	s22 =	simm.s32 $0x1BFF;
	s21 =	sshll.u32 s7, $0x1;
	s4 =	sadd.s32 s5, s19  }
0xa2: {  	s8 =	simm.s32 $0x0;
	s20 =	sshll.u32 s6, $0x1;
	s6 =	sadd.s32 s21, s4  }
0xa3: {  	[timem:s8], [sflag:s22] =	dma.local [hbm:s6], s20  }
0xa4: {  	_ =	swait.ge [sflag:s22], s20  }
0xa5: {  	s5 =	ssub.s32 $0x0, s20;
	[sflag:s22] =	ssyncset.done $0x0  }
0xa6: {  	[sflag:s22] =	ssyncadd.s32 s5;
	_ =	sdelay $0x1  }
0xa7: {  	s23 =	simm.s32 $0x1B8B  }
0xa8: {  	_ =	swait.ge [sflag:s23], $0x1  }
0xa9: {  	[sflag:s23] =	ssyncset.done $0x0  }
0xaa: {  	s25 =	simm.s32 $0x1B8E;
	s24 =	sld [smem:$0x3FFE];
	[sflag:s23] =	ssyncadd.s32 $0xFFFFFFFF  }
0xab: {  	s26 =	simm.s32 $execute0_lowered;
	[smem:$0x3FD2] =	sst s25  }
0xac: {  	s6 =	sshll.u32 s26, $0x1;
	_ =	strace $0x8000004C;
	[dreg:$0x1] =	wrdreg $0xFFFFFFFF  }
0xad: {  	s28 =	simm.s32 $_size_execute0_lowered;
	s4 =	sadd.s32 s4, s6;
	[dreg:$0x0] =	wrdreg $0x0  }
0xae: {  	s6 =	sshll.u32 s28, $0x1;
	[dreg:$0x2] =	wrdreg s4  }
0xaf: {  	[dreg:$0x3] =	wrdreg s6  }
0xb0: {  	[dreg:$0x4] =	wrdreg $0xC0  }
0xb1: {  	_ =	task [dreg:s8], $0x5FFFF  }
0xb2: {  	[dreg:$0x1] =	wrdreg $0xFFFFFFFF  }
0xb3: {  	[dreg:$0x0] =	wrdreg $0x60  }
0xb4: {  	[dreg:$0x2] =	wrdreg s24  }
0xb5: {  	[dreg:$0x3] =	wrdreg s17  }
0xb6: {  	[dreg:$0x4] =	wrdreg s16  }
0xb7: {  	[dreg:$0x5] =	wrdreg $0xA8000  }
0xb8: {  	[dreg:$0x6] =	wrdreg $0x9  }
0xb9: {  	_ =	task.clear_ibuf [dreg:s8], $0x7FFFF;
	_ =	strace $0x9000004C  }
0xba: {  	s29 =	simm.s32 $0x9;
	_ =	strace $0x8000004E  }
0xbb: {  	_ =	swait.ge [sflag:s29], $0x1  }
0xbc: {  	[sflag:s29] =	ssyncadd.s32 $0xFFFFFFFF  }
0xbd: {  	_ =	strace $0x9000004E  }
0xbe: {  	_ =	sfence  }
0xbf: {  	s30 =	sld [smem:$0x0];
	_ =	sdelay $0x2  }
0xc0: {  	s31 =	sshll.u32 s1, $0xD;
	s1 =	sshrl.u32 s1, $0x2  }
0xc1: {  	s3 =	sand.u32 $0x4000, s31;
	s1 =	sadd.s32 s1, s30  }
0xc2: {  	s0 =	sor.u32 s3, s0;
	s1 =	sshll.u32 s1, $0x11  }
0xc3: {  	s0 =	sor.u32 s1, s0  }
0xc4: {  	s0 =	sadd.s32 $0x8F2B, s0  }
0xc5: {  	[sflag:s0] =	ssyncadd.remote.s32 $0x1  }
0xc6: {  	_ =	sfence.sel $0xFFFF  }
0xc7: {  	[dreg:$0x0] =	wrdreg $0xFFFFFFFF;
	(pc) =	sbr.abs _section_cstart, $3  }
0xc8: {  	[dreg:$0x1] =	wrdreg $0xFFFFFFFF  }
0xc9: {  	_ =	task.clear_ibuf [dreg:s8], $0x2FFFF;
	_ =	strace $0x9FFFFFFF  }
0xca: {  	(tm) =	ssettm $0x7FFFFFFF  }
0xcb: {  	_ =	shalt  }
tec
execute0_lowered:
.L_overlay_start_1:
0x0: {  	(tag) =	ssettag $0x1  }
0x1: {  	s1 =	rddreg [dreg:$0x0]  }
0x2: {  	s2 =	rddreg [dreg:$0x1];
	s3 =	srdreg.scid  }
0x3: {  	s24 =	rddreg [dreg:$0x2];
	s7 =	stileid.u32;
	s4 =	simm.s32 $0x0  }
0x4: {  	s30 =	simm.s32 $0xA600;
	s31 =	simm.s32 $0xA280;
	s6 =	sand.u32 $0x1, s3  }
0x5: {  	[smem:$0x7FF] =	sst s4;
	s10 =	sadd.s32 $0x2E00, s1;
	p0 =	sne.s32 s7, $0x0  }
0x6: {  	s5 =	sshll.u32 s6, $0x4;
	_ =	strace $0x8000004D;
	s9 =	smul.u32 $0x28000, s6  }
0x7: {  	[dreg:$0xc] =	wrdreg s10;
	s29 =	ssub.s32 $0x2, s6;
	s5 =	sor.u32 s7, s5  }
0x8: {  	s8 =	smul.u32 $0x2710, s5;
	s5 =	sadd.s32 $0x7AE00, s1;
	s1 =	sadd.s32 s9, s1  }
0x9: {  	s6 =	smul.u32 $0x27100, s6;
	s0 =	sshrl.u32 s29, $0x1;
	s1 =	sadd.s32 $0xA2000, s1  }
0xa: {  	s11 =	sshrl.u32 s8, $0x3;
	s8 =	sadd.s32 $0x3C0, s8;
	[dreg:$0x1f] =	wrdreg s1  }
0xb: {  	s12 =	sadd.s32 $0xA, s11;
	s3 =	sadd.s32 s2, s11;
	[dreg:$0x5] =	wrdreg s8  }
0xc: {  	s9 =	ssub.s32 s29, s0;
	[dreg:$0xd] =	wrdreg s3;
	s13 =	sadd.s32 s2, s12  }
0xd: {  	s15 =	sadd.s32 $0x14, s11;
	s14 =	sadd.s32 s24, s12;
	[dreg:$0xe] =	wrdreg s13  }
0xe: {  	s17 =	sadd.s32 $0x1E, s11;
	s16 =	sadd.s32 s2, s15;
	[dreg:$0xf] =	wrdreg s14  }
0xf: {  	s19 =	sadd.s32 $0x28, s11;
	s10 =	sadd.s32 s24, s15;
	[dreg:$0x10] =	wrdreg s16  }
0x10: {  	s21 =	sadd.s32 $0x32, s11;
	s18 =	sadd.s32 s2, s17;
	[dreg:$0x11] =	wrdreg s10  }
0x11: {  	s8 =	simm.s32 $0xA700;
	s12 =	sadd.s32 s24, s17;
	[dreg:$0x12] =	wrdreg s18  }
0x12: {  	s20 =	sadd.s32 s2, s19;
	s23 =	sadd.s32 s2, s21;
	[dreg:$0x13] =	wrdreg s12  }
0x13: {  	s17 =	sadd.s32 $0x3C, s11;
	s13 =	smul.u32 $0x2710, s7;
	[dreg:$0x14] =	wrdreg s20  }
0x14: {  	s10 =	sadd.s32 s24, s19;
	[dreg:$0x16] =	wrdreg s23;
	s19 =	sadd.s32 s2, s17  }
0x15: {  	s20 =	sadd.s32 $0x46, s11;
	s23 =	sadd.s32 s24, s11;
	[dreg:$0x15] =	wrdreg s10  }
0x16: {  	s10 =	sadd.s32 s24, s21;
	[dreg:$0x18] =	wrdreg s19;
	s21 =	sadd.s32 s2, s20  }
0x17: {  	[dreg:$0x1c] =	wrdreg s23;
	s19 =	simm.s32 $0xA100;
	s23 =	simm.s32 $0x6  }
0x18: {  	s6 =	sadd.s32 s13, s6;
	[dreg:$0x17] =	wrdreg s10;
	s10 =	sadd.s32 s24, s17  }
0x19: {  	[dreg:$0x1a] =	wrdreg s21;
	s21 =	simm.s32 $0xA180;
	s22 =	sadd.s32 $0x370, s6  }
0x1a: {  	[dreg:$0x19] =	wrdreg s10;
	s12 =	sshrl.u32 s22, $0x3;
	s22 =	sadd.s32 s24, s20  }
0x1b: {  	s26 =	sadd.s32 $0x320, s6;
	s25 =	sadd.s32 s12, s24;
	[dreg:$0x1b] =	wrdreg s22  }
0x1c: {  	s29 =	sshrl.u32 s26, $0x3;
	s28 =	sadd.s32 s12, s2;
	[dreg:$0x6] =	wrdreg s25  }
0x1d: {  	s3 =	sadd.s32 $0x2D0, s6;
	s0 =	sadd.s32 s29, s24;
	[dreg:$0x7] =	wrdreg s28  }
0x1e: {  	s15 =	sshrl.u32 s3, $0x3;
	s14 =	sadd.s32 s29, s2;
	[dreg:$0x8] =	wrdreg s0  }
0x1f: {  	s10 =	simm.s32 $0x5;
	s16 =	sadd.s32 s15, s24;
	[dreg:$0x9] =	wrdreg s14  }
0x20: {  	s18 =	sadd.s32 s15, s2;
	s29 =	sadd.s32 $0x280, s6;
	[dreg:$0xa] =	wrdreg s16  }
0x21: {  	s22 =	simm.s32 $0xA200;
	[dreg:$0xb] =	wrdreg s18;
	s25 =	sadd.s32 $0x4D8, s11  }
0x22: {  	s28 =	smax.u32 s9, $0x1;
	[smem:$0x7FD] =	sst s29;
	s16 =	simm.s32 $0xA080  }
0x23: {  	s11 =	simm.s32 $0x50;
	s26 =	sadd.s32 s2, s25;
	[smem:$0x7FC] =	sst s28  }
0x24: {  	s0 =	simm.s32 $0x0;
	s7 =	sadd.s32 s24, s25;
	[dreg:$0x1d] =	wrdreg s26  }
0x25: {  	s25 =	simm.s32 $0x7;
	[dreg:$0x1e] =	wrdreg s7;
	s7 =	simm.s32 $0xA680  }
.LBB2_1:
0x26: {  	[smem:$0x7FA] =	sst s0  }
0x27: {  	s0 =	rddreg [dreg:$0x3]  }
0x28: {  	s6 =	rddreg [dreg:$0xc];
	s3 =	sshrl.u32 @!p0 s0, $0x3  }
0x29: {  	s1 =	simm.s32 @!p0 $0x1C07;
	[smem:$0x7FB] =	sst s3  }
0x2a: {  	[spmem:s3], [sflag:s1] =	dma.local @!p0 [hbm:s6], $0x28000  }
0x2b: {  	s1 =	simm.s32 @!p0 $0x7  }
0x2c: {  	_ =	swait.ge @!p0 [sflag:s1], $0x28000  }
0x2d: {  	[sflag:s1] =	ssyncset.done @!p0 $0x0  }
0x2e: {  	[sflag:s1] =	ssyncadd.s32 @!p0 $0xFFFD8000  }
0x2f: {  	[bflag:$0x0] =	sbarrier.arrive $0xFFFF  }
0x30: {  	s9 =	simm.s32 $0xA000;
	s20 =	rddreg [dreg:$0xd]  }
0x31: {  	[tilespmem:s9], [sflag:$0x5] =	stream.linear.gather [hbm4b:s20+s4], $0x50, $0x38;
	[tilespmem:$0x1E800] =	vst v63  }
0x32: {  	s15 =	simm.s32 $0xA400;
	s26 =	rddreg [dreg:$0x1c]  }
0x33: {  	[tilespmem:s15], [sflag:$0x5] =	stream.linear.gather [hbm4b:s26+s4], $0x50, $0x38;
	[tilespmem:$0x1E800] =	vst v63  }
0x34: {  	s28 =	rddreg [dreg:$0xe]  }
0x35: {  	[tilespmem:s16], [sflag:$0x5] =	stream.linear.gather [hbm4b:s28+s4], $0x50, $0x38;
	[tilespmem:$0x1E800] =	vst v63  }
0x36: {  	s17 =	simm.s32 $0xA480;
	s29 =	rddreg [dreg:$0xf]  }
0x37: {  	[tilespmem:s17], [sflag:$0x5] =	stream.linear.gather [hbm4b:s29+s4], $0x50, $0x38;
	[tilespmem:$0x1E800] =	vst v63  }
0x38: {  	s3 =	rddreg [dreg:$0x10]  }
0x39: {  	[tilespmem:s19], [sflag:$0x5] =	stream.linear.gather [hbm4b:s3+s4], $0x50, $0x38;
	[tilespmem:$0x1E800] =	vst v63  }
0x3a: {  	s18 =	simm.s32 $0xA500;
	s12 =	rddreg [dreg:$0x11]  }
0x3b: {  	[tilespmem:s18], [sflag:$0x5] =	stream.linear.gather [hbm4b:s12+s4], $0x50, $0x38;
	[tilespmem:$0x1E800] =	vst v63  }
0x3c: {  	s13 =	rddreg [dreg:$0x12]  }
0x3d: {  	[tilespmem:s21], [sflag:$0x5] =	stream.linear.gather [hbm4b:s13+s4], $0x50, $0x38;
	[tilespmem:$0x1E800] =	vst v63  }
0x3e: {  	s14 =	rddreg [dreg:$0x13];
	s20 =	simm.s32 $0xA580  }
0x3f: {  	[tilespmem:s20], [sflag:$0x5] =	stream.linear.gather [hbm4b:s14+s4], $0x50, $0x38;
	[tilespmem:$0x1E800] =	vst v63  }
0x40: {  	_ =	swait.ge [sflag:s10], $0x50  }
0x41: {  	[sflag:s10] =	ssyncset.done $0x0  }
0x42: {  	[sflag:s10] =	ssyncadd.s32 $0xFFFFFFB0  }
0x43: {  	_ =	swait.ge [sflag:s10], $0x50  }
0x44: {  	[sflag:s10] =	ssyncset.done $0x0  }
0x45: {  	[sflag:s10] =	ssyncadd.s32 $0xFFFFFFB0  }
0x46: {  	_ =	swait.ge [sflag:s10], $0x50  }
0x47: {  	[sflag:s10] =	ssyncset.done $0x0  }
0x48: {  	[sflag:s10] =	ssyncadd.s32 $0xFFFFFFB0  }
0x49: {  	_ =	swait.ge [sflag:s10], $0x50  }
0x4a: {  	[sflag:s10] =	ssyncset.done $0x0  }
0x4b: {  	[sflag:s10] =	ssyncadd.s32 $0xFFFFFFB0  }
0x4c: {  	_ =	swait.ge [sflag:s10], $0x50  }
0x4d: {  	[sflag:s10] =	ssyncset.done $0x0  }
0x4e: {  	[sflag:s10] =	ssyncadd.s32 $0xFFFFFFB0  }
0x4f: {  	_ =	swait.ge [sflag:s10], $0x50  }
0x50: {  	[sflag:s10] =	ssyncset.done $0x0  }
0x51: {  	[sflag:s10] =	ssyncadd.s32 $0xFFFFFFB0  }
0x52: {  	_ =	swait.ge [sflag:s10], $0x50  }
0x53: {  	[sflag:s10] =	ssyncset.done $0x0  }
0x54: {  	[sflag:s10] =	ssyncadd.s32 $0xFFFFFFB0  }
0x55: {  	_ =	swait.ge [sflag:s10], $0x50  }
0x56: {  	[sflag:s10] =	ssyncset.done $0x0  }
0x57: {  	[sflag:s10] =	ssyncadd.s32 $0xFFFFFFB0  }
0x58: {  	[tilespmem:s4], [sflag:$0x1] =	stream.indirect.gather [hbm4b:s5+s11], $0x80, s9, s11, $0xb8;
	[tilespmem:$0x1E800] =	vst v63  }
0x59: {  	s12 =	simm.s32 $0x2800  }
0x5a: {  	[tilespmem:s12], [sflag:$0x2] =	stream.indirect.gather [hbm4b:s5+s11], $0x80, s16, s11, $0xb8;
	[tilespmem:$0x1E800] =	vst v63  }
0x5b: {  	s13 =	simm.s32 $0x5000  }
0x5c: {  	[tilespmem:s13], [sflag:$0x3] =	stream.indirect.gather [hbm4b:s5+s11], $0x80, s19, s11, $0xb8;
	[tilespmem:$0x1E800] =	vst v63  }
0x5d: {  	s14 =	simm.s32 $0x7800  }
0x5e: {  	[tilespmem:s14], [sflag:$0x4] =	stream.indirect.gather [hbm4b:s5+s11], $0x80, s21, s11, $0xb8;
	[tilespmem:$0x1E800] =	vst v63  }
0x5f: {  	s26 =	rddreg [dreg:$0x14]  }
0x60: {  	[tilespmem:s22], [sflag:$0x6] =	stream.linear.gather [hbm4b:s26+s4], $0x50, $0x38;
	[tilespmem:$0x1E800] =	vst v63  }
0x61: {  	s28 =	rddreg [dreg:$0x15]  }
0x62: {  	[tilespmem:s30], [sflag:$0x6] =	stream.linear.gather [hbm4b:s28+s4], $0x50, $0x38;
	[tilespmem:$0x1E800] =	vst v63  }
0x63: {  	s29 =	rddreg [dreg:$0x16]  }
0x64: {  	[tilespmem:s31], [sflag:$0x6] =	stream.linear.gather [hbm4b:s29+s4], $0x50, $0x38;
	[tilespmem:$0x1E800] =	vst v63  }
0x65: {  	s3 =	rddreg [dreg:$0x17]  }
0x66: {  	[tilespmem:s7], [sflag:$0x6] =	stream.linear.gather [hbm4b:s3+s4], $0x50, $0x38;
	[tilespmem:$0x1E800] =	vst v63  }
0x67: {  	s6 =	simm.s32 $0xA300;
	s26 =	rddreg [dreg:$0x18]  }
0x68: {  	[tilespmem:s6], [sflag:$0x6] =	stream.linear.gather [hbm4b:s26+s4], $0x50, $0x38;
	[tilespmem:$0x1E800] =	vst v63  }
0x69: {  	s28 =	rddreg [dreg:$0x19]  }
0x6a: {  	[tilespmem:s8], [sflag:$0x6] =	stream.linear.gather [hbm4b:s28+s4], $0x50, $0x38;
	[tilespmem:$0x1E800] =	vst v63  }
0x6b: {  	s29 =	rddreg [dreg:$0x1a];
	s7 =	simm.s32 $0xA380  }
0x6c: {  	[tilespmem:s7], [sflag:$0x6] =	stream.linear.gather [hbm4b:s29+s4], $0x50, $0x38;
	[tilespmem:$0x1E800] =	vst v63  }
0x6d: {  	s3 =	rddreg [dreg:$0x1b];
	s8 =	simm.s32 $0xA780  }
0x6e: {  	[tilespmem:s8], [sflag:$0x6] =	stream.linear.gather [hbm4b:s3+s4], $0x50, $0x38;
	[tilespmem:$0x1E800] =	vst v63  }
0x6f: {  	_ =	swait.ge [sflag:s23], $0x50  }
0x70: {  	[sflag:s23] =	ssyncset.done $0x0  }
0x71: {  	[sflag:s23] =	ssyncadd.s32 $0xFFFFFFB0  }
0x72: {  	_ =	swait.ge [sflag:s23], $0x50  }
0x73: {  	[sflag:s23] =	ssyncset.done $0x0  }
0x74: {  	[sflag:s23] =	ssyncadd.s32 $0xFFFFFFB0  }
0x75: {  	_ =	swait.ge [sflag:s23], $0x50  }
0x76: {  	[sflag:s23] =	ssyncset.done $0x0  }
0x77: {  	[sflag:s23] =	ssyncadd.s32 $0xFFFFFFB0  }
0x78: {  	_ =	swait.ge [sflag:s23], $0x50  }
0x79: {  	[sflag:s23] =	ssyncset.done $0x0  }
0x7a: {  	[sflag:s23] =	ssyncadd.s32 $0xFFFFFFB0  }
0x7b: {  	_ =	swait.ge [sflag:s23], $0x50  }
0x7c: {  	[sflag:s23] =	ssyncset.done $0x0  }
0x7d: {  	[sflag:s23] =	ssyncadd.s32 $0xFFFFFFB0  }
0x7e: {  	_ =	swait.ge [sflag:s23], $0x50  }
0x7f: {  	[sflag:s23] =	ssyncset.done $0x0  }
0x80: {  	[sflag:s23] =	ssyncadd.s32 $0xFFFFFFB0  }
0x81: {  	_ =	swait.ge [sflag:s23], $0x50  }
0x82: {  	[sflag:s23] =	ssyncset.done $0x0  }
0x83: {  	[sflag:s23] =	ssyncadd.s32 $0xFFFFFFB0  }
0x84: {  	_ =	swait.ge [sflag:s23], $0x50  }
0x85: {  	[sflag:s23] =	ssyncset.done $0x0  }
0x86: {  	s3 =	simm.s32 $0x1;
	[sflag:s23] =	ssyncadd.s32 $0xFFFFFFB0  }
0x87: {  	_ =	swait.ge [sflag:s3], $0x2800  }
0x88: {  	[sflag:s3] =	ssyncset.done $0x0  }
0x89: {  	[sflag:s3] =	ssyncadd.s32 $0xFFFFD800  }
0x8a: {  	[spmem:s0] =	stream.indirect.scatter.add.f32 [tilespmem:s4], [sflag:$0x7], $0x80, s15, s11, $0xb8;
	[tilespmem:$0x1E800] =	vst v63  }
0x8b: {  	_ =	swait.ge [sflag:s25], $0x2800  }
0x8c: {  	[sflag:s25] =	ssyncset.done $0x0  }
0x8d: {  	s28 =	simm.s32 $0x2;
	[sflag:s25] =	ssyncadd.s32 $0xFFFFD800  }
0x8e: {  	[tilespmem:s4], [sflag:$0x1] =	stream.indirect.gather [hbm4b:s5+s11], $0x80, s22, s11, $0xb8;
	[tilespmem:$0x1E800] =	vst v63  }
0x8f: {  	_ =	swait.ge [sflag:s28], $0x2800  }
0x90: {  	[sflag:s28] =	ssyncset.done $0x0  }
0x91: {  	[sflag:s28] =	ssyncadd.s32 $0xFFFFD800  }
0x92: {  	[spmem:s0] =	stream.indirect.scatter.add.f32 [tilespmem:s12], [sflag:$0x7], $0x80, s17, s11, $0xb8;
	[tilespmem:$0x1E800] =	vst v63  }
0x93: {  	_ =	swait.ge [sflag:s25], $0x2800  }
0x94: {  	[sflag:s25] =	ssyncset.done $0x0  }
0x95: {  	s29 =	simm.s32 $0x3;
	[sflag:s25] =	ssyncadd.s32 $0xFFFFD800  }
0x96: {  	[tilespmem:s12], [sflag:$0x2] =	stream.indirect.gather [hbm4b:s5+s11], $0x80, s31, s11, $0xb8;
	[tilespmem:$0x1E800] =	vst v63  }
0x97: {  	_ =	swait.ge [sflag:s29], $0x2800  }
0x98: {  	[sflag:s29] =	ssyncset.done $0x0  }
0x99: {  	[sflag:s29] =	ssyncadd.s32 $0xFFFFD800  }
0x9a: {  	[spmem:s0] =	stream.indirect.scatter.add.f32 [tilespmem:s13], [sflag:$0x7], $0x80, s18, s11, $0xb8;
	[tilespmem:$0x1E800] =	vst v63  }
0x9b: {  	_ =	swait.ge [sflag:s25], $0x2800  }
0x9c: {  	[sflag:s25] =	ssyncset.done $0x0  }
0x9d: {  	s26 =	simm.s32 $0x4;
	[sflag:s25] =	ssyncadd.s32 $0xFFFFD800  }
0x9e: {  	[tilespmem:s13], [sflag:$0x3] =	stream.indirect.gather [hbm4b:s5+s11], $0x80, s6, s11, $0xb8;
	[tilespmem:$0x1E800] =	vst v63  }
0x9f: {  	_ =	swait.ge [sflag:s26], $0x2800  }
0xa0: {  	[sflag:s26] =	ssyncset.done $0x0  }
0xa1: {  	[sflag:s26] =	ssyncadd.s32 $0xFFFFD800  }
0xa2: {  	[spmem:s0] =	stream.indirect.scatter.add.f32 [tilespmem:s14], [sflag:$0x7], $0x80, s20, s11, $0xb8;
	[tilespmem:$0x1E800] =	vst v63  }
0xa3: {  	_ =	swait.ge [sflag:s25], $0x2800  }
0xa4: {  	[sflag:s25] =	ssyncset.done $0x0;
	s8 =	sld [smem:$0x7FD]  }
0xa5: {  	[sflag:s25] =	ssyncadd.s32 $0xFFFFD800  }
0xa6: {  	[tilespmem:s14], [sflag:$0x4] =	stream.indirect.gather [hbm4b:s5+s11], $0x80, s7, s11, $0xb8;
	[tilespmem:$0x1E800] =	vst v63  }
0xa7: {  	s1 =	sshrl.u32 s8, $0x3  }
0xa8: {  	s6 =	sadd.s32 s2, s1  }
0xa9: {  	[tilespmem:s9], [sflag:$0x5] =	stream.linear.gather [hbm4b:s6+s4], $0x50, $0x38;
	[tilespmem:$0x1E800] =	vst v63  }
0xaa: {  	s7 =	rddreg [dreg:$0xb];
	s1 =	sadd.s32 s24, s1  }
0xab: {  	[tilespmem:s15], [sflag:$0x5] =	stream.linear.gather [hbm4b:s1+s4], $0x50, $0x38;
	[tilespmem:$0x1E800] =	vst v63  }
0xac: {  	s6 =	rddreg [dreg:$0xa];
	s15 =	sadd.s32 $0x0, s7  }
0xad: {  	[tilespmem:s16], [sflag:$0x5] =	stream.linear.gather [hbm4b:s15+s4], $0x50, $0x38;
	[tilespmem:$0x1E800] =	vst v63  }
0xae: {  	s7 =	rddreg [dreg:$0x9];
	s15 =	sadd.s32 $0x0, s6  }
0xaf: {  	[tilespmem:s17], [sflag:$0x5] =	stream.linear.gather [hbm4b:s15+s4], $0x50, $0x38;
	[tilespmem:$0x1E800] =	vst v63  }
0xb0: {  	s6 =	rddreg [dreg:$0x8];
	s15 =	sadd.s32 $0x0, s7  }
0xb1: {  	[tilespmem:s19], [sflag:$0x5] =	stream.linear.gather [hbm4b:s15+s4], $0x50, $0x38;
	[tilespmem:$0x1E800] =	vst v63  }
0xb2: {  	s6 =	sadd.s32 $0x0, s6;
	s17 =	rddreg [dreg:$0x7]  }
0xb3: {  	[tilespmem:s18], [sflag:$0x5] =	stream.linear.gather [hbm4b:s6+s4], $0x50, $0x38;
	[tilespmem:$0x1E800] =	vst v63  }
0xb4: {  	s17 =	sadd.s32 $0x0, s17;
	s15 =	rddreg [dreg:$0x6]  }
0xb5: {  	[tilespmem:s21], [sflag:$0x5] =	stream.linear.gather [hbm4b:s17+s4], $0x50, $0x38;
	[tilespmem:$0x1E800] =	vst v63  }
0xb6: {  	s18 =	sadd.s32 $0x0, s15  }
0xb7: {  	[tilespmem:s20], [sflag:$0x5] =	stream.linear.gather [hbm4b:s18+s4], $0x50, $0x38;
	[tilespmem:$0x1E800] =	vst v63  }
0xb8: {  	_ =	swait.ge [sflag:s10], $0x50  }
0xb9: {  	[sflag:s10] =	ssyncset.done $0x0  }
0xba: {  	[sflag:s10] =	ssyncadd.s32 $0xFFFFFFB0  }
0xbb: {  	_ =	swait.ge [sflag:s10], $0x50  }
0xbc: {  	[sflag:s10] =	ssyncset.done $0x0  }
0xbd: {  	[sflag:s10] =	ssyncadd.s32 $0xFFFFFFB0  }
0xbe: {  	_ =	swait.ge [sflag:s10], $0x50  }
0xbf: {  	[sflag:s10] =	ssyncset.done $0x0  }
0xc0: {  	[sflag:s10] =	ssyncadd.s32 $0xFFFFFFB0  }
0xc1: {  	_ =	swait.ge [sflag:s10], $0x50  }
0xc2: {  	[sflag:s10] =	ssyncset.done $0x0  }
0xc3: {  	[sflag:s10] =	ssyncadd.s32 $0xFFFFFFB0  }
0xc4: {  	_ =	swait.ge [sflag:s10], $0x50  }
0xc5: {  	[sflag:s10] =	ssyncset.done $0x0  }
0xc6: {  	[sflag:s10] =	ssyncadd.s32 $0xFFFFFFB0  }
0xc7: {  	_ =	swait.ge [sflag:s10], $0x50  }
0xc8: {  	[sflag:s10] =	ssyncset.done $0x0  }
0xc9: {  	[sflag:s10] =	ssyncadd.s32 $0xFFFFFFB0  }
0xca: {  	_ =	swait.ge [sflag:s10], $0x50  }
0xcb: {  	[sflag:s10] =	ssyncset.done $0x0  }
0xcc: {  	[sflag:s10] =	ssyncadd.s32 $0xFFFFFFB0  }
0xcd: {  	_ =	swait.ge [sflag:s10], $0x50  }
0xce: {  	[sflag:s10] =	ssyncset.done $0x0  }
0xcf: {  	[sflag:s10] =	ssyncadd.s32 $0xFFFFFFB0  }
0xd0: {  	_ =	swait.ge [sflag:s3], $0x2800  }
0xd1: {  	[sflag:s3] =	ssyncset.done $0x0  }
0xd2: {  	[sflag:s3] =	ssyncadd.s32 $0xFFFFD800  }
0xd3: {  	[spmem:s0] =	stream.indirect.scatter.add.f32 [tilespmem:s4], [sflag:$0x7], $0x80, s30, s11, $0xb8;
	[tilespmem:$0x1E800] =	vst v63  }
0xd4: {  	_ =	swait.ge [sflag:s25], $0x2800  }
0xd5: {  	[sflag:s25] =	ssyncset.done $0x0  }
0xd6: {  	[sflag:s25] =	ssyncadd.s32 $0xFFFFD800  }
0xd7: {  	[tilespmem:s4], [sflag:$0x1] =	stream.indirect.gather [hbm4b:s5+s11], $0x80, s9, s11, $0xb8;
	[tilespmem:$0x1E800] =	vst v63  }
0xd8: {  	_ =	swait.ge [sflag:s28], $0x2800  }
0xd9: {  	[sflag:s28] =	ssyncset.done $0x0  }
0xda: {  	[sflag:s28] =	ssyncadd.s32 $0xFFFFD800;
	s28 =	simm.s32 $0xA680  }
0xdb: {  	[spmem:s0] =	stream.indirect.scatter.add.f32 [tilespmem:s12], [sflag:$0x7], $0x80, s28, s11, $0xb8;
	[tilespmem:$0x1E800] =	vst v63  }
0xdc: {  	_ =	swait.ge [sflag:s25], $0x2800  }
0xdd: {  	[sflag:s25] =	ssyncset.done $0x0  }
0xde: {  	[sflag:s25] =	ssyncadd.s32 $0xFFFFD800  }
0xdf: {  	[tilespmem:s12], [sflag:$0x2] =	stream.indirect.gather [hbm4b:s5+s11], $0x80, s16, s11, $0xb8;
	[tilespmem:$0x1E800] =	vst v63  }
0xe0: {  	_ =	swait.ge [sflag:s29], $0x2800  }
0xe1: {  	[sflag:s29] =	ssyncset.done $0x0  }
0xe2: {  	s12 =	simm.s32 $0xA700;
	[sflag:s29] =	ssyncadd.s32 $0xFFFFD800  }
0xe3: {  	[spmem:s0] =	stream.indirect.scatter.add.f32 [tilespmem:s13], [sflag:$0x7], $0x80, s12, s11, $0xb8;
	[tilespmem:$0x1E800] =	vst v63  }
0xe4: {  	_ =	swait.ge [sflag:s25], $0x2800  }
0xe5: {  	[sflag:s25] =	ssyncset.done $0x0  }
0xe6: {  	[sflag:s25] =	ssyncadd.s32 $0xFFFFD800  }
0xe7: {  	[tilespmem:s13], [sflag:$0x3] =	stream.indirect.gather [hbm4b:s5+s11], $0x80, s19, s11, $0xb8;
	[tilespmem:$0x1E800] =	vst v63  }
0xe8: {  	_ =	swait.ge [sflag:s26], $0x2800  }
0xe9: {  	[sflag:s26] =	ssyncset.done $0x0  }
0xea: {  	s17 =	smin.u32 s4, $0x1B;
	s16 =	simm.s32 $0xA780;
	[sflag:s26] =	ssyncadd.s32 $0xFFFFD800  }
0xeb: {  	[spmem:s0] =	stream.indirect.scatter.add.f32 [tilespmem:s14], [sflag:$0x7], $0x80, s16, s11, $0xb8;
	[tilespmem:$0x1E800] =	vst v63  }
0xec: {  	s1 =	smul.u32 $0x140, s17;
	_ =	swait.ge [sflag:s25], $0x2800  }
0xed: {  	[sflag:s25] =	ssyncset.done $0x0;
	s18 =	rddreg [dreg:$0x5]  }
0xee: {  	[sflag:s25] =	ssyncadd.s32 $0xFFFFD800;
	s1 =	sadd.s32 s1, s18  }
0xef: {  	[tilespmem:s14], [sflag:$0x4] =	stream.indirect.gather [hbm4b:s5+s11], $0x80, s21, s11, $0xb8;
	[tilespmem:$0x1E800] =	vst v63  }
0xf0: {  	s1 =	sshrl.u32 s1, $0x3  }
0xf1: {  	s19 =	sadd.s32 s2, s1  }
0xf2: {  	[tilespmem:s22], [sflag:$0x6] =	stream.linear.gather [hbm4b:s19+s4], $0x50, $0x38;
	[tilespmem:$0x1E800] =	vst v63  }
0xf3: {  	s3 =	simm.s32 $0xA680;
	s20 =	sadd.s32 $0xA, s1;
	s21 =	sadd.s32 s24, s1  }
0xf4: {  	[tilespmem:s30], [sflag:$0x6] =	stream.linear.gather [hbm4b:s21+s4], $0x50, $0x38;
	[tilespmem:$0x1E800] =	vst v63  }
0xf5: {  	s9 =	simm.s32 $0xA300;
	s26 =	sadd.s32 $0x14, s1;
	s22 =	sadd.s32 s2, s20  }
0xf6: {  	[tilespmem:s31], [sflag:$0x6] =	stream.linear.gather [hbm4b:s22+s4], $0x50, $0x38;
	[tilespmem:$0x1E800] =	vst v63  }
0xf7: {  	s1 =	sadd.s32 $0x1E, s1;
	s6 =	sadd.s32 s24, s20;
	s28 =	sadd.s32 s2, s26  }
0xf8: {  	[tilespmem:s3], [sflag:$0x6] =	stream.linear.gather [hbm4b:s6+s4], $0x50, $0x38;
	[tilespmem:$0x1E800] =	vst v63  }
0xf9: {  	s29 =	sadd.s32 s24, s26;
	s7 =	sadd.s32 s24, s1;
	s30 =	simm.s32 $0x50  }
0xfa: {  	[tilespmem:s9], [sflag:$0x6] =	stream.linear.gather [hbm4b:s28+s4], $0x50, $0x38;
	[tilespmem:$0x1E800] =	vst v63  }
0xfb: {  	s31 =	simm.s32 $0x0;
	s6 =	sadd.s32 s2, s1;
	s1 =	smov.u32 s8  }
0xfc: {  	[tilespmem:s12], [sflag:$0x6] =	stream.linear.gather [hbm4b:s29+s4], $0x50, $0x38;
	[tilespmem:$0x1E800] =	vst v63  }
.LBB2_2:
0xfd: {  	s8 =	simm.s32 $0xA380  }
0xfe: {  	[tilespmem:s8], [sflag:$0x6] =	stream.linear.gather [hbm4b:s6+s4], $0x50, $0x38;
	[tilespmem:$0x1E800] =	vst v63  }
0xff: {  	s0 =	simm.s32 $0xA780  }
0x100: {  	[tilespmem:s0], [sflag:$0x6] =	stream.linear.gather [hbm4b:s7+s4], $0x50, $0x38;
	[tilespmem:$0x1E800] =	vst v63  }
0x101: {  	_ =	swait.ge [sflag:s23], $0x50  }
0x102: {  	[sflag:s23] =	ssyncset.done $0x0  }
0x103: {  	[sflag:s23] =	ssyncadd.s32 $0xFFFFFFB0  }
0x104: {  	_ =	swait.ge [sflag:s23], $0x50  }
0x105: {  	[sflag:s23] =	ssyncset.done $0x0  }
0x106: {  	[sflag:s23] =	ssyncadd.s32 $0xFFFFFFB0  }
0x107: {  	_ =	swait.ge [sflag:s23], $0x50  }
0x108: {  	[sflag:s23] =	ssyncset.done $0x0  }
0x109: {  	[sflag:s23] =	ssyncadd.s32 $0xFFFFFFB0  }
0x10a: {  	_ =	swait.ge [sflag:s23], $0x50  }
0x10b: {  	[sflag:s23] =	ssyncset.done $0x0  }
0x10c: {  	[sflag:s23] =	ssyncadd.s32 $0xFFFFFFB0  }
0x10d: {  	_ =	swait.ge [sflag:s23], $0x50  }
0x10e: {  	[sflag:s23] =	ssyncset.done $0x0  }
0x10f: {  	[sflag:s23] =	ssyncadd.s32 $0xFFFFFFB0  }
0x110: {  	_ =	swait.ge [sflag:s23], $0x50  }
0x111: {  	[sflag:s23] =	ssyncset.done $0x0  }
0x112: {  	[sflag:s23] =	ssyncadd.s32 $0xFFFFFFB0  }
0x113: {  	_ =	swait.ge [sflag:s23], $0x50  }
0x114: {  	[sflag:s23] =	ssyncset.done $0x0  }
0x115: {  	[sflag:s23] =	ssyncadd.s32 $0xFFFFFFB0  }
0x116: {  	_ =	swait.ge [sflag:s23], $0x50  }
0x117: {  	[sflag:s23] =	ssyncset.done $0x0  }
0x118: {  	s28 =	simm.s32 $0x1;
	[sflag:s23] =	ssyncadd.s32 $0xFFFFFFB0  }
0x119: {  	_ =	swait.ge [sflag:s28], $0x2800  }
0x11a: {  	[sflag:s28] =	ssyncset.done $0x0  }
0x11b: {  	[sflag:s28] =	ssyncadd.s32 $0xFFFFD800  }
0x11c: {  	s16 =	simm.s32 $0xA400;
	s18 =	rddreg [dreg:$0x3]  }
0x11d: {  	[spmem:s18] =	stream.indirect.scatter.add.f32 [tilespmem:s4], [sflag:$0x7], $0x80, s16, s11, $0xb8;
	[tilespmem:$0x1E800] =	vst v63  }
0x11e: {  	_ =	swait.ge [sflag:s25], $0x2800  }
0x11f: {  	[sflag:s25] =	ssyncset.done $0x0  }
0x120: {  	s3 =	simm.s32 $0xA200;
	s29 =	simm.s32 $0x2;
	[sflag:s25] =	ssyncadd.s32 $0xFFFFD800  }
0x121: {  	[tilespmem:s4], [sflag:$0x1] =	stream.indirect.gather [hbm4b:s5+s11], $0x80, s3, s11, $0xb8;
	[tilespmem:$0x1E800] =	vst v63  }
0x122: {  	_ =	swait.ge [sflag:s29], $0x2800  }
0x123: {  	[sflag:s29] =	ssyncset.done $0x0  }
0x124: {  	s19 =	simm.s32 $0xA480;
	s13 =	simm.s32 $0x2800;
	[sflag:s29] =	ssyncadd.s32 $0xFFFFD800  }
0x125: {  	[spmem:s18] =	stream.indirect.scatter.add.f32 [tilespmem:s13], [sflag:$0x7], $0x80, s19, s11, $0xb8;
	[tilespmem:$0x1E800] =	vst v63  }
0x126: {  	_ =	swait.ge [sflag:s25], $0x2800  }
0x127: {  	[sflag:s25] =	ssyncset.done $0x0  }
0x128: {  	s7 =	simm.s32 $0xA280;
	s3 =	simm.s32 $0x3;
	[sflag:s25] =	ssyncadd.s32 $0xFFFFD800  }
0x129: {  	[tilespmem:s13], [sflag:$0x2] =	stream.indirect.gather [hbm4b:s5+s11], $0x80, s7, s11, $0xb8;
	[tilespmem:$0x1E800] =	vst v63  }
0x12a: {  	_ =	swait.ge [sflag:s3], $0x2800  }
0x12b: {  	[sflag:s3] =	ssyncset.done $0x0  }
0x12c: {  	s21 =	simm.s32 $0xA500;
	s14 =	simm.s32 $0x5000;
	[sflag:s3] =	ssyncadd.s32 $0xFFFFD800  }
0x12d: {  	[spmem:s18] =	stream.indirect.scatter.add.f32 [tilespmem:s14], [sflag:$0x7], $0x80, s21, s11, $0xb8;
	[tilespmem:$0x1E800] =	vst v63  }
0x12e: {  	_ =	swait.ge [sflag:s25], $0x2800  }
0x12f: {  	[sflag:s25] =	ssyncset.done $0x0  }
0x130: {  	s26 =	simm.s32 $0x4;
	[sflag:s25] =	ssyncadd.s32 $0xFFFFD800  }
0x131: {  	[tilespmem:s14], [sflag:$0x3] =	stream.indirect.gather [hbm4b:s5+s11], $0x80, s9, s11, $0xb8;
	[tilespmem:$0x1E800] =	vst v63  }
0x132: {  	_ =	swait.ge [sflag:s26], $0x2800  }
0x133: {  	[sflag:s26] =	ssyncset.done $0x0  }
0x134: {  	s17 =	simm.s32 $0xA580;
	s0 =	simm.s32 $0x7800;
	[sflag:s26] =	ssyncadd.s32 $0xFFFFD800  }
0x135: {  	[spmem:s18] =	stream.indirect.scatter.add.f32 [tilespmem:s0], [sflag:$0x7], $0x80, s17, s11, $0xb8;
	[tilespmem:$0x1E800] =	vst v63  }
0x136: {  	_ =	swait.ge [sflag:s25], $0x2800  }
0x137: {  	s1 =	sadd.s32 $0x280, s1;
	[sflag:s25] =	ssyncset.done $0x0  }
0x138: {  	s9 =	sshrl.u32 s1, $0x3;
	[sflag:s25] =	ssyncadd.s32 $0xFFFFD800  }
0x139: {  	[tilespmem:s0], [sflag:$0x4] =	stream.indirect.gather [hbm4b:s5+s11], $0x80, s8, s11, $0xb8;
	[tilespmem:$0x1E800] =	vst v63  }
0x13a: {  	s15 =	simm.s32 $0xA000;
	s20 =	sadd.s32 s2, s9  }
0x13b: {  	[tilespmem:s15], [sflag:$0x5] =	stream.linear.gather [hbm4b:s20+s4], $0x50, $0x38;
	[tilespmem:$0x1E800] =	vst v63  }
0x13c: {  	s6 =	smov.u32 s30;
	s7 =	sadd.s32 s24, s9;
	s22 =	rddreg [dreg:$0xb]  }
0x13d: {  	[tilespmem:s16], [sflag:$0x5] =	stream.linear.gather [hbm4b:s7+s4], $0x50, $0x38;
	[tilespmem:$0x1E800] =	vst v63  }
0x13e: {  	s8 =	rddreg [dreg:$0xa];
	s20 =	sadd.s32 s6, s22;
	s16 =	simm.s32 $0xA080  }
0x13f: {  	[tilespmem:s16], [sflag:$0x5] =	stream.linear.gather [hbm4b:s20+s4], $0x50, $0x38;
	[tilespmem:$0x1E800] =	vst v63  }
0x140: {  	s8 =	sadd.s32 s6, s8;
	s22 =	rddreg [dreg:$0x9]  }
0x141: {  	[tilespmem:s19], [sflag:$0x5] =	stream.linear.gather [hbm4b:s8+s4], $0x50, $0x38;
	[tilespmem:$0x1E800] =	vst v63  }
0x142: {  	s22 =	sadd.s32 s6, s22;
	s20 =	rddreg [dreg:$0x8];
	s19 =	simm.s32 $0xA100  }
0x143: {  	[tilespmem:s19], [sflag:$0x5] =	stream.linear.gather [hbm4b:s22+s4], $0x50, $0x38;
	[tilespmem:$0x1E800] =	vst v63  }
0x144: {  	s9 =	rddreg [dreg:$0x7];
	s20 =	sadd.s32 s6, s20  }
0x145: {  	[tilespmem:s21], [sflag:$0x5] =	stream.linear.gather [hbm4b:s20+s4], $0x50, $0x38;
	[tilespmem:$0x1E800] =	vst v63  }
0x146: {  	s9 =	sadd.s32 s6, s9;
	s22 =	rddreg [dreg:$0x6];
	s21 =	simm.s32 $0xA180  }
0x147: {  	[tilespmem:s21], [sflag:$0x5] =	stream.linear.gather [hbm4b:s9+s4], $0x50, $0x38;
	[tilespmem:$0x1E800] =	vst v63  }
0x148: {  	s6 =	sadd.s32 s6, s22  }
0x149: {  	[tilespmem:s17], [sflag:$0x5] =	stream.linear.gather [hbm4b:s6+s4], $0x50, $0x38;
	[tilespmem:$0x1E800] =	vst v63  }
0x14a: {  	_ =	swait.ge [sflag:s10], $0x50  }
0x14b: {  	[sflag:s10] =	ssyncset.done $0x0  }
0x14c: {  	[sflag:s10] =	ssyncadd.s32 $0xFFFFFFB0  }
0x14d: {  	_ =	swait.ge [sflag:s10], $0x50  }
0x14e: {  	[sflag:s10] =	ssyncset.done $0x0  }
0x14f: {  	[sflag:s10] =	ssyncadd.s32 $0xFFFFFFB0  }
0x150: {  	_ =	swait.ge [sflag:s10], $0x50  }
0x151: {  	[sflag:s10] =	ssyncset.done $0x0  }
0x152: {  	[sflag:s10] =	ssyncadd.s32 $0xFFFFFFB0  }
0x153: {  	_ =	swait.ge [sflag:s10], $0x50  }
0x154: {  	[sflag:s10] =	ssyncset.done $0x0  }
0x155: {  	[sflag:s10] =	ssyncadd.s32 $0xFFFFFFB0  }
0x156: {  	_ =	swait.ge [sflag:s10], $0x50  }
0x157: {  	[sflag:s10] =	ssyncset.done $0x0  }
0x158: {  	[sflag:s10] =	ssyncadd.s32 $0xFFFFFFB0  }
0x159: {  	_ =	swait.ge [sflag:s10], $0x50  }
0x15a: {  	[sflag:s10] =	ssyncset.done $0x0  }
0x15b: {  	[sflag:s10] =	ssyncadd.s32 $0xFFFFFFB0  }
0x15c: {  	_ =	swait.ge [sflag:s10], $0x50  }
0x15d: {  	[sflag:s10] =	ssyncset.done $0x0  }
0x15e: {  	[sflag:s10] =	ssyncadd.s32 $0xFFFFFFB0  }
0x15f: {  	_ =	swait.ge [sflag:s10], $0x50  }
0x160: {  	[sflag:s10] =	ssyncset.done $0x0  }
0x161: {  	[sflag:s10] =	ssyncadd.s32 $0xFFFFFFB0  }
0x162: {  	_ =	swait.ge [sflag:s28], $0x2800  }
0x163: {  	[sflag:s28] =	ssyncset.done $0x0  }
0x164: {  	s20 =	simm.s32 $0xA600;
	[sflag:s28] =	ssyncadd.s32 $0xFFFFD800  }
0x165: {  	[spmem:s18] =	stream.indirect.scatter.add.f32 [tilespmem:s4], [sflag:$0x7], $0x80, s20, s11, $0xb8;
	[tilespmem:$0x1E800] =	vst v63  }
0x166: {  	_ =	swait.ge [sflag:s25], $0x2800  }
0x167: {  	[sflag:s25] =	ssyncset.done $0x0  }
0x168: {  	[sflag:s25] =	ssyncadd.s32 $0xFFFFD800  }
0x169: {  	[tilespmem:s4], [sflag:$0x1] =	stream.indirect.gather [hbm4b:s5+s11], $0x80, s15, s11, $0xb8;
	[tilespmem:$0x1E800] =	vst v63  }
0x16a: {  	_ =	swait.ge [sflag:s29], $0x2800  }
0x16b: {  	[sflag:s29] =	ssyncset.done $0x0  }
0x16c: {  	[sflag:s29] =	ssyncadd.s32 $0xFFFFD800;
	s29 =	simm.s32 $0xA680  }
0x16d: {  	[spmem:s18] =	stream.indirect.scatter.add.f32 [tilespmem:s13], [sflag:$0x7], $0x80, s29, s11, $0xb8;
	[tilespmem:$0x1E800] =	vst v63  }
0x16e: {  	_ =	swait.ge [sflag:s25], $0x2800  }
0x16f: {  	[sflag:s25] =	ssyncset.done $0x0  }
0x170: {  	[sflag:s25] =	ssyncadd.s32 $0xFFFFD800  }
0x171: {  	[tilespmem:s13], [sflag:$0x2] =	stream.indirect.gather [hbm4b:s5+s11], $0x80, s16, s11, $0xb8;
	[tilespmem:$0x1E800] =	vst v63  }
0x172: {  	_ =	swait.ge [sflag:s3], $0x2800  }
0x173: {  	[sflag:s3] =	ssyncset.done $0x0  }
0x174: {  	[sflag:s3] =	ssyncadd.s32 $0xFFFFD800;
	s3 =	simm.s32 $0xA700  }
0x175: {  	[spmem:s18] =	stream.indirect.scatter.add.f32 [tilespmem:s14], [sflag:$0x7], $0x80, s3, s11, $0xb8;
	[tilespmem:$0x1E800] =	vst v63  }
0x176: {  	_ =	swait.ge [sflag:s25], $0x2800  }
0x177: {  	[sflag:s25] =	ssyncset.done $0x0  }
0x178: {  	[sflag:s25] =	ssyncadd.s32 $0xFFFFD800  }
0x179: {  	[tilespmem:s14], [sflag:$0x3] =	stream.indirect.gather [hbm4b:s5+s11], $0x80, s19, s11, $0xb8;
	[tilespmem:$0x1E800] =	vst v63  }
0x17a: {  	_ =	swait.ge [sflag:s26], $0x2800  }
0x17b: {  	[sflag:s26] =	ssyncset.done $0x0  }
0x17c: {  	s31 =	sadd.s32 $0x2, s31;
	s16 =	simm.s32 $0xA780;
	[sflag:s26] =	ssyncadd.s32 $0xFFFFD800  }
0x17d: {  	[spmem:s18] =	stream.indirect.scatter.add.f32 [tilespmem:s0], [sflag:$0x7], $0x80, s16, s11, $0xb8;
	[tilespmem:$0x1E800] =	vst v63  }
0x17e: {  	s18 =	smin.u32 s31, $0x1B  }
0x17f: {  	_ =	swait.ge [sflag:s25], $0x2800;
	s6 =	smul.u32 $0x140, s18  }
0x180: {  	[sflag:s25] =	ssyncset.done $0x0;
	s26 =	rddreg [dreg:$0x5]  }
0x181: {  	[sflag:s25] =	ssyncadd.s32 $0xFFFFD800;
	s6 =	sadd.s32 s6, s26  }
0x182: {  	[tilespmem:s0], [sflag:$0x4] =	stream.indirect.gather [hbm4b:s5+s11], $0x80, s21, s11, $0xb8;
	[tilespmem:$0x1E800] =	vst v63  }
0x183: {  	p1 =	sne.s32 s30, $0x460;
	s12 =	simm.s32 $0xA380;
	s6 =	sshrl.u32 s6, $0x3  }
0x184: {  	s30 =	sadd.s32 $0x50, s30;
	s18 =	simm.s32 $0xA200;
	s8 =	sadd.s32 s2, s6  }
0x185: {  	[tilespmem:s18], [sflag:$0x6] =	stream.linear.gather [hbm4b:s8+s4], $0x50, $0x38;
	[tilespmem:$0x1E800] =	vst v63  }
0x186: {  	s22 =	simm.s32 $0xA580;
	s15 =	sadd.s32 $0xA, s6;
	s26 =	sadd.s32 s24, s6  }
0x187: {  	[tilespmem:s20], [sflag:$0x6] =	stream.linear.gather [hbm4b:s26+s4], $0x50, $0x38;
	[tilespmem:$0x1E800] =	vst v63  }
0x188: {  	s17 =	simm.s32 $0x2800;
	s0 =	sadd.s32 s2, s15;
	s20 =	simm.s32 $0xA280  }
0x189: {  	[tilespmem:s20], [sflag:$0x6] =	stream.linear.gather [hbm4b:s0+s4], $0x50, $0x38;
	[tilespmem:$0x1E800] =	vst v63  }
0x18a: {  	s28 =	simm.s32 $0xA780;
	s13 =	simm.s32 $0x5000;
	s18 =	sadd.s32 s24, s15  }
0x18b: {  	[tilespmem:s29], [sflag:$0x6] =	stream.linear.gather [hbm4b:s18+s4], $0x50, $0x38;
	[tilespmem:$0x1E800] =	vst v63  }
.Ltmp0:
0x18c: {  	s9 =	sadd.s32 $0x14, s6;
	s16 =	sadd.s32 $0x1E, s6;
	(pc) =	sbr.rel @p1 .LBB2_2-.Ltmp0, $4  }
0x18d: {  	s26 =	sadd.s32 s2, s9;
	s29 =	sadd.s32 s24, s9;
	s9 =	simm.s32 $0xA300  }
0x18e: {  	[tilespmem:s9], [sflag:$0x6] =	stream.linear.gather [hbm4b:s26+s4], $0x50, $0x38;
	[tilespmem:$0x1E800] =	vst v63  }
0x18f: {  	s14 =	simm.s32 $0x7800;
	s6 =	sadd.s32 s2, s16;
	s7 =	sadd.s32 s24, s16  }
0x190: {  	[tilespmem:s3], [sflag:$0x6] =	stream.linear.gather [hbm4b:s29+s4], $0x50, $0x38;
	[tilespmem:$0x1E800] =	vst v63  }
0x191: {  	[tilespmem:s12], [sflag:$0x6] =	stream.linear.gather [hbm4b:s6+s4], $0x50, $0x38;
	[tilespmem:$0x1E800] =	vst v63  }
0x192: {  	_ = 	snop  }
0x193: {  	[tilespmem:s28], [sflag:$0x6] =	stream.linear.gather [hbm4b:s7+s4], $0x50, $0x38;
	[tilespmem:$0x1E800] =	vst v63  }
0x194: {  	_ =	swait.ge [sflag:s23], $0x50  }
0x195: {  	[sflag:s23] =	ssyncset.done $0x0  }
0x196: {  	[sflag:s23] =	ssyncadd.s32 $0xFFFFFFB0  }
0x197: {  	_ =	swait.ge [sflag:s23], $0x50  }
0x198: {  	[sflag:s23] =	ssyncset.done $0x0  }
0x199: {  	[sflag:s23] =	ssyncadd.s32 $0xFFFFFFB0  }
0x19a: {  	_ =	swait.ge [sflag:s23], $0x50  }
0x19b: {  	[sflag:s23] =	ssyncset.done $0x0  }
0x19c: {  	[sflag:s23] =	ssyncadd.s32 $0xFFFFFFB0  }
0x19d: {  	_ =	swait.ge [sflag:s23], $0x50  }
0x19e: {  	[sflag:s23] =	ssyncset.done $0x0  }
0x19f: {  	[sflag:s23] =	ssyncadd.s32 $0xFFFFFFB0  }
0x1a0: {  	_ =	swait.ge [sflag:s23], $0x50  }
0x1a1: {  	[sflag:s23] =	ssyncset.done $0x0  }
0x1a2: {  	[sflag:s23] =	ssyncadd.s32 $0xFFFFFFB0  }
0x1a3: {  	_ =	swait.ge [sflag:s23], $0x50  }
0x1a4: {  	[sflag:s23] =	ssyncset.done $0x0  }
0x1a5: {  	[sflag:s23] =	ssyncadd.s32 $0xFFFFFFB0  }
0x1a6: {  	_ =	swait.ge [sflag:s23], $0x50  }
0x1a7: {  	[sflag:s23] =	ssyncset.done $0x0  }
0x1a8: {  	[sflag:s23] =	ssyncadd.s32 $0xFFFFFFB0  }
0x1a9: {  	_ =	swait.ge [sflag:s23], $0x50  }
0x1aa: {  	[sflag:s23] =	ssyncset.done $0x0  }
0x1ab: {  	s0 =	simm.s32 $0x1;
	[sflag:s23] =	ssyncadd.s32 $0xFFFFFFB0  }
0x1ac: {  	_ =	swait.ge [sflag:s0], $0x2800  }
0x1ad: {  	[sflag:s0] =	ssyncset.done $0x0  }
0x1ae: {  	[sflag:s0] =	ssyncadd.s32 $0xFFFFD800  }
0x1af: {  	s12 =	simm.s32 $0xA400;
	s3 =	rddreg [dreg:$0x3]  }
0x1b0: {  	[spmem:s3] =	stream.indirect.scatter.add.f32 [tilespmem:s4], [sflag:$0x7], $0x80, s12, s11, $0xb8;
	[tilespmem:$0x1E800] =	vst v63  }
0x1b1: {  	_ =	swait.ge [sflag:s25], $0x2800  }
0x1b2: {  	[sflag:s25] =	ssyncset.done $0x0  }
0x1b3: {  	s1 =	simm.s32 $0x2;
	[sflag:s25] =	ssyncadd.s32 $0xFFFFD800  }
0x1b4: {  	_ =	swait.ge [sflag:s1], $0x2800  }
0x1b5: {  	[sflag:s1] =	ssyncset.done $0x0  }
0x1b6: {  	s15 =	simm.s32 $0xA480;
	[sflag:s1] =	ssyncadd.s32 $0xFFFFD800  }
0x1b7: {  	[spmem:s3] =	stream.indirect.scatter.add.f32 [tilespmem:s17], [sflag:$0x7], $0x80, s15, s11, $0xb8;
	[tilespmem:$0x1E800] =	vst v63  }
0x1b8: {  	_ =	swait.ge [sflag:s25], $0x2800  }
0x1b9: {  	[sflag:s25] =	ssyncset.done $0x0  }
0x1ba: {  	s16 =	simm.s32 $0x3;
	[sflag:s25] =	ssyncadd.s32 $0xFFFFD800  }
0x1bb: {  	_ =	swait.ge [sflag:s16], $0x2800  }
0x1bc: {  	[sflag:s16] =	ssyncset.done $0x0  }
0x1bd: {  	s17 =	simm.s32 $0xA500;
	[sflag:s16] =	ssyncadd.s32 $0xFFFFD800  }
0x1be: {  	[spmem:s3] =	stream.indirect.scatter.add.f32 [tilespmem:s13], [sflag:$0x7], $0x80, s17, s11, $0xb8;
	[tilespmem:$0x1E800] =	vst v63  }
0x1bf: {  	_ =	swait.ge [sflag:s25], $0x2800  }
0x1c0: {  	[sflag:s25] =	ssyncset.done $0x0  }
0x1c1: {  	s18 =	simm.s32 $0x4;
	[sflag:s25] =	ssyncadd.s32 $0xFFFFD800  }
0x1c2: {  	_ =	swait.ge [sflag:s18], $0x2800  }
0x1c3: {  	[sflag:s18] =	ssyncset.done $0x0  }
0x1c4: {  	[sflag:s18] =	ssyncadd.s32 $0xFFFFD800  }
0x1c5: {  	[spmem:s3] =	stream.indirect.scatter.add.f32 [tilespmem:s14], [sflag:$0x7], $0x80, s22, s11, $0xb8;
	[tilespmem:$0x1E800] =	vst v63  }
0x1c6: {  	_ =	swait.ge [sflag:s25], $0x2800  }
0x1c7: {  	[sflag:s25] =	ssyncset.done $0x0  }
0x1c8: {  	s22 =	simm.s32 $0xA000;
	s20 =	rddreg [dreg:$0x1d];
	[sflag:s25] =	ssyncadd.s32 $0xFFFFD800  }
0x1c9: {  	[tilespmem:s22], [sflag:$0x7] =	stream.linear.gather [hbm4b:s20+s4], $0x50, $0x38;
	[tilespmem:$0x1E800] =	vst v63  }
0x1ca: {  	_ =	swait.ge [sflag:s25], $0x50  }
0x1cb: {  	[sflag:s25] =	ssyncset.done $0x0  }
0x1cc: {  	s26 =	rddreg [dreg:$0x1e];
	[sflag:s25] =	ssyncadd.s32 $0xFFFFFFB0  }
0x1cd: {  	[tilespmem:s12], [sflag:$0x7] =	stream.linear.gather [hbm4b:s26+s4], $0x50, $0x38;
	[tilespmem:$0x1E800] =	vst v63  }
0x1ce: {  	_ =	swait.ge [sflag:s25], $0x50  }
0x1cf: {  	[sflag:s25] =	ssyncset.done $0x0  }
0x1d0: {  	[sflag:s25] =	ssyncadd.s32 $0xFFFFFFB0  }
0x1d1: {  	[tilespmem:s4], [sflag:$0x1] =	stream.indirect.gather [hbm4b:s5+s11], $0x80, s22, s11, $0xb8;
	[tilespmem:$0x1E800] =	vst v63  }
0x1d2: {  	_ =	swait.ge [sflag:s0], $0x2800  }
0x1d3: {  	[sflag:s0] =	ssyncset.done $0x0  }
0x1d4: {  	[sflag:s0] =	ssyncadd.s32 $0xFFFFD800  }
0x1d5: {  	[spmem:s3] =	stream.indirect.scatter.add.f32 [tilespmem:s4], [sflag:$0x7], $0x80, s12, s11, $0xb8;
	[tilespmem:$0x1E800] =	vst v63  }
0x1d6: {  	_ =	swait.ge [sflag:s25], $0x2800  }
0x1d7: {  	[sflag:s25] =	ssyncset.done $0x0  }
0x1d8: {  	[sflag:s25] =	ssyncadd.s32 $0xFFFFD800  }
0x1d9: {  	[bflag:$0x0] =	sbarrier.arrive $0xFFFF  }
0x1da: {  	s0 =	sld [smem:$0x7FB];
	_ =	sdelay $0x1  }
0x1db: {  	s1 =	simm.s32 @!p0 $0x1C07;
	s6 =	rddreg [dreg:$0x1f]  }
0x1dc: {  	[hbm:s6], [sflag:s1] =	dma.local @!p0 [spmem:s0], $0x28000  }
0x1dd: {  	s1 =	simm.s32 @!p0 $0x7  }
0x1de: {  	_ =	swait.ge @!p0 [sflag:s1], $0x28000  }
0x1df: {  	s28 =	sld [smem:$0x7FA]  }
0x1e0: {  	s29 =	sld [smem:$0x7FC];
	_ =	sdelay $0x1  }
0x1e1: {  	s0 =	sadd.s32 $0x1, s28  }
0x1e2: {  	p1 =	sne.s32 s0, s29  }
.Ltmp1:
0x1e3: {  	_ = 	snop;
	(pc) =	sbr.rel @p1 .LBB2_1-.Ltmp1, $4  }
0x1e4: {  	_ = 	snop  }
0x1e5: {  	s30 =	simm.s32 $0xA600;
	s31 =	simm.s32 $0xA280  }
0x1e6: {  	s8 =	simm.s32 $0xA700;
	s7 =	simm.s32 $0xA680;
	[sflag:s1] =	ssyncset.done @!p0 $0x0  }
0x1e7: {  	s16 =	simm.s32 $0xA080;
	s22 =	simm.s32 $0xA200;
	[sflag:s1] =	ssyncadd.s32 @!p0 $0xFFFD8000  }
0x1e8: {  	_ =	sfence.sel $0x180000  }
0x1e9: {  	[bflag:$0x0] =	sbarrier.arrive $0xFFFF  }
0x1ea: {  	_ =	strace $0x9000004D  }
0x1eb: {  	[bflag:$0x2] =	sbarrier.arrive $0xFFFF  }
0x1ec: {  	s0 =	rddreg [dreg:$0x4]  }
0x1ed: {  	s0 =	sadd.s32 @!p0 $0x100000, s0  }
0x1ee: {  	[sflag:s0] =	ssyncadd.tile.s32 @!p0 $0x1;
	_ =	shalt  }
.Lfunc_end2:
_tile_overlayer_lowered:
.L_overlay_start_2:
0x1ef: {  	(tag) =	ssettag $0x2  }
0x1f0: {  	s0 =	rddreg [dreg:$0x0];
	s2 =	stileid.u32  }
0x1f1: {  	s1 =	rddreg [dreg:$0x1];
	p0 =	sne.s32 s2, $0x0  }
0x1f2: {  	s3 =	rddreg [dreg:$0x2];
	[bflag:$0x3] =	sbarrier.arrive $0xFFFF;
	s2 =	simm.s32 @!p0 $0x1C07  }
0x1f3: {  	[timem:s3], [sflag:s2] =	dma.local @!p0 [hbm:s0], s1  }
0x1f4: {  	s0 =	simm.s32 @!p0 $0x7  }
0x1f5: {  	_ =	swait.ge @!p0 [sflag:s0], s1  }
0x1f6: {  	s1 =	ssub.s32 @!p0 $0x0, s1;
	[sflag:s0] =	ssyncset.done @!p0 $0x0  }
0x1f7: {  	[sflag:s0] =	ssyncadd.s32 @!p0 s1  }
0x1f8: {  	[bflag:$0x3] =	sbarrier.arrive $0xFFFF  }
0x1f9: {  	_ =	shalt  }

// kernel: kernel.8.cloned.1.call-start
scs
__scs_entry_jumppad:
0x0: {  	(pc) =	sbr.rel $0x88, $3  }
0x1: {  	(tag) =	ssettag $0x0;
	lr =	simm.s32 $0x1  }
0x2: {  	[smem:$0x3F99] =	sst lr;
	_ =	strace $0xD0000000  }
0x3: {  	_ = 	snop  }
0x4: {  	_ = 	snop  }
0x5: {  	_ = 	snop  }
0x6: {  	_ = 	snop  }
0x7: {  	_ = 	snop  }
__scs_overlays_trampoline_lowered:
0x8: {  	[smem:$0x3FA8] =	sst s0  }
0x9: {  	[smem:$0x3FA9] =	sst s1  }
0xa: {  	[smem:$0x3FAA] =	sst s2  }
0xb: {  	[smem:$0x3FAB] =	sst s3  }
0xc: {  	[smem:$0x3FAC] =	sst s4  }
0xd: {  	[smem:$0x3FAD] =	sst s5  }
0xe: {  	[smem:$0x3FAE] =	sst s6  }
0xf: {  	[smem:$0x3FAF] =	sst s7  }
0x10: {  	[smem:$0x3FB0] =	sst s8  }
0x11: {  	[smem:$0x3FB1] =	sst s9;
	s0 =	simm.s32 @!p0 $0x0  }
0x12: {  	s1 =	sld [smem:$0x3F97];
	s0 =	simm.s32 @p0 $0x1  }
0x13: {  	[smem:$0x3FB2] =	sst s0;
	s0 =	simm.s32 @!p1 $0x0  }
0x14: {  	s2 =	sld [smem:$0x3F96];
	s0 =	simm.s32 @p1 $0x1  }
0x15: {  	[smem:$0x3FB3] =	sst s0;
	s0 =	simm.s32 @!p2 $0x0  }
0x16: {  	s3 =	sld [smem:$0x3FDB];
	s0 =	simm.s32 @p2 $0x1  }
0x17: {  	s4 =	simm.s32 $0x1BF5;
	[smem:$0x3FB5] =	sst s0  }
0x18: {  	s0 =	sld [smem:$0x3F98];
	_ =	swait.ge [sflag:s4], $0x0  }
0x19: {  	s7 =	sld [smem:$0x3F99]  }
0x1a: {  	s8 =	sadd.s32 $0xFFFFE003, lr  }
0x1b: {  	s9 =	sadd.s32 $0xFFFFFEF7, lr;
	s5 =	simm.s32 $0xFFFFFFFF;
	p2 =	slt.u32 s8, $0xFFFFF086  }
0x1c: {  	p1 =	slt.u32 s9, $0xF7A;
	s5 =	simm.s32 @!p2 $0x0  }
0x1d: {  	s5 =	simm.s32 @p1 $0x1;
	p0 =	seq.s32 s7, s2  }
0x1e: {  	s7 =	smul.u32 @!p0 $0xF7A, s2;
	p2 =	seq.s32 @!p0 s5, $0x0  }
0x1f: {  	s9 =	smul.u32 $0xF7A, s1;
	s8 =	simm.s32 @!p0 $0x1BF5;
	p2 =	por !p2, p0  }
0x20: {  	[sflag:s8] =	ssyncset.s32 @!p0 $0xFFFFF086;
	s6 =	sadd.s32 @!p0 s3, s7;
	s7 =	simm.s32 @!p0 $0x108  }
0x21: {  	s3 =	sadd.s32 s3, s9;
	s6 =	sadd.s32 @!p0 $0x88, s6;
	s7 =	simm.s32 @p2 $0x1082  }
0x22: {  	[simem:s7], [sflag:s8] =	dma.local @!p0 [hbm:s6], $0xF7A  }
0x23: {  	s9 =	sor.u32 $0xD0000000, s2;
	s6 =	simm.s32 $0x108;
	_ =	swait.ge @!p0 [sflag:s8], $0x0  }
0x24: {  	s3 =	sadd.s32 $0x88, s3;
	s6 =	simm.s32 @!p1 $0x1082;
	[sflag:s4] =	ssyncset.s32 $0xFFFFF086  }
0x25: {  	[simem:s6], [sflag:s4] =	dma.local [hbm:s3], $0xF7A  }
0x26: {  	[smem:$0x3F99] =	sst s1;
	(tag) =	ssettag s2;
	_ =	strace s9  }
0x27: {  	s1 =	sld [smem:$0x3FA9]  }
0x28: {  	s2 =	sld [smem:$0x3FAA]  }
0x29: {  	s4 =	sld [smem:$0x3FAC]  }
0x2a: {  	p0 =	seq.s32 s5, $0x0;
	s5 =	sld [smem:$0x3FAD]  }
0x2b: {  	s6 =	sld [smem:$0x3FAE]  }
0x2c: {  	s7 =	sld [smem:$0x3FAF]  }
0x2d: {  	s3 =	simm.s32 $0x108;
	s8 =	sld [smem:$0x3FB0]  }
0x2e: {  	s3 =	simm.s32 @!p0 $0x1082;
	s9 =	sld [smem:$0x3FB1]  }
0x2f: {  	lr =	sadd.s32 s0, s3;
	s0 =	sld [smem:$0x3FA8]  }
0x30: {  	s3 =	sld [smem:$0x3FAB]  }
0x31: {  	[smem:$0x3FB4] =	sst s10  }
0x32: {  	s10 =	sld [smem:$0x3FB2];
	_ =	sdelay $0x3  }
0x33: {  	p0 =	seq.s32 s10, $0x1;
	s10 =	sld [smem:$0x3FB4];
	_ =	sdelay $0x3  }
0x34: {  	[smem:$0x3FB4] =	sst s10  }
0x35: {  	s10 =	sld [smem:$0x3FB3];
	_ =	sdelay $0x3  }
0x36: {  	p1 =	seq.s32 s10, $0x1;
	s10 =	sld [smem:$0x3FB4];
	_ =	sdelay $0x3  }
0x37: {  	[smem:$0x3FB4] =	sst s10  }
0x38: {  	s10 =	sld [smem:$0x3FB5]  }
0x39: {  	_ = 	snop;
	(pc) =	sbr.ind lr, $3  }
0x3a: {  	_ = 	snop  }
0x3b: {  	_ = 	snop  }
0x3c: {  	p2 =	seq.s32 s10, $0x1;
	s10 =	sld [smem:$0x3FB4]  }
0x3d: {  	_ =	shalt  }
0x3e: {  	_ =	shalt  }
0x3f: {  	_ =	shalt  }
0x40: {  	_ =	shalt  }
0x41: {  	_ =	shalt  }
0x42: {  	_ =	shalt  }
0x43: {  	_ =	shalt  }
0x44: {  	_ =	shalt  }
0x45: {  	_ =	shalt  }
0x46: {  	_ =	shalt  }
0x47: {  	_ =	shalt  }
0x48: {  	_ =	shalt  }
0x49: {  	_ =	shalt  }
0x4a: {  	_ =	shalt  }
0x4b: {  	_ =	shalt  }
0x4c: {  	_ =	shalt  }
0x4d: {  	_ =	shalt  }
0x4e: {  	_ =	shalt  }
0x4f: {  	_ =	shalt  }
0x50: {  	_ =	shalt  }
0x51: {  	_ =	shalt  }
0x52: {  	_ =	shalt  }
0x53: {  	_ =	shalt  }
0x54: {  	_ =	shalt  }
0x55: {  	_ =	shalt  }
0x56: {  	_ =	shalt  }
0x57: {  	_ =	shalt  }
0x58: {  	_ =	shalt  }
0x59: {  	_ =	shalt  }
0x5a: {  	_ =	shalt  }
0x5b: {  	_ =	shalt  }
0x5c: {  	_ =	shalt  }
0x5d: {  	_ =	shalt  }
0x5e: {  	_ =	shalt  }
0x5f: {  	_ =	shalt  }
0x60: {  	_ =	shalt  }
0x61: {  	_ =	shalt  }
0x62: {  	_ =	shalt  }
0x63: {  	_ =	shalt  }
0x64: {  	_ =	shalt  }
0x65: {  	_ =	shalt  }
0x66: {  	_ =	shalt  }
0x67: {  	_ =	shalt  }
0x68: {  	_ =	shalt  }
0x69: {  	_ =	shalt  }
0x6a: {  	_ =	shalt  }
0x6b: {  	_ =	shalt  }
0x6c: {  	_ =	shalt  }
0x6d: {  	_ =	shalt  }
0x6e: {  	_ =	shalt  }
0x6f: {  	_ =	shalt  }
0x70: {  	_ =	shalt  }
0x71: {  	_ =	shalt  }
0x72: {  	_ =	shalt  }
0x73: {  	_ =	shalt  }
0x74: {  	_ =	shalt  }
0x75: {  	_ =	shalt  }
0x76: {  	_ =	shalt  }
0x77: {  	_ =	shalt  }
0x78: {  	_ =	shalt  }
0x79: {  	_ =	shalt  }
0x7a: {  	_ =	shalt  }
0x7b: {  	_ =	shalt  }
0x7c: {  	_ =	shalt  }
0x7d: {  	_ =	shalt  }
0x7e: {  	_ =	shalt  }
0x7f: {  	_ =	shalt  }
0x80: {  	_ =	shalt  }
0x81: {  	_ =	shalt  }
0x82: {  	_ =	shalt  }
0x83: {  	_ =	shalt  }
0x84: {  	_ =	shalt  }
0x85: {  	_ =	shalt  }
0x86: {  	_ =	shalt  }
0x87: {  	_ =	shalt  }
.Lfunc_end0:
.L_simem_size_0:
called_computation_lowered:
.L_overlay_start_0:
0x88: {  	s2 =	sld [smem:$0x3FD9]  }
0x89: {  	s3 =	sld [smem:$0x3FFE];
	_ =	sdelay $0x1  }
0x8a: {  	s1 =	srdreg.scid  }
0x8b: {  	s0 =	sand.u32 $0x1, s1  }
0x8c: {  	s14 =	sshll.u32 s0, $0xA;
	s2 =	sadd.s32 s3, s2  }
0x8d: {  	s2 =	sadd.s32 s2, s14  }
0x8e: {  	[smem:$0x3FC0] =	sst s2  }
0x8f: {  	_ = 	snop  }
0x90: {  	s2 =	sld [smem:$0x3FD0];
	_ =	sdelay $0x2  }
0x91: {  	s15 =	simm.s32 $0xA;
	s4 =	simm.s32 $0x10  }
0x92: {  	[smem:s4], [sflag:s15] =	dma.local [hbm:s2], $0x1  }
0x93: {  	_ =	swait.eq [sflag:s15], $0x1  }
0x94: {  	[sflag:s15] =	ssyncset.done $0x0  }
0x95: {  	[sflag:s15] =	ssyncadd.s32 $0xFFFFFFFF  }
0x96: {  	s16 =	sld [smem:$0x14];
	(tm) =	ssettm $0x1  }
0x97: {  	s17 =	sld [smem:$0x3FFB];
	_ =	sdelay $0x3  }
0x98: {  	_ =	strace s17  }
0x99: {  	s3 =	sld [smem:$0x3FFC];
	_ =	sdelay $0x3  }
0x9a: {  	_ =	strace s3  }
0x9b: {  	s3 =	sld [smem:$0x3FFD];
	_ =	sdelay $0x3  }
0x9c: {  	_ =	strace s3  }
0x9d: {  	_ =	strace $0x8FFFFFFF  }
0x9e: {  	s18 =	sld [smem:$0x3FDB];
	_ =	sdelay $0x1  }
0x9f: {  	s19 =	simm.s32 $_scs_section_size  }
0xa0: {  	s5 =	simm.s32 $_size__tile_overlayer_lowered;
	s6 =	simm.s32 $_tile_overlayer_lowered  }
0xa1: {  	s22 =	simm.s32 $0x1BFF;
	s21 =	sshll.u32 s6, $0x1;
	s3 =	sadd.s32 s19, s18  }
0xa2: {  	s7 =	simm.s32 $0x0;
	s20 =	sshll.u32 s5, $0x1;
	s5 =	sadd.s32 s21, s3  }
0xa3: {  	[timem:s7], [sflag:s22] =	dma.local [hbm:s5], s20  }
0xa4: {  	_ =	swait.ge [sflag:s22], s20  }
0xa5: {  	s4 =	ssub.s32 $0x0, s20;
	[sflag:s22] =	ssyncset.done $0x0  }
0xa6: {  	[sflag:s22] =	ssyncadd.s32 s4;
	_ =	sdelay $0x1  }
0xa7: {  	s23 =	simm.s32 $0x1B8B  }
0xa8: {  	_ =	swait.ge [sflag:s23], $0x1  }
0xa9: {  	[sflag:s23] =	ssyncset.done $0x0  }
0xaa: {  	s25 =	simm.s32 $0x1B8E;
	s24 =	sld [smem:$0x3FFE];
	[sflag:s23] =	ssyncadd.s32 $0xFFFFFFFF  }
0xab: {  	s26 =	simm.s32 $execute0_lowered;
	[smem:$0x3FD2] =	sst s25  }
0xac: {  	s5 =	sshll.u32 s26, $0x1;
	_ =	strace $0x80000046;
	[dreg:$0x1] =	wrdreg $0xFFFFFFFF  }
0xad: {  	s28 =	simm.s32 $_size_execute0_lowered;
	s3 =	sadd.s32 s3, s5;
	[dreg:$0x0] =	wrdreg $0x0  }
0xae: {  	s5 =	sshll.u32 s28, $0x1;
	[dreg:$0x2] =	wrdreg s3  }
0xaf: {  	[dreg:$0x3] =	wrdreg s5  }
0xb0: {  	[dreg:$0x4] =	wrdreg $0xC0  }
0xb1: {  	_ =	task [dreg:s7], $0x5FFFF  }
0xb2: {  	[dreg:$0x1] =	wrdreg $0xFFFFFFFF  }
0xb3: {  	[dreg:$0x0] =	wrdreg $0x60  }
0xb4: {  	[dreg:$0x2] =	wrdreg s16  }
0xb5: {  	[dreg:$0x3] =	wrdreg s24  }
0xb6: {  	[dreg:$0x4] =	wrdreg $0x2C000  }
0xb7: {  	[dreg:$0x5] =	wrdreg $0x9  }
0xb8: {  	_ =	task.clear_ibuf [dreg:s7], $0x6FFFF;
	_ =	strace $0x90000046  }
0xb9: {  	s29 =	simm.s32 $0x9;
	_ =	strace $0x80000048  }
0xba: {  	_ =	swait.ge [sflag:s29], $0x1  }
0xbb: {  	[sflag:s29] =	ssyncadd.s32 $0xFFFFFFFF  }
0xbc: {  	_ =	strace $0x90000048  }
0xbd: {  	_ =	sfence  }
0xbe: {  	s30 =	sld [smem:$0x0];
	_ =	sdelay $0x2  }
0xbf: {  	s31 =	sshll.u32 s1, $0xD;
	s1 =	sshrl.u32 s1, $0x2  }
0xc0: {  	s3 =	sand.u32 $0x4000, s31;
	s1 =	sadd.s32 s1, s30  }
0xc1: {  	s0 =	sor.u32 s3, s0;
	s1 =	sshll.u32 s1, $0x11  }
0xc2: {  	s0 =	sor.u32 s1, s0  }
0xc3: {  	s0 =	sadd.s32 $0x8F2B, s0  }
0xc4: {  	[sflag:s0] =	ssyncadd.remote.s32 $0x1  }
0xc5: {  	_ =	sfence.sel $0xFFFF  }
0xc6: {  	[dreg:$0x0] =	wrdreg $0xFFFFFFFF;
	(pc) =	sbr.abs _section_cstart, $3  }
0xc7: {  	[dreg:$0x1] =	wrdreg $0xFFFFFFFF  }
0xc8: {  	_ =	task.clear_ibuf [dreg:s7], $0x2FFFF;
	_ =	strace $0x9FFFFFFF  }
0xc9: {  	(tm) =	ssettm $0x7FFFFFFF  }
tec
execute0_lowered:
.L_overlay_start_1:
0x0: {  	(tag) =	ssettag $0x1  }
0x1: {  	s0 =	rddreg [dreg:$0x0]  }
0x2: {  	s1 =	srdreg.scid;
	s4 =	rddreg [dreg:$0x1]  }
0x3: {  	s2 =	rddreg [dreg:$0x2];
	s6 =	stileid.u32  }
0x4: {  	s3 =	simm.s32 $0x0;
	s28 =	simm.s32 $0x2B00;
	s29 =	simm.s32 $0x2B80  }
0x5: {  	s30 =	simm.s32 $0x50;
	s31 =	simm.s32 $0x3;
	s1 =	sand.u32 $0x1, s1  }
0x6: {  	[smem:$0x7FF] =	sst s3;
	s9 =	sadd.s32 $0x2E00, s4;
	s23 =	smul.u32 $0x2710, s6  }
0x7: {  	p0 =	sne.s32 s6, $0x0;
	s5 =	sshll.u32 s1, $0x4;
	s15 =	smul.u32 $0x28000, s1  }
0x8: {  	s8 =	ssub.s32 $0x2, s1;
	s1 =	smul.u32 $0x27100, s1;
	s5 =	sor.u32 s6, s5  }
0x9: {  	_ =	strace $0x80000047;
	s16 =	sshrl.u32 s8, $0x1;
	s7 =	smul.u32 $0x2710, s5  }
0xa: {  	[dreg:$0x5] =	wrdreg s9;
	s4 =	sadd.s32 s15, s4;
	s8 =	ssub.s32 s8, s16  }
0xb: {  	s1 =	sadd.s32 s23, s1;
	s23 =	simm.s32 $0x2980;
	s10 =	sshrl.u32 s7, $0x3  }
0xc: {  	s14 =	sadd.s32 $0x2AE00, s4;
	s7 =	sadd.s32 $0x3C0, s7;
	s5 =	sadd.s32 s0, s10  }
0xd: {  	s15 =	smax.u32 s8, $0x1;
	[dreg:$0x4] =	wrdreg s7;
	s17 =	sadd.s32 $0xA, s5  }
0xe: {  	s25 =	sadd.s32 $0x370, s1;
	s18 =	sadd.s32 $0x14, s5;
	[dreg:$0x6] =	wrdreg s17  }
0xf: {  	s26 =	sadd.s32 $0x320, s1;
	s19 =	sadd.s32 $0x1E, s5;
	[dreg:$0x7] =	wrdreg s18  }
0x10: {  	s4 =	sshrl.u32 s25, $0x3;
	s20 =	sadd.s32 $0x28, s5;
	[dreg:$0x8] =	wrdreg s19  }
0x11: {  	s25 =	simm.s32 $0x2A00;
	s21 =	sadd.s32 $0x32, s5;
	[dreg:$0x9] =	wrdreg s20  }
0x12: {  	s7 =	sshrl.u32 s26, $0x3;
	s22 =	sadd.s32 $0x3C, s5;
	[dreg:$0xa] =	wrdreg s21  }
0x13: {  	s11 =	sadd.s32 s4, s0;
	s10 =	sadd.s32 $0x46, s5;
	[dreg:$0xb] =	wrdreg s22  }
0x14: {  	s26 =	simm.s32 $0x2A80;
	s24 =	sadd.s32 $0x4D8, s5;
	[dreg:$0xc] =	wrdreg s10  }
0x15: {  	s4 =	simm.s32 $0x0;
	[dreg:$0xd] =	wrdreg s24;
	s10 =	sadd.s32 $0x280, s1  }
0x16: {  	s1 =	sadd.s32 $0x2D0, s1;
	s18 =	sadd.s32 s7, s0;
	s20 =	simm.s32 $0x2800  }
0x17: {  	s21 =	simm.s32 $0x2880;
	s22 =	simm.s32 $0x2900;
	s1 =	sshrl.u32 s1, $0x3  }
0x18: {  	v0 =	vimm.f32 $1.000000000e+00;
	s24 =	simm.s32 $0x1;
	s19 =	sadd.s32 s1, s0;
	s1 =	simm.s32 $0x2  }
.LBB2_1:
0x19: {  	s6 =	simm.s32 $0x0;
	s7 =	simm.s32 $0x200  }
.LBB2_2:
0x1a: {  	p1 =	sne.s32 s7, $0x9E00;
	[tilespmem:s6+$0x70] =	vst v0  }
0x1b: {  	[tilespmem:s6+$0x0] =	vst v0  }
0x1c: {  	[tilespmem:s6+$0x10] =	vst v0  }
.Ltmp0:
0x1d: {  	[tilespmem:s6+$0x20] =	vst v0;
	(pc) =	sbr.rel @p1 .LBB2_2-.Ltmp0, $4  }
0x1e: {  	[tilespmem:s6+$0x30] =	vst v0  }
0x1f: {  	[tilespmem:s6+$0x40] =	vst v0  }
0x20: {  	[tilespmem:s6+$0x50] =	vst v0  }
0x21: {  	[tilespmem:s6+$0x60] =	vst v0;
	s6 =	sshra.s32 s7, $0x2;
	s7 =	sadd.s32 $0x200, s7  }
0x22: {  	[tilespmem:s6+$0x70] =	vst v0  }
0x23: {  	[tilespmem:s6+$0x0] =	vst v0  }
0x24: {  	[tilespmem:s6+$0x10] =	vst v0  }
0x25: {  	[tilespmem:s6+$0x20] =	vst v0  }
0x26: {  	[tilespmem:s6+$0x30] =	vst v0  }
0x27: {  	[tilespmem:s6+$0x40] =	vst v0  }
0x28: {  	[tilespmem:s6+$0x50] =	vst v0  }
0x29: {  	[tilespmem:s6+$0x60] =	vst v0;
	s6 =	sshrl.u32 @!p0 s2, $0x3;
	s7 =	simm.s32 @!p0 $0x1C03;
	s8 =	rddreg [dreg:$0x5]  }
0x2a: {  	[spmem:s6], [sflag:s7] =	dma.local @!p0 [hbm:s8], $0x28000  }
0x2b: {  	s7 =	simm.s32 @!p0 $0x3  }
0x2c: {  	_ =	swait.ge @!p0 [sflag:s7], $0x28000  }
0x2d: {  	[sflag:s7] =	ssyncset.done @!p0 $0x0  }
0x2e: {  	[sflag:s7] =	ssyncadd.s32 @!p0 $0xFFFD8000  }
0x2f: {  	s7 =	simm.s32 $0x0;
	[bflag:$0x0] =	sbarrier.arrive $0xFFFF  }
0x30: {  	[tilespmem:s20], [sflag:$0x1] =	stream.linear.gather [hbm4b:s5+s7], $0x50, $0x38;
	[tilespmem:$0x16C00] =	vst v63  }
0x31: {  	s17 =	rddreg [dreg:$0x6]  }
0x32: {  	[tilespmem:s21], [sflag:$0x1] =	stream.linear.gather [hbm4b:s17+s7], $0x50, $0x38;
	[tilespmem:$0x16C00] =	vst v63  }
0x33: {  	s9 =	rddreg [dreg:$0x7]  }
0x34: {  	[tilespmem:s22], [sflag:$0x1] =	stream.linear.gather [hbm4b:s9+s7], $0x50, $0x38;
	[tilespmem:$0x16C00] =	vst v63  }
0x35: {  	s12 =	rddreg [dreg:$0x8]  }
0x36: {  	[tilespmem:s23], [sflag:$0x1] =	stream.linear.gather [hbm4b:s12+s7], $0x50, $0x38;
	[tilespmem:$0x16C00] =	vst v63  }
0x37: {  	_ =	swait.ge [sflag:s24], $0x50  }
0x38: {  	[sflag:s24] =	ssyncset.done $0x0  }
0x39: {  	[sflag:s24] =	ssyncadd.s32 $0xFFFFFFB0  }
0x3a: {  	_ =	swait.ge [sflag:s24], $0x50  }
0x3b: {  	[sflag:s24] =	ssyncset.done $0x0  }
0x3c: {  	[sflag:s24] =	ssyncadd.s32 $0xFFFFFFB0  }
0x3d: {  	_ =	swait.ge [sflag:s24], $0x50  }
0x3e: {  	[sflag:s24] =	ssyncset.done $0x0  }
0x3f: {  	[sflag:s24] =	ssyncadd.s32 $0xFFFFFFB0  }
0x40: {  	_ =	swait.ge [sflag:s24], $0x50  }
0x41: {  	[sflag:s24] =	ssyncset.done $0x0  }
0x42: {  	s13 =	rddreg [dreg:$0x9];
	[sflag:s24] =	ssyncadd.s32 $0xFFFFFFB0  }
0x43: {  	[tilespmem:s25], [sflag:$0x2] =	stream.linear.gather [hbm4b:s13+s7], $0x50, $0x38;
	[tilespmem:$0x16C00] =	vst v63  }
0x44: {  	s16 =	rddreg [dreg:$0xa]  }
0x45: {  	[tilespmem:s26], [sflag:$0x2] =	stream.linear.gather [hbm4b:s16+s7], $0x50, $0x38;
	[tilespmem:$0x16C00] =	vst v63  }
0x46: {  	s17 =	rddreg [dreg:$0xb]  }
0x47: {  	[tilespmem:s28], [sflag:$0x2] =	stream.linear.gather [hbm4b:s17+s7], $0x50, $0x38;
	[tilespmem:$0x16C00] =	vst v63  }
0x48: {  	s9 =	rddreg [dreg:$0xc]  }
0x49: {  	[tilespmem:s29], [sflag:$0x2] =	stream.linear.gather [hbm4b:s9+s7], $0x50, $0x38;
	[tilespmem:$0x16C00] =	vst v63  }
0x4a: {  	_ = 	snop  }
0x4b: {  	[spmem:s2] =	stream.indirect.scatter.add.f32 [tilespmem:s3], [sflag:$0x3], $0x80, s20, s30, $0xb8;
	[tilespmem:$0x16C00] =	vst v63  }
0x4c: {  	_ =	swait.ge [sflag:s31], $0x2800  }
0x4d: {  	[sflag:s31] =	ssyncset.done $0x0  }
0x4e: {  	[sflag:s31] =	ssyncadd.s32 $0xFFFFD800  }
0x4f: {  	[spmem:s2] =	stream.indirect.scatter.add.f32 [tilespmem:s3], [sflag:$0x3], $0x80, s21, s30, $0xb8;
	[tilespmem:$0x16C00] =	vst v63  }
0x50: {  	_ =	swait.ge [sflag:s31], $0x2800  }
0x51: {  	[sflag:s31] =	ssyncset.done $0x0  }
0x52: {  	[sflag:s31] =	ssyncadd.s32 $0xFFFFD800  }
0x53: {  	[spmem:s2] =	stream.indirect.scatter.add.f32 [tilespmem:s3], [sflag:$0x3], $0x80, s22, s30, $0xb8;
	[tilespmem:$0x16C00] =	vst v63  }
0x54: {  	_ =	swait.ge [sflag:s31], $0x2800  }
0x55: {  	[sflag:s31] =	ssyncset.done $0x0  }
0x56: {  	[sflag:s31] =	ssyncadd.s32 $0xFFFFD800  }
0x57: {  	[spmem:s2] =	stream.indirect.scatter.add.f32 [tilespmem:s3], [sflag:$0x3], $0x80, s23, s30, $0xb8;
	[tilespmem:$0x16C00] =	vst v63  }
0x58: {  	_ =	swait.ge [sflag:s31], $0x2800  }
0x59: {  	s12 =	sshrl.u32 s10, $0x3;
	[sflag:s31] =	ssyncset.done $0x0  }
0x5a: {  	s8 =	sadd.s32 s0, s12;
	[sflag:s31] =	ssyncadd.s32 $0xFFFFD800  }
0x5b: {  	[tilespmem:s20], [sflag:$0x1] =	stream.linear.gather [hbm4b:s8+s3], $0x50, $0x38;
	[tilespmem:$0x16C00] =	vst v63  }
0x5c: {  	_ = 	snop  }
0x5d: {  	[tilespmem:s21], [sflag:$0x1] =	stream.linear.gather [hbm4b:s19+s3], $0x50, $0x38;
	[tilespmem:$0x16C00] =	vst v63  }
0x5e: {  	_ = 	snop  }
0x5f: {  	[tilespmem:s22], [sflag:$0x1] =	stream.linear.gather [hbm4b:s18+s3], $0x50, $0x38;
	[tilespmem:$0x16C00] =	vst v63  }
0x60: {  	_ = 	snop  }
0x61: {  	[tilespmem:s23], [sflag:$0x1] =	stream.linear.gather [hbm4b:s11+s3], $0x50, $0x38;
	[tilespmem:$0x16C00] =	vst v63  }
0x62: {  	_ =	swait.ge [sflag:s1], $0x50  }
0x63: {  	[sflag:s1] =	ssyncset.done $0x0  }
0x64: {  	[sflag:s1] =	ssyncadd.s32 $0xFFFFFFB0  }
0x65: {  	_ =	swait.ge [sflag:s1], $0x50  }
0x66: {  	[sflag:s1] =	ssyncset.done $0x0  }
0x67: {  	[sflag:s1] =	ssyncadd.s32 $0xFFFFFFB0  }
0x68: {  	_ =	swait.ge [sflag:s1], $0x50  }
0x69: {  	[sflag:s1] =	ssyncset.done $0x0  }
0x6a: {  	[sflag:s1] =	ssyncadd.s32 $0xFFFFFFB0  }
0x6b: {  	_ =	swait.ge [sflag:s1], $0x50  }
0x6c: {  	[sflag:s1] =	ssyncset.done $0x0  }
0x6d: {  	[sflag:s1] =	ssyncadd.s32 $0xFFFFFFB0  }
0x6e: {  	[spmem:s2] =	stream.indirect.scatter.add.f32 [tilespmem:s3], [sflag:$0x3], $0x80, s25, s30, $0xb8;
	[tilespmem:$0x16C00] =	vst v63  }
0x6f: {  	_ =	swait.ge [sflag:s31], $0x2800  }
0x70: {  	[sflag:s31] =	ssyncset.done $0x0  }
0x71: {  	[sflag:s31] =	ssyncadd.s32 $0xFFFFD800  }
0x72: {  	[spmem:s2] =	stream.indirect.scatter.add.f32 [tilespmem:s3], [sflag:$0x3], $0x80, s26, s30, $0xb8;
	[tilespmem:$0x16C00] =	vst v63  }
0x73: {  	_ =	swait.ge [sflag:s31], $0x2800  }
0x74: {  	[sflag:s31] =	ssyncset.done $0x0  }
0x75: {  	[sflag:s31] =	ssyncadd.s32 $0xFFFFD800  }
0x76: {  	[spmem:s2] =	stream.indirect.scatter.add.f32 [tilespmem:s3], [sflag:$0x3], $0x80, s28, s30, $0xb8;
	[tilespmem:$0x16C00] =	vst v63  }
0x77: {  	_ =	swait.ge [sflag:s31], $0x2800  }
0x78: {  	[sflag:s31] =	ssyncset.done $0x0  }
0x79: {  	s7 =	smin.u32 s7, $0x1B;
	[sflag:s31] =	ssyncadd.s32 $0xFFFFD800  }
0x7a: {  	[spmem:s2] =	stream.indirect.scatter.add.f32 [tilespmem:s3], [sflag:$0x3], $0x80, s29, s30, $0xb8;
	[tilespmem:$0x16C00] =	vst v63  }
0x7b: {  	s7 =	smul.u32 $0x140, s7;
	_ =	swait.ge [sflag:s31], $0x2800  }
0x7c: {  	s13 =	rddreg [dreg:$0x4]  }
0x7d: {  	s7 =	sadd.s32 s7, s13  }
0x7e: {  	[sflag:s31] =	ssyncset.done $0x0;
	s7 =	sshrl.u32 s7, $0x3  }
0x7f: {  	[sflag:s31] =	ssyncadd.s32 $0xFFFFD800;
	s7 =	sadd.s32 s0, s7  }
0x80: {  	[tilespmem:s25], [sflag:$0x2] =	stream.linear.gather [hbm4b:s7+s3], $0x50, $0x38;
	[tilespmem:$0x16C00] =	vst v63  }
0x81: {  	s16 =	sadd.s32 $0xA, s7  }
0x82: {  	[tilespmem:s26], [sflag:$0x2] =	stream.linear.gather [hbm4b:s16+s3], $0x50, $0x38;
	[tilespmem:$0x16C00] =	vst v63  }
0x83: {  	s17 =	sadd.s32 $0x14, s7  }
0x84: {  	[tilespmem:s28], [sflag:$0x2] =	stream.linear.gather [hbm4b:s17+s3], $0x50, $0x38;
	[tilespmem:$0x16C00] =	vst v63  }
0x85: {  	s7 =	sadd.s32 $0x1E, s7  }
0x86: {  	[tilespmem:s29], [sflag:$0x2] =	stream.linear.gather [hbm4b:s7+s3], $0x50, $0x38;
	[tilespmem:$0x16C00] =	vst v63  }
0x87: {  	_ =	swait.ge [sflag:s24], $0x50  }
0x88: {  	[sflag:s24] =	ssyncset.done $0x0  }
0x89: {  	[sflag:s24] =	ssyncadd.s32 $0xFFFFFFB0  }
0x8a: {  	_ =	swait.ge [sflag:s24], $0x50  }
0x8b: {  	[sflag:s24] =	ssyncset.done $0x0  }
0x8c: {  	[sflag:s24] =	ssyncadd.s32 $0xFFFFFFB0  }
0x8d: {  	_ =	swait.ge [sflag:s24], $0x50  }
0x8e: {  	[sflag:s24] =	ssyncset.done $0x0  }
0x8f: {  	s9 =	sadd.s32 $0x50, s19;
	[sflag:s24] =	ssyncadd.s32 $0xFFFFFFB0  }
0x90: {  	s8 =	sadd.s32 $0x50, s18;
	s16 =	smov.u32 s10;
	_ =	swait.ge [sflag:s24], $0x50  }
0x91: {  	s17 =	smov.u32 s11;
	s7 =	simm.s32 $0x2;
	[sflag:s24] =	ssyncset.done $0x0  }
.LBB2_4:
0x92: {  	[sflag:s24] =	ssyncadd.s32 $0xFFFFFFB0  }
0x93: {  	[spmem:s2] =	stream.indirect.scatter.add.f32 [tilespmem:s3], [sflag:$0x3], $0x80, s20, s30, $0xb8;
	[tilespmem:$0x16C00] =	vst v63  }
0x94: {  	_ =	swait.ge [sflag:s31], $0x2800  }
0x95: {  	[sflag:s31] =	ssyncset.done $0x0  }
0x96: {  	[sflag:s31] =	ssyncadd.s32 $0xFFFFD800  }
0x97: {  	[spmem:s2] =	stream.indirect.scatter.add.f32 [tilespmem:s3], [sflag:$0x3], $0x80, s21, s30, $0xb8;
	[tilespmem:$0x16C00] =	vst v63  }
0x98: {  	_ =	swait.ge [sflag:s31], $0x2800  }
0x99: {  	[sflag:s31] =	ssyncset.done $0x0  }
0x9a: {  	[sflag:s31] =	ssyncadd.s32 $0xFFFFD800  }
0x9b: {  	[spmem:s2] =	stream.indirect.scatter.add.f32 [tilespmem:s3], [sflag:$0x3], $0x80, s22, s30, $0xb8;
	[tilespmem:$0x16C00] =	vst v63  }
0x9c: {  	_ =	swait.ge [sflag:s31], $0x2800  }
0x9d: {  	[sflag:s31] =	ssyncset.done $0x0  }
0x9e: {  	[sflag:s31] =	ssyncadd.s32 $0xFFFFD800  }
0x9f: {  	[spmem:s2] =	stream.indirect.scatter.add.f32 [tilespmem:s3], [sflag:$0x3], $0x80, s23, s30, $0xb8;
	[tilespmem:$0x16C00] =	vst v63  }
0xa0: {  	s16 =	sadd.s32 $0x280, s16;
	_ =	swait.ge [sflag:s31], $0x2800  }
0xa1: {  	s13 =	sshrl.u32 s16, $0x3;
	[sflag:s31] =	ssyncset.done $0x0  }
0xa2: {  	s13 =	sadd.s32 s0, s13;
	[sflag:s31] =	ssyncadd.s32 $0xFFFFD800  }
0xa3: {  	[tilespmem:s20], [sflag:$0x1] =	stream.linear.gather [hbm4b:s13+s3], $0x50, $0x38;
	[tilespmem:$0x16C00] =	vst v63  }
0xa4: {  	_ = 	snop  }
0xa5: {  	[tilespmem:s21], [sflag:$0x1] =	stream.linear.gather [hbm4b:s9+s3], $0x50, $0x38;
	[tilespmem:$0x16C00] =	vst v63  }
0xa6: {  	_ = 	snop  }
0xa7: {  	[tilespmem:s22], [sflag:$0x1] =	stream.linear.gather [hbm4b:s8+s3], $0x50, $0x38;
	[tilespmem:$0x16C00] =	vst v63  }
0xa8: {  	s17 =	sadd.s32 $0x50, s17  }
0xa9: {  	[tilespmem:s23], [sflag:$0x1] =	stream.linear.gather [hbm4b:s17+s3], $0x50, $0x38;
	[tilespmem:$0x16C00] =	vst v63  }
0xaa: {  	_ =	swait.ge [sflag:s1], $0x50  }
0xab: {  	[sflag:s1] =	ssyncset.done $0x0  }
0xac: {  	[sflag:s1] =	ssyncadd.s32 $0xFFFFFFB0  }
0xad: {  	_ =	swait.ge [sflag:s1], $0x50  }
0xae: {  	[sflag:s1] =	ssyncset.done $0x0  }
0xaf: {  	[sflag:s1] =	ssyncadd.s32 $0xFFFFFFB0  }
0xb0: {  	_ =	swait.ge [sflag:s1], $0x50  }
0xb1: {  	[sflag:s1] =	ssyncset.done $0x0  }
0xb2: {  	[sflag:s1] =	ssyncadd.s32 $0xFFFFFFB0  }
0xb3: {  	_ =	swait.ge [sflag:s1], $0x50  }
0xb4: {  	[sflag:s1] =	ssyncset.done $0x0  }
0xb5: {  	[sflag:s1] =	ssyncadd.s32 $0xFFFFFFB0  }
0xb6: {  	[spmem:s2] =	stream.indirect.scatter.add.f32 [tilespmem:s3], [sflag:$0x3], $0x80, s25, s30, $0xb8;
	[tilespmem:$0x16C00] =	vst v63  }
0xb7: {  	_ =	swait.ge [sflag:s31], $0x2800  }
0xb8: {  	[sflag:s31] =	ssyncset.done $0x0  }
0xb9: {  	[sflag:s31] =	ssyncadd.s32 $0xFFFFD800  }
0xba: {  	[spmem:s2] =	stream.indirect.scatter.add.f32 [tilespmem:s3], [sflag:$0x3], $0x80, s26, s30, $0xb8;
	[tilespmem:$0x16C00] =	vst v63  }
0xbb: {  	_ =	swait.ge [sflag:s31], $0x2800  }
0xbc: {  	[sflag:s31] =	ssyncset.done $0x0  }
0xbd: {  	[sflag:s31] =	ssyncadd.s32 $0xFFFFD800  }
0xbe: {  	[spmem:s2] =	stream.indirect.scatter.add.f32 [tilespmem:s3], [sflag:$0x3], $0x80, s28, s30, $0xb8;
	[tilespmem:$0x16C00] =	vst v63  }
0xbf: {  	_ =	swait.ge [sflag:s31], $0x2800  }
0xc0: {  	s12 =	smov.u32 s7;
	[sflag:s31] =	ssyncset.done $0x0  }
0xc1: {  	s12 =	smin.u32 s12, $0x1B;
	[sflag:s31] =	ssyncadd.s32 $0xFFFFD800  }
0xc2: {  	[spmem:s2] =	stream.indirect.scatter.add.f32 [tilespmem:s3], [sflag:$0x3], $0x80, s29, s30, $0xb8;
	[tilespmem:$0x16C00] =	vst v63  }
0xc3: {  	s12 =	smul.u32 $0x140, s12;
	_ =	swait.ge [sflag:s31], $0x2800  }
0xc4: {  	s13 =	rddreg [dreg:$0x4]  }
0xc5: {  	s12 =	sadd.s32 s12, s13  }
0xc6: {  	[sflag:s31] =	ssyncset.done $0x0;
	s12 =	sshrl.u32 s12, $0x3  }
0xc7: {  	[sflag:s31] =	ssyncadd.s32 $0xFFFFD800;
	s12 =	sadd.s32 s0, s12  }
0xc8: {  	[tilespmem:s25], [sflag:$0x2] =	stream.linear.gather [hbm4b:s12+s3], $0x50, $0x38;
	[tilespmem:$0x16C00] =	vst v63  }
0xc9: {  	s13 =	sadd.s32 $0xA, s12  }
0xca: {  	[tilespmem:s26], [sflag:$0x2] =	stream.linear.gather [hbm4b:s13+s3], $0x50, $0x38;
	[tilespmem:$0x16C00] =	vst v63  }
0xcb: {  	s13 =	sadd.s32 $0x14, s12  }
0xcc: {  	[tilespmem:s28], [sflag:$0x2] =	stream.linear.gather [hbm4b:s13+s3], $0x50, $0x38;
	[tilespmem:$0x16C00] =	vst v63  }
0xcd: {  	s12 =	sadd.s32 $0x1E, s12  }
0xce: {  	[tilespmem:s29], [sflag:$0x2] =	stream.linear.gather [hbm4b:s12+s3], $0x50, $0x38;
	[tilespmem:$0x16C00] =	vst v63  }
0xcf: {  	_ =	swait.ge [sflag:s24], $0x50  }
0xd0: {  	[sflag:s24] =	ssyncset.done $0x0  }
0xd1: {  	[sflag:s24] =	ssyncadd.s32 $0xFFFFFFB0  }
0xd2: {  	_ =	swait.ge [sflag:s24], $0x50  }
0xd3: {  	[sflag:s24] =	ssyncset.done $0x0  }
0xd4: {  	p1 =	sne.s32 s7, $0x1C;
	[sflag:s24] =	ssyncadd.s32 $0xFFFFFFB0  }
.Ltmp1:
0xd5: {  	_ =	swait.ge [sflag:s24], $0x50;
	(pc) =	sbr.rel @p1 .LBB2_4-.Ltmp1, $4  }
0xd6: {  	[sflag:s24] =	ssyncset.done $0x0  }
0xd7: {  	[sflag:s24] =	ssyncadd.s32 $0xFFFFFFB0  }
0xd8: {  	s7 =	sadd.s32 $0x2, s7;
	_ =	swait.ge [sflag:s24], $0x50  }
0xd9: {  	s9 =	sadd.s32 $0x50, s9;
	s8 =	sadd.s32 $0x50, s8;
	[sflag:s24] =	ssyncset.done $0x0  }
0xda: {  	[sflag:s24] =	ssyncadd.s32 $0xFFFFFFB0  }
0xdb: {  	_ =	swait.ge [sflag:s1], $0x50  }
0xdc: {  	[sflag:s1] =	ssyncset.done $0x0  }
0xdd: {  	[sflag:s1] =	ssyncadd.s32 $0xFFFFFFB0  }
0xde: {  	_ =	swait.ge [sflag:s1], $0x50  }
0xdf: {  	[sflag:s1] =	ssyncset.done $0x0  }
0xe0: {  	[sflag:s1] =	ssyncadd.s32 $0xFFFFFFB0  }
0xe1: {  	_ =	swait.ge [sflag:s1], $0x50  }
0xe2: {  	[sflag:s1] =	ssyncset.done $0x0  }
0xe3: {  	[sflag:s1] =	ssyncadd.s32 $0xFFFFFFB0  }
0xe4: {  	_ =	swait.ge [sflag:s1], $0x50  }
0xe5: {  	[sflag:s1] =	ssyncset.done $0x0  }
0xe6: {  	[sflag:s1] =	ssyncadd.s32 $0xFFFFFFB0  }
0xe7: {  	[spmem:s2] =	stream.indirect.scatter.add.f32 [tilespmem:s3], [sflag:$0x3], $0x80, s20, s30, $0xb8;
	[tilespmem:$0x16C00] =	vst v63  }
0xe8: {  	_ =	swait.ge [sflag:s31], $0x2800  }
0xe9: {  	[sflag:s31] =	ssyncset.done $0x0  }
0xea: {  	[sflag:s31] =	ssyncadd.s32 $0xFFFFD800  }
0xeb: {  	[spmem:s2] =	stream.indirect.scatter.add.f32 [tilespmem:s3], [sflag:$0x3], $0x80, s21, s30, $0xb8;
	[tilespmem:$0x16C00] =	vst v63  }
0xec: {  	_ =	swait.ge [sflag:s31], $0x2800  }
0xed: {  	[sflag:s31] =	ssyncset.done $0x0  }
0xee: {  	[sflag:s31] =	ssyncadd.s32 $0xFFFFD800  }
0xef: {  	[spmem:s2] =	stream.indirect.scatter.add.f32 [tilespmem:s3], [sflag:$0x3], $0x80, s22, s30, $0xb8;
	[tilespmem:$0x16C00] =	vst v63  }
0xf0: {  	_ =	swait.ge [sflag:s31], $0x2800  }
0xf1: {  	[sflag:s31] =	ssyncset.done $0x0  }
0xf2: {  	[sflag:s31] =	ssyncadd.s32 $0xFFFFD800  }
0xf3: {  	[spmem:s2] =	stream.indirect.scatter.add.f32 [tilespmem:s3], [sflag:$0x3], $0x80, s23, s30, $0xb8;
	[tilespmem:$0x16C00] =	vst v63  }
0xf4: {  	_ =	swait.ge [sflag:s31], $0x2800  }
0xf5: {  	[sflag:s31] =	ssyncset.done $0x0  }
0xf6: {  	s7 =	rddreg [dreg:$0xd];
	[sflag:s31] =	ssyncadd.s32 $0xFFFFD800  }
0xf7: {  	[tilespmem:s20], [sflag:$0x3] =	stream.linear.gather [hbm4b:s7+s3], $0x50, $0x38;
	[tilespmem:$0x16C00] =	vst v63  }
0xf8: {  	_ =	swait.ge [sflag:s31], $0x50  }
0xf9: {  	[sflag:s31] =	ssyncset.done $0x0  }
0xfa: {  	[sflag:s31] =	ssyncadd.s32 $0xFFFFFFB0  }
0xfb: {  	[spmem:s2] =	stream.indirect.scatter.add.f32 [tilespmem:s3], [sflag:$0x3], $0x80, s20, s30, $0xb8;
	[tilespmem:$0x16C00] =	vst v63  }
0xfc: {  	_ =	swait.ge [sflag:s31], $0x2800  }
0xfd: {  	[sflag:s31] =	ssyncset.done $0x0  }
0xfe: {  	s4 =	sadd.s32 $0x1, s4;
	[sflag:s31] =	ssyncadd.s32 $0xFFFFD800  }
0xff: {  	p1 =	sne.s32 s4, s15;
	s7 =	simm.s32 @!p0 $0x1C03;
	[bflag:$0x0] =	sbarrier.arrive $0xFFFF  }
0x100: {  	[hbm:s14], [sflag:s7] =	dma.local @!p0 [spmem:s6], $0x28000  }
.Ltmp2:
0x101: {  	_ = 	snop;
	(pc) =	sbr.rel @p1 .LBB2_1-.Ltmp2, $4  }
0x102: {  	s6 =	simm.s32 @!p0 $0x3  }
0x103: {  	_ =	swait.ge @!p0 [sflag:s6], $0x28000  }
0x104: {  	[sflag:s6] =	ssyncset.done @!p0 $0x0  }
0x105: {  	[sflag:s6] =	ssyncadd.s32 @!p0 $0xFFFD8000  }
0x106: {  	_ =	sfence.sel $0x180000  }
0x107: {  	[bflag:$0x0] =	sbarrier.arrive $0xFFFF  }
0x108: {  	_ =	strace $0x90000047  }
0x109: {  	[bflag:$0x2] =	sbarrier.arrive $0xFFFF  }
0x10a: {  	s0 =	rddreg [dreg:$0x3]  }
0x10b: {  	s0 =	sadd.s32 @!p0 $0x100000, s0  }
0x10c: {  	[sflag:s0] =	ssyncadd.tile.s32 @!p0 $0x1;
	_ =	shalt  }
.Lfunc_end2:
_tile_overlayer_lowered:
.L_overlay_start_2:
0x10d: {  	(tag) =	ssettag $0x2  }
0x10e: {  	s0 =	rddreg [dreg:$0x0];
	s2 =	stileid.u32  }
0x10f: {  	s1 =	rddreg [dreg:$0x1];
	p0 =	sne.s32 s2, $0x0  }
0x110: {  	s3 =	rddreg [dreg:$0x2];
	[bflag:$0x3] =	sbarrier.arrive $0xFFFF;
	s2 =	simm.s32 @!p0 $0x1C03  }
0x111: {  	[timem:s3], [sflag:s2] =	dma.local @!p0 [hbm:s0], s1  }
0x112: {  	s0 =	simm.s32 @!p0 $0x3  }
0x113: {  	_ =	swait.ge @!p0 [sflag:s0], s1  }
0x114: {  	s1 =	ssub.s32 @!p0 $0x0, s1;
	[sflag:s0] =	ssyncset.done @!p0 $0x0  }
0x115: {  	[sflag:s0] =	ssyncadd.s32 @!p0 s1  }
0x116: {  	[bflag:$0x3] =	sbarrier.arrive $0xFFFF  }
0x117: {  	_ =	shalt  }

</sc_bundles>
